<compile_context>
chip_gen: v7x
topology: tpu7x:2x2x1
jax: 0.10.2.dev20260603
libtpu: 0.0.44.dev20260713+nightly
codegen_flags: <defaults>
</compile_context>

<pallas_src>
import functools

import jax
import jax.numpy as jnp
from jax import lax
from jax.experimental import pallas as pl
from jax.experimental.pallas import tpu as pltpu
from jax.experimental.pallas import tpu_sc as plsc

N = 100000
NPAD = 100352
DUMMY = N
E = 3200000
NTILES = 32
CHUNK = 128
NCH = 784
NCH0 = 912
NCH1 = 656
EPT = CHUNK * NCH
EPAD = EPT * NTILES
IDXB = 8
NBLK = NCH // IDXB
EALLOC = EPAD + IDXB * CHUNK
NT = 100096
RPT = NT // 16
TCH = 272
CROWS = NPAD // 32
CCH = 784


def _col(k):
    return jnp.full((16,), k, jnp.int32)


def _edge_body(x_pad, m16, ei2, out, tbl,
               idx_s, idx_d, rows_s, rows_d, outbuf, xstage, msc, acc,
               gsem0, gsem1, gsem2, gsem3, ssem0, ssem1, isem):
    gsems = (gsem0, gsem1, gsem2, gsem3)
    ssems = (ssem0, ssem1)
    src2 = ei2.at[0]
    dst2 = ei2.at[1]
    c = lax.axis_index("c")
    s = lax.axis_index("s")
    wid = c * 16 + s
    lanes = lax.iota(jnp.int32, 16)

    zv = jnp.zeros((16,), jnp.float32)

    def _zero_outbuf(i, carry):
        outbuf[i, :] = zv
        return carry
    lax.fori_loop(0, 2 * CHUNK, _zero_outbuf, 0)

    def _zero_acc(i, carry):
        pltpu.sync_copy(outbuf,
                        acc.at[pl.ds(s * RPT + i * 2 * CHUNK, 2 * CHUNK), :])
        return carry
    lax.fori_loop(0, RPT // (2 * CHUNK), _zero_acc, 0)
    pltpu.sync_copy(outbuf.at[pl.ds(0, RPT % (2 * CHUNK)), :],
                    acc.at[pl.ds(s * RPT + (RPT // (2 * CHUNK)) * 2 * CHUNK,
                                 RPT % (2 * CHUNK)), :])

    pltpu.sync_copy(m16, msc)
    tb = s * RPT

    def _tbl_chunk(i, carry):
        r0 = tb + i * TCH
        pltpu.sync_copy(x_pad.at[pl.ds(r0, TCH), :], xstage)

        def _tbl_group(gi, carry2):
            ridx = lanes + gi * 16
            mrows = [msc[j, :] for j in range(4)]
            xv = [plsc.load_gather(xstage, [ridx, _col(j)]) for j in range(4)]
            for ch in range(16):
                t = xv[0] * mrows[0][ch]
                for j in range(1, 4):
                    t = t + xv[j] * mrows[j][ch]
                plsc.store_scatter(rows_s, [ridx, _col(ch)], t)
            return carry2
        lax.fori_loop(0, TCH // 16, _tbl_group, 0)
        pltpu.sync_copy(rows_s.at[pl.ds(0, TCH), :],
                        tbl.at[c].at[pl.ds(r0, TCH), :])
        return carry
    lax.fori_loop(0, RPT // TCH, _tbl_chunk, 0)
    plsc.subcore_barrier()

    table = tbl.at[c]
    row_base = jnp.where(c == 0, s * NCH0, 16 * NCH0 + s * NCH1)
    nmacro = jnp.where(c == 0, NCH0 // 4, NCH1 // 4)

    def _issue_idx_block(blk):
        slot = lax.rem(blk, 3) * IDXB
        hrow = row_base + blk * IDXB
        pltpu.async_copy(src2.at[pl.ds(hrow, IDXB), :],
                         idx_s.at[pl.ds(slot, IDXB), :], isem)
        pltpu.async_copy(dst2.at[pl.ds(hrow, IDXB), :],
                         idx_d.at[pl.ds(slot, IDXB), :], isem)

    def _wait_idx_block():
        for _ in range(2):
            pltpu.make_async_copy(src2.at[pl.ds(0, IDXB), :],
                                  idx_s.at[pl.ds(0, IDXB), :], isem).wait()

    def _idx_row(t):
        return lax.rem(t // IDXB, 3) * IDXB + lax.rem(t, IDXB)

    def _issue_gathers(t, slot, sem):
        row = _idx_row(t)
        pltpu.async_copy(table.at[idx_s.at[row]],
                         rows_s.at[pl.ds(slot * CHUNK, CHUNK), :], sem)
        pltpu.async_copy(table.at[idx_d.at[row]],
                         rows_d.at[pl.ds(slot * CHUNK, CHUNK), :], sem)

    def _wait_gathers(sem):
        for buf in (rows_s, rows_d):
            pltpu.make_async_copy(table.at[idx_s.at[0]],
                                  buf.at[pl.ds(0, CHUNK), :], sem).wait()

    def _wait_scatter(sem):
        pltpu.make_async_copy(outbuf.at[pl.ds(0, CHUNK), :],
                              acc.at[idx_d.at[0]], sem).wait()

    pltpu.sync_copy(src2.at[pl.ds(row_base, IDXB), :],
                    idx_s.at[pl.ds(0, IDXB), :])
    pltpu.sync_copy(dst2.at[pl.ds(row_base, IDXB), :],
                    idx_d.at[pl.ds(0, IDXB), :])
    _issue_idx_block(jnp.int32(1))
    for t in range(3):
        _issue_gathers(jnp.int32(t), t, gsems[t])

    def _macro(i, carry):
        for j in range(4):
            g = 4 * i + j
            if j == 0:
                blk = i // 2

                @pl.when(jnp.logical_and(lax.rem(i, 2) == 0, i >= 2))
                def _():
                    _issue_idx_block(blk + 1)

                @pl.when(lax.rem(i, 2) == 1)
                def _():
                    _wait_idx_block()

            _wait_gathers(gsems[j])

            if j >= 2:
                _wait_scatter(ssems[j % 2])
            else:
                @pl.when(i >= 1)
                def _():
                    _wait_scatter(ssems[j % 2])

            _issue_gathers(g + 3, (j + 3) % 4, gsems[(j + 3) % 4])

            qr = (j % 2) * CHUNK
            base = j * CHUNK

            def _group(g2, carry2):
                ridx = lanes + (g2 * 16 + base)
                oidx = lanes + (g2 * 16 + qr)
                aS = [plsc.load_gather(rows_s, [ridx, _col(k)])
                      for k in range(4)]
                aD = [plsc.load_gather(rows_d, [ridx, _col(4 + k)])
                      for k in range(4)]
                h = [plsc.load_gather(rows_s, [ridx, _col(8 + k)])
                     for k in range(8)]
                for k in range(4):
                    e = aS[k] + aD[k]
                    e = jnp.maximum(e, 0.2 * e)
                    p = jnp.exp(e)
                    plsc.store_scatter(outbuf, [oidx, _col(k)], p)
                    plsc.store_scatter(outbuf, [oidx, _col(4 + 2 * k)],
                                       h[2 * k] * p)
                    plsc.store_scatter(outbuf, [oidx, _col(5 + 2 * k)],
                                       h[2 * k + 1] * p)
                return carry2
            lax.fori_loop(0, CHUNK // 16, _group, 0)

            pltpu.async_copy(outbuf.at[pl.ds(qr, CHUNK), :],
                             acc.at[idx_d.at[_idx_row(g)]],
                             ssems[j % 2], add=True)
        return carry
    lax.fori_loop(0, nmacro, _macro, 0)

    _wait_scatter(ssems[0])
    _wait_scatter(ssems[1])
    for t in range(3):
        _wait_gathers(gsems[t])
    plsc.subcore_barrier()

    pltpu.sync_copy(acc.at[pl.ds(s * RPT, RPT), :],
                    out.at[pl.ds(c * NPAD + s * RPT, RPT), :])


_edge_call = functools.partial(
    pl.kernel,
    mesh=plsc.VectorSubcoreMesh(core_axis_name="c", subcore_axis_name="s"),
    compiler_params=pltpu.CompilerParams(needs_layout_passes=False,
                                         use_tc_tiling_on_sc=False,
                                         internal_scratch_in_bytes=32768),
    out_type=[jax.ShapeDtypeStruct((2 * NPAD, 16), jnp.float32),
              jax.ShapeDtypeStruct((2, NT, 16), jnp.float32)],
    scratch_types=[
        pltpu.VMEM((3 * IDXB, 128), jnp.int32),
        pltpu.VMEM((3 * IDXB, 128), jnp.int32),
        pltpu.VMEM((4 * CHUNK, 16), jnp.float32),
        pltpu.VMEM((4 * CHUNK, 16), jnp.float32),
        pltpu.VMEM((2 * CHUNK, 16), jnp.float32),
        pltpu.VMEM((TCH, 4), jnp.float32),
        pltpu.VMEM((4, 16), jnp.float32),
        pltpu.VMEM_SHARED((NT, 16), jnp.float32),
        pltpu.SemaphoreType.DMA,
        pltpu.SemaphoreType.DMA,
        pltpu.SemaphoreType.DMA,
        pltpu.SemaphoreType.DMA,
        pltpu.SemaphoreType.DMA,
        pltpu.SemaphoreType.DMA,
        pltpu.SemaphoreType.DMA,
    ],
)(_edge_body)


def _combine_body(accf, x_pad, b8, y1, y2, ld,
                  a0s, a1s, xs, y1s, y2s, lds, bsc):
    c = lax.axis_index("c")
    s = lax.axis_index("s")
    wid = c * 16 + s
    base = wid * 3120 + jnp.minimum(wid, 10) * 16
    ngroups = jnp.where(wid < 10, 196, 195)
    lanes = lax.iota(jnp.int32, 16)

    pltpu.sync_copy(b8, bsc)
    _brow = bsc[...]
    bv = [_brow[k] for k in range(8)]

    def _chunk(i, carry):
        r0 = base + i * CCH
        pltpu.sync_copy(accf.at[pl.ds(r0, CCH), :], a0s)
        pltpu.sync_copy(accf.at[pl.ds(NPAD + r0, CCH), :], a1s)
        pltpu.sync_copy(x_pad.at[pl.ds(r0, CCH), :], xs)
        gtrips = jnp.minimum(49, ngroups - i * 49)

        def _group(gi, carry2):
            ridx = lanes + gi * 16
            oidx = ridx + i * CCH
            a = [plsc.load_gather(a0s, [ridx, _col(k)])
                 + plsc.load_gather(a1s, [ridx, _col(k)])
                 for k in range(12)]
            den = [a[k] + 1e-16 for k in range(4)]
            s10 = a[4] / den[0] + bv[0]
            s11 = a[5] / den[0] + bv[1]
            t10 = a[6] / den[1] + bv[2]
            t11 = a[7] / den[1] + bv[3]
            s20 = a[8] / den[2] + bv[4]
            s21 = a[9] / den[2] + bv[5]
            t20 = a[10] / den[3] + bv[6]
            t21 = a[11] / den[3] + bv[7]
            x20 = plsc.load_gather(xs, [ridx, _col(2)])
            x21 = plsc.load_gather(xs, [ridx, _col(3)])
            x1n0 = x20 * jnp.exp(s10) + t10
            x1n1 = x21 * jnp.exp(s11) + t11
            x2n0 = x1n0 * jnp.exp(s20) + t20
            x2n1 = x1n1 * jnp.exp(s21) + t21
            plsc.store_scatter(y1s, [oidx, _col(0)], x1n0)
            plsc.store_scatter(y1s, [oidx, _col(1)], x1n1)
            plsc.store_scatter(y2s, [oidx, _col(0)], x2n0)
            plsc.store_scatter(y2s, [oidx, _col(1)], x2n1)
            lds[pl.ds(i * CCH + gi * 16, 16)] = s10 + s11 + s20 + s21
            return carry2
        lax.fori_loop(0, gtrips, _group, 0)
        return carry
    lax.fori_loop(0, CROWS // CCH, _chunk, 0)

    @pl.when(wid < 10)
    def _():
        pltpu.sync_copy(y1s.at[pl.ds(0, 3136), :], y1.at[pl.ds(base, 3136), :])
        pltpu.sync_copy(y2s.at[pl.ds(0, 3136), :], y2.at[pl.ds(base, 3136), :])
        pltpu.sync_copy(lds.at[pl.ds(0, 3136)], ld.at[pl.ds(base, 3136)])

    @pl.when(wid >= 10)
    def _():
        pltpu.sync_copy(y1s.at[pl.ds(0, 3120), :], y1.at[pl.ds(base, 3120), :])
        pltpu.sync_copy(y2s.at[pl.ds(0, 3120), :], y2.at[pl.ds(base, 3120), :])
        pltpu.sync_copy(lds.at[pl.ds(0, 3120)], ld.at[pl.ds(base, 3120)])


_combine_call = functools.partial(
    pl.kernel,
    mesh=plsc.VectorSubcoreMesh(core_axis_name="c", subcore_axis_name="s"),
    compiler_params=pltpu.CompilerParams(needs_layout_passes=False,
                                         use_tc_tiling_on_sc=False),
    out_type=[jax.ShapeDtypeStruct((N, 2), jnp.float32),
              jax.ShapeDtypeStruct((N, 2), jnp.float32),
              jax.ShapeDtypeStruct((N,), jnp.float32)],
    scratch_types=[
        pltpu.VMEM((CCH, 16), jnp.float32),
        pltpu.VMEM((CCH, 16), jnp.float32),
        pltpu.VMEM((CCH, 4), jnp.float32),
        pltpu.VMEM((CROWS, 2), jnp.float32),
        pltpu.VMEM((CROWS, 2), jnp.float32),
        pltpu.VMEM((CROWS,), jnp.float32),
        pltpu.VMEM((16,), jnp.float32),
    ],
)(_combine_body)


def _build_M(F1_W, F1_a_src, F1_a_dst, F2_W, F2_a_src, F2_a_dst,
             G1_W, G1_a_src, G1_a_dst, G2_W, G2_a_src, G2_a_dst):
    z = jnp.zeros((2,), jnp.float32)
    cols = []
    cols.append(jnp.concatenate([F1_W @ F1_a_src, z]))
    cols.append(jnp.concatenate([F2_W @ F2_a_src, z]))
    cols.append(jnp.concatenate([z, G1_W @ G1_a_src]))
    cols.append(jnp.concatenate([z, G2_W @ G2_a_src]))
    cols.append(jnp.concatenate([F1_W @ F1_a_dst, z]))
    cols.append(jnp.concatenate([F2_W @ F2_a_dst, z]))
    cols.append(jnp.concatenate([z, G1_W @ G1_a_dst]))
    cols.append(jnp.concatenate([z, G2_W @ G2_a_dst]))
    cols.append(jnp.concatenate([F1_W[:, 0], z]))
    cols.append(jnp.concatenate([F1_W[:, 1], z]))
    cols.append(jnp.concatenate([F2_W[:, 0], z]))
    cols.append(jnp.concatenate([F2_W[:, 1], z]))
    cols.append(jnp.concatenate([z, G1_W[:, 0]]))
    cols.append(jnp.concatenate([z, G1_W[:, 1]]))
    cols.append(jnp.concatenate([z, G2_W[:, 0]]))
    cols.append(jnp.concatenate([z, G2_W[:, 1]]))
    return jnp.stack(cols, axis=1)


def kernel(x, edge_index,
           F1_W, F1_a_src, F1_a_dst, F1_b,
           F2_W, F2_a_src, F2_a_dst, F2_b,
           G1_W, G1_a_src, G1_a_dst, G1_b,
           G2_W, G2_a_src, G2_a_dst, G2_b):
    M = _build_M(F1_W, F1_a_src, F1_a_dst, F2_W, F2_a_src, F2_a_dst,
                 G1_W, G1_a_src, G1_a_dst, G2_W, G2_a_src, G2_a_dst)
    x_pad = jnp.pad(x, ((0, NPAD - N), (0, 0)))

    pad_rows = EALLOC // 128 - E // 128
    ei2 = jnp.concatenate(
        [edge_index.reshape(2, E // 128, 128),
         jnp.full((2, pad_rows, 128), DUMMY, jnp.int32)], axis=1)

    accf, _ = _edge_call(x_pad, M, ei2)

    b8 = jnp.concatenate([F1_b, F2_b, G1_b, G2_b,
                          jnp.zeros((8,), jnp.float32)])
    y1, y2, ldp = _combine_call(accf, x_pad, b8)
    return (y1, y2, ldp)

# --- scband reference (transcript-rebuilt; emitter-appended) ---
"""Pipeline reference for scband-gnf-40046275068011 (READ-ONLY COPY).

The authoritative reference and input builder live on the scoring server;
editing this copy changes nothing except your own understanding.
"""

import jax, jax.numpy as jnp
import numpy as np

N_NODES = 100000
N_EDGES = 3200000


def _glorot(key, shape):
    fan = float(sum(shape))
    std = (2.0 / fan) ** 0.5
    return jax.random.normal(key, shape, jnp.float32) * std


def setup_inputs(seed: int = 0):
    key = jax.random.key(seed)
    keys = jax.random.split(key, 18)
    inp = {}
    inp['x'] = jax.random.normal(keys[0], (N_NODES, 4), jnp.float32)
    inp['edge_index'] = jax.random.randint(keys[1], (2, N_EDGES), 0, N_NODES, jnp.int32)
    i = 2
    for name in ['F1', 'F2', 'G1', 'G2']:
        inp[name + '_W'] = _glorot(keys[i], (2, 2)); i += 1
        inp[name + '_a_src'] = _glorot(keys[i], (2,)); i += 1
        inp[name + '_a_dst'] = _glorot(keys[i], (2,)); i += 1
        inp[name + '_b'] = jnp.zeros((2,), jnp.float32); i += 1
    return inp


def _gat_conv(x, edge_index, W, a_src, a_dst, b):
    # Single-head GATConv (PyG semantics): linear transform, edge attention
    # via LeakyReLU(a_src . h_src + a_dst . h_dst), softmax over incoming
    # edges per destination node, weighted scatter-add of source features.
    src = edge_index[0]
    dst = edge_index[1]
    h = x @ W
    alpha_src = jnp.sum(h * a_src, axis=-1)
    alpha_dst = jnp.sum(h * a_dst, axis=-1)
    e = alpha_src[src] + alpha_dst[dst]
    e = jnp.where(e > 0, e, 0.2 * e)  # LeakyReLU(0.2)
    m = jax.ops.segment_max(e, dst, num_segments=N_NODES)
    m = jnp.where(jnp.isfinite(m), m, 0.0)
    p = jnp.exp(e - m[dst])
    denom = jax.ops.segment_sum(p, dst, num_segments=N_NODES)
    alpha = p / (denom[dst] + 1e-16)
    out = jax.ops.segment_sum(h[src] * alpha[:, None], dst, num_segments=N_NODES)
    return out + b


def reference(x, edge_index,
              F1_W, F1_a_src, F1_a_dst, F1_b,
              F2_W, F2_a_src, F2_a_dst, F2_b,
              G1_W, G1_a_src, G1_a_dst, G1_b,
              G2_W, G2_a_src, G2_a_dst, G2_b):
    x1 = x[:, :2]
    x2 = x[:, 2:]
    # f_a: s = F1(x1), t = F2(x1); x1_new = x2 * exp(s) + t; x2 unchanged
    s1 = _gat_conv(x1, edge_index, F1_W, F1_a_src, F1_a_dst, F1_b)
    t1 = _gat_conv(x1, edge_index, F2_W, F2_a_src, F2_a_dst, F2_b)
    x1n = x2 * jnp.exp(s1) + t1
    # f_b called as f_b(x2, x1): s = G1(x2), t = G2(x2); x2_new = x1n * exp(s) + t
    s2 = _gat_conv(x2, edge_index, G1_W, G1_a_src, G1_a_dst, G1_b)
    t2 = _gat_conv(x2, edge_index, G2_W, G2_a_src, G2_a_dst, G2_b)
    x2n = x1n * jnp.exp(s2) + t2
    log_det_xz = jnp.sum(s1, axis=1) + jnp.sum(s2, axis=1)
    return (x1n, x2n, log_det_xz)

if __name__ == "__main__":
    import jax
    _d = setup_inputs()
    print(jax.jit(kernel)(*tuple(_d.values())))

</pallas_src>

<mosaic_0001>
#map = affine_map<(d0, d1) -> (0, 0)>
#map1 = affine_map<(d0, d1) -> (0, 0, 0)>
module attributes {stable_mosaic.version = 14 : i64} {
  func.func @_edge_body(%arg0: i32, %arg1: i32, %arg2: memref<100352x4xf32, #tpu.memory_space<hbm>>, %arg3: memref<4x16xf32, #tpu.memory_space<hbm>>, %arg4: memref<2x25096x128xi32, #tpu.memory_space<hbm>>, %arg5: memref<200704x16xf32, #tpu.memory_space<hbm>>, %arg6: memref<2x100096x16xf32, #tpu.memory_space<hbm>>, %arg7: memref<24x128xi32, #tpu.memory_space<vmem>>, %arg8: memref<24x128xi32, #tpu.memory_space<vmem>>, %arg9: memref<512x16xf32, #tpu.memory_space<vmem>>, %arg10: memref<512x16xf32, #tpu.memory_space<vmem>>, %arg11: memref<256x16xf32, #tpu.memory_space<vmem>>, %arg12: memref<272x4xf32, #tpu.memory_space<vmem>>, %arg13: memref<4x16xf32, #tpu.memory_space<vmem>>, %arg14: memref<100096x16xf32, #tpu.memory_space<vmem_shared>>, %arg15: memref<!tpu.dma_semaphore, #tpu.memory_space<semaphore_mem>>, %arg16: memref<!tpu.dma_semaphore, #tpu.memory_space<semaphore_mem>>, %arg17: memref<!tpu.dma_semaphore, #tpu.memory_space<semaphore_mem>>, %arg18: memref<!tpu.dma_semaphore, #tpu.memory_space<semaphore_mem>>, %arg19: memref<!tpu.dma_semaphore, #tpu.memory_space<semaphore_mem>>, %arg20: memref<!tpu.dma_semaphore, #tpu.memory_space<semaphore_mem>>, %arg21: memref<!tpu.dma_semaphore, #tpu.memory_space<semaphore_mem>>) attributes {dimension_semantics = [#tpu.dimension_semantics<core_parallel>, #tpu.dimension_semantics<subcore_parallel>], iteration_bounds = array<i64: 2, 16>, scalar_prefetch = 0 : i64, scratch_operands = 15 : i64, tpu.core_type = #tpu.core_type<sc_vector_subcore>, window_params = [{transform_indices = #map}, {transform_indices = #map}, {transform_indices = #map1}, {transform_indices = #map}, {transform_indices = #map1}]} {
    %mul3A = arith.constant 16 : i32
    %mul3A_0 = arith.muli %arg0, %mul3A : i32
    %add3A = arith.addi %mul3A_0, %arg1 : i32
    %iota3A = tpu.iota {dimensions = array<i32: 0>} : vector<16xi32>
    %broadcast_in_dim3A = arith.constant 0.000000e+00 : f32
    %broadcast_in_dim3A_1 = vector.broadcast %broadcast_in_dim3A : f32 to vector<16xf32>
    %scan3A = arith.constant 0 : i32
    %scan3A_2 = arith.constant 0 : i32
    %scan3A_3 = arith.constant 256 : i32
    %scan3A_4 = arith.addi %scan3A_2, %scan3A_3 : i32
    %scan3A_5 = arith.constant 1 : i32
    scf.for %scan3A_372 = %scan3A_2 to %scan3A_4 step %scan3A_5  : i32 {
      %swap3A = arith.index_cast %scan3A_372 : i32 to index
      %swap3A_373 = arith.constant 0 : index
      %swap3A_374 = tpu.vector_load %arg11[%swap3A, %swap3A_373] {strides = array<i32>} : memref<256x16xf32, #tpu.memory_space<vmem>>, vector<16xf32>,
      tpu.vector_store %arg11[%swap3A, %swap3A_373], %broadcast_in_dim3A_1 {strides = array<i32>} : memref<256x16xf32, #tpu.memory_space<vmem>>, vector<16xf32>,
    }
    %scan3A_6 = arith.constant 256 : i32
    %scan3A_7 = arith.constant 0 : i32
    %scan3A_8 = arith.constant 0 : i32
    %scan3A_9 = arith.constant 24 : i32
    %scan3A_10 = arith.addi %scan3A_8, %scan3A_9 : i32
    %scan3A_11 = arith.constant 1 : i32
    scf.for %scan3A_372 = %scan3A_8 to %scan3A_10 step %scan3A_11  : i32 {
      %mul3A_373 = arith.constant 6256 : i32
      %mul3A_374 = arith.muli %arg1, %mul3A_373 : i32
      %mul3A_375 = arith.constant 2 : i32
      %mul3A_376 = arith.muli %scan3A_372, %mul3A_375 : i32
      %mul3A_377 = arith.constant 128 : i32
      %mul3A_378 = arith.muli %mul3A_376, %mul3A_377 : i32
      %add3A_379 = arith.addi %mul3A_374, %mul3A_378 : i32
      "tpu.region"() ({
        %run_scoped3A_380 = tpu.sem_alloc : memref<!tpu.dma_semaphore, #tpu.memory_space<semaphore_mem>>
        %dma_start3A_381 = arith.constant 0 : i32
        %dma_start3A_382 = tpu.memref_slice %arg14[%add3A_379, %dma_start3A_381] : memref<100096x16xf32, #tpu.memory_space<vmem_shared>> -> memref<256x16xf32, #tpu.memory_space<vmem_shared>>
        %dma_start3A_383 = arith.constant 0 : i32
        %dma_start3A_384 = tpu.memref_slice %arg14[%add3A_379, %dma_start3A_383] : memref<100096x16xf32, #tpu.memory_space<vmem_shared>> -> memref<256x16xf32, #tpu.memory_space<vmem_shared>>
        tpu.enqueue_dma source(%arg11 : memref<256x16xf32, #tpu.memory_space<vmem>>) target(%dma_start3A_384 : memref<256x16xf32, #tpu.memory_space<vmem_shared>>) target_semaphore(%run_scoped3A_380 : memref<!tpu.dma_semaphore, #tpu.memory_space<semaphore_mem>>)
        %dma_wait3A_385 = arith.constant 0 : i32
        %dma_wait3A_386 = tpu.memref_slice %arg14[%add3A_379, %dma_wait3A_385] : memref<100096x16xf32, #tpu.memory_space<vmem_shared>> -> memref<256x16xf32, #tpu.memory_space<vmem_shared>>
        %dma_wait3A_387 = arith.constant 0 : i32
        %dma_wait3A_388 = tpu.memref_slice %arg14[%add3A_379, %dma_wait3A_387] : memref<100096x16xf32, #tpu.memory_space<vmem_shared>> -> memref<256x16xf32, #tpu.memory_space<vmem_shared>>
        tpu.wait_dma2 semaphore(%run_scoped3A_380 : memref<!tpu.dma_semaphore, #tpu.memory_space<semaphore_mem>>) src(%arg11 : memref<256x16xf32, #tpu.memory_space<vmem>>) dst(%dma_wait3A_388 : memref<256x16xf32, #tpu.memory_space<vmem_shared>>)
        tpu.yield
      }) : () -> ()
    }
    %scan3A_12 = arith.constant 24 : i32
    %mul3A_13 = arith.constant 6256 : i32
    %mul3A_14 = arith.muli %arg1, %mul3A_13 : i32
    %add3A_15 = arith.constant 6144 : i32
    %add3A_16 = arith.addi %mul3A_14, %add3A_15 : i32
    "tpu.region"() ({
      %run_scoped3A_372 = tpu.sem_alloc : memref<!tpu.dma_semaphore, #tpu.memory_space<semaphore_mem>>
      %dma_start3A_373 = arith.constant 0 : i32
      %dma_start3A_374 = arith.constant 0 : i32
      %dma_start3A_375 = tpu.memref_slice %arg11[%dma_start3A_373, %dma_start3A_374] : memref<256x16xf32, #tpu.memory_space<vmem>> -> memref<112x16xf32, #tpu.memory_space<vmem>>
      %dma_start3A_376 = arith.constant 0 : i32
      %dma_start3A_377 = tpu.memref_slice %arg14[%add3A_16, %dma_start3A_376] : memref<100096x16xf32, #tpu.memory_space<vmem_shared>> -> memref<112x16xf32, #tpu.memory_space<vmem_shared>>
      %dma_start3A_378 = arith.constant 0 : i32
      %dma_start3A_379 = tpu.memref_slice %arg14[%add3A_16, %dma_start3A_378] : memref<100096x16xf32, #tpu.memory_space<vmem_shared>> -> memref<112x16xf32, #tpu.memory_space<vmem_shared>>
      %dma_start3A_380 = arith.constant 0 : i32
      %dma_start3A_381 = arith.constant 0 : i32
      %dma_start3A_382 = tpu.memref_slice %arg11[%dma_start3A_380, %dma_start3A_381] : memref<256x16xf32, #tpu.memory_space<vmem>> -> memref<112x16xf32, #tpu.memory_space<vmem>>
      tpu.enqueue_dma source(%dma_start3A_382 : memref<112x16xf32, #tpu.memory_space<vmem>>) target(%dma_start3A_379 : memref<112x16xf32, #tpu.memory_space<vmem_shared>>) target_semaphore(%run_scoped3A_372 : memref<!tpu.dma_semaphore, #tpu.memory_space<semaphore_mem>>)
      %dma_wait3A_383 = arith.constant 0 : i32
      %dma_wait3A_384 = arith.constant 0 : i32
      %dma_wait3A_385 = tpu.memref_slice %arg11[%dma_wait3A_383, %dma_wait3A_384] : memref<256x16xf32, #tpu.memory_space<vmem>> -> memref<112x16xf32, #tpu.memory_space<vmem>>
      %dma_wait3A_386 = arith.constant 0 : i32
      %dma_wait3A_387 = tpu.memref_slice %arg14[%add3A_16, %dma_wait3A_386] : memref<100096x16xf32, #tpu.memory_space<vmem_shared>> -> memref<112x16xf32, #tpu.memory_space<vmem_shared>>
      %dma_wait3A_388 = arith.constant 0 : i32
      %dma_wait3A_389 = tpu.memref_slice %arg14[%add3A_16, %dma_wait3A_388] : memref<100096x16xf32, #tpu.memory_space<vmem_shared>> -> memref<112x16xf32, #tpu.memory_space<vmem_shared>>
      %dma_wait3A_390 = arith.constant 0 : i32
      %dma_wait3A_391 = arith.constant 0 : i32
      %dma_wait3A_392 = tpu.memref_slice %arg11[%dma_wait3A_390, %dma_wait3A_391] : memref<256x16xf32, #tpu.memory_space<vmem>> -> memref<112x16xf32, #tpu.memory_space<vmem>>
      tpu.wait_dma2 semaphore(%run_scoped3A_372 : memref<!tpu.dma_semaphore, #tpu.memory_space<semaphore_mem>>) src(%dma_wait3A_392 : memref<112x16xf32, #tpu.memory_space<vmem>>) dst(%dma_wait3A_389 : memref<112x16xf32, #tpu.memory_space<vmem_shared>>)
      tpu.yield
    }) : () -> ()
    "tpu.region"() ({
      %run_scoped3A_372 = tpu.sem_alloc : memref<!tpu.dma_semaphore, #tpu.memory_space<semaphore_mem>>
      tpu.enqueue_dma source(%arg3 : memref<4x16xf32, #tpu.memory_space<hbm>>) target(%arg13 : memref<4x16xf32, #tpu.memory_space<vmem>>) target_semaphore(%run_scoped3A_372 : memref<!tpu.dma_semaphore, #tpu.memory_space<semaphore_mem>>)
      tpu.wait_dma2 semaphore(%run_scoped3A_372 : memref<!tpu.dma_semaphore, #tpu.memory_space<semaphore_mem>>) src(%arg3 : memref<4x16xf32, #tpu.memory_space<hbm>>) dst(%arg13 : memref<4x16xf32, #tpu.memory_space<vmem>>)
      tpu.yield
    }) : () -> ()
    %mul3A_17 = arith.constant 6256 : i32
    %mul3A_18 = arith.muli %arg1, %mul3A_17 : i32
    %scan3A_19 = arith.constant 0 : i32
    %scan3A_20 = arith.constant 0 : i32
    %scan3A_21 = arith.constant 23 : i32
    %scan3A_22 = arith.addi %scan3A_20, %scan3A_21 : i32
    %scan3A_23 = arith.constant 1 : i32
    scf.for %scan3A_372 = %scan3A_20 to %scan3A_22 step %scan3A_23  : i32 {
      %mul3A_373 = arith.constant 272 : i32
      %mul3A_374 = arith.muli %scan3A_372, %mul3A_373 : i32
      %add3A_375 = arith.addi %mul3A_18, %mul3A_374 : i32
      "tpu.region"() ({
        %run_scoped3A_382 = tpu.sem_alloc : memref<!tpu.dma_semaphore, #tpu.memory_space<semaphore_mem>>
        %dma_start3A_383 = arith.constant 0 : i32
        %dma_start3A_384 = tpu.memref_slice %arg2[%add3A_375, %dma_start3A_383] : memref<100352x4xf32, #tpu.memory_space<hbm>> -> memref<272x4xf32, #tpu.memory_space<hbm>>
        %dma_start3A_385 = arith.constant 0 : i32
        %dma_start3A_386 = tpu.memref_slice %arg2[%add3A_375, %dma_start3A_385] : memref<100352x4xf32, #tpu.memory_space<hbm>> -> memref<272x4xf32, #tpu.memory_space<hbm>>
        tpu.enqueue_dma source(%dma_start3A_386 : memref<272x4xf32, #tpu.memory_space<hbm>>) target(%arg12 : memref<272x4xf32, #tpu.memory_space<vmem>>) target_semaphore(%run_scoped3A_382 : memref<!tpu.dma_semaphore, #tpu.memory_space<semaphore_mem>>)
        %dma_wait3A_387 = arith.constant 0 : i32
        %dma_wait3A_388 = tpu.memref_slice %arg2[%add3A_375, %dma_wait3A_387] : memref<100352x4xf32, #tpu.memory_space<hbm>> -> memref<272x4xf32, #tpu.memory_space<hbm>>
        %dma_wait3A_389 = arith.constant 0 : i32
        %dma_wait3A_390 = tpu.memref_slice %arg2[%add3A_375, %dma_wait3A_389] : memref<100352x4xf32, #tpu.memory_space<hbm>> -> memref<272x4xf32, #tpu.memory_space<hbm>>
        tpu.wait_dma2 semaphore(%run_scoped3A_382 : memref<!tpu.dma_semaphore, #tpu.memory_space<semaphore_mem>>) src(%dma_wait3A_390 : memref<272x4xf32, #tpu.memory_space<hbm>>) dst(%arg12 : memref<272x4xf32, #tpu.memory_space<vmem>>)
        tpu.yield
      }) : () -> ()
      %scan3A_376 = arith.constant 0 : i32
      %scan3A_377 = arith.constant 0 : i32
      %scan3A_378 = arith.constant 17 : i32
      %scan3A_379 = arith.addi %scan3A_377, %scan3A_378 : i32
      %scan3A_380 = arith.constant 1 : i32
      scf.for %scan3A_382 = %scan3A_377 to %scan3A_379 step %scan3A_380  : i32 {
        %mul3A_383 = arith.constant 16 : i32
        %mul3A_384 = arith.muli %scan3A_382, %mul3A_383 : i32
        %add3A_385 = vector.broadcast %mul3A_384 : i32 to vector<16xi32>
        %add3A_386 = arith.addi %iota3A, %add3A_385 : vector<16xi32>
        %get3A = arith.constant 0 : i32
        %get3A_387 = arith.index_cast %get3A : i32 to index
        %get3A_388 = arith.constant 0 : index
        %get3A_389 = tpu.vector_load %arg13[%get3A_387, %get3A_388] {strides = array<i32>} : memref<4x16xf32, #tpu.memory_space<vmem>>, vector<16xf32>,
        %get3A_390 = arith.constant 1 : i32
        %get3A_391 = arith.index_cast %get3A_390 : i32 to index
        %get3A_392 = arith.constant 0 : index
        %get3A_393 = tpu.vector_load %arg13[%get3A_391, %get3A_392] {strides = array<i32>} : memref<4x16xf32, #tpu.memory_space<vmem>>, vector<16xf32>,
        %get3A_394 = arith.constant 2 : i32
        %get3A_395 = arith.index_cast %get3A_394 : i32 to index
        %get3A_396 = arith.constant 0 : index
        %get3A_397 = tpu.vector_load %arg13[%get3A_395, %get3A_396] {strides = array<i32>} : memref<4x16xf32, #tpu.memory_space<vmem>>, vector<16xf32>,
        %get3A_398 = arith.constant 3 : i32
        %get3A_399 = arith.index_cast %get3A_398 : i32 to index
        %get3A_400 = arith.constant 0 : index
        %get3A_401 = tpu.vector_load %arg13[%get3A_399, %get3A_400] {strides = array<i32>} : memref<4x16xf32, #tpu.memory_space<vmem>>, vector<16xf32>,
        %broadcast_in_dim3A_402 = arith.constant 0 : i32
        %broadcast_in_dim3A_403 = vector.broadcast %broadcast_in_dim3A_402 : i32 to vector<16xi32>
        %gather3A = tpu.vector_load_idx %arg12[%add3A_386, %broadcast_in_dim3A_403] : memref<272x4xf32, #tpu.memory_space<vmem>>[vector<16xi32>, vector<16xi32>], vector<16xf32>,
        %broadcast_in_dim3A_404 = arith.constant 1 : i32
        %broadcast_in_dim3A_405 = vector.broadcast %broadcast_in_dim3A_404 : i32 to vector<16xi32>
        %gather3A_406 = tpu.vector_load_idx %arg12[%add3A_386, %broadcast_in_dim3A_405] : memref<272x4xf32, #tpu.memory_space<vmem>>[vector<16xi32>, vector<16xi32>], vector<16xf32>,
        %broadcast_in_dim3A_407 = arith.constant 2 : i32
        %broadcast_in_dim3A_408 = vector.broadcast %broadcast_in_dim3A_407 : i32 to vector<16xi32>
        %gather3A_409 = tpu.vector_load_idx %arg12[%add3A_386, %broadcast_in_dim3A_408] : memref<272x4xf32, #tpu.memory_space<vmem>>[vector<16xi32>, vector<16xi32>], vector<16xf32>,
        %broadcast_in_dim3A_410 = arith.constant 3 : i32
        %broadcast_in_dim3A_411 = vector.broadcast %broadcast_in_dim3A_410 : i32 to vector<16xi32>
        %gather3A_412 = tpu.vector_load_idx %arg12[%add3A_386, %broadcast_in_dim3A_411] : memref<272x4xf32, #tpu.memory_space<vmem>>[vector<16xi32>, vector<16xi32>], vector<16xf32>,
        %slice3A = vector.extract_strided_slice %get3A_389 {offsets = [0], sizes = [1], strides = [1]} : vector<16xf32> to vector<1xf32>
        %squeeze3A = vector.extract %slice3A[0] : f32 from vector<1xf32>
        %mul3A_413 = vector.broadcast %squeeze3A : f32 to vector<16xf32>
        %mul3A_414 = arith.mulf %gather3A, %mul3A_413 : vector<16xf32>
        %slice3A_415 = vector.extract_strided_slice %get3A_393 {offsets = [0], sizes = [1], strides = [1]} : vector<16xf32> to vector<1xf32>
        %squeeze3A_416 = vector.extract %slice3A_415[0] : f32 from vector<1xf32>
        %mul3A_417 = vector.broadcast %squeeze3A_416 : f32 to vector<16xf32>
        %mul3A_418 = arith.mulf %gather3A_406, %mul3A_417 : vector<16xf32>
        %add3A_419 = arith.addf %mul3A_414, %mul3A_418 : vector<16xf32>
        %slice3A_420 = vector.extract_strided_slice %get3A_397 {offsets = [0], sizes = [1], strides = [1]} : vector<16xf32> to vector<1xf32>
        %squeeze3A_421 = vector.extract %slice3A_420[0] : f32 from vector<1xf32>
        %mul3A_422 = vector.broadcast %squeeze3A_421 : f32 to vector<16xf32>
        %mul3A_423 = arith.mulf %gather3A_409, %mul3A_422 : vector<16xf32>
        %add3A_424 = arith.addf %add3A_419, %mul3A_423 : vector<16xf32>
        %slice3A_425 = vector.extract_strided_slice %get3A_401 {offsets = [0], sizes = [1], strides = [1]} : vector<16xf32> to vector<1xf32>
        %squeeze3A_426 = vector.extract %slice3A_425[0] : f32 from vector<1xf32>
        %mul3A_427 = vector.broadcast %squeeze3A_426 : f32 to vector<16xf32>
        %mul3A_428 = arith.mulf %gather3A_412, %mul3A_427 : vector<16xf32>
        %add3A_429 = arith.addf %add3A_424, %mul3A_428 : vector<16xf32>
        %broadcast_in_dim3A_430 = arith.constant 0 : i32
        %broadcast_in_dim3A_431 = vector.broadcast %broadcast_in_dim3A_430 : i32 to vector<16xi32>
        tpu.vector_store_idx %arg9[%add3A_386, %broadcast_in_dim3A_431], %add3A_429 : memref<512x16xf32, #tpu.memory_space<vmem>>[vector<16xi32>, vector<16xi32>], vector<16xf32>,
        %slice3A_432 = vector.extract_strided_slice %get3A_389 {offsets = [1], sizes = [1], strides = [1]} : vector<16xf32> to vector<1xf32>
        %squeeze3A_433 = vector.extract %slice3A_432[0] : f32 from vector<1xf32>
        %mul3A_434 = vector.broadcast %squeeze3A_433 : f32 to vector<16xf32>
        %mul3A_435 = arith.mulf %gather3A, %mul3A_434 : vector<16xf32>
        %slice3A_436 = vector.extract_strided_slice %get3A_393 {offsets = [1], sizes = [1], strides = [1]} : vector<16xf32> to vector<1xf32>
        %squeeze3A_437 = vector.extract %slice3A_436[0] : f32 from vector<1xf32>
        %mul3A_438 = vector.broadcast %squeeze3A_437 : f32 to vector<16xf32>
        %mul3A_439 = arith.mulf %gather3A_406, %mul3A_438 : vector<16xf32>
        %add3A_440 = arith.addf %mul3A_435, %mul3A_439 : vector<16xf32>
        %slice3A_441 = vector.extract_strided_slice %get3A_397 {offsets = [1], sizes = [1], strides = [1]} : vector<16xf32> to vector<1xf32>
        %squeeze3A_442 = vector.extract %slice3A_441[0] : f32 from vector<1xf32>
        %mul3A_443 = vector.broadcast %squeeze3A_442 : f32 to vector<16xf32>
        %mul3A_444 = arith.mulf %gather3A_409, %mul3A_443 : vector<16xf32>
        %add3A_445 = arith.addf %add3A_440, %mul3A_444 : vector<16xf32>
        %slice3A_446 = vector.extract_strided_slice %get3A_401 {offsets = [1], sizes = [1], strides = [1]} : vector<16xf32> to vector<1xf32>
        %squeeze3A_447 = vector.extract %slice3A_446[0] : f32 from vector<1xf32>
        %mul3A_448 = vector.broadcast %squeeze3A_447 : f32 to vector<16xf32>
        %mul3A_449 = arith.mulf %gather3A_412, %mul3A_448 : vector<16xf32>
        %add3A_450 = arith.addf %add3A_445, %mul3A_449 : vector<16xf32>
        %broadcast_in_dim3A_451 = arith.constant 1 : i32
        %broadcast_in_dim3A_452 = vector.broadcast %broadcast_in_dim3A_451 : i32 to vector<16xi32>
        tpu.vector_store_idx %arg9[%add3A_386, %broadcast_in_dim3A_452], %add3A_450 : memref<512x16xf32, #tpu.memory_space<vmem>>[vector<16xi32>, vector<16xi32>], vector<16xf32>,
        %slice3A_453 = vector.extract_strided_slice %get3A_389 {offsets = [2], sizes = [1], strides = [1]} : vector<16xf32> to vector<1xf32>
        %squeeze3A_454 = vector.extract %slice3A_453[0] : f32 from vector<1xf32>
        %mul3A_455 = vector.broadcast %squeeze3A_454 : f32 to vector<16xf32>
        %mul3A_456 = arith.mulf %gather3A, %mul3A_455 : vector<16xf32>
        %slice3A_457 = vector.extract_strided_slice %get3A_393 {offsets = [2], sizes = [1], strides = [1]} : vector<16xf32> to vector<1xf32>
        %squeeze3A_458 = vector.extract %slice3A_457[0] : f32 from vector<1xf32>
        %mul3A_459 = vector.broadcast %squeeze3A_458 : f32 to vector<16xf32>
        %mul3A_460 = arith.mulf %gather3A_406, %mul3A_459 : vector<16xf32>
        %add3A_461 = arith.addf %mul3A_456, %mul3A_460 : vector<16xf32>
        %slice3A_462 = vector.extract_strided_slice %get3A_397 {offsets = [2], sizes = [1], strides = [1]} : vector<16xf32> to vector<1xf32>
        %squeeze3A_463 = vector.extract %slice3A_462[0] : f32 from vector<1xf32>
        %mul3A_464 = vector.broadcast %squeeze3A_463 : f32 to vector<16xf32>
        %mul3A_465 = arith.mulf %gather3A_409, %mul3A_464 : vector<16xf32>
        %add3A_466 = arith.addf %add3A_461, %mul3A_465 : vector<16xf32>
        %slice3A_467 = vector.extract_strided_slice %get3A_401 {offsets = [2], sizes = [1], strides = [1]} : vector<16xf32> to vector<1xf32>
        %squeeze3A_468 = vector.extract %slice3A_467[0] : f32 from vector<1xf32>
        %mul3A_469 = vector.broadcast %squeeze3A_468 : f32 to vector<16xf32>
        %mul3A_470 = arith.mulf %gather3A_412, %mul3A_469 : vector<16xf32>
        %add3A_471 = arith.addf %add3A_466, %mul3A_470 : vector<16xf32>
        %broadcast_in_dim3A_472 = arith.constant 2 : i32
        %broadcast_in_dim3A_473 = vector.broadcast %broadcast_in_dim3A_472 : i32 to vector<16xi32>
        tpu.vector_store_idx %arg9[%add3A_386, %broadcast_in_dim3A_473], %add3A_471 : memref<512x16xf32, #tpu.memory_space<vmem>>[vector<16xi32>, vector<16xi32>], vector<16xf32>,
        %slice3A_474 = vector.extract_strided_slice %get3A_389 {offsets = [3], sizes = [1], strides = [1]} : vector<16xf32> to vector<1xf32>
        %squeeze3A_475 = vector.extract %slice3A_474[0] : f32 from vector<1xf32>
        %mul3A_476 = vector.broadcast %squeeze3A_475 : f32 to vector<16xf32>
        %mul3A_477 = arith.mulf %gather3A, %mul3A_476 : vector<16xf32>
        %slice3A_478 = vector.extract_strided_slice %get3A_393 {offsets = [3], sizes = [1], strides = [1]} : vector<16xf32> to vector<1xf32>
        %squeeze3A_479 = vector.extract %slice3A_478[0] : f32 from vector<1xf32>
        %mul3A_480 = vector.broadcast %squeeze3A_479 : f32 to vector<16xf32>
        %mul3A_481 = arith.mulf %gather3A_406, %mul3A_480 : vector<16xf32>
        %add3A_482 = arith.addf %mul3A_477, %mul3A_481 : vector<16xf32>
        %slice3A_483 = vector.extract_strided_slice %get3A_397 {offsets = [3], sizes = [1], strides = [1]} : vector<16xf32> to vector<1xf32>
        %squeeze3A_484 = vector.extract %slice3A_483[0] : f32 from vector<1xf32>
        %mul3A_485 = vector.broadcast %squeeze3A_484 : f32 to vector<16xf32>
        %mul3A_486 = arith.mulf %gather3A_409, %mul3A_485 : vector<16xf32>
        %add3A_487 = arith.addf %add3A_482, %mul3A_486 : vector<16xf32>
        %slice3A_488 = vector.extract_strided_slice %get3A_401 {offsets = [3], sizes = [1], strides = [1]} : vector<16xf32> to vector<1xf32>
        %squeeze3A_489 = vector.extract %slice3A_488[0] : f32 from vector<1xf32>
        %mul3A_490 = vector.broadcast %squeeze3A_489 : f32 to vector<16xf32>
        %mul3A_491 = arith.mulf %gather3A_412, %mul3A_490 : vector<16xf32>
        %add3A_492 = arith.addf %add3A_487, %mul3A_491 : vector<16xf32>
        %broadcast_in_dim3A_493 = arith.constant 3 : i32
        %broadcast_in_dim3A_494 = vector.broadcast %broadcast_in_dim3A_493 : i32 to vector<16xi32>
        tpu.vector_store_idx %arg9[%add3A_386, %broadcast_in_dim3A_494], %add3A_492 : memref<512x16xf32, #tpu.memory_space<vmem>>[vector<16xi32>, vector<16xi32>], vector<16xf32>,
        %slice3A_495 = vector.extract_strided_slice %get3A_389 {offsets = [4], sizes = [1], strides = [1]} : vector<16xf32> to vector<1xf32>
        %squeeze3A_496 = vector.extract %slice3A_495[0] : f32 from vector<1xf32>
        %mul3A_497 = vector.broadcast %squeeze3A_496 : f32 to vector<16xf32>
        %mul3A_498 = arith.mulf %gather3A, %mul3A_497 : vector<16xf32>
        %slice3A_499 = vector.extract_strided_slice %get3A_393 {offsets = [4], sizes = [1], strides = [1]} : vector<16xf32> to vector<1xf32>
        %squeeze3A_500 = vector.extract %slice3A_499[0] : f32 from vector<1xf32>
        %mul3A_501 = vector.broadcast %squeeze3A_500 : f32 to vector<16xf32>
        %mul3A_502 = arith.mulf %gather3A_406, %mul3A_501 : vector<16xf32>
        %add3A_503 = arith.addf %mul3A_498, %mul3A_502 : vector<16xf32>
        %slice3A_504 = vector.extract_strided_slice %get3A_397 {offsets = [4], sizes = [1], strides = [1]} : vector<16xf32> to vector<1xf32>
        %squeeze3A_505 = vector.extract %slice3A_504[0] : f32 from vector<1xf32>
        %mul3A_506 = vector.broadcast %squeeze3A_505 : f32 to vector<16xf32>
        %mul3A_507 = arith.mulf %gather3A_409, %mul3A_506 : vector<16xf32>
        %add3A_508 = arith.addf %add3A_503, %mul3A_507 : vector<16xf32>
        %slice3A_509 = vector.extract_strided_slice %get3A_401 {offsets = [4], sizes = [1], strides = [1]} : vector<16xf32> to vector<1xf32>
        %squeeze3A_510 = vector.extract %slice3A_509[0] : f32 from vector<1xf32>
        %mul3A_511 = vector.broadcast %squeeze3A_510 : f32 to vector<16xf32>
        %mul3A_512 = arith.mulf %gather3A_412, %mul3A_511 : vector<16xf32>
        %add3A_513 = arith.addf %add3A_508, %mul3A_512 : vector<16xf32>
        %broadcast_in_dim3A_514 = arith.constant 4 : i32
        %broadcast_in_dim3A_515 = vector.broadcast %broadcast_in_dim3A_514 : i32 to vector<16xi32>
        tpu.vector_store_idx %arg9[%add3A_386, %broadcast_in_dim3A_515], %add3A_513 : memref<512x16xf32, #tpu.memory_space<vmem>>[vector<16xi32>, vector<16xi32>], vector<16xf32>,
        %slice3A_516 = vector.extract_strided_slice %get3A_389 {offsets = [5], sizes = [1], strides = [1]} : vector<16xf32> to vector<1xf32>
        %squeeze3A_517 = vector.extract %slice3A_516[0] : f32 from vector<1xf32>
        %mul3A_518 = vector.broadcast %squeeze3A_517 : f32 to vector<16xf32>
        %mul3A_519 = arith.mulf %gather3A, %mul3A_518 : vector<16xf32>
        %slice3A_520 = vector.extract_strided_slice %get3A_393 {offsets = [5], sizes = [1], strides = [1]} : vector<16xf32> to vector<1xf32>
        %squeeze3A_521 = vector.extract %slice3A_520[0] : f32 from vector<1xf32>
        %mul3A_522 = vector.broadcast %squeeze3A_521 : f32 to vector<16xf32>
        %mul3A_523 = arith.mulf %gather3A_406, %mul3A_522 : vector<16xf32>
        %add3A_524 = arith.addf %mul3A_519, %mul3A_523 : vector<16xf32>
        %slice3A_525 = vector.extract_strided_slice %get3A_397 {offsets = [5], sizes = [1], strides = [1]} : vector<16xf32> to vector<1xf32>
        %squeeze3A_526 = vector.extract %slice3A_525[0] : f32 from vector<1xf32>
        %mul3A_527 = vector.broadcast %squeeze3A_526 : f32 to vector<16xf32>
        %mul3A_528 = arith.mulf %gather3A_409, %mul3A_527 : vector<16xf32>
        %add3A_529 = arith.addf %add3A_524, %mul3A_528 : vector<16xf32>
        %slice3A_530 = vector.extract_strided_slice %get3A_401 {offsets = [5], sizes = [1], strides = [1]} : vector<16xf32> to vector<1xf32>
        %squeeze3A_531 = vector.extract %slice3A_530[0] : f32 from vector<1xf32>
        %mul3A_532 = vector.broadcast %squeeze3A_531 : f32 to vector<16xf32>
        %mul3A_533 = arith.mulf %gather3A_412, %mul3A_532 : vector<16xf32>
        %add3A_534 = arith.addf %add3A_529, %mul3A_533 : vector<16xf32>
        %broadcast_in_dim3A_535 = arith.constant 5 : i32
        %broadcast_in_dim3A_536 = vector.broadcast %broadcast_in_dim3A_535 : i32 to vector<16xi32>
        tpu.vector_store_idx %arg9[%add3A_386, %broadcast_in_dim3A_536], %add3A_534 : memref<512x16xf32, #tpu.memory_space<vmem>>[vector<16xi32>, vector<16xi32>], vector<16xf32>,
        %slice3A_537 = vector.extract_strided_slice %get3A_389 {offsets = [6], sizes = [1], strides = [1]} : vector<16xf32> to vector<1xf32>
        %squeeze3A_538 = vector.extract %slice3A_537[0] : f32 from vector<1xf32>
        %mul3A_539 = vector.broadcast %squeeze3A_538 : f32 to vector<16xf32>
        %mul3A_540 = arith.mulf %gather3A, %mul3A_539 : vector<16xf32>
        %slice3A_541 = vector.extract_strided_slice %get3A_393 {offsets = [6], sizes = [1], strides = [1]} : vector<16xf32> to vector<1xf32>
        %squeeze3A_542 = vector.extract %slice3A_541[0] : f32 from vector<1xf32>
        %mul3A_543 = vector.broadcast %squeeze3A_542 : f32 to vector<16xf32>
        %mul3A_544 = arith.mulf %gather3A_406, %mul3A_543 : vector<16xf32>
        %add3A_545 = arith.addf %mul3A_540, %mul3A_544 : vector<16xf32>
        %slice3A_546 = vector.extract_strided_slice %get3A_397 {offsets = [6], sizes = [1], strides = [1]} : vector<16xf32> to vector<1xf32>
        %squeeze3A_547 = vector.extract %slice3A_546[0] : f32 from vector<1xf32>
        %mul3A_548 = vector.broadcast %squeeze3A_547 : f32 to vector<16xf32>
        %mul3A_549 = arith.mulf %gather3A_409, %mul3A_548 : vector<16xf32>
        %add3A_550 = arith.addf %add3A_545, %mul3A_549 : vector<16xf32>
        %slice3A_551 = vector.extract_strided_slice %get3A_401 {offsets = [6], sizes = [1], strides = [1]} : vector<16xf32> to vector<1xf32>
        %squeeze3A_552 = vector.extract %slice3A_551[0] : f32 from vector<1xf32>
        %mul3A_553 = vector.broadcast %squeeze3A_552 : f32 to vector<16xf32>
        %mul3A_554 = arith.mulf %gather3A_412, %mul3A_553 : vector<16xf32>
        %add3A_555 = arith.addf %add3A_550, %mul3A_554 : vector<16xf32>
        %broadcast_in_dim3A_556 = arith.constant 6 : i32
        %broadcast_in_dim3A_557 = vector.broadcast %broadcast_in_dim3A_556 : i32 to vector<16xi32>
        tpu.vector_store_idx %arg9[%add3A_386, %broadcast_in_dim3A_557], %add3A_555 : memref<512x16xf32, #tpu.memory_space<vmem>>[vector<16xi32>, vector<16xi32>], vector<16xf32>,
        %slice3A_558 = vector.extract_strided_slice %get3A_389 {offsets = [7], sizes = [1], strides = [1]} : vector<16xf32> to vector<1xf32>
        %squeeze3A_559 = vector.extract %slice3A_558[0] : f32 from vector<1xf32>
        %mul3A_560 = vector.broadcast %squeeze3A_559 : f32 to vector<16xf32>
        %mul3A_561 = arith.mulf %gather3A, %mul3A_560 : vector<16xf32>
        %slice3A_562 = vector.extract_strided_slice %get3A_393 {offsets = [7], sizes = [1], strides = [1]} : vector<16xf32> to vector<1xf32>
        %squeeze3A_563 = vector.extract %slice3A_562[0] : f32 from vector<1xf32>
        %mul3A_564 = vector.broadcast %squeeze3A_563 : f32 to vector<16xf32>
        %mul3A_565 = arith.mulf %gather3A_406, %mul3A_564 : vector<16xf32>
        %add3A_566 = arith.addf %mul3A_561, %mul3A_565 : vector<16xf32>
        %slice3A_567 = vector.extract_strided_slice %get3A_397 {offsets = [7], sizes = [1], strides = [1]} : vector<16xf32> to vector<1xf32>
        %squeeze3A_568 = vector.extract %slice3A_567[0] : f32 from vector<1xf32>
        %mul3A_569 = vector.broadcast %squeeze3A_568 : f32 to vector<16xf32>
        %mul3A_570 = arith.mulf %gather3A_409, %mul3A_569 : vector<16xf32>
        %add3A_571 = arith.addf %add3A_566, %mul3A_570 : vector<16xf32>
        %slice3A_572 = vector.extract_strided_slice %get3A_401 {offsets = [7], sizes = [1], strides = [1]} : vector<16xf32> to vector<1xf32>
        %squeeze3A_573 = vector.extract %slice3A_572[0] : f32 from vector<1xf32>
        %mul3A_574 = vector.broadcast %squeeze3A_573 : f32 to vector<16xf32>
        %mul3A_575 = arith.mulf %gather3A_412, %mul3A_574 : vector<16xf32>
        %add3A_576 = arith.addf %add3A_571, %mul3A_575 : vector<16xf32>
        %broadcast_in_dim3A_577 = arith.constant 7 : i32
        %broadcast_in_dim3A_578 = vector.broadcast %broadcast_in_dim3A_577 : i32 to vector<16xi32>
        tpu.vector_store_idx %arg9[%add3A_386, %broadcast_in_dim3A_578], %add3A_576 : memref<512x16xf32, #tpu.memory_space<vmem>>[vector<16xi32>, vector<16xi32>], vector<16xf32>,
        %slice3A_579 = vector.extract_strided_slice %get3A_389 {offsets = [8], sizes = [1], strides = [1]} : vector<16xf32> to vector<1xf32>
        %squeeze3A_580 = vector.extract %slice3A_579[0] : f32 from vector<1xf32>
        %mul3A_581 = vector.broadcast %squeeze3A_580 : f32 to vector<16xf32>
        %mul3A_582 = arith.mulf %gather3A, %mul3A_581 : vector<16xf32>
        %slice3A_583 = vector.extract_strided_slice %get3A_393 {offsets = [8], sizes = [1], strides = [1]} : vector<16xf32> to vector<1xf32>
        %squeeze3A_584 = vector.extract %slice3A_583[0] : f32 from vector<1xf32>
        %mul3A_585 = vector.broadcast %squeeze3A_584 : f32 to vector<16xf32>
        %mul3A_586 = arith.mulf %gather3A_406, %mul3A_585 : vector<16xf32>
        %add3A_587 = arith.addf %mul3A_582, %mul3A_586 : vector<16xf32>
        %slice3A_588 = vector.extract_strided_slice %get3A_397 {offsets = [8], sizes = [1], strides = [1]} : vector<16xf32> to vector<1xf32>
        %squeeze3A_589 = vector.extract %slice3A_588[0] : f32 from vector<1xf32>
        %mul3A_590 = vector.broadcast %squeeze3A_589 : f32 to vector<16xf32>
        %mul3A_591 = arith.mulf %gather3A_409, %mul3A_590 : vector<16xf32>
        %add3A_592 = arith.addf %add3A_587, %mul3A_591 : vector<16xf32>
        %slice3A_593 = vector.extract_strided_slice %get3A_401 {offsets = [8], sizes = [1], strides = [1]} : vector<16xf32> to vector<1xf32>
        %squeeze3A_594 = vector.extract %slice3A_593[0] : f32 from vector<1xf32>
        %mul3A_595 = vector.broadcast %squeeze3A_594 : f32 to vector<16xf32>
        %mul3A_596 = arith.mulf %gather3A_412, %mul3A_595 : vector<16xf32>
        %add3A_597 = arith.addf %add3A_592, %mul3A_596 : vector<16xf32>
        %broadcast_in_dim3A_598 = arith.constant 8 : i32
        %broadcast_in_dim3A_599 = vector.broadcast %broadcast_in_dim3A_598 : i32 to vector<16xi32>
        tpu.vector_store_idx %arg9[%add3A_386, %broadcast_in_dim3A_599], %add3A_597 : memref<512x16xf32, #tpu.memory_space<vmem>>[vector<16xi32>, vector<16xi32>], vector<16xf32>,
        %slice3A_600 = vector.extract_strided_slice %get3A_389 {offsets = [9], sizes = [1], strides = [1]} : vector<16xf32> to vector<1xf32>
        %squeeze3A_601 = vector.extract %slice3A_600[0] : f32 from vector<1xf32>
        %mul3A_602 = vector.broadcast %squeeze3A_601 : f32 to vector<16xf32>
        %mul3A_603 = arith.mulf %gather3A, %mul3A_602 : vector<16xf32>
        %slice3A_604 = vector.extract_strided_slice %get3A_393 {offsets = [9], sizes = [1], strides = [1]} : vector<16xf32> to vector<1xf32>
        %squeeze3A_605 = vector.extract %slice3A_604[0] : f32 from vector<1xf32>
        %mul3A_606 = vector.broadcast %squeeze3A_605 : f32 to vector<16xf32>
        %mul3A_607 = arith.mulf %gather3A_406, %mul3A_606 : vector<16xf32>
        %add3A_608 = arith.addf %mul3A_603, %mul3A_607 : vector<16xf32>
        %slice3A_609 = vector.extract_strided_slice %get3A_397 {offsets = [9], sizes = [1], strides = [1]} : vector<16xf32> to vector<1xf32>
        %squeeze3A_610 = vector.extract %slice3A_609[0] : f32 from vector<1xf32>
        %mul3A_611 = vector.broadcast %squeeze3A_610 : f32 to vector<16xf32>
        %mul3A_612 = arith.mulf %gather3A_409, %mul3A_611 : vector<16xf32>
        %add3A_613 = arith.addf %add3A_608, %mul3A_612 : vector<16xf32>
        %slice3A_614 = vector.extract_strided_slice %get3A_401 {offsets = [9], sizes = [1], strides = [1]} : vector<16xf32> to vector<1xf32>
        %squeeze3A_615 = vector.extract %slice3A_614[0] : f32 from vector<1xf32>
        %mul3A_616 = vector.broadcast %squeeze3A_615 : f32 to vector<16xf32>
        %mul3A_617 = arith.mulf %gather3A_412, %mul3A_616 : vector<16xf32>
        %add3A_618 = arith.addf %add3A_613, %mul3A_617 : vector<16xf32>
        %broadcast_in_dim3A_619 = arith.constant 9 : i32
        %broadcast_in_dim3A_620 = vector.broadcast %broadcast_in_dim3A_619 : i32 to vector<16xi32>
        tpu.vector_store_idx %arg9[%add3A_386, %broadcast_in_dim3A_620], %add3A_618 : memref<512x16xf32, #tpu.memory_space<vmem>>[vector<16xi32>, vector<16xi32>], vector<16xf32>,
        %slice3A_621 = vector.extract_strided_slice %get3A_389 {offsets = [10], sizes = [1], strides = [1]} : vector<16xf32> to vector<1xf32>
        %squeeze3A_622 = vector.extract %slice3A_621[0] : f32 from vector<1xf32>
        %mul3A_623 = vector.broadcast %squeeze3A_622 : f32 to vector<16xf32>
        %mul3A_624 = arith.mulf %gather3A, %mul3A_623 : vector<16xf32>
        %slice3A_625 = vector.extract_strided_slice %get3A_393 {offsets = [10], sizes = [1], strides = [1]} : vector<16xf32> to vector<1xf32>
        %squeeze3A_626 = vector.extract %slice3A_625[0] : f32 from vector<1xf32>
        %mul3A_627 = vector.broadcast %squeeze3A_626 : f32 to vector<16xf32>
        %mul3A_628 = arith.mulf %gather3A_406, %mul3A_627 : vector<16xf32>
        %add3A_629 = arith.addf %mul3A_624, %mul3A_628 : vector<16xf32>
        %slice3A_630 = vector.extract_strided_slice %get3A_397 {offsets = [10], sizes = [1], strides = [1]} : vector<16xf32> to vector<1xf32>
        %squeeze3A_631 = vector.extract %slice3A_630[0] : f32 from vector<1xf32>
        %mul3A_632 = vector.broadcast %squeeze3A_631 : f32 to vector<16xf32>
        %mul3A_633 = arith.mulf %gather3A_409, %mul3A_632 : vector<16xf32>
        %add3A_634 = arith.addf %add3A_629, %mul3A_633 : vector<16xf32>
        %slice3A_635 = vector.extract_strided_slice %get3A_401 {offsets = [10], sizes = [1], strides = [1]} : vector<16xf32> to vector<1xf32>
        %squeeze3A_636 = vector.extract %slice3A_635[0] : f32 from vector<1xf32>
        %mul3A_637 = vector.broadcast %squeeze3A_636 : f32 to vector<16xf32>
        %mul3A_638 = arith.mulf %gather3A_412, %mul3A_637 : vector<16xf32>
        %add3A_639 = arith.addf %add3A_634, %mul3A_638 : vector<16xf32>
        %broadcast_in_dim3A_640 = arith.constant 10 : i32
        %broadcast_in_dim3A_641 = vector.broadcast %broadcast_in_dim3A_640 : i32 to vector<16xi32>
        tpu.vector_store_idx %arg9[%add3A_386, %broadcast_in_dim3A_641], %add3A_639 : memref<512x16xf32, #tpu.memory_space<vmem>>[vector<16xi32>, vector<16xi32>], vector<16xf32>,
        %slice3A_642 = vector.extract_strided_slice %get3A_389 {offsets = [11], sizes = [1], strides = [1]} : vector<16xf32> to vector<1xf32>
        %squeeze3A_643 = vector.extract %slice3A_642[0] : f32 from vector<1xf32>
        %mul3A_644 = vector.broadcast %squeeze3A_643 : f32 to vector<16xf32>
        %mul3A_645 = arith.mulf %gather3A, %mul3A_644 : vector<16xf32>
        %slice3A_646 = vector.extract_strided_slice %get3A_393 {offsets = [11], sizes = [1], strides = [1]} : vector<16xf32> to vector<1xf32>
        %squeeze3A_647 = vector.extract %slice3A_646[0] : f32 from vector<1xf32>
        %mul3A_648 = vector.broadcast %squeeze3A_647 : f32 to vector<16xf32>
        %mul3A_649 = arith.mulf %gather3A_406, %mul3A_648 : vector<16xf32>
        %add3A_650 = arith.addf %mul3A_645, %mul3A_649 : vector<16xf32>
        %slice3A_651 = vector.extract_strided_slice %get3A_397 {offsets = [11], sizes = [1], strides = [1]} : vector<16xf32> to vector<1xf32>
        %squeeze3A_652 = vector.extract %slice3A_651[0] : f32 from vector<1xf32>
        %mul3A_653 = vector.broadcast %squeeze3A_652 : f32 to vector<16xf32>
        %mul3A_654 = arith.mulf %gather3A_409, %mul3A_653 : vector<16xf32>
        %add3A_655 = arith.addf %add3A_650, %mul3A_654 : vector<16xf32>
        %slice3A_656 = vector.extract_strided_slice %get3A_401 {offsets = [11], sizes = [1], strides = [1]} : vector<16xf32> to vector<1xf32>
        %squeeze3A_657 = vector.extract %slice3A_656[0] : f32 from vector<1xf32>
        %mul3A_658 = vector.broadcast %squeeze3A_657 : f32 to vector<16xf32>
        %mul3A_659 = arith.mulf %gather3A_412, %mul3A_658 : vector<16xf32>
        %add3A_660 = arith.addf %add3A_655, %mul3A_659 : vector<16xf32>
        %broadcast_in_dim3A_661 = arith.constant 11 : i32
        %broadcast_in_dim3A_662 = vector.broadcast %broadcast_in_dim3A_661 : i32 to vector<16xi32>
        tpu.vector_store_idx %arg9[%add3A_386, %broadcast_in_dim3A_662], %add3A_660 : memref<512x16xf32, #tpu.memory_space<vmem>>[vector<16xi32>, vector<16xi32>], vector<16xf32>,
        %slice3A_663 = vector.extract_strided_slice %get3A_389 {offsets = [12], sizes = [1], strides = [1]} : vector<16xf32> to vector<1xf32>
        %squeeze3A_664 = vector.extract %slice3A_663[0] : f32 from vector<1xf32>
        %mul3A_665 = vector.broadcast %squeeze3A_664 : f32 to vector<16xf32>
        %mul3A_666 = arith.mulf %gather3A, %mul3A_665 : vector<16xf32>
        %slice3A_667 = vector.extract_strided_slice %get3A_393 {offsets = [12], sizes = [1], strides = [1]} : vector<16xf32> to vector<1xf32>
        %squeeze3A_668 = vector.extract %slice3A_667[0] : f32 from vector<1xf32>
        %mul3A_669 = vector.broadcast %squeeze3A_668 : f32 to vector<16xf32>
        %mul3A_670 = arith.mulf %gather3A_406, %mul3A_669 : vector<16xf32>
        %add3A_671 = arith.addf %mul3A_666, %mul3A_670 : vector<16xf32>
        %slice3A_672 = vector.extract_strided_slice %get3A_397 {offsets = [12], sizes = [1], strides = [1]} : vector<16xf32> to vector<1xf32>
        %squeeze3A_673 = vector.extract %slice3A_672[0] : f32 from vector<1xf32>
        %mul3A_674 = vector.broadcast %squeeze3A_673 : f32 to vector<16xf32>
        %mul3A_675 = arith.mulf %gather3A_409, %mul3A_674 : vector<16xf32>
        %add3A_676 = arith.addf %add3A_671, %mul3A_675 : vector<16xf32>
        %slice3A_677 = vector.extract_strided_slice %get3A_401 {offsets = [12], sizes = [1], strides = [1]} : vector<16xf32> to vector<1xf32>
        %squeeze3A_678 = vector.extract %slice3A_677[0] : f32 from vector<1xf32>
        %mul3A_679 = vector.broadcast %squeeze3A_678 : f32 to vector<16xf32>
        %mul3A_680 = arith.mulf %gather3A_412, %mul3A_679 : vector<16xf32>
        %add3A_681 = arith.addf %add3A_676, %mul3A_680 : vector<16xf32>
        %broadcast_in_dim3A_682 = arith.constant 12 : i32
        %broadcast_in_dim3A_683 = vector.broadcast %broadcast_in_dim3A_682 : i32 to vector<16xi32>
        tpu.vector_store_idx %arg9[%add3A_386, %broadcast_in_dim3A_683], %add3A_681 : memref<512x16xf32, #tpu.memory_space<vmem>>[vector<16xi32>, vector<16xi32>], vector<16xf32>,
        %slice3A_684 = vector.extract_strided_slice %get3A_389 {offsets = [13], sizes = [1], strides = [1]} : vector<16xf32> to vector<1xf32>
        %squeeze3A_685 = vector.extract %slice3A_684[0] : f32 from vector<1xf32>
        %mul3A_686 = vector.broadcast %squeeze3A_685 : f32 to vector<16xf32>
        %mul3A_687 = arith.mulf %gather3A, %mul3A_686 : vector<16xf32>
        %slice3A_688 = vector.extract_strided_slice %get3A_393 {offsets = [13], sizes = [1], strides = [1]} : vector<16xf32> to vector<1xf32>
        %squeeze3A_689 = vector.extract %slice3A_688[0] : f32 from vector<1xf32>
        %mul3A_690 = vector.broadcast %squeeze3A_689 : f32 to vector<16xf32>
        %mul3A_691 = arith.mulf %gather3A_406, %mul3A_690 : vector<16xf32>
        %add3A_692 = arith.addf %mul3A_687, %mul3A_691 : vector<16xf32>
        %slice3A_693 = vector.extract_strided_slice %get3A_397 {offsets = [13], sizes = [1], strides = [1]} : vector<16xf32> to vector<1xf32>
        %squeeze3A_694 = vector.extract %slice3A_693[0] : f32 from vector<1xf32>
        %mul3A_695 = vector.broadcast %squeeze3A_694 : f32 to vector<16xf32>
        %mul3A_696 = arith.mulf %gather3A_409, %mul3A_695 : vector<16xf32>
        %add3A_697 = arith.addf %add3A_692, %mul3A_696 : vector<16xf32>
        %slice3A_698 = vector.extract_strided_slice %get3A_401 {offsets = [13], sizes = [1], strides = [1]} : vector<16xf32> to vector<1xf32>
        %squeeze3A_699 = vector.extract %slice3A_698[0] : f32 from vector<1xf32>
        %mul3A_700 = vector.broadcast %squeeze3A_699 : f32 to vector<16xf32>
        %mul3A_701 = arith.mulf %gather3A_412, %mul3A_700 : vector<16xf32>
        %add3A_702 = arith.addf %add3A_697, %mul3A_701 : vector<16xf32>
        %broadcast_in_dim3A_703 = arith.constant 13 : i32
        %broadcast_in_dim3A_704 = vector.broadcast %broadcast_in_dim3A_703 : i32 to vector<16xi32>
        tpu.vector_store_idx %arg9[%add3A_386, %broadcast_in_dim3A_704], %add3A_702 : memref<512x16xf32, #tpu.memory_space<vmem>>[vector<16xi32>, vector<16xi32>], vector<16xf32>,
        %slice3A_705 = vector.extract_strided_slice %get3A_389 {offsets = [14], sizes = [1], strides = [1]} : vector<16xf32> to vector<1xf32>
        %squeeze3A_706 = vector.extract %slice3A_705[0] : f32 from vector<1xf32>
        %mul3A_707 = vector.broadcast %squeeze3A_706 : f32 to vector<16xf32>
        %mul3A_708 = arith.mulf %gather3A, %mul3A_707 : vector<16xf32>
        %slice3A_709 = vector.extract_strided_slice %get3A_393 {offsets = [14], sizes = [1], strides = [1]} : vector<16xf32> to vector<1xf32>
        %squeeze3A_710 = vector.extract %slice3A_709[0] : f32 from vector<1xf32>
        %mul3A_711 = vector.broadcast %squeeze3A_710 : f32 to vector<16xf32>
        %mul3A_712 = arith.mulf %gather3A_406, %mul3A_711 : vector<16xf32>
        %add3A_713 = arith.addf %mul3A_708, %mul3A_712 : vector<16xf32>
        %slice3A_714 = vector.extract_strided_slice %get3A_397 {offsets = [14], sizes = [1], strides = [1]} : vector<16xf32> to vector<1xf32>
        %squeeze3A_715 = vector.extract %slice3A_714[0] : f32 from vector<1xf32>
        %mul3A_716 = vector.broadcast %squeeze3A_715 : f32 to vector<16xf32>
        %mul3A_717 = arith.mulf %gather3A_409, %mul3A_716 : vector<16xf32>
        %add3A_718 = arith.addf %add3A_713, %mul3A_717 : vector<16xf32>
        %slice3A_719 = vector.extract_strided_slice %get3A_401 {offsets = [14], sizes = [1], strides = [1]} : vector<16xf32> to vector<1xf32>
        %squeeze3A_720 = vector.extract %slice3A_719[0] : f32 from vector<1xf32>
        %mul3A_721 = vector.broadcast %squeeze3A_720 : f32 to vector<16xf32>
        %mul3A_722 = arith.mulf %gather3A_412, %mul3A_721 : vector<16xf32>
        %add3A_723 = arith.addf %add3A_718, %mul3A_722 : vector<16xf32>
        %broadcast_in_dim3A_724 = arith.constant 14 : i32
        %broadcast_in_dim3A_725 = vector.broadcast %broadcast_in_dim3A_724 : i32 to vector<16xi32>
        tpu.vector_store_idx %arg9[%add3A_386, %broadcast_in_dim3A_725], %add3A_723 : memref<512x16xf32, #tpu.memory_space<vmem>>[vector<16xi32>, vector<16xi32>], vector<16xf32>,
        %slice3A_726 = vector.extract_strided_slice %get3A_389 {offsets = [15], sizes = [1], strides = [1]} : vector<16xf32> to vector<1xf32>
        %squeeze3A_727 = vector.extract %slice3A_726[0] : f32 from vector<1xf32>
        %mul3A_728 = vector.broadcast %squeeze3A_727 : f32 to vector<16xf32>
        %mul3A_729 = arith.mulf %gather3A, %mul3A_728 : vector<16xf32>
        %slice3A_730 = vector.extract_strided_slice %get3A_393 {offsets = [15], sizes = [1], strides = [1]} : vector<16xf32> to vector<1xf32>
        %squeeze3A_731 = vector.extract %slice3A_730[0] : f32 from vector<1xf32>
        %mul3A_732 = vector.broadcast %squeeze3A_731 : f32 to vector<16xf32>
        %mul3A_733 = arith.mulf %gather3A_406, %mul3A_732 : vector<16xf32>
        %add3A_734 = arith.addf %mul3A_729, %mul3A_733 : vector<16xf32>
        %slice3A_735 = vector.extract_strided_slice %get3A_397 {offsets = [15], sizes = [1], strides = [1]} : vector<16xf32> to vector<1xf32>
        %squeeze3A_736 = vector.extract %slice3A_735[0] : f32 from vector<1xf32>
        %mul3A_737 = vector.broadcast %squeeze3A_736 : f32 to vector<16xf32>
        %mul3A_738 = arith.mulf %gather3A_409, %mul3A_737 : vector<16xf32>
        %add3A_739 = arith.addf %add3A_734, %mul3A_738 : vector<16xf32>
        %slice3A_740 = vector.extract_strided_slice %get3A_401 {offsets = [15], sizes = [1], strides = [1]} : vector<16xf32> to vector<1xf32>
        %squeeze3A_741 = vector.extract %slice3A_740[0] : f32 from vector<1xf32>
        %mul3A_742 = vector.broadcast %squeeze3A_741 : f32 to vector<16xf32>
        %mul3A_743 = arith.mulf %gather3A_412, %mul3A_742 : vector<16xf32>
        %add3A_744 = arith.addf %add3A_739, %mul3A_743 : vector<16xf32>
        %broadcast_in_dim3A_745 = arith.constant 15 : i32
        %broadcast_in_dim3A_746 = vector.broadcast %broadcast_in_dim3A_745 : i32 to vector<16xi32>
        tpu.vector_store_idx %arg9[%add3A_386, %broadcast_in_dim3A_746], %add3A_744 : memref<512x16xf32, #tpu.memory_space<vmem>>[vector<16xi32>, vector<16xi32>], vector<16xf32>,
      }
      %scan3A_381 = arith.constant 17 : i32
      "tpu.region"() ({
        %run_scoped3A_382 = tpu.sem_alloc : memref<!tpu.dma_semaphore, #tpu.memory_space<semaphore_mem>>
        %dma_start3A_383 = arith.constant 0 : i32
        %dma_start3A_384 = arith.constant 0 : i32
        %dma_start3A_385 = tpu.memref_slice %arg9[%dma_start3A_383, %dma_start3A_384] : memref<512x16xf32, #tpu.memory_space<vmem>> -> memref<272x16xf32, #tpu.memory_space<vmem>>
        %dma_start3A_386 = arith.constant 0 : i32
        %dma_start3A_387 = arith.constant 0 : i32
        %dma_start3A_388 = tpu.memref_slice %arg6[%arg0, %dma_start3A_386, %dma_start3A_387] : memref<2x100096x16xf32, #tpu.memory_space<hbm>> -> memref<1x100096x16xf32, #tpu.memory_space<hbm>>
        %dma_start3A_389 = tpu.memref_squeeze %dma_start3A_388 : memref<1x100096x16xf32, #tpu.memory_space<hbm>> -> memref<100096x16xf32, #tpu.memory_space<hbm>>
        %dma_start3A_390 = arith.constant 0 : i32
        %dma_start3A_391 = tpu.memref_slice %dma_start3A_389[%add3A_375, %dma_start3A_390] : memref<100096x16xf32, #tpu.memory_space<hbm>> -> memref<272x16xf32, #tpu.memory_space<hbm>>
        %dma_start3A_392 = arith.constant 0 : i32
        %dma_start3A_393 = arith.constant 0 : i32
        %dma_start3A_394 = tpu.memref_slice %arg6[%arg0, %dma_start3A_392, %dma_start3A_393] : memref<2x100096x16xf32, #tpu.memory_space<hbm>> -> memref<1x100096x16xf32, #tpu.memory_space<hbm>>
        %dma_start3A_395 = tpu.memref_squeeze %dma_start3A_394 : memref<1x100096x16xf32, #tpu.memory_space<hbm>> -> memref<100096x16xf32, #tpu.memory_space<hbm>>
        %dma_start3A_396 = arith.constant 0 : i32
        %dma_start3A_397 = tpu.memref_slice %dma_start3A_395[%add3A_375, %dma_start3A_396] : memref<100096x16xf32, #tpu.memory_space<hbm>> -> memref<272x16xf32, #tpu.memory_space<hbm>>
        %dma_start3A_398 = arith.constant 0 : i32
        %dma_start3A_399 = arith.constant 0 : i32
        %dma_start3A_400 = tpu.memref_slice %arg9[%dma_start3A_398, %dma_start3A_399] : memref<512x16xf32, #tpu.memory_space<vmem>> -> memref<272x16xf32, #tpu.memory_space<vmem>>
        tpu.enqueue_dma source(%dma_start3A_400 : memref<272x16xf32, #tpu.memory_space<vmem>>) target(%dma_start3A_397 : memref<272x16xf32, #tpu.memory_space<hbm>>) target_semaphore(%run_scoped3A_382 : memref<!tpu.dma_semaphore, #tpu.memory_space<semaphore_mem>>)
        %dma_wait3A_401 = arith.constant 0 : i32
        %dma_wait3A_402 = arith.constant 0 : i32
        %dma_wait3A_403 = tpu.memref_slice %arg9[%dma_wait3A_401, %dma_wait3A_402] : memref<512x16xf32, #tpu.memory_space<vmem>> -> memref<272x16xf32, #tpu.memory_space<vmem>>
        %dma_wait3A_404 = arith.constant 0 : i32
        %dma_wait3A_405 = arith.constant 0 : i32
        %dma_wait3A_406 = tpu.memref_slice %arg6[%arg0, %dma_wait3A_404, %dma_wait3A_405] : memref<2x100096x16xf32, #tpu.memory_space<hbm>> -> memref<1x100096x16xf32, #tpu.memory_space<hbm>>
        %dma_wait3A_407 = tpu.memref_squeeze %dma_wait3A_406 : memref<1x100096x16xf32, #tpu.memory_space<hbm>> -> memref<100096x16xf32, #tpu.memory_space<hbm>>
        %dma_wait3A_408 = arith.constant 0 : i32
        %dma_wait3A_409 = tpu.memref_slice %dma_wait3A_407[%add3A_375, %dma_wait3A_408] : memref<100096x16xf32, #tpu.memory_space<hbm>> -> memref<272x16xf32, #tpu.memory_space<hbm>>
        %dma_wait3A_410 = arith.constant 0 : i32
        %dma_wait3A_411 = arith.constant 0 : i32
        %dma_wait3A_412 = tpu.memref_slice %arg6[%arg0, %dma_wait3A_410, %dma_wait3A_411] : memref<2x100096x16xf32, #tpu.memory_space<hbm>> -> memref<1x100096x16xf32, #tpu.memory_space<hbm>>
        %dma_wait3A_413 = tpu.memref_squeeze %dma_wait3A_412 : memref<1x100096x16xf32, #tpu.memory_space<hbm>> -> memref<100096x16xf32, #tpu.memory_space<hbm>>
        %dma_wait3A_414 = arith.constant 0 : i32
        %dma_wait3A_415 = tpu.memref_slice %dma_wait3A_413[%add3A_375, %dma_wait3A_414] : memref<100096x16xf32, #tpu.memory_space<hbm>> -> memref<272x16xf32, #tpu.memory_space<hbm>>
        %dma_wait3A_416 = arith.constant 0 : i32
        %dma_wait3A_417 = arith.constant 0 : i32
        %dma_wait3A_418 = tpu.memref_slice %arg9[%dma_wait3A_416, %dma_wait3A_417] : memref<512x16xf32, #tpu.memory_space<vmem>> -> memref<272x16xf32, #tpu.memory_space<vmem>>
        tpu.wait_dma2 semaphore(%run_scoped3A_382 : memref<!tpu.dma_semaphore, #tpu.memory_space<semaphore_mem>>) src(%dma_wait3A_418 : memref<272x16xf32, #tpu.memory_space<vmem>>) dst(%dma_wait3A_415 : memref<272x16xf32, #tpu.memory_space<hbm>>)
        tpu.yield
      }) : () -> ()
    }
    %scan3A_24 = arith.constant 23 : i32
    %barrier3A = arith.constant 0 : index
    tpu.barrier barrier_id(%barrier3A)
    %eq3A = arith.constant 0 : i32
    %eq3A_25 = arith.cmpi eq, %arg0, %eq3A : i32
    %mul3A_26 = arith.constant 912 : i32
    %mul3A_27 = arith.muli %arg1, %mul3A_26 : i32
    %mul3A_28 = arith.constant 656 : i32
    %mul3A_29 = arith.muli %arg1, %mul3A_28 : i32
    %add3A_30 = arith.constant 14592 : i32
    %add3A_31 = arith.addi %add3A_30, %mul3A_29 : i32
    %select_n3A = arith.select %eq3A_25, %mul3A_27, %add3A_31 : i32
    %eq3A_32 = arith.constant 0 : i32
    %eq3A_33 = arith.cmpi eq, %arg0, %eq3A_32 : i32
    %jit3A = arith.constant 228 : i32
    %jit3A_34 = arith.constant 164 : i32
    %select_n3A_35 = arith.select %eq3A_33, %jit3A, %jit3A_34 : i32
    %run_scoped3A = arith.constant 0 : i32
    "tpu.region"() ({
      %run_scoped3A_372 = tpu.sem_alloc : memref<!tpu.dma_semaphore, #tpu.memory_space<semaphore_mem>>
      %dma_start3A_373 = arith.constant 0 : i32
      %dma_start3A_374 = arith.constant 0 : i32
      %dma_start3A_375 = tpu.memref_slice %arg7[%dma_start3A_373, %dma_start3A_374] : memref<24x128xi32, #tpu.memory_space<vmem>> -> memref<8x128xi32, #tpu.memory_space<vmem>>
      %dma_start3A_376 = arith.constant 0 : i32
      %dma_start3A_377 = arith.constant 0 : i32
      %dma_start3A_378 = tpu.memref_slice %arg4[%run_scoped3A, %dma_start3A_376, %dma_start3A_377] : memref<2x25096x128xi32, #tpu.memory_space<hbm>> -> memref<1x25096x128xi32, #tpu.memory_space<hbm>>
      %dma_start3A_379 = tpu.memref_squeeze %dma_start3A_378 : memref<1x25096x128xi32, #tpu.memory_space<hbm>> -> memref<25096x128xi32, #tpu.memory_space<hbm>>
      %dma_start3A_380 = arith.constant 0 : i32
      %dma_start3A_381 = tpu.memref_slice %dma_start3A_379[%select_n3A, %dma_start3A_380] : memref<25096x128xi32, #tpu.memory_space<hbm>> -> memref<8x128xi32, #tpu.memory_space<hbm>>
      %dma_start3A_382 = arith.constant 0 : i32
      %dma_start3A_383 = arith.constant 0 : i32
      %dma_start3A_384 = tpu.memref_slice %arg7[%dma_start3A_382, %dma_start3A_383] : memref<24x128xi32, #tpu.memory_space<vmem>> -> memref<8x128xi32, #tpu.memory_space<vmem>>
      %dma_start3A_385 = arith.constant 0 : i32
      %dma_start3A_386 = arith.constant 0 : i32
      %dma_start3A_387 = tpu.memref_slice %arg4[%run_scoped3A, %dma_start3A_385, %dma_start3A_386] : memref<2x25096x128xi32, #tpu.memory_space<hbm>> -> memref<1x25096x128xi32, #tpu.memory_space<hbm>>
      %dma_start3A_388 = tpu.memref_squeeze %dma_start3A_387 : memref<1x25096x128xi32, #tpu.memory_space<hbm>> -> memref<25096x128xi32, #tpu.memory_space<hbm>>
      %dma_start3A_389 = arith.constant 0 : i32
      %dma_start3A_390 = tpu.memref_slice %dma_start3A_388[%select_n3A, %dma_start3A_389] : memref<25096x128xi32, #tpu.memory_space<hbm>> -> memref<8x128xi32, #tpu.memory_space<hbm>>
      tpu.enqueue_dma source(%dma_start3A_390 : memref<8x128xi32, #tpu.memory_space<hbm>>) target(%dma_start3A_384 : memref<8x128xi32, #tpu.memory_space<vmem>>) target_semaphore(%run_scoped3A_372 : memref<!tpu.dma_semaphore, #tpu.memory_space<semaphore_mem>>)
      %dma_wait3A_391 = arith.constant 0 : i32
      %dma_wait3A_392 = arith.constant 0 : i32
      %dma_wait3A_393 = tpu.memref_slice %arg7[%dma_wait3A_391, %dma_wait3A_392] : memref<24x128xi32, #tpu.memory_space<vmem>> -> memref<8x128xi32, #tpu.memory_space<vmem>>
      %dma_wait3A_394 = arith.constant 0 : i32
      %dma_wait3A_395 = arith.constant 0 : i32
      %dma_wait3A_396 = tpu.memref_slice %arg4[%run_scoped3A, %dma_wait3A_394, %dma_wait3A_395] : memref<2x25096x128xi32, #tpu.memory_space<hbm>> -> memref<1x25096x128xi32, #tpu.memory_space<hbm>>
      %dma_wait3A_397 = tpu.memref_squeeze %dma_wait3A_396 : memref<1x25096x128xi32, #tpu.memory_space<hbm>> -> memref<25096x128xi32, #tpu.memory_space<hbm>>
      %dma_wait3A_398 = arith.constant 0 : i32
      %dma_wait3A_399 = tpu.memref_slice %dma_wait3A_397[%select_n3A, %dma_wait3A_398] : memref<25096x128xi32, #tpu.memory_space<hbm>> -> memref<8x128xi32, #tpu.memory_space<hbm>>
      %dma_wait3A_400 = arith.constant 0 : i32
      %dma_wait3A_401 = arith.constant 0 : i32
      %dma_wait3A_402 = tpu.memref_slice %arg7[%dma_wait3A_400, %dma_wait3A_401] : memref<24x128xi32, #tpu.memory_space<vmem>> -> memref<8x128xi32, #tpu.memory_space<vmem>>
      %dma_wait3A_403 = arith.constant 0 : i32
      %dma_wait3A_404 = arith.constant 0 : i32
      %dma_wait3A_405 = tpu.memref_slice %arg4[%run_scoped3A, %dma_wait3A_403, %dma_wait3A_404] : memref<2x25096x128xi32, #tpu.memory_space<hbm>> -> memref<1x25096x128xi32, #tpu.memory_space<hbm>>
      %dma_wait3A_406 = tpu.memref_squeeze %dma_wait3A_405 : memref<1x25096x128xi32, #tpu.memory_space<hbm>> -> memref<25096x128xi32, #tpu.memory_space<hbm>>
      %dma_wait3A_407 = arith.constant 0 : i32
      %dma_wait3A_408 = tpu.memref_slice %dma_wait3A_406[%select_n3A, %dma_wait3A_407] : memref<25096x128xi32, #tpu.memory_space<hbm>> -> memref<8x128xi32, #tpu.memory_space<hbm>>
      tpu.wait_dma2 semaphore(%run_scoped3A_372 : memref<!tpu.dma_semaphore, #tpu.memory_space<semaphore_mem>>) src(%dma_wait3A_408 : memref<8x128xi32, #tpu.memory_space<hbm>>) dst(%dma_wait3A_402 : memref<8x128xi32, #tpu.memory_space<vmem>>)
      tpu.yield
    }) : () -> ()
    %run_scoped3A_36 = arith.constant 1 : i32
    "tpu.region"() ({
      %run_scoped3A_372 = tpu.sem_alloc : memref<!tpu.dma_semaphore, #tpu.memory_space<semaphore_mem>>
      %dma_start3A_373 = arith.constant 0 : i32
      %dma_start3A_374 = arith.constant 0 : i32
      %dma_start3A_375 = tpu.memref_slice %arg8[%dma_start3A_373, %dma_start3A_374] : memref<24x128xi32, #tpu.memory_space<vmem>> -> memref<8x128xi32, #tpu.memory_space<vmem>>
      %dma_start3A_376 = arith.constant 0 : i32
      %dma_start3A_377 = arith.constant 0 : i32
      %dma_start3A_378 = tpu.memref_slice %arg4[%run_scoped3A_36, %dma_start3A_376, %dma_start3A_377] : memref<2x25096x128xi32, #tpu.memory_space<hbm>> -> memref<1x25096x128xi32, #tpu.memory_space<hbm>>
      %dma_start3A_379 = tpu.memref_squeeze %dma_start3A_378 : memref<1x25096x128xi32, #tpu.memory_space<hbm>> -> memref<25096x128xi32, #tpu.memory_space<hbm>>
      %dma_start3A_380 = arith.constant 0 : i32
      %dma_start3A_381 = tpu.memref_slice %dma_start3A_379[%select_n3A, %dma_start3A_380] : memref<25096x128xi32, #tpu.memory_space<hbm>> -> memref<8x128xi32, #tpu.memory_space<hbm>>
      %dma_start3A_382 = arith.constant 0 : i32
      %dma_start3A_383 = arith.constant 0 : i32
      %dma_start3A_384 = tpu.memref_slice %arg8[%dma_start3A_382, %dma_start3A_383] : memref<24x128xi32, #tpu.memory_space<vmem>> -> memref<8x128xi32, #tpu.memory_space<vmem>>
      %dma_start3A_385 = arith.constant 0 : i32
      %dma_start3A_386 = arith.constant 0 : i32
      %dma_start3A_387 = tpu.memref_slice %arg4[%run_scoped3A_36, %dma_start3A_385, %dma_start3A_386] : memref<2x25096x128xi32, #tpu.memory_space<hbm>> -> memref<1x25096x128xi32, #tpu.memory_space<hbm>>
      %dma_start3A_388 = tpu.memref_squeeze %dma_start3A_387 : memref<1x25096x128xi32, #tpu.memory_space<hbm>> -> memref<25096x128xi32, #tpu.memory_space<hbm>>
      %dma_start3A_389 = arith.constant 0 : i32
      %dma_start3A_390 = tpu.memref_slice %dma_start3A_388[%select_n3A, %dma_start3A_389] : memref<25096x128xi32, #tpu.memory_space<hbm>> -> memref<8x128xi32, #tpu.memory_space<hbm>>
      tpu.enqueue_dma source(%dma_start3A_390 : memref<8x128xi32, #tpu.memory_space<hbm>>) target(%dma_start3A_384 : memref<8x128xi32, #tpu.memory_space<vmem>>) target_semaphore(%run_scoped3A_372 : memref<!tpu.dma_semaphore, #tpu.memory_space<semaphore_mem>>)
      %dma_wait3A_391 = arith.constant 0 : i32
      %dma_wait3A_392 = arith.constant 0 : i32
      %dma_wait3A_393 = tpu.memref_slice %arg8[%dma_wait3A_391, %dma_wait3A_392] : memref<24x128xi32, #tpu.memory_space<vmem>> -> memref<8x128xi32, #tpu.memory_space<vmem>>
      %dma_wait3A_394 = arith.constant 0 : i32
      %dma_wait3A_395 = arith.constant 0 : i32
      %dma_wait3A_396 = tpu.memref_slice %arg4[%run_scoped3A_36, %dma_wait3A_394, %dma_wait3A_395] : memref<2x25096x128xi32, #tpu.memory_space<hbm>> -> memref<1x25096x128xi32, #tpu.memory_space<hbm>>
      %dma_wait3A_397 = tpu.memref_squeeze %dma_wait3A_396 : memref<1x25096x128xi32, #tpu.memory_space<hbm>> -> memref<25096x128xi32, #tpu.memory_space<hbm>>
      %dma_wait3A_398 = arith.constant 0 : i32
      %dma_wait3A_399 = tpu.memref_slice %dma_wait3A_397[%select_n3A, %dma_wait3A_398] : memref<25096x128xi32, #tpu.memory_space<hbm>> -> memref<8x128xi32, #tpu.memory_space<hbm>>
      %dma_wait3A_400 = arith.constant 0 : i32
      %dma_wait3A_401 = arith.constant 0 : i32
      %dma_wait3A_402 = tpu.memref_slice %arg8[%dma_wait3A_400, %dma_wait3A_401] : memref<24x128xi32, #tpu.memory_space<vmem>> -> memref<8x128xi32, #tpu.memory_space<vmem>>
      %dma_wait3A_403 = arith.constant 0 : i32
      %dma_wait3A_404 = arith.constant 0 : i32
      %dma_wait3A_405 = tpu.memref_slice %arg4[%run_scoped3A_36, %dma_wait3A_403, %dma_wait3A_404] : memref<2x25096x128xi32, #tpu.memory_space<hbm>> -> memref<1x25096x128xi32, #tpu.memory_space<hbm>>
      %dma_wait3A_406 = tpu.memref_squeeze %dma_wait3A_405 : memref<1x25096x128xi32, #tpu.memory_space<hbm>> -> memref<25096x128xi32, #tpu.memory_space<hbm>>
      %dma_wait3A_407 = arith.constant 0 : i32
      %dma_wait3A_408 = tpu.memref_slice %dma_wait3A_406[%select_n3A, %dma_wait3A_407] : memref<25096x128xi32, #tpu.memory_space<hbm>> -> memref<8x128xi32, #tpu.memory_space<hbm>>
      tpu.wait_dma2 semaphore(%run_scoped3A_372 : memref<!tpu.dma_semaphore, #tpu.memory_space<semaphore_mem>>) src(%dma_wait3A_408 : memref<8x128xi32, #tpu.memory_space<hbm>>) dst(%dma_wait3A_402 : memref<8x128xi32, #tpu.memory_space<vmem>>)
      tpu.yield
    }) : () -> ()
    %rem3A = arith.constant 1 : i32
    %rem3A_37 = arith.constant 3 : i32
    %rem3A_38 = arith.remsi %rem3A, %rem3A_37 : i32
    %mul3A_39 = arith.constant 8 : i32
    %mul3A_40 = arith.muli %rem3A_38, %mul3A_39 : i32
    %mul3A_41 = arith.constant 1 : i32
    %mul3A_42 = arith.constant 8 : i32
    %mul3A_43 = arith.muli %mul3A_41, %mul3A_42 : i32
    %add3A_44 = arith.addi %select_n3A, %mul3A_43 : i32
    %dma_start3A = arith.constant 0 : i32
    %dma_start3A_45 = arith.constant 0 : i32
    %dma_start3A_46 = tpu.memref_slice %arg7[%mul3A_40, %dma_start3A_45] : memref<24x128xi32, #tpu.memory_space<vmem>> -> memref<8x128xi32, #tpu.memory_space<vmem>>
    %dma_start3A_47 = arith.constant 0 : i32
    %dma_start3A_48 = arith.constant 0 : i32
    %dma_start3A_49 = tpu.memref_slice %arg4[%dma_start3A, %dma_start3A_47, %dma_start3A_48] : memref<2x25096x128xi32, #tpu.memory_space<hbm>> -> memref<1x25096x128xi32, #tpu.memory_space<hbm>>
    %dma_start3A_50 = tpu.memref_squeeze %dma_start3A_49 : memref<1x25096x128xi32, #tpu.memory_space<hbm>> -> memref<25096x128xi32, #tpu.memory_space<hbm>>
    %dma_start3A_51 = arith.constant 0 : i32
    %dma_start3A_52 = tpu.memref_slice %dma_start3A_50[%add3A_44, %dma_start3A_51] : memref<25096x128xi32, #tpu.memory_space<hbm>> -> memref<8x128xi32, #tpu.memory_space<hbm>>
    %dma_start3A_53 = arith.constant 0 : i32
    %dma_start3A_54 = tpu.memref_slice %arg7[%mul3A_40, %dma_start3A_53] : memref<24x128xi32, #tpu.memory_space<vmem>> -> memref<8x128xi32, #tpu.memory_space<vmem>>
    %dma_start3A_55 = arith.constant 0 : i32
    %dma_start3A_56 = arith.constant 0 : i32
    %dma_start3A_57 = tpu.memref_slice %arg4[%dma_start3A, %dma_start3A_55, %dma_start3A_56] : memref<2x25096x128xi32, #tpu.memory_space<hbm>> -> memref<1x25096x128xi32, #tpu.memory_space<hbm>>
    %dma_start3A_58 = tpu.memref_squeeze %dma_start3A_57 : memref<1x25096x128xi32, #tpu.memory_space<hbm>> -> memref<25096x128xi32, #tpu.memory_space<hbm>>
    %dma_start3A_59 = arith.constant 0 : i32
    %dma_start3A_60 = tpu.memref_slice %dma_start3A_58[%add3A_44, %dma_start3A_59] : memref<25096x128xi32, #tpu.memory_space<hbm>> -> memref<8x128xi32, #tpu.memory_space<hbm>>
    tpu.enqueue_dma source(%dma_start3A_60 : memref<8x128xi32, #tpu.memory_space<hbm>>) target(%dma_start3A_54 : memref<8x128xi32, #tpu.memory_space<vmem>>) target_semaphore(%arg21 : memref<!tpu.dma_semaphore, #tpu.memory_space<semaphore_mem>>)
    %dma_start3A_61 = arith.constant 1 : i32
    %dma_start3A_62 = arith.constant 0 : i32
    %dma_start3A_63 = tpu.memref_slice %arg8[%mul3A_40, %dma_start3A_62] : memref<24x128xi32, #tpu.memory_space<vmem>> -> memref<8x128xi32, #tpu.memory_space<vmem>>
    %dma_start3A_64 = arith.constant 0 : i32
    %dma_start3A_65 = arith.constant 0 : i32
    %dma_start3A_66 = tpu.memref_slice %arg4[%dma_start3A_61, %dma_start3A_64, %dma_start3A_65] : memref<2x25096x128xi32, #tpu.memory_space<hbm>> -> memref<1x25096x128xi32, #tpu.memory_space<hbm>>
    %dma_start3A_67 = tpu.memref_squeeze %dma_start3A_66 : memref<1x25096x128xi32, #tpu.memory_space<hbm>> -> memref<25096x128xi32, #tpu.memory_space<hbm>>
    %dma_start3A_68 = arith.constant 0 : i32
    %dma_start3A_69 = tpu.memref_slice %dma_start3A_67[%add3A_44, %dma_start3A_68] : memref<25096x128xi32, #tpu.memory_space<hbm>> -> memref<8x128xi32, #tpu.memory_space<hbm>>
    %dma_start3A_70 = arith.constant 0 : i32
    %dma_start3A_71 = tpu.memref_slice %arg8[%mul3A_40, %dma_start3A_70] : memref<24x128xi32, #tpu.memory_space<vmem>> -> memref<8x128xi32, #tpu.memory_space<vmem>>
    %dma_start3A_72 = arith.constant 0 : i32
    %dma_start3A_73 = arith.constant 0 : i32
    %dma_start3A_74 = tpu.memref_slice %arg4[%dma_start3A_61, %dma_start3A_72, %dma_start3A_73] : memref<2x25096x128xi32, #tpu.memory_space<hbm>> -> memref<1x25096x128xi32, #tpu.memory_space<hbm>>
    %dma_start3A_75 = tpu.memref_squeeze %dma_start3A_74 : memref<1x25096x128xi32, #tpu.memory_space<hbm>> -> memref<25096x128xi32, #tpu.memory_space<hbm>>
    %dma_start3A_76 = arith.constant 0 : i32
    %dma_start3A_77 = tpu.memref_slice %dma_start3A_75[%add3A_44, %dma_start3A_76] : memref<25096x128xi32, #tpu.memory_space<hbm>> -> memref<8x128xi32, #tpu.memory_space<hbm>>
    tpu.enqueue_dma source(%dma_start3A_77 : memref<8x128xi32, #tpu.memory_space<hbm>>) target(%dma_start3A_71 : memref<8x128xi32, #tpu.memory_space<vmem>>) target_semaphore(%arg21 : memref<!tpu.dma_semaphore, #tpu.memory_space<semaphore_mem>>)
    %jit3A_78 = arith.constant 0 : i32
    %jit3A_79 = arith.constant 8 : i32
    %div3A = arith.divsi %jit3A_78, %jit3A_79 : i32
    %sign3A = arith.constant 0 : i32
    %sign3A_80 = arith.cmpi sgt, %jit3A_78, %sign3A : i32
    %sign3A_81 = arith.extui %sign3A_80 : i1 to i32
    %sign3A_82 = arith.constant 0 : i32
    %sign3A_83 = arith.cmpi slt, %jit3A_78, %sign3A_82 : i32
    %sign3A_84 = arith.extui %sign3A_83 : i1 to i32
    %sign3A_85 = arith.subi %sign3A_81, %sign3A_84 : i32
    %sign3A_86 = arith.constant 0 : i32
    %sign3A_87 = arith.cmpi sgt, %jit3A_79, %sign3A_86 : i32
    %sign3A_88 = arith.extui %sign3A_87 : i1 to i32
    %sign3A_89 = arith.constant 0 : i32
    %sign3A_90 = arith.cmpi slt, %jit3A_79, %sign3A_89 : i32
    %sign3A_91 = arith.extui %sign3A_90 : i1 to i32
    %sign3A_92 = arith.subi %sign3A_88, %sign3A_91 : i32
    %ne3A = arith.cmpi ne, %sign3A_85, %sign3A_92 : i32
    %rem3A_93 = arith.remsi %jit3A_78, %jit3A_79 : i32
    %ne3A_94 = arith.constant 0 : i32
    %ne3A_95 = arith.cmpi ne, %rem3A_93, %ne3A_94 : i32
    %and3A = arith.andi %ne3A, %ne3A_95 : i1
    %sub3A = arith.constant 1 : i32
    %sub3A_96 = arith.subi %div3A, %sub3A : i32
    %select_n3A_97 = arith.select %and3A, %sub3A_96, %div3A : i32
    %rem3A_98 = arith.constant 3 : i32
    %rem3A_99 = arith.remsi %select_n3A_97, %rem3A_98 : i32
    %mul3A_100 = arith.constant 8 : i32
    %mul3A_101 = arith.muli %rem3A_99, %mul3A_100 : i32
    %rem3A_102 = arith.constant 0 : i32
    %rem3A_103 = arith.constant 8 : i32
    %rem3A_104 = arith.remsi %rem3A_102, %rem3A_103 : i32
    %add3A_105 = arith.addi %mul3A_101, %rem3A_104 : i32
    %dma_start3A_106 = arith.constant 0 : i32
    %dma_start3A_107 = arith.constant 0 : i32
    %dma_start3A_108 = tpu.memref_slice %arg9[%dma_start3A_106, %dma_start3A_107] : memref<512x16xf32, #tpu.memory_space<vmem>> -> memref<128x16xf32, #tpu.memory_space<vmem>>
    %dma_start3A_109 = arith.constant 0 : i32
    %dma_start3A_110 = tpu.memref_slice %arg7[%add3A_105, %dma_start3A_109] : memref<24x128xi32, #tpu.memory_space<vmem>> -> memref<1x128xi32, #tpu.memory_space<vmem>>
    %dma_start3A_111 = tpu.memref_squeeze %dma_start3A_110 : memref<1x128xi32, #tpu.memory_space<vmem>> -> memref<128xi32, #tpu.memory_space<vmem>>
    %dma_start3A_112 = arith.constant 0 : i32
    %dma_start3A_113 = arith.constant 0 : i32
    %dma_start3A_114 = tpu.memref_slice %arg6[%arg0, %dma_start3A_112, %dma_start3A_113] : memref<2x100096x16xf32, #tpu.memory_space<hbm>> -> memref<1x100096x16xf32, #tpu.memory_space<hbm>>
    %dma_start3A_115 = tpu.memref_squeeze %dma_start3A_114 : memref<1x100096x16xf32, #tpu.memory_space<hbm>> -> memref<100096x16xf32, #tpu.memory_space<hbm>>
    %dma_start3A_116 = arith.constant 0 : i32
    %dma_start3A_117 = arith.constant 0 : i32
    %dma_start3A_118 = tpu.memref_slice %dma_start3A_115[%dma_start3A_116, %dma_start3A_117] : memref<100096x16xf32, #tpu.memory_space<hbm>> -> memref<100096x16xf32, #tpu.memory_space<hbm>>
    tpu.enqueue_indirect_dma source(%dma_start3A_118 : memref<100096x16xf32, #tpu.memory_space<hbm>>) target(%dma_start3A_108 : memref<128x16xf32, #tpu.memory_space<vmem>>) offsets(%dma_start3A_111 : memref<128xi32, #tpu.memory_space<vmem>>) semaphore(%arg15 : memref<!tpu.dma_semaphore, #tpu.memory_space<semaphore_mem>>)
    %dma_start3A_119 = arith.constant 0 : i32
    %dma_start3A_120 = arith.constant 0 : i32
    %dma_start3A_121 = tpu.memref_slice %arg10[%dma_start3A_119, %dma_start3A_120] : memref<512x16xf32, #tpu.memory_space<vmem>> -> memref<128x16xf32, #tpu.memory_space<vmem>>
    %dma_start3A_122 = arith.constant 0 : i32
    %dma_start3A_123 = tpu.memref_slice %arg8[%add3A_105, %dma_start3A_122] : memref<24x128xi32, #tpu.memory_space<vmem>> -> memref<1x128xi32, #tpu.memory_space<vmem>>
    %dma_start3A_124 = tpu.memref_squeeze %dma_start3A_123 : memref<1x128xi32, #tpu.memory_space<vmem>> -> memref<128xi32, #tpu.memory_space<vmem>>
    %dma_start3A_125 = arith.constant 0 : i32
    %dma_start3A_126 = arith.constant 0 : i32
    %dma_start3A_127 = tpu.memref_slice %arg6[%arg0, %dma_start3A_125, %dma_start3A_126] : memref<2x100096x16xf32, #tpu.memory_space<hbm>> -> memref<1x100096x16xf32, #tpu.memory_space<hbm>>
    %dma_start3A_128 = tpu.memref_squeeze %dma_start3A_127 : memref<1x100096x16xf32, #tpu.memory_space<hbm>> -> memref<100096x16xf32, #tpu.memory_space<hbm>>
    %dma_start3A_129 = arith.constant 0 : i32
    %dma_start3A_130 = arith.constant 0 : i32
    %dma_start3A_131 = tpu.memref_slice %dma_start3A_128[%dma_start3A_129, %dma_start3A_130] : memref<100096x16xf32, #tpu.memory_space<hbm>> -> memref<100096x16xf32, #tpu.memory_space<hbm>>
    tpu.enqueue_indirect_dma source(%dma_start3A_131 : memref<100096x16xf32, #tpu.memory_space<hbm>>) target(%dma_start3A_121 : memref<128x16xf32, #tpu.memory_space<vmem>>) offsets(%dma_start3A_124 : memref<128xi32, #tpu.memory_space<vmem>>) semaphore(%arg15 : memref<!tpu.dma_semaphore, #tpu.memory_space<semaphore_mem>>)
    %jit3A_132 = arith.constant 1 : i32
    %jit3A_133 = arith.constant 8 : i32
    %div3A_134 = arith.divsi %jit3A_132, %jit3A_133 : i32
    %sign3A_135 = arith.constant 0 : i32
    %sign3A_136 = arith.cmpi sgt, %jit3A_132, %sign3A_135 : i32
    %sign3A_137 = arith.extui %sign3A_136 : i1 to i32
    %sign3A_138 = arith.constant 0 : i32
    %sign3A_139 = arith.cmpi slt, %jit3A_132, %sign3A_138 : i32
    %sign3A_140 = arith.extui %sign3A_139 : i1 to i32
    %sign3A_141 = arith.subi %sign3A_137, %sign3A_140 : i32
    %sign3A_142 = arith.constant 0 : i32
    %sign3A_143 = arith.cmpi sgt, %jit3A_133, %sign3A_142 : i32
    %sign3A_144 = arith.extui %sign3A_143 : i1 to i32
    %sign3A_145 = arith.constant 0 : i32
    %sign3A_146 = arith.cmpi slt, %jit3A_133, %sign3A_145 : i32
    %sign3A_147 = arith.extui %sign3A_146 : i1 to i32
    %sign3A_148 = arith.subi %sign3A_144, %sign3A_147 : i32
    %ne3A_149 = arith.cmpi ne, %sign3A_141, %sign3A_148 : i32
    %rem3A_150 = arith.remsi %jit3A_132, %jit3A_133 : i32
    %ne3A_151 = arith.constant 0 : i32
    %ne3A_152 = arith.cmpi ne, %rem3A_150, %ne3A_151 : i32
    %and3A_153 = arith.andi %ne3A_149, %ne3A_152 : i1
    %sub3A_154 = arith.constant 1 : i32
    %sub3A_155 = arith.subi %div3A_134, %sub3A_154 : i32
    %select_n3A_156 = arith.select %and3A_153, %sub3A_155, %div3A_134 : i32
    %rem3A_157 = arith.constant 3 : i32
    %rem3A_158 = arith.remsi %select_n3A_156, %rem3A_157 : i32
    %mul3A_159 = arith.constant 8 : i32
    %mul3A_160 = arith.muli %rem3A_158, %mul3A_159 : i32
    %rem3A_161 = arith.constant 1 : i32
    %rem3A_162 = arith.constant 8 : i32
    %rem3A_163 = arith.remsi %rem3A_161, %rem3A_162 : i32
    %add3A_164 = arith.addi %mul3A_160, %rem3A_163 : i32
    %dma_start3A_165 = arith.constant 128 : i32
    %dma_start3A_166 = arith.constant 0 : i32
    %dma_start3A_167 = tpu.memref_slice %arg9[%dma_start3A_165, %dma_start3A_166] : memref<512x16xf32, #tpu.memory_space<vmem>> -> memref<128x16xf32, #tpu.memory_space<vmem>>
    %dma_start3A_168 = arith.constant 0 : i32
    %dma_start3A_169 = tpu.memref_slice %arg7[%add3A_164, %dma_start3A_168] : memref<24x128xi32, #tpu.memory_space<vmem>> -> memref<1x128xi32, #tpu.memory_space<vmem>>
    %dma_start3A_170 = tpu.memref_squeeze %dma_start3A_169 : memref<1x128xi32, #tpu.memory_space<vmem>> -> memref<128xi32, #tpu.memory_space<vmem>>
    %dma_start3A_171 = arith.constant 0 : i32
    %dma_start3A_172 = arith.constant 0 : i32
    %dma_start3A_173 = tpu.memref_slice %arg6[%arg0, %dma_start3A_171, %dma_start3A_172] : memref<2x100096x16xf32, #tpu.memory_space<hbm>> -> memref<1x100096x16xf32, #tpu.memory_space<hbm>>
    %dma_start3A_174 = tpu.memref_squeeze %dma_start3A_173 : memref<1x100096x16xf32, #tpu.memory_space<hbm>> -> memref<100096x16xf32, #tpu.memory_space<hbm>>
    %dma_start3A_175 = arith.constant 0 : i32
    %dma_start3A_176 = arith.constant 0 : i32
    %dma_start3A_177 = tpu.memref_slice %dma_start3A_174[%dma_start3A_175, %dma_start3A_176] : memref<100096x16xf32, #tpu.memory_space<hbm>> -> memref<100096x16xf32, #tpu.memory_space<hbm>>
    tpu.enqueue_indirect_dma source(%dma_start3A_177 : memref<100096x16xf32, #tpu.memory_space<hbm>>) target(%dma_start3A_167 : memref<128x16xf32, #tpu.memory_space<vmem>>) offsets(%dma_start3A_170 : memref<128xi32, #tpu.memory_space<vmem>>) semaphore(%arg16 : memref<!tpu.dma_semaphore, #tpu.memory_space<semaphore_mem>>)
    %dma_start3A_178 = arith.constant 128 : i32
    %dma_start3A_179 = arith.constant 0 : i32
    %dma_start3A_180 = tpu.memref_slice %arg10[%dma_start3A_178, %dma_start3A_179] : memref<512x16xf32, #tpu.memory_space<vmem>> -> memref<128x16xf32, #tpu.memory_space<vmem>>
    %dma_start3A_181 = arith.constant 0 : i32
    %dma_start3A_182 = tpu.memref_slice %arg8[%add3A_164, %dma_start3A_181] : memref<24x128xi32, #tpu.memory_space<vmem>> -> memref<1x128xi32, #tpu.memory_space<vmem>>
    %dma_start3A_183 = tpu.memref_squeeze %dma_start3A_182 : memref<1x128xi32, #tpu.memory_space<vmem>> -> memref<128xi32, #tpu.memory_space<vmem>>
    %dma_start3A_184 = arith.constant 0 : i32
    %dma_start3A_185 = arith.constant 0 : i32
    %dma_start3A_186 = tpu.memref_slice %arg6[%arg0, %dma_start3A_184, %dma_start3A_185] : memref<2x100096x16xf32, #tpu.memory_space<hbm>> -> memref<1x100096x16xf32, #tpu.memory_space<hbm>>
    %dma_start3A_187 = tpu.memref_squeeze %dma_start3A_186 : memref<1x100096x16xf32, #tpu.memory_space<hbm>> -> memref<100096x16xf32, #tpu.memory_space<hbm>>
    %dma_start3A_188 = arith.constant 0 : i32
    %dma_start3A_189 = arith.constant 0 : i32
    %dma_start3A_190 = tpu.memref_slice %dma_start3A_187[%dma_start3A_188, %dma_start3A_189] : memref<100096x16xf32, #tpu.memory_space<hbm>> -> memref<100096x16xf32, #tpu.memory_space<hbm>>
    tpu.enqueue_indirect_dma source(%dma_start3A_190 : memref<100096x16xf32, #tpu.memory_space<hbm>>) target(%dma_start3A_180 : memref<128x16xf32, #tpu.memory_space<vmem>>) offsets(%dma_start3A_183 : memref<128xi32, #tpu.memory_space<vmem>>) semaphore(%arg16 : memref<!tpu.dma_semaphore, #tpu.memory_space<semaphore_mem>>)
    %jit3A_191 = arith.constant 2 : i32
    %jit3A_192 = arith.constant 8 : i32
    %div3A_193 = arith.divsi %jit3A_191, %jit3A_192 : i32
    %sign3A_194 = arith.constant 0 : i32
    %sign3A_195 = arith.cmpi sgt, %jit3A_191, %sign3A_194 : i32
    %sign3A_196 = arith.extui %sign3A_195 : i1 to i32
    %sign3A_197 = arith.constant 0 : i32
    %sign3A_198 = arith.cmpi slt, %jit3A_191, %sign3A_197 : i32
    %sign3A_199 = arith.extui %sign3A_198 : i1 to i32
    %sign3A_200 = arith.subi %sign3A_196, %sign3A_199 : i32
    %sign3A_201 = arith.constant 0 : i32
    %sign3A_202 = arith.cmpi sgt, %jit3A_192, %sign3A_201 : i32
    %sign3A_203 = arith.extui %sign3A_202 : i1 to i32
    %sign3A_204 = arith.constant 0 : i32
    %sign3A_205 = arith.cmpi slt, %jit3A_192, %sign3A_204 : i32
    %sign3A_206 = arith.extui %sign3A_205 : i1 to i32
    %sign3A_207 = arith.subi %sign3A_203, %sign3A_206 : i32
    %ne3A_208 = arith.cmpi ne, %sign3A_200, %sign3A_207 : i32
    %rem3A_209 = arith.remsi %jit3A_191, %jit3A_192 : i32
    %ne3A_210 = arith.constant 0 : i32
    %ne3A_211 = arith.cmpi ne, %rem3A_209, %ne3A_210 : i32
    %and3A_212 = arith.andi %ne3A_208, %ne3A_211 : i1
    %sub3A_213 = arith.constant 1 : i32
    %sub3A_214 = arith.subi %div3A_193, %sub3A_213 : i32
    %select_n3A_215 = arith.select %and3A_212, %sub3A_214, %div3A_193 : i32
    %rem3A_216 = arith.constant 3 : i32
    %rem3A_217 = arith.remsi %select_n3A_215, %rem3A_216 : i32
    %mul3A_218 = arith.constant 8 : i32
    %mul3A_219 = arith.muli %rem3A_217, %mul3A_218 : i32
    %rem3A_220 = arith.constant 2 : i32
    %rem3A_221 = arith.constant 8 : i32
    %rem3A_222 = arith.remsi %rem3A_220, %rem3A_221 : i32
    %add3A_223 = arith.addi %mul3A_219, %rem3A_222 : i32
    %dma_start3A_224 = arith.constant 256 : i32
    %dma_start3A_225 = arith.constant 0 : i32
    %dma_start3A_226 = tpu.memref_slice %arg9[%dma_start3A_224, %dma_start3A_225] : memref<512x16xf32, #tpu.memory_space<vmem>> -> memref<128x16xf32, #tpu.memory_space<vmem>>
    %dma_start3A_227 = arith.constant 0 : i32
    %dma_start3A_228 = tpu.memref_slice %arg7[%add3A_223, %dma_start3A_227] : memref<24x128xi32, #tpu.memory_space<vmem>> -> memref<1x128xi32, #tpu.memory_space<vmem>>
    %dma_start3A_229 = tpu.memref_squeeze %dma_start3A_228 : memref<1x128xi32, #tpu.memory_space<vmem>> -> memref<128xi32, #tpu.memory_space<vmem>>
    %dma_start3A_230 = arith.constant 0 : i32
    %dma_start3A_231 = arith.constant 0 : i32
    %dma_start3A_232 = tpu.memref_slice %arg6[%arg0, %dma_start3A_230, %dma_start3A_231] : memref<2x100096x16xf32, #tpu.memory_space<hbm>> -> memref<1x100096x16xf32, #tpu.memory_space<hbm>>
    %dma_start3A_233 = tpu.memref_squeeze %dma_start3A_232 : memref<1x100096x16xf32, #tpu.memory_space<hbm>> -> memref<100096x16xf32, #tpu.memory_space<hbm>>
    %dma_start3A_234 = arith.constant 0 : i32
    %dma_start3A_235 = arith.constant 0 : i32
    %dma_start3A_236 = tpu.memref_slice %dma_start3A_233[%dma_start3A_234, %dma_start3A_235] : memref<100096x16xf32, #tpu.memory_space<hbm>> -> memref<100096x16xf32, #tpu.memory_space<hbm>>
    tpu.enqueue_indirect_dma source(%dma_start3A_236 : memref<100096x16xf32, #tpu.memory_space<hbm>>) target(%dma_start3A_226 : memref<128x16xf32, #tpu.memory_space<vmem>>) offsets(%dma_start3A_229 : memref<128xi32, #tpu.memory_space<vmem>>) semaphore(%arg17 : memref<!tpu.dma_semaphore, #tpu.memory_space<semaphore_mem>>)
    %dma_start3A_237 = arith.constant 256 : i32
    %dma_start3A_238 = arith.constant 0 : i32
    %dma_start3A_239 = tpu.memref_slice %arg10[%dma_start3A_237, %dma_start3A_238] : memref<512x16xf32, #tpu.memory_space<vmem>> -> memref<128x16xf32, #tpu.memory_space<vmem>>
    %dma_start3A_240 = arith.constant 0 : i32
    %dma_start3A_241 = tpu.memref_slice %arg8[%add3A_223, %dma_start3A_240] : memref<24x128xi32, #tpu.memory_space<vmem>> -> memref<1x128xi32, #tpu.memory_space<vmem>>
    %dma_start3A_242 = tpu.memref_squeeze %dma_start3A_241 : memref<1x128xi32, #tpu.memory_space<vmem>> -> memref<128xi32, #tpu.memory_space<vmem>>
    %dma_start3A_243 = arith.constant 0 : i32
    %dma_start3A_244 = arith.constant 0 : i32
    %dma_start3A_245 = tpu.memref_slice %arg6[%arg0, %dma_start3A_243, %dma_start3A_244] : memref<2x100096x16xf32, #tpu.memory_space<hbm>> -> memref<1x100096x16xf32, #tpu.memory_space<hbm>>
    %dma_start3A_246 = tpu.memref_squeeze %dma_start3A_245 : memref<1x100096x16xf32, #tpu.memory_space<hbm>> -> memref<100096x16xf32, #tpu.memory_space<hbm>>
    %dma_start3A_247 = arith.constant 0 : i32
    %dma_start3A_248 = arith.constant 0 : i32
    %dma_start3A_249 = tpu.memref_slice %dma_start3A_246[%dma_start3A_247, %dma_start3A_248] : memref<100096x16xf32, #tpu.memory_space<hbm>> -> memref<100096x16xf32, #tpu.memory_space<hbm>>
    tpu.enqueue_indirect_dma source(%dma_start3A_249 : memref<100096x16xf32, #tpu.memory_space<hbm>>) target(%dma_start3A_239 : memref<128x16xf32, #tpu.memory_space<vmem>>) offsets(%dma_start3A_242 : memref<128xi32, #tpu.memory_space<vmem>>) semaphore(%arg17 : memref<!tpu.dma_semaphore, #tpu.memory_space<semaphore_mem>>)
    %while3A = arith.constant 0 : i32
    %while3A_250 = arith.constant 0 : i32
    %while3A_251 = arith.constant 1 : i32
    %while3A_252 = arith.constant 0 : i32
    %while3A_253 = arith.subi %select_n3A_35, %while3A_252 : i32
    %while3A_254 = arith.addi %while3A_252, %while3A_253 : i32
    %while3A_255 = arith.constant 1 : i32
    %while3A_256 = arith.divsi %while3A_253, %while3A_255 : i32
    %while3A_257 = arith.muli %while3A_256, %while3A_255 : i32
    %while3A_258 = arith.addi %while3A_252, %while3A_257 : i32
    %while3A_259 = arith.constant 1 : i32
    scf.for %while3A_372 = %while3A_252 to %while3A_258 step %while3A_259  : i32 {
      %mul3A_373 = arith.constant 4 : i32
      %mul3A_374 = arith.muli %mul3A_373, %while3A_372 : i32
      %add3A_375 = arith.constant 0 : i32
      %add3A_376 = arith.addi %mul3A_374, %add3A_375 : i32
      %jit3A_377 = arith.constant 2 : i32
      %div3A_378 = arith.divsi %while3A_372, %jit3A_377 : i32
      %sign3A_379 = arith.constant 0 : i32
      %sign3A_380 = arith.cmpi sgt, %while3A_372, %sign3A_379 : i32
      %sign3A_381 = arith.extui %sign3A_380 : i1 to i32
      %sign3A_382 = arith.constant 0 : i32
      %sign3A_383 = arith.cmpi slt, %while3A_372, %sign3A_382 : i32
      %sign3A_384 = arith.extui %sign3A_383 : i1 to i32
      %sign3A_385 = arith.subi %sign3A_381, %sign3A_384 : i32
      %sign3A_386 = arith.constant 0 : i32
      %sign3A_387 = arith.cmpi sgt, %jit3A_377, %sign3A_386 : i32
      %sign3A_388 = arith.extui %sign3A_387 : i1 to i32
      %sign3A_389 = arith.constant 0 : i32
      %sign3A_390 = arith.cmpi slt, %jit3A_377, %sign3A_389 : i32
      %sign3A_391 = arith.extui %sign3A_390 : i1 to i32
      %sign3A_392 = arith.subi %sign3A_388, %sign3A_391 : i32
      %ne3A_393 = arith.cmpi ne, %sign3A_385, %sign3A_392 : i32
      %rem3A_394 = arith.remsi %while3A_372, %jit3A_377 : i32
      %ne3A_395 = arith.constant 0 : i32
      %ne3A_396 = arith.cmpi ne, %rem3A_394, %ne3A_395 : i32
      %and3A_397 = arith.andi %ne3A_393, %ne3A_396 : i1
      %sub3A_398 = arith.constant 1 : i32
      %sub3A_399 = arith.subi %div3A_378, %sub3A_398 : i32
      %select_n3A_400 = arith.select %and3A_397, %sub3A_399, %div3A_378 : i32
      %rem3A_401 = arith.constant 2 : i32
      %rem3A_402 = arith.remsi %while3A_372, %rem3A_401 : i32
      %eq3A_403 = arith.constant 0 : i32
      %eq3A_404 = arith.cmpi eq, %rem3A_402, %eq3A_403 : i32
      %ge3A = arith.constant 2 : i32
      %ge3A_405 = arith.cmpi sge, %while3A_372, %ge3A : i32
      %and3A_406 = arith.andi %eq3A_404, %ge3A_405 : i1
      %convert_element_type3A = arith.extui %and3A_406 : i1 to i32
      %cond3A = arith.constant 0 : i32
      %cond3A_407 = arith.cmpi ne, %convert_element_type3A, %cond3A : i32
      scf.if %cond3A_407 {
        %add3A_989 = arith.constant 1 : i32
        %add3A_990 = arith.addi %select_n3A_400, %add3A_989 : i32
        %rem3A_991 = arith.constant 3 : i32
        %rem3A_992 = arith.remsi %add3A_990, %rem3A_991 : i32
        %mul3A_993 = arith.constant 8 : i32
        %mul3A_994 = arith.muli %rem3A_992, %mul3A_993 : i32
        %mul3A_995 = arith.constant 8 : i32
        %mul3A_996 = arith.muli %add3A_990, %mul3A_995 : i32
        %add3A_997 = arith.addi %select_n3A, %mul3A_996 : i32
        %dma_start3A_998 = arith.constant 0 : i32
        %dma_start3A_999 = tpu.memref_slice %arg7[%mul3A_994, %dma_start3A_998] : memref<24x128xi32, #tpu.memory_space<vmem>> -> memref<8x128xi32, #tpu.memory_space<vmem>>
        %dma_start3A_1000 = arith.constant 0 : i32
        %dma_start3A_1001 = arith.constant 0 : i32
        %dma_start3A_1002 = tpu.memref_slice %arg4[%while3A_250, %dma_start3A_1000, %dma_start3A_1001] : memref<2x25096x128xi32, #tpu.memory_space<hbm>> -> memref<1x25096x128xi32, #tpu.memory_space<hbm>>
        %dma_start3A_1003 = tpu.memref_squeeze %dma_start3A_1002 : memref<1x25096x128xi32, #tpu.memory_space<hbm>> -> memref<25096x128xi32, #tpu.memory_space<hbm>>
        %dma_start3A_1004 = arith.constant 0 : i32
        %dma_start3A_1005 = tpu.memref_slice %dma_start3A_1003[%add3A_997, %dma_start3A_1004] : memref<25096x128xi32, #tpu.memory_space<hbm>> -> memref<8x128xi32, #tpu.memory_space<hbm>>
        %dma_start3A_1006 = arith.constant 0 : i32
        %dma_start3A_1007 = tpu.memref_slice %arg7[%mul3A_994, %dma_start3A_1006] : memref<24x128xi32, #tpu.memory_space<vmem>> -> memref<8x128xi32, #tpu.memory_space<vmem>>
        %dma_start3A_1008 = arith.constant 0 : i32
        %dma_start3A_1009 = arith.constant 0 : i32
        %dma_start3A_1010 = tpu.memref_slice %arg4[%while3A_250, %dma_start3A_1008, %dma_start3A_1009] : memref<2x25096x128xi32, #tpu.memory_space<hbm>> -> memref<1x25096x128xi32, #tpu.memory_space<hbm>>
        %dma_start3A_1011 = tpu.memref_squeeze %dma_start3A_1010 : memref<1x25096x128xi32, #tpu.memory_space<hbm>> -> memref<25096x128xi32, #tpu.memory_space<hbm>>
        %dma_start3A_1012 = arith.constant 0 : i32
        %dma_start3A_1013 = tpu.memref_slice %dma_start3A_1011[%add3A_997, %dma_start3A_1012] : memref<25096x128xi32, #tpu.memory_space<hbm>> -> memref<8x128xi32, #tpu.memory_space<hbm>>
        tpu.enqueue_dma source(%dma_start3A_1013 : memref<8x128xi32, #tpu.memory_space<hbm>>) target(%dma_start3A_1007 : memref<8x128xi32, #tpu.memory_space<vmem>>) target_semaphore(%arg21 : memref<!tpu.dma_semaphore, #tpu.memory_space<semaphore_mem>>)
        %dma_start3A_1014 = arith.constant 0 : i32
        %dma_start3A_1015 = tpu.memref_slice %arg8[%mul3A_994, %dma_start3A_1014] : memref<24x128xi32, #tpu.memory_space<vmem>> -> memref<8x128xi32, #tpu.memory_space<vmem>>
        %dma_start3A_1016 = arith.constant 0 : i32
        %dma_start3A_1017 = arith.constant 0 : i32
        %dma_start3A_1018 = tpu.memref_slice %arg4[%while3A_251, %dma_start3A_1016, %dma_start3A_1017] : memref<2x25096x128xi32, #tpu.memory_space<hbm>> -> memref<1x25096x128xi32, #tpu.memory_space<hbm>>
        %dma_start3A_1019 = tpu.memref_squeeze %dma_start3A_1018 : memref<1x25096x128xi32, #tpu.memory_space<hbm>> -> memref<25096x128xi32, #tpu.memory_space<hbm>>
        %dma_start3A_1020 = arith.constant 0 : i32
        %dma_start3A_1021 = tpu.memref_slice %dma_start3A_1019[%add3A_997, %dma_start3A_1020] : memref<25096x128xi32, #tpu.memory_space<hbm>> -> memref<8x128xi32, #tpu.memory_space<hbm>>
        %dma_start3A_1022 = arith.constant 0 : i32
        %dma_start3A_1023 = tpu.memref_slice %arg8[%mul3A_994, %dma_start3A_1022] : memref<24x128xi32, #tpu.memory_space<vmem>> -> memref<8x128xi32, #tpu.memory_space<vmem>>
        %dma_start3A_1024 = arith.constant 0 : i32
        %dma_start3A_1025 = arith.constant 0 : i32
        %dma_start3A_1026 = tpu.memref_slice %arg4[%while3A_251, %dma_start3A_1024, %dma_start3A_1025] : memref<2x25096x128xi32, #tpu.memory_space<hbm>> -> memref<1x25096x128xi32, #tpu.memory_space<hbm>>
        %dma_start3A_1027 = tpu.memref_squeeze %dma_start3A_1026 : memref<1x25096x128xi32, #tpu.memory_space<hbm>> -> memref<25096x128xi32, #tpu.memory_space<hbm>>
        %dma_start3A_1028 = arith.constant 0 : i32
        %dma_start3A_1029 = tpu.memref_slice %dma_start3A_1027[%add3A_997, %dma_start3A_1028] : memref<25096x128xi32, #tpu.memory_space<hbm>> -> memref<8x128xi32, #tpu.memory_space<hbm>>
        tpu.enqueue_dma source(%dma_start3A_1029 : memref<8x128xi32, #tpu.memory_space<hbm>>) target(%dma_start3A_1023 : memref<8x128xi32, #tpu.memory_space<vmem>>) target_semaphore(%arg21 : memref<!tpu.dma_semaphore, #tpu.memory_space<semaphore_mem>>)
      } else {
      }
      %rem3A_408 = arith.constant 2 : i32
      %rem3A_409 = arith.remsi %while3A_372, %rem3A_408 : i32
      %eq3A_410 = arith.constant 1 : i32
      %eq3A_411 = arith.cmpi eq, %rem3A_409, %eq3A_410 : i32
      %convert_element_type3A_412 = arith.extui %eq3A_411 : i1 to i32
      %cond3A_413 = arith.constant 0 : i32
      %cond3A_414 = arith.cmpi ne, %convert_element_type3A_412, %cond3A_413 : i32
      scf.if %cond3A_414 {
        %dma_wait3A_989 = arith.constant 0 : i32
        %dma_wait3A_990 = arith.constant 0 : i32
        %dma_wait3A_991 = tpu.memref_slice %arg7[%dma_wait3A_989, %dma_wait3A_990] : memref<24x128xi32, #tpu.memory_space<vmem>> -> memref<8x128xi32, #tpu.memory_space<vmem>>
        %dma_wait3A_992 = arith.constant 0 : i32
        %dma_wait3A_993 = arith.constant 0 : i32
        %dma_wait3A_994 = tpu.memref_slice %arg4[%while3A_250, %dma_wait3A_992, %dma_wait3A_993] : memref<2x25096x128xi32, #tpu.memory_space<hbm>> -> memref<1x25096x128xi32, #tpu.memory_space<hbm>>
        %dma_wait3A_995 = tpu.memref_squeeze %dma_wait3A_994 : memref<1x25096x128xi32, #tpu.memory_space<hbm>> -> memref<25096x128xi32, #tpu.memory_space<hbm>>
        %dma_wait3A_996 = arith.constant 0 : i32
        %dma_wait3A_997 = arith.constant 0 : i32
        %dma_wait3A_998 = tpu.memref_slice %dma_wait3A_995[%dma_wait3A_996, %dma_wait3A_997] : memref<25096x128xi32, #tpu.memory_space<hbm>> -> memref<8x128xi32, #tpu.memory_space<hbm>>
        %dma_wait3A_999 = arith.constant 0 : i32
        %dma_wait3A_1000 = arith.constant 0 : i32
        %dma_wait3A_1001 = tpu.memref_slice %arg7[%dma_wait3A_999, %dma_wait3A_1000] : memref<24x128xi32, #tpu.memory_space<vmem>> -> memref<8x128xi32, #tpu.memory_space<vmem>>
        %dma_wait3A_1002 = arith.constant 0 : i32
        %dma_wait3A_1003 = arith.constant 0 : i32
        %dma_wait3A_1004 = tpu.memref_slice %arg4[%while3A_250, %dma_wait3A_1002, %dma_wait3A_1003] : memref<2x25096x128xi32, #tpu.memory_space<hbm>> -> memref<1x25096x128xi32, #tpu.memory_space<hbm>>
        %dma_wait3A_1005 = tpu.memref_squeeze %dma_wait3A_1004 : memref<1x25096x128xi32, #tpu.memory_space<hbm>> -> memref<25096x128xi32, #tpu.memory_space<hbm>>
        %dma_wait3A_1006 = arith.constant 0 : i32
        %dma_wait3A_1007 = arith.constant 0 : i32
        %dma_wait3A_1008 = tpu.memref_slice %dma_wait3A_1005[%dma_wait3A_1006, %dma_wait3A_1007] : memref<25096x128xi32, #tpu.memory_space<hbm>> -> memref<8x128xi32, #tpu.memory_space<hbm>>
        tpu.wait_dma2 semaphore(%arg21 : memref<!tpu.dma_semaphore, #tpu.memory_space<semaphore_mem>>) src(%dma_wait3A_1008 : memref<8x128xi32, #tpu.memory_space<hbm>>) dst(%dma_wait3A_1001 : memref<8x128xi32, #tpu.memory_space<vmem>>)
        %dma_wait3A_1009 = arith.constant 0 : i32
        %dma_wait3A_1010 = arith.constant 0 : i32
        %dma_wait3A_1011 = tpu.memref_slice %arg7[%dma_wait3A_1009, %dma_wait3A_1010] : memref<24x128xi32, #tpu.memory_space<vmem>> -> memref<8x128xi32, #tpu.memory_space<vmem>>
        %dma_wait3A_1012 = arith.constant 0 : i32
        %dma_wait3A_1013 = arith.constant 0 : i32
        %dma_wait3A_1014 = tpu.memref_slice %arg4[%while3A_250, %dma_wait3A_1012, %dma_wait3A_1013] : memref<2x25096x128xi32, #tpu.memory_space<hbm>> -> memref<1x25096x128xi32, #tpu.memory_space<hbm>>
        %dma_wait3A_1015 = tpu.memref_squeeze %dma_wait3A_1014 : memref<1x25096x128xi32, #tpu.memory_space<hbm>> -> memref<25096x128xi32, #tpu.memory_space<hbm>>
        %dma_wait3A_1016 = arith.constant 0 : i32
        %dma_wait3A_1017 = arith.constant 0 : i32
        %dma_wait3A_1018 = tpu.memref_slice %dma_wait3A_1015[%dma_wait3A_1016, %dma_wait3A_1017] : memref<25096x128xi32, #tpu.memory_space<hbm>> -> memref<8x128xi32, #tpu.memory_space<hbm>>
        %dma_wait3A_1019 = arith.constant 0 : i32
        %dma_wait3A_1020 = arith.constant 0 : i32
        %dma_wait3A_1021 = tpu.memref_slice %arg7[%dma_wait3A_1019, %dma_wait3A_1020] : memref<24x128xi32, #tpu.memory_space<vmem>> -> memref<8x128xi32, #tpu.memory_space<vmem>>
        %dma_wait3A_1022 = arith.constant 0 : i32
        %dma_wait3A_1023 = arith.constant 0 : i32
        %dma_wait3A_1024 = tpu.memref_slice %arg4[%while3A_250, %dma_wait3A_1022, %dma_wait3A_1023] : memref<2x25096x128xi32, #tpu.memory_space<hbm>> -> memref<1x25096x128xi32, #tpu.memory_space<hbm>>
        %dma_wait3A_1025 = tpu.memref_squeeze %dma_wait3A_1024 : memref<1x25096x128xi32, #tpu.memory_space<hbm>> -> memref<25096x128xi32, #tpu.memory_space<hbm>>
        %dma_wait3A_1026 = arith.constant 0 : i32
        %dma_wait3A_1027 = arith.constant 0 : i32
        %dma_wait3A_1028 = tpu.memref_slice %dma_wait3A_1025[%dma_wait3A_1026, %dma_wait3A_1027] : memref<25096x128xi32, #tpu.memory_space<hbm>> -> memref<8x128xi32, #tpu.memory_space<hbm>>
        tpu.wait_dma2 semaphore(%arg21 : memref<!tpu.dma_semaphore, #tpu.memory_space<semaphore_mem>>) src(%dma_wait3A_1028 : memref<8x128xi32, #tpu.memory_space<hbm>>) dst(%dma_wait3A_1021 : memref<8x128xi32, #tpu.memory_space<vmem>>)
      } else {
      }
      %dma_wait3A_415 = arith.constant 0 : i32
      %dma_wait3A_416 = arith.constant 0 : i32
      %dma_wait3A_417 = arith.constant 0 : i32
      %dma_wait3A_418 = tpu.memref_slice %arg9[%dma_wait3A_416, %dma_wait3A_417] : memref<512x16xf32, #tpu.memory_space<vmem>> -> memref<128x16xf32, #tpu.memory_space<vmem>>
      %dma_wait3A_419 = arith.constant 0 : i32
      %dma_wait3A_420 = tpu.memref_slice %arg7[%dma_wait3A_415, %dma_wait3A_419] : memref<24x128xi32, #tpu.memory_space<vmem>> -> memref<1x128xi32, #tpu.memory_space<vmem>>
      %dma_wait3A_421 = tpu.memref_squeeze %dma_wait3A_420 : memref<1x128xi32, #tpu.memory_space<vmem>> -> memref<128xi32, #tpu.memory_space<vmem>>
      %dma_wait3A_422 = arith.constant 0 : i32
      %dma_wait3A_423 = arith.constant 0 : i32
      %dma_wait3A_424 = tpu.memref_slice %arg6[%arg0, %dma_wait3A_422, %dma_wait3A_423] : memref<2x100096x16xf32, #tpu.memory_space<hbm>> -> memref<1x100096x16xf32, #tpu.memory_space<hbm>>
      %dma_wait3A_425 = tpu.memref_squeeze %dma_wait3A_424 : memref<1x100096x16xf32, #tpu.memory_space<hbm>> -> memref<100096x16xf32, #tpu.memory_space<hbm>>
      %dma_wait3A_426 = arith.constant 0 : i32
      %dma_wait3A_427 = arith.constant 0 : i32
      %dma_wait3A_428 = tpu.memref_slice %dma_wait3A_425[%dma_wait3A_426, %dma_wait3A_427] : memref<100096x16xf32, #tpu.memory_space<hbm>> -> memref<100096x16xf32, #tpu.memory_space<hbm>>
      tpu.wait_indirect_dma semaphore(%arg15 : memref<!tpu.dma_semaphore, #tpu.memory_space<semaphore_mem>>) src(%dma_wait3A_428 : memref<100096x16xf32, #tpu.memory_space<hbm>>) dst(%dma_wait3A_418 : memref<128x16xf32, #tpu.memory_space<vmem>>)
      %dma_wait3A_429 = arith.constant 0 : i32
      %dma_wait3A_430 = arith.constant 0 : i32
      %dma_wait3A_431 = arith.constant 0 : i32
      %dma_wait3A_432 = tpu.memref_slice %arg10[%dma_wait3A_430, %dma_wait3A_431] : memref<512x16xf32, #tpu.memory_space<vmem>> -> memref<128x16xf32, #tpu.memory_space<vmem>>
      %dma_wait3A_433 = arith.constant 0 : i32
      %dma_wait3A_434 = tpu.memref_slice %arg7[%dma_wait3A_429, %dma_wait3A_433] : memref<24x128xi32, #tpu.memory_space<vmem>> -> memref<1x128xi32, #tpu.memory_space<vmem>>
      %dma_wait3A_435 = tpu.memref_squeeze %dma_wait3A_434 : memref<1x128xi32, #tpu.memory_space<vmem>> -> memref<128xi32, #tpu.memory_space<vmem>>
      %dma_wait3A_436 = arith.constant 0 : i32
      %dma_wait3A_437 = arith.constant 0 : i32
      %dma_wait3A_438 = tpu.memref_slice %arg6[%arg0, %dma_wait3A_436, %dma_wait3A_437] : memref<2x100096x16xf32, #tpu.memory_space<hbm>> -> memref<1x100096x16xf32, #tpu.memory_space<hbm>>
      %dma_wait3A_439 = tpu.memref_squeeze %dma_wait3A_438 : memref<1x100096x16xf32, #tpu.memory_space<hbm>> -> memref<100096x16xf32, #tpu.memory_space<hbm>>
      %dma_wait3A_440 = arith.constant 0 : i32
      %dma_wait3A_441 = arith.constant 0 : i32
      %dma_wait3A_442 = tpu.memref_slice %dma_wait3A_439[%dma_wait3A_440, %dma_wait3A_441] : memref<100096x16xf32, #tpu.memory_space<hbm>> -> memref<100096x16xf32, #tpu.memory_space<hbm>>
      tpu.wait_indirect_dma semaphore(%arg15 : memref<!tpu.dma_semaphore, #tpu.memory_space<semaphore_mem>>) src(%dma_wait3A_442 : memref<100096x16xf32, #tpu.memory_space<hbm>>) dst(%dma_wait3A_432 : memref<128x16xf32, #tpu.memory_space<vmem>>)
      %ge3A_443 = arith.constant 1 : i32
      %ge3A_444 = arith.cmpi sge, %while3A_372, %ge3A_443 : i32
      %convert_element_type3A_445 = arith.extui %ge3A_444 : i1 to i32
      %cond3A_446 = arith.constant 0 : i32
      %cond3A_447 = arith.cmpi ne, %convert_element_type3A_445, %cond3A_446 : i32
      scf.if %cond3A_447 {
        %dma_wait3A_989 = arith.constant 0 : i32
        %dma_wait3A_990 = arith.constant 0 : i32
        %dma_wait3A_991 = arith.constant 0 : i32
        %dma_wait3A_992 = tpu.memref_slice %arg11[%dma_wait3A_990, %dma_wait3A_991] : memref<256x16xf32, #tpu.memory_space<vmem>> -> memref<128x16xf32, #tpu.memory_space<vmem>>
        %dma_wait3A_993 = arith.constant 0 : i32
        %dma_wait3A_994 = tpu.memref_slice %arg8[%dma_wait3A_989, %dma_wait3A_993] : memref<24x128xi32, #tpu.memory_space<vmem>> -> memref<1x128xi32, #tpu.memory_space<vmem>>
        %dma_wait3A_995 = tpu.memref_squeeze %dma_wait3A_994 : memref<1x128xi32, #tpu.memory_space<vmem>> -> memref<128xi32, #tpu.memory_space<vmem>>
        %dma_wait3A_996 = arith.constant 0 : i32
        %dma_wait3A_997 = arith.constant 0 : i32
        %dma_wait3A_998 = tpu.memref_slice %arg14[%dma_wait3A_996, %dma_wait3A_997] : memref<100096x16xf32, #tpu.memory_space<vmem_shared>> -> memref<100096x16xf32, #tpu.memory_space<vmem_shared>>
        tpu.wait_indirect_dma semaphore(%arg19 : memref<!tpu.dma_semaphore, #tpu.memory_space<semaphore_mem>>) src(%dma_wait3A_992 : memref<128x16xf32, #tpu.memory_space<vmem>>) dst(%dma_wait3A_998 : memref<100096x16xf32, #tpu.memory_space<vmem_shared>>)
      } else {
      }
      %add3A_448 = arith.constant 3 : i32
      %add3A_449 = arith.addi %add3A_376, %add3A_448 : i32
      %jit3A_450 = arith.constant 8 : i32
      %div3A_451 = arith.divsi %add3A_449, %jit3A_450 : i32
      %sign3A_452 = arith.constant 0 : i32
      %sign3A_453 = arith.cmpi sgt, %add3A_449, %sign3A_452 : i32
      %sign3A_454 = arith.extui %sign3A_453 : i1 to i32
      %sign3A_455 = arith.constant 0 : i32
      %sign3A_456 = arith.cmpi slt, %add3A_449, %sign3A_455 : i32
      %sign3A_457 = arith.extui %sign3A_456 : i1 to i32
      %sign3A_458 = arith.subi %sign3A_454, %sign3A_457 : i32
      %sign3A_459 = arith.constant 0 : i32
      %sign3A_460 = arith.cmpi sgt, %jit3A_450, %sign3A_459 : i32
      %sign3A_461 = arith.extui %sign3A_460 : i1 to i32
      %sign3A_462 = arith.constant 0 : i32
      %sign3A_463 = arith.cmpi slt, %jit3A_450, %sign3A_462 : i32
      %sign3A_464 = arith.extui %sign3A_463 : i1 to i32
      %sign3A_465 = arith.subi %sign3A_461, %sign3A_464 : i32
      %ne3A_466 = arith.cmpi ne, %sign3A_458, %sign3A_465 : i32
      %rem3A_467 = arith.remsi %add3A_449, %jit3A_450 : i32
      %ne3A_468 = arith.constant 0 : i32
      %ne3A_469 = arith.cmpi ne, %rem3A_467, %ne3A_468 : i32
      %and3A_470 = arith.andi %ne3A_466, %ne3A_469 : i1
      %sub3A_471 = arith.constant 1 : i32
      %sub3A_472 = arith.subi %div3A_451, %sub3A_471 : i32
      %select_n3A_473 = arith.select %and3A_470, %sub3A_472, %div3A_451 : i32
      %rem3A_474 = arith.constant 3 : i32
      %rem3A_475 = arith.remsi %select_n3A_473, %rem3A_474 : i32
      %mul3A_476 = arith.constant 8 : i32
      %mul3A_477 = arith.muli %rem3A_475, %mul3A_476 : i32
      %rem3A_478 = arith.constant 8 : i32
      %rem3A_479 = arith.remsi %add3A_449, %rem3A_478 : i32
      %add3A_480 = arith.addi %mul3A_477, %rem3A_479 : i32
      %dma_start3A_481 = arith.constant 384 : i32
      %dma_start3A_482 = arith.constant 0 : i32
      %dma_start3A_483 = tpu.memref_slice %arg9[%dma_start3A_481, %dma_start3A_482] : memref<512x16xf32, #tpu.memory_space<vmem>> -> memref<128x16xf32, #tpu.memory_space<vmem>>
      %dma_start3A_484 = arith.constant 0 : i32
      %dma_start3A_485 = tpu.memref_slice %arg7[%add3A_480, %dma_start3A_484] : memref<24x128xi32, #tpu.memory_space<vmem>> -> memref<1x128xi32, #tpu.memory_space<vmem>>
      %dma_start3A_486 = tpu.memref_squeeze %dma_start3A_485 : memref<1x128xi32, #tpu.memory_space<vmem>> -> memref<128xi32, #tpu.memory_space<vmem>>
      %dma_start3A_487 = arith.constant 0 : i32
      %dma_start3A_488 = arith.constant 0 : i32
      %dma_start3A_489 = tpu.memref_slice %arg6[%arg0, %dma_start3A_487, %dma_start3A_488] : memref<2x100096x16xf32, #tpu.memory_space<hbm>> -> memref<1x100096x16xf32, #tpu.memory_space<hbm>>
      %dma_start3A_490 = tpu.memref_squeeze %dma_start3A_489 : memref<1x100096x16xf32, #tpu.memory_space<hbm>> -> memref<100096x16xf32, #tpu.memory_space<hbm>>
      %dma_start3A_491 = arith.constant 0 : i32
      %dma_start3A_492 = arith.constant 0 : i32
      %dma_start3A_493 = tpu.memref_slice %dma_start3A_490[%dma_start3A_491, %dma_start3A_492] : memref<100096x16xf32, #tpu.memory_space<hbm>> -> memref<100096x16xf32, #tpu.memory_space<hbm>>
      tpu.enqueue_indirect_dma source(%dma_start3A_493 : memref<100096x16xf32, #tpu.memory_space<hbm>>) target(%dma_start3A_483 : memref<128x16xf32, #tpu.memory_space<vmem>>) offsets(%dma_start3A_486 : memref<128xi32, #tpu.memory_space<vmem>>) semaphore(%arg18 : memref<!tpu.dma_semaphore, #tpu.memory_space<semaphore_mem>>)
      %dma_start3A_494 = arith.constant 384 : i32
      %dma_start3A_495 = arith.constant 0 : i32
      %dma_start3A_496 = tpu.memref_slice %arg10[%dma_start3A_494, %dma_start3A_495] : memref<512x16xf32, #tpu.memory_space<vmem>> -> memref<128x16xf32, #tpu.memory_space<vmem>>
      %dma_start3A_497 = arith.constant 0 : i32
      %dma_start3A_498 = tpu.memref_slice %arg8[%add3A_480, %dma_start3A_497] : memref<24x128xi32, #tpu.memory_space<vmem>> -> memref<1x128xi32, #tpu.memory_space<vmem>>
      %dma_start3A_499 = tpu.memref_squeeze %dma_start3A_498 : memref<1x128xi32, #tpu.memory_space<vmem>> -> memref<128xi32, #tpu.memory_space<vmem>>
      %dma_start3A_500 = arith.constant 0 : i32
      %dma_start3A_501 = arith.constant 0 : i32
      %dma_start3A_502 = tpu.memref_slice %arg6[%arg0, %dma_start3A_500, %dma_start3A_501] : memref<2x100096x16xf32, #tpu.memory_space<hbm>> -> memref<1x100096x16xf32, #tpu.memory_space<hbm>>
      %dma_start3A_503 = tpu.memref_squeeze %dma_start3A_502 : memref<1x100096x16xf32, #tpu.memory_space<hbm>> -> memref<100096x16xf32, #tpu.memory_space<hbm>>
      %dma_start3A_504 = arith.constant 0 : i32
      %dma_start3A_505 = arith.constant 0 : i32
      %dma_start3A_506 = tpu.memref_slice %dma_start3A_503[%dma_start3A_504, %dma_start3A_505] : memref<100096x16xf32, #tpu.memory_space<hbm>> -> memref<100096x16xf32, #tpu.memory_space<hbm>>
      tpu.enqueue_indirect_dma source(%dma_start3A_506 : memref<100096x16xf32, #tpu.memory_space<hbm>>) target(%dma_start3A_496 : memref<128x16xf32, #tpu.memory_space<vmem>>) offsets(%dma_start3A_499 : memref<128xi32, #tpu.memory_space<vmem>>) semaphore(%arg18 : memref<!tpu.dma_semaphore, #tpu.memory_space<semaphore_mem>>)
      %scan3A_507 = arith.constant 0 : i32
      %scan3A_508 = arith.constant 0 : i32
      %scan3A_509 = arith.constant 8 : i32
      %scan3A_510 = arith.addi %scan3A_508, %scan3A_509 : i32
      %scan3A_511 = arith.constant 1 : i32
      scf.for %scan3A_989 = %scan3A_508 to %scan3A_510 step %scan3A_511  : i32 {
        %mul3A_990 = arith.constant 16 : i32
        %mul3A_991 = arith.muli %scan3A_989, %mul3A_990 : i32
        %add3A_992 = arith.constant 0 : i32
        %add3A_993 = arith.addi %mul3A_991, %add3A_992 : i32
        %add3A_994 = vector.broadcast %add3A_993 : i32 to vector<16xi32>
        %add3A_995 = arith.addi %iota3A, %add3A_994 : vector<16xi32>
        %mul3A_996 = arith.constant 16 : i32
        %mul3A_997 = arith.muli %scan3A_989, %mul3A_996 : i32
        %add3A_998 = arith.constant 0 : i32
        %add3A_999 = arith.addi %mul3A_997, %add3A_998 : i32
        %add3A_1000 = vector.broadcast %add3A_999 : i32 to vector<16xi32>
        %add3A_1001 = arith.addi %iota3A, %add3A_1000 : vector<16xi32>
        %broadcast_in_dim3A_1002 = arith.constant 0 : i32
        %broadcast_in_dim3A_1003 = vector.broadcast %broadcast_in_dim3A_1002 : i32 to vector<16xi32>
        %gather3A = tpu.vector_load_idx %arg9[%add3A_995, %broadcast_in_dim3A_1003] : memref<512x16xf32, #tpu.memory_space<vmem>>[vector<16xi32>, vector<16xi32>], vector<16xf32>,
        %broadcast_in_dim3A_1004 = arith.constant 1 : i32
        %broadcast_in_dim3A_1005 = vector.broadcast %broadcast_in_dim3A_1004 : i32 to vector<16xi32>
        %gather3A_1006 = tpu.vector_load_idx %arg9[%add3A_995, %broadcast_in_dim3A_1005] : memref<512x16xf32, #tpu.memory_space<vmem>>[vector<16xi32>, vector<16xi32>], vector<16xf32>,
        %broadcast_in_dim3A_1007 = arith.constant 2 : i32
        %broadcast_in_dim3A_1008 = vector.broadcast %broadcast_in_dim3A_1007 : i32 to vector<16xi32>
        %gather3A_1009 = tpu.vector_load_idx %arg9[%add3A_995, %broadcast_in_dim3A_1008] : memref<512x16xf32, #tpu.memory_space<vmem>>[vector<16xi32>, vector<16xi32>], vector<16xf32>,
        %broadcast_in_dim3A_1010 = arith.constant 3 : i32
        %broadcast_in_dim3A_1011 = vector.broadcast %broadcast_in_dim3A_1010 : i32 to vector<16xi32>
        %gather3A_1012 = tpu.vector_load_idx %arg9[%add3A_995, %broadcast_in_dim3A_1011] : memref<512x16xf32, #tpu.memory_space<vmem>>[vector<16xi32>, vector<16xi32>], vector<16xf32>,
        %broadcast_in_dim3A_1013 = arith.constant 4 : i32
        %broadcast_in_dim3A_1014 = vector.broadcast %broadcast_in_dim3A_1013 : i32 to vector<16xi32>
        %gather3A_1015 = tpu.vector_load_idx %arg10[%add3A_995, %broadcast_in_dim3A_1014] : memref<512x16xf32, #tpu.memory_space<vmem>>[vector<16xi32>, vector<16xi32>], vector<16xf32>,
        %broadcast_in_dim3A_1016 = arith.constant 5 : i32
        %broadcast_in_dim3A_1017 = vector.broadcast %broadcast_in_dim3A_1016 : i32 to vector<16xi32>
        %gather3A_1018 = tpu.vector_load_idx %arg10[%add3A_995, %broadcast_in_dim3A_1017] : memref<512x16xf32, #tpu.memory_space<vmem>>[vector<16xi32>, vector<16xi32>], vector<16xf32>,
        %broadcast_in_dim3A_1019 = arith.constant 6 : i32
        %broadcast_in_dim3A_1020 = vector.broadcast %broadcast_in_dim3A_1019 : i32 to vector<16xi32>
        %gather3A_1021 = tpu.vector_load_idx %arg10[%add3A_995, %broadcast_in_dim3A_1020] : memref<512x16xf32, #tpu.memory_space<vmem>>[vector<16xi32>, vector<16xi32>], vector<16xf32>,
        %broadcast_in_dim3A_1022 = arith.constant 7 : i32
        %broadcast_in_dim3A_1023 = vector.broadcast %broadcast_in_dim3A_1022 : i32 to vector<16xi32>
        %gather3A_1024 = tpu.vector_load_idx %arg10[%add3A_995, %broadcast_in_dim3A_1023] : memref<512x16xf32, #tpu.memory_space<vmem>>[vector<16xi32>, vector<16xi32>], vector<16xf32>,
        %broadcast_in_dim3A_1025 = arith.constant 8 : i32
        %broadcast_in_dim3A_1026 = vector.broadcast %broadcast_in_dim3A_1025 : i32 to vector<16xi32>
        %gather3A_1027 = tpu.vector_load_idx %arg9[%add3A_995, %broadcast_in_dim3A_1026] : memref<512x16xf32, #tpu.memory_space<vmem>>[vector<16xi32>, vector<16xi32>], vector<16xf32>,
        %broadcast_in_dim3A_1028 = arith.constant 9 : i32
        %broadcast_in_dim3A_1029 = vector.broadcast %broadcast_in_dim3A_1028 : i32 to vector<16xi32>
        %gather3A_1030 = tpu.vector_load_idx %arg9[%add3A_995, %broadcast_in_dim3A_1029] : memref<512x16xf32, #tpu.memory_space<vmem>>[vector<16xi32>, vector<16xi32>], vector<16xf32>,
        %broadcast_in_dim3A_1031 = arith.constant 10 : i32
        %broadcast_in_dim3A_1032 = vector.broadcast %broadcast_in_dim3A_1031 : i32 to vector<16xi32>
        %gather3A_1033 = tpu.vector_load_idx %arg9[%add3A_995, %broadcast_in_dim3A_1032] : memref<512x16xf32, #tpu.memory_space<vmem>>[vector<16xi32>, vector<16xi32>], vector<16xf32>,
        %broadcast_in_dim3A_1034 = arith.constant 11 : i32
        %broadcast_in_dim3A_1035 = vector.broadcast %broadcast_in_dim3A_1034 : i32 to vector<16xi32>
        %gather3A_1036 = tpu.vector_load_idx %arg9[%add3A_995, %broadcast_in_dim3A_1035] : memref<512x16xf32, #tpu.memory_space<vmem>>[vector<16xi32>, vector<16xi32>], vector<16xf32>,
        %broadcast_in_dim3A_1037 = arith.constant 12 : i32
        %broadcast_in_dim3A_1038 = vector.broadcast %broadcast_in_dim3A_1037 : i32 to vector<16xi32>
        %gather3A_1039 = tpu.vector_load_idx %arg9[%add3A_995, %broadcast_in_dim3A_1038] : memref<512x16xf32, #tpu.memory_space<vmem>>[vector<16xi32>, vector<16xi32>], vector<16xf32>,
        %broadcast_in_dim3A_1040 = arith.constant 13 : i32
        %broadcast_in_dim3A_1041 = vector.broadcast %broadcast_in_dim3A_1040 : i32 to vector<16xi32>
        %gather3A_1042 = tpu.vector_load_idx %arg9[%add3A_995, %broadcast_in_dim3A_1041] : memref<512x16xf32, #tpu.memory_space<vmem>>[vector<16xi32>, vector<16xi32>], vector<16xf32>,
        %broadcast_in_dim3A_1043 = arith.constant 14 : i32
        %broadcast_in_dim3A_1044 = vector.broadcast %broadcast_in_dim3A_1043 : i32 to vector<16xi32>
        %gather3A_1045 = tpu.vector_load_idx %arg9[%add3A_995, %broadcast_in_dim3A_1044] : memref<512x16xf32, #tpu.memory_space<vmem>>[vector<16xi32>, vector<16xi32>], vector<16xf32>,
        %broadcast_in_dim3A_1046 = arith.constant 15 : i32
        %broadcast_in_dim3A_1047 = vector.broadcast %broadcast_in_dim3A_1046 : i32 to vector<16xi32>
        %gather3A_1048 = tpu.vector_load_idx %arg9[%add3A_995, %broadcast_in_dim3A_1047] : memref<512x16xf32, #tpu.memory_space<vmem>>[vector<16xi32>, vector<16xi32>], vector<16xf32>,
        %add3A_1049 = arith.addf %gather3A, %gather3A_1015 : vector<16xf32>
        %mul3A_1050 = arith.constant 2.000000e-01 : f32
        %mul3A_1051 = vector.broadcast %mul3A_1050 : f32 to vector<16xf32>
        %mul3A_1052 = arith.mulf %mul3A_1051, %add3A_1049 : vector<16xf32>
        %max3A = arith.maximumf %add3A_1049, %mul3A_1052 : vector<16xf32>
        %exp3A = math.exp %max3A : vector<16xf32>
        %broadcast_in_dim3A_1053 = arith.constant 0 : i32
        %broadcast_in_dim3A_1054 = vector.broadcast %broadcast_in_dim3A_1053 : i32 to vector<16xi32>
        tpu.vector_store_idx %arg11[%add3A_1001, %broadcast_in_dim3A_1054], %exp3A : memref<256x16xf32, #tpu.memory_space<vmem>>[vector<16xi32>, vector<16xi32>], vector<16xf32>,
        %broadcast_in_dim3A_1055 = arith.constant 4 : i32
        %broadcast_in_dim3A_1056 = vector.broadcast %broadcast_in_dim3A_1055 : i32 to vector<16xi32>
        %mul3A_1057 = arith.mulf %gather3A_1027, %exp3A : vector<16xf32>
        tpu.vector_store_idx %arg11[%add3A_1001, %broadcast_in_dim3A_1056], %mul3A_1057 : memref<256x16xf32, #tpu.memory_space<vmem>>[vector<16xi32>, vector<16xi32>], vector<16xf32>,
        %broadcast_in_dim3A_1058 = arith.constant 5 : i32
        %broadcast_in_dim3A_1059 = vector.broadcast %broadcast_in_dim3A_1058 : i32 to vector<16xi32>
        %mul3A_1060 = arith.mulf %gather3A_1030, %exp3A : vector<16xf32>
        tpu.vector_store_idx %arg11[%add3A_1001, %broadcast_in_dim3A_1059], %mul3A_1060 : memref<256x16xf32, #tpu.memory_space<vmem>>[vector<16xi32>, vector<16xi32>], vector<16xf32>,
        %add3A_1061 = arith.addf %gather3A_1006, %gather3A_1018 : vector<16xf32>
        %mul3A_1062 = arith.constant 2.000000e-01 : f32
        %mul3A_1063 = vector.broadcast %mul3A_1062 : f32 to vector<16xf32>
        %mul3A_1064 = arith.mulf %mul3A_1063, %add3A_1061 : vector<16xf32>
        %max3A_1065 = arith.maximumf %add3A_1061, %mul3A_1064 : vector<16xf32>
        %exp3A_1066 = math.exp %max3A_1065 : vector<16xf32>
        %broadcast_in_dim3A_1067 = arith.constant 1 : i32
        %broadcast_in_dim3A_1068 = vector.broadcast %broadcast_in_dim3A_1067 : i32 to vector<16xi32>
        tpu.vector_store_idx %arg11[%add3A_1001, %broadcast_in_dim3A_1068], %exp3A_1066 : memref<256x16xf32, #tpu.memory_space<vmem>>[vector<16xi32>, vector<16xi32>], vector<16xf32>,
        %broadcast_in_dim3A_1069 = arith.constant 6 : i32
        %broadcast_in_dim3A_1070 = vector.broadcast %broadcast_in_dim3A_1069 : i32 to vector<16xi32>
        %mul3A_1071 = arith.mulf %gather3A_1033, %exp3A_1066 : vector<16xf32>
        tpu.vector_store_idx %arg11[%add3A_1001, %broadcast_in_dim3A_1070], %mul3A_1071 : memref<256x16xf32, #tpu.memory_space<vmem>>[vector<16xi32>, vector<16xi32>], vector<16xf32>,
        %broadcast_in_dim3A_1072 = arith.constant 7 : i32
        %broadcast_in_dim3A_1073 = vector.broadcast %broadcast_in_dim3A_1072 : i32 to vector<16xi32>
        %mul3A_1074 = arith.mulf %gather3A_1036, %exp3A_1066 : vector<16xf32>
        tpu.vector_store_idx %arg11[%add3A_1001, %broadcast_in_dim3A_1073], %mul3A_1074 : memref<256x16xf32, #tpu.memory_space<vmem>>[vector<16xi32>, vector<16xi32>], vector<16xf32>,
        %add3A_1075 = arith.addf %gather3A_1009, %gather3A_1021 : vector<16xf32>
        %mul3A_1076 = arith.constant 2.000000e-01 : f32
        %mul3A_1077 = vector.broadcast %mul3A_1076 : f32 to vector<16xf32>
        %mul3A_1078 = arith.mulf %mul3A_1077, %add3A_1075 : vector<16xf32>
        %max3A_1079 = arith.maximumf %add3A_1075, %mul3A_1078 : vector<16xf32>
        %exp3A_1080 = math.exp %max3A_1079 : vector<16xf32>
        %broadcast_in_dim3A_1081 = arith.constant 2 : i32
        %broadcast_in_dim3A_1082 = vector.broadcast %broadcast_in_dim3A_1081 : i32 to vector<16xi32>
        tpu.vector_store_idx %arg11[%add3A_1001, %broadcast_in_dim3A_1082], %exp3A_1080 : memref<256x16xf32, #tpu.memory_space<vmem>>[vector<16xi32>, vector<16xi32>], vector<16xf32>,
        %broadcast_in_dim3A_1083 = arith.constant 8 : i32
        %broadcast_in_dim3A_1084 = vector.broadcast %broadcast_in_dim3A_1083 : i32 to vector<16xi32>
        %mul3A_1085 = arith.mulf %gather3A_1039, %exp3A_1080 : vector<16xf32>
        tpu.vector_store_idx %arg11[%add3A_1001, %broadcast_in_dim3A_1084], %mul3A_1085 : memref<256x16xf32, #tpu.memory_space<vmem>>[vector<16xi32>, vector<16xi32>], vector<16xf32>,
        %broadcast_in_dim3A_1086 = arith.constant 9 : i32
        %broadcast_in_dim3A_1087 = vector.broadcast %broadcast_in_dim3A_1086 : i32 to vector<16xi32>
        %mul3A_1088 = arith.mulf %gather3A_1042, %exp3A_1080 : vector<16xf32>
        tpu.vector_store_idx %arg11[%add3A_1001, %broadcast_in_dim3A_1087], %mul3A_1088 : memref<256x16xf32, #tpu.memory_space<vmem>>[vector<16xi32>, vector<16xi32>], vector<16xf32>,
        %add3A_1089 = arith.addf %gather3A_1012, %gather3A_1024 : vector<16xf32>
        %mul3A_1090 = arith.constant 2.000000e-01 : f32
        %mul3A_1091 = vector.broadcast %mul3A_1090 : f32 to vector<16xf32>
        %mul3A_1092 = arith.mulf %mul3A_1091, %add3A_1089 : vector<16xf32>
        %max3A_1093 = arith.maximumf %add3A_1089, %mul3A_1092 : vector<16xf32>
        %exp3A_1094 = math.exp %max3A_1093 : vector<16xf32>
        %broadcast_in_dim3A_1095 = arith.constant 3 : i32
        %broadcast_in_dim3A_1096 = vector.broadcast %broadcast_in_dim3A_1095 : i32 to vector<16xi32>
        tpu.vector_store_idx %arg11[%add3A_1001, %broadcast_in_dim3A_1096], %exp3A_1094 : memref<256x16xf32, #tpu.memory_space<vmem>>[vector<16xi32>, vector<16xi32>], vector<16xf32>,
        %broadcast_in_dim3A_1097 = arith.constant 10 : i32
        %broadcast_in_dim3A_1098 = vector.broadcast %broadcast_in_dim3A_1097 : i32 to vector<16xi32>
        %mul3A_1099 = arith.mulf %gather3A_1045, %exp3A_1094 : vector<16xf32>
        tpu.vector_store_idx %arg11[%add3A_1001, %broadcast_in_dim3A_1098], %mul3A_1099 : memref<256x16xf32, #tpu.memory_space<vmem>>[vector<16xi32>, vector<16xi32>], vector<16xf32>,
        %broadcast_in_dim3A_1100 = arith.constant 11 : i32
        %broadcast_in_dim3A_1101 = vector.broadcast %broadcast_in_dim3A_1100 : i32 to vector<16xi32>
        %mul3A_1102 = arith.mulf %gather3A_1048, %exp3A_1094 : vector<16xf32>
        tpu.vector_store_idx %arg11[%add3A_1001, %broadcast_in_dim3A_1101], %mul3A_1102 : memref<256x16xf32, #tpu.memory_space<vmem>>[vector<16xi32>, vector<16xi32>], vector<16xf32>,
      }
      %scan3A_512 = arith.constant 8 : i32
      %jit3A_513 = arith.constant 8 : i32
      %div3A_514 = arith.divsi %add3A_376, %jit3A_513 : i32
      %sign3A_515 = arith.constant 0 : i32
      %sign3A_516 = arith.cmpi sgt, %add3A_376, %sign3A_515 : i32
      %sign3A_517 = arith.extui %sign3A_516 : i1 to i32
      %sign3A_518 = arith.constant 0 : i32
      %sign3A_519 = arith.cmpi slt, %add3A_376, %sign3A_518 : i32
      %sign3A_520 = arith.extui %sign3A_519 : i1 to i32
      %sign3A_521 = arith.subi %sign3A_517, %sign3A_520 : i32
      %sign3A_522 = arith.constant 0 : i32
      %sign3A_523 = arith.cmpi sgt, %jit3A_513, %sign3A_522 : i32
      %sign3A_524 = arith.extui %sign3A_523 : i1 to i32
      %sign3A_525 = arith.constant 0 : i32
      %sign3A_526 = arith.cmpi slt, %jit3A_513, %sign3A_525 : i32
      %sign3A_527 = arith.extui %sign3A_526 : i1 to i32
      %sign3A_528 = arith.subi %sign3A_524, %sign3A_527 : i32
      %ne3A_529 = arith.cmpi ne, %sign3A_521, %sign3A_528 : i32
      %rem3A_530 = arith.remsi %add3A_376, %jit3A_513 : i32
      %ne3A_531 = arith.constant 0 : i32
      %ne3A_532 = arith.cmpi ne, %rem3A_530, %ne3A_531 : i32
      %and3A_533 = arith.andi %ne3A_529, %ne3A_532 : i1
      %sub3A_534 = arith.constant 1 : i32
      %sub3A_535 = arith.subi %div3A_514, %sub3A_534 : i32
      %select_n3A_536 = arith.select %and3A_533, %sub3A_535, %div3A_514 : i32
      %rem3A_537 = arith.constant 3 : i32
      %rem3A_538 = arith.remsi %select_n3A_536, %rem3A_537 : i32
      %mul3A_539 = arith.constant 8 : i32
      %mul3A_540 = arith.muli %rem3A_538, %mul3A_539 : i32
      %rem3A_541 = arith.constant 8 : i32
      %rem3A_542 = arith.remsi %add3A_376, %rem3A_541 : i32
      %add3A_543 = arith.addi %mul3A_540, %rem3A_542 : i32
      %dma_start3A_544 = arith.constant 0 : i32
      %dma_start3A_545 = arith.constant 0 : i32
      %dma_start3A_546 = tpu.memref_slice %arg11[%dma_start3A_544, %dma_start3A_545] : memref<256x16xf32, #tpu.memory_space<vmem>> -> memref<128x16xf32, #tpu.memory_space<vmem>>
      %dma_start3A_547 = arith.constant 0 : i32
      %dma_start3A_548 = tpu.memref_slice %arg8[%add3A_543, %dma_start3A_547] : memref<24x128xi32, #tpu.memory_space<vmem>> -> memref<1x128xi32, #tpu.memory_space<vmem>>
      %dma_start3A_549 = tpu.memref_squeeze %dma_start3A_548 : memref<1x128xi32, #tpu.memory_space<vmem>> -> memref<128xi32, #tpu.memory_space<vmem>>
      %dma_start3A_550 = arith.constant 0 : i32
      %dma_start3A_551 = arith.constant 0 : i32
      %dma_start3A_552 = tpu.memref_slice %arg14[%dma_start3A_550, %dma_start3A_551] : memref<100096x16xf32, #tpu.memory_space<vmem_shared>> -> memref<100096x16xf32, #tpu.memory_space<vmem_shared>>
      tpu.enqueue_indirect_dma source(%dma_start3A_546 : memref<128x16xf32, #tpu.memory_space<vmem>>) target(%dma_start3A_552 : memref<100096x16xf32, #tpu.memory_space<vmem_shared>>) offsets(%dma_start3A_549 : memref<128xi32, #tpu.memory_space<vmem>>) semaphore(%arg19 : memref<!tpu.dma_semaphore, #tpu.memory_space<semaphore_mem>>) {add = true}
      %mul3A_553 = arith.constant 4 : i32
      %mul3A_554 = arith.muli %mul3A_553, %while3A_372 : i32
      %add3A_555 = arith.constant 1 : i32
      %add3A_556 = arith.addi %mul3A_554, %add3A_555 : i32
      %dma_wait3A_557 = arith.constant 0 : i32
      %dma_wait3A_558 = arith.constant 0 : i32
      %dma_wait3A_559 = arith.constant 0 : i32
      %dma_wait3A_560 = tpu.memref_slice %arg9[%dma_wait3A_558, %dma_wait3A_559] : memref<512x16xf32, #tpu.memory_space<vmem>> -> memref<128x16xf32, #tpu.memory_space<vmem>>
      %dma_wait3A_561 = arith.constant 0 : i32
      %dma_wait3A_562 = tpu.memref_slice %arg7[%dma_wait3A_557, %dma_wait3A_561] : memref<24x128xi32, #tpu.memory_space<vmem>> -> memref<1x128xi32, #tpu.memory_space<vmem>>
      %dma_wait3A_563 = tpu.memref_squeeze %dma_wait3A_562 : memref<1x128xi32, #tpu.memory_space<vmem>> -> memref<128xi32, #tpu.memory_space<vmem>>
      %dma_wait3A_564 = arith.constant 0 : i32
      %dma_wait3A_565 = arith.constant 0 : i32
      %dma_wait3A_566 = tpu.memref_slice %arg6[%arg0, %dma_wait3A_564, %dma_wait3A_565] : memref<2x100096x16xf32, #tpu.memory_space<hbm>> -> memref<1x100096x16xf32, #tpu.memory_space<hbm>>
      %dma_wait3A_567 = tpu.memref_squeeze %dma_wait3A_566 : memref<1x100096x16xf32, #tpu.memory_space<hbm>> -> memref<100096x16xf32, #tpu.memory_space<hbm>>
      %dma_wait3A_568 = arith.constant 0 : i32
      %dma_wait3A_569 = arith.constant 0 : i32
      %dma_wait3A_570 = tpu.memref_slice %dma_wait3A_567[%dma_wait3A_568, %dma_wait3A_569] : memref<100096x16xf32, #tpu.memory_space<hbm>> -> memref<100096x16xf32, #tpu.memory_space<hbm>>
      tpu.wait_indirect_dma semaphore(%arg16 : memref<!tpu.dma_semaphore, #tpu.memory_space<semaphore_mem>>) src(%dma_wait3A_570 : memref<100096x16xf32, #tpu.memory_space<hbm>>) dst(%dma_wait3A_560 : memref<128x16xf32, #tpu.memory_space<vmem>>)
      %dma_wait3A_571 = arith.constant 0 : i32
      %dma_wait3A_572 = arith.constant 0 : i32
      %dma_wait3A_573 = arith.constant 0 : i32
      %dma_wait3A_574 = tpu.memref_slice %arg10[%dma_wait3A_572, %dma_wait3A_573] : memref<512x16xf32, #tpu.memory_space<vmem>> -> memref<128x16xf32, #tpu.memory_space<vmem>>
      %dma_wait3A_575 = arith.constant 0 : i32
      %dma_wait3A_576 = tpu.memref_slice %arg7[%dma_wait3A_571, %dma_wait3A_575] : memref<24x128xi32, #tpu.memory_space<vmem>> -> memref<1x128xi32, #tpu.memory_space<vmem>>
      %dma_wait3A_577 = tpu.memref_squeeze %dma_wait3A_576 : memref<1x128xi32, #tpu.memory_space<vmem>> -> memref<128xi32, #tpu.memory_space<vmem>>
      %dma_wait3A_578 = arith.constant 0 : i32
      %dma_wait3A_579 = arith.constant 0 : i32
      %dma_wait3A_580 = tpu.memref_slice %arg6[%arg0, %dma_wait3A_578, %dma_wait3A_579] : memref<2x100096x16xf32, #tpu.memory_space<hbm>> -> memref<1x100096x16xf32, #tpu.memory_space<hbm>>
      %dma_wait3A_581 = tpu.memref_squeeze %dma_wait3A_580 : memref<1x100096x16xf32, #tpu.memory_space<hbm>> -> memref<100096x16xf32, #tpu.memory_space<hbm>>
      %dma_wait3A_582 = arith.constant 0 : i32
      %dma_wait3A_583 = arith.constant 0 : i32
      %dma_wait3A_584 = tpu.memref_slice %dma_wait3A_581[%dma_wait3A_582, %dma_wait3A_583] : memref<100096x16xf32, #tpu.memory_space<hbm>> -> memref<100096x16xf32, #tpu.memory_space<hbm>>
      tpu.wait_indirect_dma semaphore(%arg16 : memref<!tpu.dma_semaphore, #tpu.memory_space<semaphore_mem>>) src(%dma_wait3A_584 : memref<100096x16xf32, #tpu.memory_space<hbm>>) dst(%dma_wait3A_574 : memref<128x16xf32, #tpu.memory_space<vmem>>)
      %ge3A_585 = arith.constant 1 : i32
      %ge3A_586 = arith.cmpi sge, %while3A_372, %ge3A_585 : i32
      %convert_element_type3A_587 = arith.extui %ge3A_586 : i1 to i32
      %cond3A_588 = arith.constant 0 : i32
      %cond3A_589 = arith.cmpi ne, %convert_element_type3A_587, %cond3A_588 : i32
      scf.if %cond3A_589 {
        %dma_wait3A_989 = arith.constant 0 : i32
        %dma_wait3A_990 = arith.constant 0 : i32
        %dma_wait3A_991 = arith.constant 0 : i32
        %dma_wait3A_992 = tpu.memref_slice %arg11[%dma_wait3A_990, %dma_wait3A_991] : memref<256x16xf32, #tpu.memory_space<vmem>> -> memref<128x16xf32, #tpu.memory_space<vmem>>
        %dma_wait3A_993 = arith.constant 0 : i32
        %dma_wait3A_994 = tpu.memref_slice %arg8[%dma_wait3A_989, %dma_wait3A_993] : memref<24x128xi32, #tpu.memory_space<vmem>> -> memref<1x128xi32, #tpu.memory_space<vmem>>
        %dma_wait3A_995 = tpu.memref_squeeze %dma_wait3A_994 : memref<1x128xi32, #tpu.memory_space<vmem>> -> memref<128xi32, #tpu.memory_space<vmem>>
        %dma_wait3A_996 = arith.constant 0 : i32
        %dma_wait3A_997 = arith.constant 0 : i32
        %dma_wait3A_998 = tpu.memref_slice %arg14[%dma_wait3A_996, %dma_wait3A_997] : memref<100096x16xf32, #tpu.memory_space<vmem_shared>> -> memref<100096x16xf32, #tpu.memory_space<vmem_shared>>
        tpu.wait_indirect_dma semaphore(%arg20 : memref<!tpu.dma_semaphore, #tpu.memory_space<semaphore_mem>>) src(%dma_wait3A_992 : memref<128x16xf32, #tpu.memory_space<vmem>>) dst(%dma_wait3A_998 : memref<100096x16xf32, #tpu.memory_space<vmem_shared>>)
      } else {
      }
      %add3A_590 = arith.constant 3 : i32
      %add3A_591 = arith.addi %add3A_556, %add3A_590 : i32
      %jit3A_592 = arith.constant 8 : i32
      %div3A_593 = arith.divsi %add3A_591, %jit3A_592 : i32
      %sign3A_594 = arith.constant 0 : i32
      %sign3A_595 = arith.cmpi sgt, %add3A_591, %sign3A_594 : i32
      %sign3A_596 = arith.extui %sign3A_595 : i1 to i32
      %sign3A_597 = arith.constant 0 : i32
      %sign3A_598 = arith.cmpi slt, %add3A_591, %sign3A_597 : i32
      %sign3A_599 = arith.extui %sign3A_598 : i1 to i32
      %sign3A_600 = arith.subi %sign3A_596, %sign3A_599 : i32
      %sign3A_601 = arith.constant 0 : i32
      %sign3A_602 = arith.cmpi sgt, %jit3A_592, %sign3A_601 : i32
      %sign3A_603 = arith.extui %sign3A_602 : i1 to i32
      %sign3A_604 = arith.constant 0 : i32
      %sign3A_605 = arith.cmpi slt, %jit3A_592, %sign3A_604 : i32
      %sign3A_606 = arith.extui %sign3A_605 : i1 to i32
      %sign3A_607 = arith.subi %sign3A_603, %sign3A_606 : i32
      %ne3A_608 = arith.cmpi ne, %sign3A_600, %sign3A_607 : i32
      %rem3A_609 = arith.remsi %add3A_591, %jit3A_592 : i32
      %ne3A_610 = arith.constant 0 : i32
      %ne3A_611 = arith.cmpi ne, %rem3A_609, %ne3A_610 : i32
      %and3A_612 = arith.andi %ne3A_608, %ne3A_611 : i1
      %sub3A_613 = arith.constant 1 : i32
      %sub3A_614 = arith.subi %div3A_593, %sub3A_613 : i32
      %select_n3A_615 = arith.select %and3A_612, %sub3A_614, %div3A_593 : i32
      %rem3A_616 = arith.constant 3 : i32
      %rem3A_617 = arith.remsi %select_n3A_615, %rem3A_616 : i32
      %mul3A_618 = arith.constant 8 : i32
      %mul3A_619 = arith.muli %rem3A_617, %mul3A_618 : i32
      %rem3A_620 = arith.constant 8 : i32
      %rem3A_621 = arith.remsi %add3A_591, %rem3A_620 : i32
      %add3A_622 = arith.addi %mul3A_619, %rem3A_621 : i32
      %dma_start3A_623 = arith.constant 0 : i32
      %dma_start3A_624 = arith.constant 0 : i32
      %dma_start3A_625 = tpu.memref_slice %arg9[%dma_start3A_623, %dma_start3A_624] : memref<512x16xf32, #tpu.memory_space<vmem>> -> memref<128x16xf32, #tpu.memory_space<vmem>>
      %dma_start3A_626 = arith.constant 0 : i32
      %dma_start3A_627 = tpu.memref_slice %arg7[%add3A_622, %dma_start3A_626] : memref<24x128xi32, #tpu.memory_space<vmem>> -> memref<1x128xi32, #tpu.memory_space<vmem>>
      %dma_start3A_628 = tpu.memref_squeeze %dma_start3A_627 : memref<1x128xi32, #tpu.memory_space<vmem>> -> memref<128xi32, #tpu.memory_space<vmem>>
      %dma_start3A_629 = arith.constant 0 : i32
      %dma_start3A_630 = arith.constant 0 : i32
      %dma_start3A_631 = tpu.memref_slice %arg6[%arg0, %dma_start3A_629, %dma_start3A_630] : memref<2x100096x16xf32, #tpu.memory_space<hbm>> -> memref<1x100096x16xf32, #tpu.memory_space<hbm>>
      %dma_start3A_632 = tpu.memref_squeeze %dma_start3A_631 : memref<1x100096x16xf32, #tpu.memory_space<hbm>> -> memref<100096x16xf32, #tpu.memory_space<hbm>>
      %dma_start3A_633 = arith.constant 0 : i32
      %dma_start3A_634 = arith.constant 0 : i32
      %dma_start3A_635 = tpu.memref_slice %dma_start3A_632[%dma_start3A_633, %dma_start3A_634] : memref<100096x16xf32, #tpu.memory_space<hbm>> -> memref<100096x16xf32, #tpu.memory_space<hbm>>
      tpu.enqueue_indirect_dma source(%dma_start3A_635 : memref<100096x16xf32, #tpu.memory_space<hbm>>) target(%dma_start3A_625 : memref<128x16xf32, #tpu.memory_space<vmem>>) offsets(%dma_start3A_628 : memref<128xi32, #tpu.memory_space<vmem>>) semaphore(%arg15 : memref<!tpu.dma_semaphore, #tpu.memory_space<semaphore_mem>>)
      %dma_start3A_636 = arith.constant 0 : i32
      %dma_start3A_637 = arith.constant 0 : i32
      %dma_start3A_638 = tpu.memref_slice %arg10[%dma_start3A_636, %dma_start3A_637] : memref<512x16xf32, #tpu.memory_space<vmem>> -> memref<128x16xf32, #tpu.memory_space<vmem>>
      %dma_start3A_639 = arith.constant 0 : i32
      %dma_start3A_640 = tpu.memref_slice %arg8[%add3A_622, %dma_start3A_639] : memref<24x128xi32, #tpu.memory_space<vmem>> -> memref<1x128xi32, #tpu.memory_space<vmem>>
      %dma_start3A_641 = tpu.memref_squeeze %dma_start3A_640 : memref<1x128xi32, #tpu.memory_space<vmem>> -> memref<128xi32, #tpu.memory_space<vmem>>
      %dma_start3A_642 = arith.constant 0 : i32
      %dma_start3A_643 = arith.constant 0 : i32
      %dma_start3A_644 = tpu.memref_slice %arg6[%arg0, %dma_start3A_642, %dma_start3A_643] : memref<2x100096x16xf32, #tpu.memory_space<hbm>> -> memref<1x100096x16xf32, #tpu.memory_space<hbm>>
      %dma_start3A_645 = tpu.memref_squeeze %dma_start3A_644 : memref<1x100096x16xf32, #tpu.memory_space<hbm>> -> memref<100096x16xf32, #tpu.memory_space<hbm>>
      %dma_start3A_646 = arith.constant 0 : i32
      %dma_start3A_647 = arith.constant 0 : i32
      %dma_start3A_648 = tpu.memref_slice %dma_start3A_645[%dma_start3A_646, %dma_start3A_647] : memref<100096x16xf32, #tpu.memory_space<hbm>> -> memref<100096x16xf32, #tpu.memory_space<hbm>>
      tpu.enqueue_indirect_dma source(%dma_start3A_648 : memref<100096x16xf32, #tpu.memory_space<hbm>>) target(%dma_start3A_638 : memref<128x16xf32, #tpu.memory_space<vmem>>) offsets(%dma_start3A_641 : memref<128xi32, #tpu.memory_space<vmem>>) semaphore(%arg15 : memref<!tpu.dma_semaphore, #tpu.memory_space<semaphore_mem>>)
      %scan3A_649 = arith.constant 0 : i32
      %scan3A_650 = arith.constant 0 : i32
      %scan3A_651 = arith.constant 8 : i32
      %scan3A_652 = arith.addi %scan3A_650, %scan3A_651 : i32
      %scan3A_653 = arith.constant 1 : i32
      scf.for %scan3A_989 = %scan3A_650 to %scan3A_652 step %scan3A_653  : i32 {
        %mul3A_990 = arith.constant 16 : i32
        %mul3A_991 = arith.muli %scan3A_989, %mul3A_990 : i32
        %add3A_992 = arith.constant 128 : i32
        %add3A_993 = arith.addi %mul3A_991, %add3A_992 : i32
        %add3A_994 = vector.broadcast %add3A_993 : i32 to vector<16xi32>
        %add3A_995 = arith.addi %iota3A, %add3A_994 : vector<16xi32>
        %mul3A_996 = arith.constant 16 : i32
        %mul3A_997 = arith.muli %scan3A_989, %mul3A_996 : i32
        %add3A_998 = arith.constant 128 : i32
        %add3A_999 = arith.addi %mul3A_997, %add3A_998 : i32
        %add3A_1000 = vector.broadcast %add3A_999 : i32 to vector<16xi32>
        %add3A_1001 = arith.addi %iota3A, %add3A_1000 : vector<16xi32>
        %broadcast_in_dim3A_1002 = arith.constant 0 : i32
        %broadcast_in_dim3A_1003 = vector.broadcast %broadcast_in_dim3A_1002 : i32 to vector<16xi32>
        %gather3A = tpu.vector_load_idx %arg9[%add3A_995, %broadcast_in_dim3A_1003] : memref<512x16xf32, #tpu.memory_space<vmem>>[vector<16xi32>, vector<16xi32>], vector<16xf32>,
        %broadcast_in_dim3A_1004 = arith.constant 1 : i32
        %broadcast_in_dim3A_1005 = vector.broadcast %broadcast_in_dim3A_1004 : i32 to vector<16xi32>
        %gather3A_1006 = tpu.vector_load_idx %arg9[%add3A_995, %broadcast_in_dim3A_1005] : memref<512x16xf32, #tpu.memory_space<vmem>>[vector<16xi32>, vector<16xi32>], vector<16xf32>,
        %broadcast_in_dim3A_1007 = arith.constant 2 : i32
        %broadcast_in_dim3A_1008 = vector.broadcast %broadcast_in_dim3A_1007 : i32 to vector<16xi32>
        %gather3A_1009 = tpu.vector_load_idx %arg9[%add3A_995, %broadcast_in_dim3A_1008] : memref<512x16xf32, #tpu.memory_space<vmem>>[vector<16xi32>, vector<16xi32>], vector<16xf32>,
        %broadcast_in_dim3A_1010 = arith.constant 3 : i32
        %broadcast_in_dim3A_1011 = vector.broadcast %broadcast_in_dim3A_1010 : i32 to vector<16xi32>
        %gather3A_1012 = tpu.vector_load_idx %arg9[%add3A_995, %broadcast_in_dim3A_1011] : memref<512x16xf32, #tpu.memory_space<vmem>>[vector<16xi32>, vector<16xi32>], vector<16xf32>,
        %broadcast_in_dim3A_1013 = arith.constant 4 : i32
        %broadcast_in_dim3A_1014 = vector.broadcast %broadcast_in_dim3A_1013 : i32 to vector<16xi32>
        %gather3A_1015 = tpu.vector_load_idx %arg10[%add3A_995, %broadcast_in_dim3A_1014] : memref<512x16xf32, #tpu.memory_space<vmem>>[vector<16xi32>, vector<16xi32>], vector<16xf32>,
        %broadcast_in_dim3A_1016 = arith.constant 5 : i32
        %broadcast_in_dim3A_1017 = vector.broadcast %broadcast_in_dim3A_1016 : i32 to vector<16xi32>
        %gather3A_1018 = tpu.vector_load_idx %arg10[%add3A_995, %broadcast_in_dim3A_1017] : memref<512x16xf32, #tpu.memory_space<vmem>>[vector<16xi32>, vector<16xi32>], vector<16xf32>,
        %broadcast_in_dim3A_1019 = arith.constant 6 : i32
        %broadcast_in_dim3A_1020 = vector.broadcast %broadcast_in_dim3A_1019 : i32 to vector<16xi32>
        %gather3A_1021 = tpu.vector_load_idx %arg10[%add3A_995, %broadcast_in_dim3A_1020] : memref<512x16xf32, #tpu.memory_space<vmem>>[vector<16xi32>, vector<16xi32>], vector<16xf32>,
        %broadcast_in_dim3A_1022 = arith.constant 7 : i32
        %broadcast_in_dim3A_1023 = vector.broadcast %broadcast_in_dim3A_1022 : i32 to vector<16xi32>
        %gather3A_1024 = tpu.vector_load_idx %arg10[%add3A_995, %broadcast_in_dim3A_1023] : memref<512x16xf32, #tpu.memory_space<vmem>>[vector<16xi32>, vector<16xi32>], vector<16xf32>,
        %broadcast_in_dim3A_1025 = arith.constant 8 : i32
        %broadcast_in_dim3A_1026 = vector.broadcast %broadcast_in_dim3A_1025 : i32 to vector<16xi32>
        %gather3A_1027 = tpu.vector_load_idx %arg9[%add3A_995, %broadcast_in_dim3A_1026] : memref<512x16xf32, #tpu.memory_space<vmem>>[vector<16xi32>, vector<16xi32>], vector<16xf32>,
        %broadcast_in_dim3A_1028 = arith.constant 9 : i32
        %broadcast_in_dim3A_1029 = vector.broadcast %broadcast_in_dim3A_1028 : i32 to vector<16xi32>
        %gather3A_1030 = tpu.vector_load_idx %arg9[%add3A_995, %broadcast_in_dim3A_1029] : memref<512x16xf32, #tpu.memory_space<vmem>>[vector<16xi32>, vector<16xi32>], vector<16xf32>,
        %broadcast_in_dim3A_1031 = arith.constant 10 : i32
        %broadcast_in_dim3A_1032 = vector.broadcast %broadcast_in_dim3A_1031 : i32 to vector<16xi32>
        %gather3A_1033 = tpu.vector_load_idx %arg9[%add3A_995, %broadcast_in_dim3A_1032] : memref<512x16xf32, #tpu.memory_space<vmem>>[vector<16xi32>, vector<16xi32>], vector<16xf32>,
        %broadcast_in_dim3A_1034 = arith.constant 11 : i32
        %broadcast_in_dim3A_1035 = vector.broadcast %broadcast_in_dim3A_1034 : i32 to vector<16xi32>
        %gather3A_1036 = tpu.vector_load_idx %arg9[%add3A_995, %broadcast_in_dim3A_1035] : memref<512x16xf32, #tpu.memory_space<vmem>>[vector<16xi32>, vector<16xi32>], vector<16xf32>,
        %broadcast_in_dim3A_1037 = arith.constant 12 : i32
        %broadcast_in_dim3A_1038 = vector.broadcast %broadcast_in_dim3A_1037 : i32 to vector<16xi32>
        %gather3A_1039 = tpu.vector_load_idx %arg9[%add3A_995, %broadcast_in_dim3A_1038] : memref<512x16xf32, #tpu.memory_space<vmem>>[vector<16xi32>, vector<16xi32>], vector<16xf32>,
        %broadcast_in_dim3A_1040 = arith.constant 13 : i32
        %broadcast_in_dim3A_1041 = vector.broadcast %broadcast_in_dim3A_1040 : i32 to vector<16xi32>
        %gather3A_1042 = tpu.vector_load_idx %arg9[%add3A_995, %broadcast_in_dim3A_1041] : memref<512x16xf32, #tpu.memory_space<vmem>>[vector<16xi32>, vector<16xi32>], vector<16xf32>,
        %broadcast_in_dim3A_1043 = arith.constant 14 : i32
        %broadcast_in_dim3A_1044 = vector.broadcast %broadcast_in_dim3A_1043 : i32 to vector<16xi32>
        %gather3A_1045 = tpu.vector_load_idx %arg9[%add3A_995, %broadcast_in_dim3A_1044] : memref<512x16xf32, #tpu.memory_space<vmem>>[vector<16xi32>, vector<16xi32>], vector<16xf32>,
        %broadcast_in_dim3A_1046 = arith.constant 15 : i32
        %broadcast_in_dim3A_1047 = vector.broadcast %broadcast_in_dim3A_1046 : i32 to vector<16xi32>
        %gather3A_1048 = tpu.vector_load_idx %arg9[%add3A_995, %broadcast_in_dim3A_1047] : memref<512x16xf32, #tpu.memory_space<vmem>>[vector<16xi32>, vector<16xi32>], vector<16xf32>,
        %add3A_1049 = arith.addf %gather3A, %gather3A_1015 : vector<16xf32>
        %mul3A_1050 = arith.constant 2.000000e-01 : f32
        %mul3A_1051 = vector.broadcast %mul3A_1050 : f32 to vector<16xf32>
        %mul3A_1052 = arith.mulf %mul3A_1051, %add3A_1049 : vector<16xf32>
        %max3A = arith.maximumf %add3A_1049, %mul3A_1052 : vector<16xf32>
        %exp3A = math.exp %max3A : vector<16xf32>
        %broadcast_in_dim3A_1053 = arith.constant 0 : i32
        %broadcast_in_dim3A_1054 = vector.broadcast %broadcast_in_dim3A_1053 : i32 to vector<16xi32>
        tpu.vector_store_idx %arg11[%add3A_1001, %broadcast_in_dim3A_1054], %exp3A : memref<256x16xf32, #tpu.memory_space<vmem>>[vector<16xi32>, vector<16xi32>], vector<16xf32>,
        %broadcast_in_dim3A_1055 = arith.constant 4 : i32
        %broadcast_in_dim3A_1056 = vector.broadcast %broadcast_in_dim3A_1055 : i32 to vector<16xi32>
        %mul3A_1057 = arith.mulf %gather3A_1027, %exp3A : vector<16xf32>
        tpu.vector_store_idx %arg11[%add3A_1001, %broadcast_in_dim3A_1056], %mul3A_1057 : memref<256x16xf32, #tpu.memory_space<vmem>>[vector<16xi32>, vector<16xi32>], vector<16xf32>,
        %broadcast_in_dim3A_1058 = arith.constant 5 : i32
        %broadcast_in_dim3A_1059 = vector.broadcast %broadcast_in_dim3A_1058 : i32 to vector<16xi32>
        %mul3A_1060 = arith.mulf %gather3A_1030, %exp3A : vector<16xf32>
        tpu.vector_store_idx %arg11[%add3A_1001, %broadcast_in_dim3A_1059], %mul3A_1060 : memref<256x16xf32, #tpu.memory_space<vmem>>[vector<16xi32>, vector<16xi32>], vector<16xf32>,
        %add3A_1061 = arith.addf %gather3A_1006, %gather3A_1018 : vector<16xf32>
        %mul3A_1062 = arith.constant 2.000000e-01 : f32
        %mul3A_1063 = vector.broadcast %mul3A_1062 : f32 to vector<16xf32>
        %mul3A_1064 = arith.mulf %mul3A_1063, %add3A_1061 : vector<16xf32>
        %max3A_1065 = arith.maximumf %add3A_1061, %mul3A_1064 : vector<16xf32>
        %exp3A_1066 = math.exp %max3A_1065 : vector<16xf32>
        %broadcast_in_dim3A_1067 = arith.constant 1 : i32
        %broadcast_in_dim3A_1068 = vector.broadcast %broadcast_in_dim3A_1067 : i32 to vector<16xi32>
        tpu.vector_store_idx %arg11[%add3A_1001, %broadcast_in_dim3A_1068], %exp3A_1066 : memref<256x16xf32, #tpu.memory_space<vmem>>[vector<16xi32>, vector<16xi32>], vector<16xf32>,
        %broadcast_in_dim3A_1069 = arith.constant 6 : i32
        %broadcast_in_dim3A_1070 = vector.broadcast %broadcast_in_dim3A_1069 : i32 to vector<16xi32>
        %mul3A_1071 = arith.mulf %gather3A_1033, %exp3A_1066 : vector<16xf32>
        tpu.vector_store_idx %arg11[%add3A_1001, %broadcast_in_dim3A_1070], %mul3A_1071 : memref<256x16xf32, #tpu.memory_space<vmem>>[vector<16xi32>, vector<16xi32>], vector<16xf32>,
        %broadcast_in_dim3A_1072 = arith.constant 7 : i32
        %broadcast_in_dim3A_1073 = vector.broadcast %broadcast_in_dim3A_1072 : i32 to vector<16xi32>
        %mul3A_1074 = arith.mulf %gather3A_1036, %exp3A_1066 : vector<16xf32>
        tpu.vector_store_idx %arg11[%add3A_1001, %broadcast_in_dim3A_1073], %mul3A_1074 : memref<256x16xf32, #tpu.memory_space<vmem>>[vector<16xi32>, vector<16xi32>], vector<16xf32>,
        %add3A_1075 = arith.addf %gather3A_1009, %gather3A_1021 : vector<16xf32>
        %mul3A_1076 = arith.constant 2.000000e-01 : f32
        %mul3A_1077 = vector.broadcast %mul3A_1076 : f32 to vector<16xf32>
        %mul3A_1078 = arith.mulf %mul3A_1077, %add3A_1075 : vector<16xf32>
        %max3A_1079 = arith.maximumf %add3A_1075, %mul3A_1078 : vector<16xf32>
        %exp3A_1080 = math.exp %max3A_1079 : vector<16xf32>
        %broadcast_in_dim3A_1081 = arith.constant 2 : i32
        %broadcast_in_dim3A_1082 = vector.broadcast %broadcast_in_dim3A_1081 : i32 to vector<16xi32>
        tpu.vector_store_idx %arg11[%add3A_1001, %broadcast_in_dim3A_1082], %exp3A_1080 : memref<256x16xf32, #tpu.memory_space<vmem>>[vector<16xi32>, vector<16xi32>], vector<16xf32>,
        %broadcast_in_dim3A_1083 = arith.constant 8 : i32
        %broadcast_in_dim3A_1084 = vector.broadcast %broadcast_in_dim3A_1083 : i32 to vector<16xi32>
        %mul3A_1085 = arith.mulf %gather3A_1039, %exp3A_1080 : vector<16xf32>
        tpu.vector_store_idx %arg11[%add3A_1001, %broadcast_in_dim3A_1084], %mul3A_1085 : memref<256x16xf32, #tpu.memory_space<vmem>>[vector<16xi32>, vector<16xi32>], vector<16xf32>,
        %broadcast_in_dim3A_1086 = arith.constant 9 : i32
        %broadcast_in_dim3A_1087 = vector.broadcast %broadcast_in_dim3A_1086 : i32 to vector<16xi32>
        %mul3A_1088 = arith.mulf %gather3A_1042, %exp3A_1080 : vector<16xf32>
        tpu.vector_store_idx %arg11[%add3A_1001, %broadcast_in_dim3A_1087], %mul3A_1088 : memref<256x16xf32, #tpu.memory_space<vmem>>[vector<16xi32>, vector<16xi32>], vector<16xf32>,
        %add3A_1089 = arith.addf %gather3A_1012, %gather3A_1024 : vector<16xf32>
        %mul3A_1090 = arith.constant 2.000000e-01 : f32
        %mul3A_1091 = vector.broadcast %mul3A_1090 : f32 to vector<16xf32>
        %mul3A_1092 = arith.mulf %mul3A_1091, %add3A_1089 : vector<16xf32>
        %max3A_1093 = arith.maximumf %add3A_1089, %mul3A_1092 : vector<16xf32>
        %exp3A_1094 = math.exp %max3A_1093 : vector<16xf32>
        %broadcast_in_dim3A_1095 = arith.constant 3 : i32
        %broadcast_in_dim3A_1096 = vector.broadcast %broadcast_in_dim3A_1095 : i32 to vector<16xi32>
        tpu.vector_store_idx %arg11[%add3A_1001, %broadcast_in_dim3A_1096], %exp3A_1094 : memref<256x16xf32, #tpu.memory_space<vmem>>[vector<16xi32>, vector<16xi32>], vector<16xf32>,
        %broadcast_in_dim3A_1097 = arith.constant 10 : i32
        %broadcast_in_dim3A_1098 = vector.broadcast %broadcast_in_dim3A_1097 : i32 to vector<16xi32>
        %mul3A_1099 = arith.mulf %gather3A_1045, %exp3A_1094 : vector<16xf32>
        tpu.vector_store_idx %arg11[%add3A_1001, %broadcast_in_dim3A_1098], %mul3A_1099 : memref<256x16xf32, #tpu.memory_space<vmem>>[vector<16xi32>, vector<16xi32>], vector<16xf32>,
        %broadcast_in_dim3A_1100 = arith.constant 11 : i32
        %broadcast_in_dim3A_1101 = vector.broadcast %broadcast_in_dim3A_1100 : i32 to vector<16xi32>
        %mul3A_1102 = arith.mulf %gather3A_1048, %exp3A_1094 : vector<16xf32>
        tpu.vector_store_idx %arg11[%add3A_1001, %broadcast_in_dim3A_1101], %mul3A_1102 : memref<256x16xf32, #tpu.memory_space<vmem>>[vector<16xi32>, vector<16xi32>], vector<16xf32>,
      }
      %scan3A_654 = arith.constant 8 : i32
      %jit3A_655 = arith.constant 8 : i32
      %div3A_656 = arith.divsi %add3A_556, %jit3A_655 : i32
      %sign3A_657 = arith.constant 0 : i32
      %sign3A_658 = arith.cmpi sgt, %add3A_556, %sign3A_657 : i32
      %sign3A_659 = arith.extui %sign3A_658 : i1 to i32
      %sign3A_660 = arith.constant 0 : i32
      %sign3A_661 = arith.cmpi slt, %add3A_556, %sign3A_660 : i32
      %sign3A_662 = arith.extui %sign3A_661 : i1 to i32
      %sign3A_663 = arith.subi %sign3A_659, %sign3A_662 : i32
      %sign3A_664 = arith.constant 0 : i32
      %sign3A_665 = arith.cmpi sgt, %jit3A_655, %sign3A_664 : i32
      %sign3A_666 = arith.extui %sign3A_665 : i1 to i32
      %sign3A_667 = arith.constant 0 : i32
      %sign3A_668 = arith.cmpi slt, %jit3A_655, %sign3A_667 : i32
      %sign3A_669 = arith.extui %sign3A_668 : i1 to i32
      %sign3A_670 = arith.subi %sign3A_666, %sign3A_669 : i32
      %ne3A_671 = arith.cmpi ne, %sign3A_663, %sign3A_670 : i32
      %rem3A_672 = arith.remsi %add3A_556, %jit3A_655 : i32
      %ne3A_673 = arith.constant 0 : i32
      %ne3A_674 = arith.cmpi ne, %rem3A_672, %ne3A_673 : i32
      %and3A_675 = arith.andi %ne3A_671, %ne3A_674 : i1
      %sub3A_676 = arith.constant 1 : i32
      %sub3A_677 = arith.subi %div3A_656, %sub3A_676 : i32
      %select_n3A_678 = arith.select %and3A_675, %sub3A_677, %div3A_656 : i32
      %rem3A_679 = arith.constant 3 : i32
      %rem3A_680 = arith.remsi %select_n3A_678, %rem3A_679 : i32
      %mul3A_681 = arith.constant 8 : i32
      %mul3A_682 = arith.muli %rem3A_680, %mul3A_681 : i32
      %rem3A_683 = arith.constant 8 : i32
      %rem3A_684 = arith.remsi %add3A_556, %rem3A_683 : i32
      %add3A_685 = arith.addi %mul3A_682, %rem3A_684 : i32
      %dma_start3A_686 = arith.constant 128 : i32
      %dma_start3A_687 = arith.constant 0 : i32
      %dma_start3A_688 = tpu.memref_slice %arg11[%dma_start3A_686, %dma_start3A_687] : memref<256x16xf32, #tpu.memory_space<vmem>> -> memref<128x16xf32, #tpu.memory_space<vmem>>
      %dma_start3A_689 = arith.constant 0 : i32
      %dma_start3A_690 = tpu.memref_slice %arg8[%add3A_685, %dma_start3A_689] : memref<24x128xi32, #tpu.memory_space<vmem>> -> memref<1x128xi32, #tpu.memory_space<vmem>>
      %dma_start3A_691 = tpu.memref_squeeze %dma_start3A_690 : memref<1x128xi32, #tpu.memory_space<vmem>> -> memref<128xi32, #tpu.memory_space<vmem>>
      %dma_start3A_692 = arith.constant 0 : i32
      %dma_start3A_693 = arith.constant 0 : i32
      %dma_start3A_694 = tpu.memref_slice %arg14[%dma_start3A_692, %dma_start3A_693] : memref<100096x16xf32, #tpu.memory_space<vmem_shared>> -> memref<100096x16xf32, #tpu.memory_space<vmem_shared>>
      tpu.enqueue_indirect_dma source(%dma_start3A_688 : memref<128x16xf32, #tpu.memory_space<vmem>>) target(%dma_start3A_694 : memref<100096x16xf32, #tpu.memory_space<vmem_shared>>) offsets(%dma_start3A_691 : memref<128xi32, #tpu.memory_space<vmem>>) semaphore(%arg20 : memref<!tpu.dma_semaphore, #tpu.memory_space<semaphore_mem>>) {add = true}
      %mul3A_695 = arith.constant 4 : i32
      %mul3A_696 = arith.muli %mul3A_695, %while3A_372 : i32
      %add3A_697 = arith.constant 2 : i32
      %add3A_698 = arith.addi %mul3A_696, %add3A_697 : i32
      %dma_wait3A_699 = arith.constant 0 : i32
      %dma_wait3A_700 = arith.constant 0 : i32
      %dma_wait3A_701 = arith.constant 0 : i32
      %dma_wait3A_702 = tpu.memref_slice %arg9[%dma_wait3A_700, %dma_wait3A_701] : memref<512x16xf32, #tpu.memory_space<vmem>> -> memref<128x16xf32, #tpu.memory_space<vmem>>
      %dma_wait3A_703 = arith.constant 0 : i32
      %dma_wait3A_704 = tpu.memref_slice %arg7[%dma_wait3A_699, %dma_wait3A_703] : memref<24x128xi32, #tpu.memory_space<vmem>> -> memref<1x128xi32, #tpu.memory_space<vmem>>
      %dma_wait3A_705 = tpu.memref_squeeze %dma_wait3A_704 : memref<1x128xi32, #tpu.memory_space<vmem>> -> memref<128xi32, #tpu.memory_space<vmem>>
      %dma_wait3A_706 = arith.constant 0 : i32
      %dma_wait3A_707 = arith.constant 0 : i32
      %dma_wait3A_708 = tpu.memref_slice %arg6[%arg0, %dma_wait3A_706, %dma_wait3A_707] : memref<2x100096x16xf32, #tpu.memory_space<hbm>> -> memref<1x100096x16xf32, #tpu.memory_space<hbm>>
      %dma_wait3A_709 = tpu.memref_squeeze %dma_wait3A_708 : memref<1x100096x16xf32, #tpu.memory_space<hbm>> -> memref<100096x16xf32, #tpu.memory_space<hbm>>
      %dma_wait3A_710 = arith.constant 0 : i32
      %dma_wait3A_711 = arith.constant 0 : i32
      %dma_wait3A_712 = tpu.memref_slice %dma_wait3A_709[%dma_wait3A_710, %dma_wait3A_711] : memref<100096x16xf32, #tpu.memory_space<hbm>> -> memref<100096x16xf32, #tpu.memory_space<hbm>>
      tpu.wait_indirect_dma semaphore(%arg17 : memref<!tpu.dma_semaphore, #tpu.memory_space<semaphore_mem>>) src(%dma_wait3A_712 : memref<100096x16xf32, #tpu.memory_space<hbm>>) dst(%dma_wait3A_702 : memref<128x16xf32, #tpu.memory_space<vmem>>)
      %dma_wait3A_713 = arith.constant 0 : i32
      %dma_wait3A_714 = arith.constant 0 : i32
      %dma_wait3A_715 = arith.constant 0 : i32
      %dma_wait3A_716 = tpu.memref_slice %arg10[%dma_wait3A_714, %dma_wait3A_715] : memref<512x16xf32, #tpu.memory_space<vmem>> -> memref<128x16xf32, #tpu.memory_space<vmem>>
      %dma_wait3A_717 = arith.constant 0 : i32
      %dma_wait3A_718 = tpu.memref_slice %arg7[%dma_wait3A_713, %dma_wait3A_717] : memref<24x128xi32, #tpu.memory_space<vmem>> -> memref<1x128xi32, #tpu.memory_space<vmem>>
      %dma_wait3A_719 = tpu.memref_squeeze %dma_wait3A_718 : memref<1x128xi32, #tpu.memory_space<vmem>> -> memref<128xi32, #tpu.memory_space<vmem>>
      %dma_wait3A_720 = arith.constant 0 : i32
      %dma_wait3A_721 = arith.constant 0 : i32
      %dma_wait3A_722 = tpu.memref_slice %arg6[%arg0, %dma_wait3A_720, %dma_wait3A_721] : memref<2x100096x16xf32, #tpu.memory_space<hbm>> -> memref<1x100096x16xf32, #tpu.memory_space<hbm>>
      %dma_wait3A_723 = tpu.memref_squeeze %dma_wait3A_722 : memref<1x100096x16xf32, #tpu.memory_space<hbm>> -> memref<100096x16xf32, #tpu.memory_space<hbm>>
      %dma_wait3A_724 = arith.constant 0 : i32
      %dma_wait3A_725 = arith.constant 0 : i32
      %dma_wait3A_726 = tpu.memref_slice %dma_wait3A_723[%dma_wait3A_724, %dma_wait3A_725] : memref<100096x16xf32, #tpu.memory_space<hbm>> -> memref<100096x16xf32, #tpu.memory_space<hbm>>
      tpu.wait_indirect_dma semaphore(%arg17 : memref<!tpu.dma_semaphore, #tpu.memory_space<semaphore_mem>>) src(%dma_wait3A_726 : memref<100096x16xf32, #tpu.memory_space<hbm>>) dst(%dma_wait3A_716 : memref<128x16xf32, #tpu.memory_space<vmem>>)
      %dma_wait3A_727 = arith.constant 0 : i32
      %dma_wait3A_728 = arith.constant 0 : i32
      %dma_wait3A_729 = arith.constant 0 : i32
      %dma_wait3A_730 = tpu.memref_slice %arg11[%dma_wait3A_728, %dma_wait3A_729] : memref<256x16xf32, #tpu.memory_space<vmem>> -> memref<128x16xf32, #tpu.memory_space<vmem>>
      %dma_wait3A_731 = arith.constant 0 : i32
      %dma_wait3A_732 = tpu.memref_slice %arg8[%dma_wait3A_727, %dma_wait3A_731] : memref<24x128xi32, #tpu.memory_space<vmem>> -> memref<1x128xi32, #tpu.memory_space<vmem>>
      %dma_wait3A_733 = tpu.memref_squeeze %dma_wait3A_732 : memref<1x128xi32, #tpu.memory_space<vmem>> -> memref<128xi32, #tpu.memory_space<vmem>>
      %dma_wait3A_734 = arith.constant 0 : i32
      %dma_wait3A_735 = arith.constant 0 : i32
      %dma_wait3A_736 = tpu.memref_slice %arg14[%dma_wait3A_734, %dma_wait3A_735] : memref<100096x16xf32, #tpu.memory_space<vmem_shared>> -> memref<100096x16xf32, #tpu.memory_space<vmem_shared>>
      tpu.wait_indirect_dma semaphore(%arg19 : memref<!tpu.dma_semaphore, #tpu.memory_space<semaphore_mem>>) src(%dma_wait3A_730 : memref<128x16xf32, #tpu.memory_space<vmem>>) dst(%dma_wait3A_736 : memref<100096x16xf32, #tpu.memory_space<vmem_shared>>)
      %add3A_737 = arith.constant 3 : i32
      %add3A_738 = arith.addi %add3A_698, %add3A_737 : i32
      %jit3A_739 = arith.constant 8 : i32
      %div3A_740 = arith.divsi %add3A_738, %jit3A_739 : i32
      %sign3A_741 = arith.constant 0 : i32
      %sign3A_742 = arith.cmpi sgt, %add3A_738, %sign3A_741 : i32
      %sign3A_743 = arith.extui %sign3A_742 : i1 to i32
      %sign3A_744 = arith.constant 0 : i32
      %sign3A_745 = arith.cmpi slt, %add3A_738, %sign3A_744 : i32
      %sign3A_746 = arith.extui %sign3A_745 : i1 to i32
      %sign3A_747 = arith.subi %sign3A_743, %sign3A_746 : i32
      %sign3A_748 = arith.constant 0 : i32
      %sign3A_749 = arith.cmpi sgt, %jit3A_739, %sign3A_748 : i32
      %sign3A_750 = arith.extui %sign3A_749 : i1 to i32
      %sign3A_751 = arith.constant 0 : i32
      %sign3A_752 = arith.cmpi slt, %jit3A_739, %sign3A_751 : i32
      %sign3A_753 = arith.extui %sign3A_752 : i1 to i32
      %sign3A_754 = arith.subi %sign3A_750, %sign3A_753 : i32
      %ne3A_755 = arith.cmpi ne, %sign3A_747, %sign3A_754 : i32
      %rem3A_756 = arith.remsi %add3A_738, %jit3A_739 : i32
      %ne3A_757 = arith.constant 0 : i32
      %ne3A_758 = arith.cmpi ne, %rem3A_756, %ne3A_757 : i32
      %and3A_759 = arith.andi %ne3A_755, %ne3A_758 : i1
      %sub3A_760 = arith.constant 1 : i32
      %sub3A_761 = arith.subi %div3A_740, %sub3A_760 : i32
      %select_n3A_762 = arith.select %and3A_759, %sub3A_761, %div3A_740 : i32
      %rem3A_763 = arith.constant 3 : i32
      %rem3A_764 = arith.remsi %select_n3A_762, %rem3A_763 : i32
      %mul3A_765 = arith.constant 8 : i32
      %mul3A_766 = arith.muli %rem3A_764, %mul3A_765 : i32
      %rem3A_767 = arith.constant 8 : i32
      %rem3A_768 = arith.remsi %add3A_738, %rem3A_767 : i32
      %add3A_769 = arith.addi %mul3A_766, %rem3A_768 : i32
      %dma_start3A_770 = arith.constant 128 : i32
      %dma_start3A_771 = arith.constant 0 : i32
      %dma_start3A_772 = tpu.memref_slice %arg9[%dma_start3A_770, %dma_start3A_771] : memref<512x16xf32, #tpu.memory_space<vmem>> -> memref<128x16xf32, #tpu.memory_space<vmem>>
      %dma_start3A_773 = arith.constant 0 : i32
      %dma_start3A_774 = tpu.memref_slice %arg7[%add3A_769, %dma_start3A_773] : memref<24x128xi32, #tpu.memory_space<vmem>> -> memref<1x128xi32, #tpu.memory_space<vmem>>
      %dma_start3A_775 = tpu.memref_squeeze %dma_start3A_774 : memref<1x128xi32, #tpu.memory_space<vmem>> -> memref<128xi32, #tpu.memory_space<vmem>>
      %dma_start3A_776 = arith.constant 0 : i32
      %dma_start3A_777 = arith.constant 0 : i32
      %dma_start3A_778 = tpu.memref_slice %arg6[%arg0, %dma_start3A_776, %dma_start3A_777] : memref<2x100096x16xf32, #tpu.memory_space<hbm>> -> memref<1x100096x16xf32, #tpu.memory_space<hbm>>
      %dma_start3A_779 = tpu.memref_squeeze %dma_start3A_778 : memref<1x100096x16xf32, #tpu.memory_space<hbm>> -> memref<100096x16xf32, #tpu.memory_space<hbm>>
      %dma_start3A_780 = arith.constant 0 : i32
      %dma_start3A_781 = arith.constant 0 : i32
      %dma_start3A_782 = tpu.memref_slice %dma_start3A_779[%dma_start3A_780, %dma_start3A_781] : memref<100096x16xf32, #tpu.memory_space<hbm>> -> memref<100096x16xf32, #tpu.memory_space<hbm>>
      tpu.enqueue_indirect_dma source(%dma_start3A_782 : memref<100096x16xf32, #tpu.memory_space<hbm>>) target(%dma_start3A_772 : memref<128x16xf32, #tpu.memory_space<vmem>>) offsets(%dma_start3A_775 : memref<128xi32, #tpu.memory_space<vmem>>) semaphore(%arg16 : memref<!tpu.dma_semaphore, #tpu.memory_space<semaphore_mem>>)
      %dma_start3A_783 = arith.constant 128 : i32
      %dma_start3A_784 = arith.constant 0 : i32
      %dma_start3A_785 = tpu.memref_slice %arg10[%dma_start3A_783, %dma_start3A_784] : memref<512x16xf32, #tpu.memory_space<vmem>> -> memref<128x16xf32, #tpu.memory_space<vmem>>
      %dma_start3A_786 = arith.constant 0 : i32
      %dma_start3A_787 = tpu.memref_slice %arg8[%add3A_769, %dma_start3A_786] : memref<24x128xi32, #tpu.memory_space<vmem>> -> memref<1x128xi32, #tpu.memory_space<vmem>>
      %dma_start3A_788 = tpu.memref_squeeze %dma_start3A_787 : memref<1x128xi32, #tpu.memory_space<vmem>> -> memref<128xi32, #tpu.memory_space<vmem>>
      %dma_start3A_789 = arith.constant 0 : i32
      %dma_start3A_790 = arith.constant 0 : i32
      %dma_start3A_791 = tpu.memref_slice %arg6[%arg0, %dma_start3A_789, %dma_start3A_790] : memref<2x100096x16xf32, #tpu.memory_space<hbm>> -> memref<1x100096x16xf32, #tpu.memory_space<hbm>>
      %dma_start3A_792 = tpu.memref_squeeze %dma_start3A_791 : memref<1x100096x16xf32, #tpu.memory_space<hbm>> -> memref<100096x16xf32, #tpu.memory_space<hbm>>
      %dma_start3A_793 = arith.constant 0 : i32
      %dma_start3A_794 = arith.constant 0 : i32
      %dma_start3A_795 = tpu.memref_slice %dma_start3A_792[%dma_start3A_793, %dma_start3A_794] : memref<100096x16xf32, #tpu.memory_space<hbm>> -> memref<100096x16xf32, #tpu.memory_space<hbm>>
      tpu.enqueue_indirect_dma source(%dma_start3A_795 : memref<100096x16xf32, #tpu.memory_space<hbm>>) target(%dma_start3A_785 : memref<128x16xf32, #tpu.memory_space<vmem>>) offsets(%dma_start3A_788 : memref<128xi32, #tpu.memory_space<vmem>>) semaphore(%arg16 : memref<!tpu.dma_semaphore, #tpu.memory_space<semaphore_mem>>)
      %scan3A_796 = arith.constant 0 : i32
      %scan3A_797 = arith.constant 0 : i32
      %scan3A_798 = arith.constant 8 : i32
      %scan3A_799 = arith.addi %scan3A_797, %scan3A_798 : i32
      %scan3A_800 = arith.constant 1 : i32
      scf.for %scan3A_989 = %scan3A_797 to %scan3A_799 step %scan3A_800  : i32 {
        %mul3A_990 = arith.constant 16 : i32
        %mul3A_991 = arith.muli %scan3A_989, %mul3A_990 : i32
        %add3A_992 = arith.constant 256 : i32
        %add3A_993 = arith.addi %mul3A_991, %add3A_992 : i32
        %add3A_994 = vector.broadcast %add3A_993 : i32 to vector<16xi32>
        %add3A_995 = arith.addi %iota3A, %add3A_994 : vector<16xi32>
        %mul3A_996 = arith.constant 16 : i32
        %mul3A_997 = arith.muli %scan3A_989, %mul3A_996 : i32
        %add3A_998 = arith.constant 0 : i32
        %add3A_999 = arith.addi %mul3A_997, %add3A_998 : i32
        %add3A_1000 = vector.broadcast %add3A_999 : i32 to vector<16xi32>
        %add3A_1001 = arith.addi %iota3A, %add3A_1000 : vector<16xi32>
        %broadcast_in_dim3A_1002 = arith.constant 0 : i32
        %broadcast_in_dim3A_1003 = vector.broadcast %broadcast_in_dim3A_1002 : i32 to vector<16xi32>
        %gather3A = tpu.vector_load_idx %arg9[%add3A_995, %broadcast_in_dim3A_1003] : memref<512x16xf32, #tpu.memory_space<vmem>>[vector<16xi32>, vector<16xi32>], vector<16xf32>,
        %broadcast_in_dim3A_1004 = arith.constant 1 : i32
        %broadcast_in_dim3A_1005 = vector.broadcast %broadcast_in_dim3A_1004 : i32 to vector<16xi32>
        %gather3A_1006 = tpu.vector_load_idx %arg9[%add3A_995, %broadcast_in_dim3A_1005] : memref<512x16xf32, #tpu.memory_space<vmem>>[vector<16xi32>, vector<16xi32>], vector<16xf32>,
        %broadcast_in_dim3A_1007 = arith.constant 2 : i32
        %broadcast_in_dim3A_1008 = vector.broadcast %broadcast_in_dim3A_1007 : i32 to vector<16xi32>
        %gather3A_1009 = tpu.vector_load_idx %arg9[%add3A_995, %broadcast_in_dim3A_1008] : memref<512x16xf32, #tpu.memory_space<vmem>>[vector<16xi32>, vector<16xi32>], vector<16xf32>,
        %broadcast_in_dim3A_1010 = arith.constant 3 : i32
        %broadcast_in_dim3A_1011 = vector.broadcast %broadcast_in_dim3A_1010 : i32 to vector<16xi32>
        %gather3A_1012 = tpu.vector_load_idx %arg9[%add3A_995, %broadcast_in_dim3A_1011] : memref<512x16xf32, #tpu.memory_space<vmem>>[vector<16xi32>, vector<16xi32>], vector<16xf32>,
        %broadcast_in_dim3A_1013 = arith.constant 4 : i32
        %broadcast_in_dim3A_1014 = vector.broadcast %broadcast_in_dim3A_1013 : i32 to vector<16xi32>
        %gather3A_1015 = tpu.vector_load_idx %arg10[%add3A_995, %broadcast_in_dim3A_1014] : memref<512x16xf32, #tpu.memory_space<vmem>>[vector<16xi32>, vector<16xi32>], vector<16xf32>,
        %broadcast_in_dim3A_1016 = arith.constant 5 : i32
        %broadcast_in_dim3A_1017 = vector.broadcast %broadcast_in_dim3A_1016 : i32 to vector<16xi32>
        %gather3A_1018 = tpu.vector_load_idx %arg10[%add3A_995, %broadcast_in_dim3A_1017] : memref<512x16xf32, #tpu.memory_space<vmem>>[vector<16xi32>, vector<16xi32>], vector<16xf32>,
        %broadcast_in_dim3A_1019 = arith.constant 6 : i32
        %broadcast_in_dim3A_1020 = vector.broadcast %broadcast_in_dim3A_1019 : i32 to vector<16xi32>
        %gather3A_1021 = tpu.vector_load_idx %arg10[%add3A_995, %broadcast_in_dim3A_1020] : memref<512x16xf32, #tpu.memory_space<vmem>>[vector<16xi32>, vector<16xi32>], vector<16xf32>,
        %broadcast_in_dim3A_1022 = arith.constant 7 : i32
        %broadcast_in_dim3A_1023 = vector.broadcast %broadcast_in_dim3A_1022 : i32 to vector<16xi32>
        %gather3A_1024 = tpu.vector_load_idx %arg10[%add3A_995, %broadcast_in_dim3A_1023] : memref<512x16xf32, #tpu.memory_space<vmem>>[vector<16xi32>, vector<16xi32>], vector<16xf32>,
        %broadcast_in_dim3A_1025 = arith.constant 8 : i32
        %broadcast_in_dim3A_1026 = vector.broadcast %broadcast_in_dim3A_1025 : i32 to vector<16xi32>
        %gather3A_1027 = tpu.vector_load_idx %arg9[%add3A_995, %broadcast_in_dim3A_1026] : memref<512x16xf32, #tpu.memory_space<vmem>>[vector<16xi32>, vector<16xi32>], vector<16xf32>,
        %broadcast_in_dim3A_1028 = arith.constant 9 : i32
        %broadcast_in_dim3A_1029 = vector.broadcast %broadcast_in_dim3A_1028 : i32 to vector<16xi32>
        %gather3A_1030 = tpu.vector_load_idx %arg9[%add3A_995, %broadcast_in_dim3A_1029] : memref<512x16xf32, #tpu.memory_space<vmem>>[vector<16xi32>, vector<16xi32>], vector<16xf32>,
        %broadcast_in_dim3A_1031 = arith.constant 10 : i32
        %broadcast_in_dim3A_1032 = vector.broadcast %broadcast_in_dim3A_1031 : i32 to vector<16xi32>
        %gather3A_1033 = tpu.vector_load_idx %arg9[%add3A_995, %broadcast_in_dim3A_1032] : memref<512x16xf32, #tpu.memory_space<vmem>>[vector<16xi32>, vector<16xi32>], vector<16xf32>,
        %broadcast_in_dim3A_1034 = arith.constant 11 : i32
        %broadcast_in_dim3A_1035 = vector.broadcast %broadcast_in_dim3A_1034 : i32 to vector<16xi32>
        %gather3A_1036 = tpu.vector_load_idx %arg9[%add3A_995, %broadcast_in_dim3A_1035] : memref<512x16xf32, #tpu.memory_space<vmem>>[vector<16xi32>, vector<16xi32>], vector<16xf32>,
        %broadcast_in_dim3A_1037 = arith.constant 12 : i32
        %broadcast_in_dim3A_1038 = vector.broadcast %broadcast_in_dim3A_1037 : i32 to vector<16xi32>
        %gather3A_1039 = tpu.vector_load_idx %arg9[%add3A_995, %broadcast_in_dim3A_1038] : memref<512x16xf32, #tpu.memory_space<vmem>>[vector<16xi32>, vector<16xi32>], vector<16xf32>,
        %broadcast_in_dim3A_1040 = arith.constant 13 : i32
        %broadcast_in_dim3A_1041 = vector.broadcast %broadcast_in_dim3A_1040 : i32 to vector<16xi32>
        %gather3A_1042 = tpu.vector_load_idx %arg9[%add3A_995, %broadcast_in_dim3A_1041] : memref<512x16xf32, #tpu.memory_space<vmem>>[vector<16xi32>, vector<16xi32>], vector<16xf32>,
        %broadcast_in_dim3A_1043 = arith.constant 14 : i32
        %broadcast_in_dim3A_1044 = vector.broadcast %broadcast_in_dim3A_1043 : i32 to vector<16xi32>
        %gather3A_1045 = tpu.vector_load_idx %arg9[%add3A_995, %broadcast_in_dim3A_1044] : memref<512x16xf32, #tpu.memory_space<vmem>>[vector<16xi32>, vector<16xi32>], vector<16xf32>,
        %broadcast_in_dim3A_1046 = arith.constant 15 : i32
        %broadcast_in_dim3A_1047 = vector.broadcast %broadcast_in_dim3A_1046 : i32 to vector<16xi32>
        %gather3A_1048 = tpu.vector_load_idx %arg9[%add3A_995, %broadcast_in_dim3A_1047] : memref<512x16xf32, #tpu.memory_space<vmem>>[vector<16xi32>, vector<16xi32>], vector<16xf32>,
        %add3A_1049 = arith.addf %gather3A, %gather3A_1015 : vector<16xf32>
        %mul3A_1050 = arith.constant 2.000000e-01 : f32
        %mul3A_1051 = vector.broadcast %mul3A_1050 : f32 to vector<16xf32>
        %mul3A_1052 = arith.mulf %mul3A_1051, %add3A_1049 : vector<16xf32>
        %max3A = arith.maximumf %add3A_1049, %mul3A_1052 : vector<16xf32>
        %exp3A = math.exp %max3A : vector<16xf32>
        %broadcast_in_dim3A_1053 = arith.constant 0 : i32
        %broadcast_in_dim3A_1054 = vector.broadcast %broadcast_in_dim3A_1053 : i32 to vector<16xi32>
        tpu.vector_store_idx %arg11[%add3A_1001, %broadcast_in_dim3A_1054], %exp3A : memref<256x16xf32, #tpu.memory_space<vmem>>[vector<16xi32>, vector<16xi32>], vector<16xf32>,
        %broadcast_in_dim3A_1055 = arith.constant 4 : i32
        %broadcast_in_dim3A_1056 = vector.broadcast %broadcast_in_dim3A_1055 : i32 to vector<16xi32>
        %mul3A_1057 = arith.mulf %gather3A_1027, %exp3A : vector<16xf32>
        tpu.vector_store_idx %arg11[%add3A_1001, %broadcast_in_dim3A_1056], %mul3A_1057 : memref<256x16xf32, #tpu.memory_space<vmem>>[vector<16xi32>, vector<16xi32>], vector<16xf32>,
        %broadcast_in_dim3A_1058 = arith.constant 5 : i32
        %broadcast_in_dim3A_1059 = vector.broadcast %broadcast_in_dim3A_1058 : i32 to vector<16xi32>
        %mul3A_1060 = arith.mulf %gather3A_1030, %exp3A : vector<16xf32>
        tpu.vector_store_idx %arg11[%add3A_1001, %broadcast_in_dim3A_1059], %mul3A_1060 : memref<256x16xf32, #tpu.memory_space<vmem>>[vector<16xi32>, vector<16xi32>], vector<16xf32>,
        %add3A_1061 = arith.addf %gather3A_1006, %gather3A_1018 : vector<16xf32>
        %mul3A_1062 = arith.constant 2.000000e-01 : f32
        %mul3A_1063 = vector.broadcast %mul3A_1062 : f32 to vector<16xf32>
        %mul3A_1064 = arith.mulf %mul3A_1063, %add3A_1061 : vector<16xf32>
        %max3A_1065 = arith.maximumf %add3A_1061, %mul3A_1064 : vector<16xf32>
        %exp3A_1066 = math.exp %max3A_1065 : vector<16xf32>
        %broadcast_in_dim3A_1067 = arith.constant 1 : i32
        %broadcast_in_dim3A_1068 = vector.broadcast %broadcast_in_dim3A_1067 : i32 to vector<16xi32>
        tpu.vector_store_idx %arg11[%add3A_1001, %broadcast_in_dim3A_1068], %exp3A_1066 : memref<256x16xf32, #tpu.memory_space<vmem>>[vector<16xi32>, vector<16xi32>], vector<16xf32>,
        %broadcast_in_dim3A_1069 = arith.constant 6 : i32
        %broadcast_in_dim3A_1070 = vector.broadcast %broadcast_in_dim3A_1069 : i32 to vector<16xi32>
        %mul3A_1071 = arith.mulf %gather3A_1033, %exp3A_1066 : vector<16xf32>
        tpu.vector_store_idx %arg11[%add3A_1001, %broadcast_in_dim3A_1070], %mul3A_1071 : memref<256x16xf32, #tpu.memory_space<vmem>>[vector<16xi32>, vector<16xi32>], vector<16xf32>,
        %broadcast_in_dim3A_1072 = arith.constant 7 : i32
        %broadcast_in_dim3A_1073 = vector.broadcast %broadcast_in_dim3A_1072 : i32 to vector<16xi32>
        %mul3A_1074 = arith.mulf %gather3A_1036, %exp3A_1066 : vector<16xf32>
        tpu.vector_store_idx %arg11[%add3A_1001, %broadcast_in_dim3A_1073], %mul3A_1074 : memref<256x16xf32, #tpu.memory_space<vmem>>[vector<16xi32>, vector<16xi32>], vector<16xf32>,
        %add3A_1075 = arith.addf %gather3A_1009, %gather3A_1021 : vector<16xf32>
        %mul3A_1076 = arith.constant 2.000000e-01 : f32
        %mul3A_1077 = vector.broadcast %mul3A_1076 : f32 to vector<16xf32>
        %mul3A_1078 = arith.mulf %mul3A_1077, %add3A_1075 : vector<16xf32>
        %max3A_1079 = arith.maximumf %add3A_1075, %mul3A_1078 : vector<16xf32>
        %exp3A_1080 = math.exp %max3A_1079 : vector<16xf32>
        %broadcast_in_dim3A_1081 = arith.constant 2 : i32
        %broadcast_in_dim3A_1082 = vector.broadcast %broadcast_in_dim3A_1081 : i32 to vector<16xi32>
        tpu.vector_store_idx %arg11[%add3A_1001, %broadcast_in_dim3A_1082], %exp3A_1080 : memref<256x16xf32, #tpu.memory_space<vmem>>[vector<16xi32>, vector<16xi32>], vector<16xf32>,
        %broadcast_in_dim3A_1083 = arith.constant 8 : i32
        %broadcast_in_dim3A_1084 = vector.broadcast %broadcast_in_dim3A_1083 : i32 to vector<16xi32>
        %mul3A_1085 = arith.mulf %gather3A_1039, %exp3A_1080 : vector<16xf32>
        tpu.vector_store_idx %arg11[%add3A_1001, %broadcast_in_dim3A_1084], %mul3A_1085 : memref<256x16xf32, #tpu.memory_space<vmem>>[vector<16xi32>, vector<16xi32>], vector<16xf32>,
        %broadcast_in_dim3A_1086 = arith.constant 9 : i32
        %broadcast_in_dim3A_1087 = vector.broadcast %broadcast_in_dim3A_1086 : i32 to vector<16xi32>
        %mul3A_1088 = arith.mulf %gather3A_1042, %exp3A_1080 : vector<16xf32>
        tpu.vector_store_idx %arg11[%add3A_1001, %broadcast_in_dim3A_1087], %mul3A_1088 : memref<256x16xf32, #tpu.memory_space<vmem>>[vector<16xi32>, vector<16xi32>], vector<16xf32>,
        %add3A_1089 = arith.addf %gather3A_1012, %gather3A_1024 : vector<16xf32>
        %mul3A_1090 = arith.constant 2.000000e-01 : f32
        %mul3A_1091 = vector.broadcast %mul3A_1090 : f32 to vector<16xf32>
        %mul3A_1092 = arith.mulf %mul3A_1091, %add3A_1089 : vector<16xf32>
        %max3A_1093 = arith.maximumf %add3A_1089, %mul3A_1092 : vector<16xf32>
        %exp3A_1094 = math.exp %max3A_1093 : vector<16xf32>
        %broadcast_in_dim3A_1095 = arith.constant 3 : i32
        %broadcast_in_dim3A_1096 = vector.broadcast %broadcast_in_dim3A_1095 : i32 to vector<16xi32>
        tpu.vector_store_idx %arg11[%add3A_1001, %broadcast_in_dim3A_1096], %exp3A_1094 : memref<256x16xf32, #tpu.memory_space<vmem>>[vector<16xi32>, vector<16xi32>], vector<16xf32>,
        %broadcast_in_dim3A_1097 = arith.constant 10 : i32
        %broadcast_in_dim3A_1098 = vector.broadcast %broadcast_in_dim3A_1097 : i32 to vector<16xi32>
        %mul3A_1099 = arith.mulf %gather3A_1045, %exp3A_1094 : vector<16xf32>
        tpu.vector_store_idx %arg11[%add3A_1001, %broadcast_in_dim3A_1098], %mul3A_1099 : memref<256x16xf32, #tpu.memory_space<vmem>>[vector<16xi32>, vector<16xi32>], vector<16xf32>,
        %broadcast_in_dim3A_1100 = arith.constant 11 : i32
        %broadcast_in_dim3A_1101 = vector.broadcast %broadcast_in_dim3A_1100 : i32 to vector<16xi32>
        %mul3A_1102 = arith.mulf %gather3A_1048, %exp3A_1094 : vector<16xf32>
        tpu.vector_store_idx %arg11[%add3A_1001, %broadcast_in_dim3A_1101], %mul3A_1102 : memref<256x16xf32, #tpu.memory_space<vmem>>[vector<16xi32>, vector<16xi32>], vector<16xf32>,
      }
      %scan3A_801 = arith.constant 8 : i32
      %jit3A_802 = arith.constant 8 : i32
      %div3A_803 = arith.divsi %add3A_698, %jit3A_802 : i32
      %sign3A_804 = arith.constant 0 : i32
      %sign3A_805 = arith.cmpi sgt, %add3A_698, %sign3A_804 : i32
      %sign3A_806 = arith.extui %sign3A_805 : i1 to i32
      %sign3A_807 = arith.constant 0 : i32
      %sign3A_808 = arith.cmpi slt, %add3A_698, %sign3A_807 : i32
      %sign3A_809 = arith.extui %sign3A_808 : i1 to i32
      %sign3A_810 = arith.subi %sign3A_806, %sign3A_809 : i32
      %sign3A_811 = arith.constant 0 : i32
      %sign3A_812 = arith.cmpi sgt, %jit3A_802, %sign3A_811 : i32
      %sign3A_813 = arith.extui %sign3A_812 : i1 to i32
      %sign3A_814 = arith.constant 0 : i32
      %sign3A_815 = arith.cmpi slt, %jit3A_802, %sign3A_814 : i32
      %sign3A_816 = arith.extui %sign3A_815 : i1 to i32
      %sign3A_817 = arith.subi %sign3A_813, %sign3A_816 : i32
      %ne3A_818 = arith.cmpi ne, %sign3A_810, %sign3A_817 : i32
      %rem3A_819 = arith.remsi %add3A_698, %jit3A_802 : i32
      %ne3A_820 = arith.constant 0 : i32
      %ne3A_821 = arith.cmpi ne, %rem3A_819, %ne3A_820 : i32
      %and3A_822 = arith.andi %ne3A_818, %ne3A_821 : i1
      %sub3A_823 = arith.constant 1 : i32
      %sub3A_824 = arith.subi %div3A_803, %sub3A_823 : i32
      %select_n3A_825 = arith.select %and3A_822, %sub3A_824, %div3A_803 : i32
      %rem3A_826 = arith.constant 3 : i32
      %rem3A_827 = arith.remsi %select_n3A_825, %rem3A_826 : i32
      %mul3A_828 = arith.constant 8 : i32
      %mul3A_829 = arith.muli %rem3A_827, %mul3A_828 : i32
      %rem3A_830 = arith.constant 8 : i32
      %rem3A_831 = arith.remsi %add3A_698, %rem3A_830 : i32
      %add3A_832 = arith.addi %mul3A_829, %rem3A_831 : i32
      %dma_start3A_833 = arith.constant 0 : i32
      %dma_start3A_834 = arith.constant 0 : i32
      %dma_start3A_835 = tpu.memref_slice %arg11[%dma_start3A_833, %dma_start3A_834] : memref<256x16xf32, #tpu.memory_space<vmem>> -> memref<128x16xf32, #tpu.memory_space<vmem>>
      %dma_start3A_836 = arith.constant 0 : i32
      %dma_start3A_837 = tpu.memref_slice %arg8[%add3A_832, %dma_start3A_836] : memref<24x128xi32, #tpu.memory_space<vmem>> -> memref<1x128xi32, #tpu.memory_space<vmem>>
      %dma_start3A_838 = tpu.memref_squeeze %dma_start3A_837 : memref<1x128xi32, #tpu.memory_space<vmem>> -> memref<128xi32, #tpu.memory_space<vmem>>
      %dma_start3A_839 = arith.constant 0 : i32
      %dma_start3A_840 = arith.constant 0 : i32
      %dma_start3A_841 = tpu.memref_slice %arg14[%dma_start3A_839, %dma_start3A_840] : memref<100096x16xf32, #tpu.memory_space<vmem_shared>> -> memref<100096x16xf32, #tpu.memory_space<vmem_shared>>
      tpu.enqueue_indirect_dma source(%dma_start3A_835 : memref<128x16xf32, #tpu.memory_space<vmem>>) target(%dma_start3A_841 : memref<100096x16xf32, #tpu.memory_space<vmem_shared>>) offsets(%dma_start3A_838 : memref<128xi32, #tpu.memory_space<vmem>>) semaphore(%arg19 : memref<!tpu.dma_semaphore, #tpu.memory_space<semaphore_mem>>) {add = true}
      %mul3A_842 = arith.constant 4 : i32
      %mul3A_843 = arith.muli %mul3A_842, %while3A_372 : i32
      %add3A_844 = arith.constant 3 : i32
      %add3A_845 = arith.addi %mul3A_843, %add3A_844 : i32
      %dma_wait3A_846 = arith.constant 0 : i32
      %dma_wait3A_847 = arith.constant 0 : i32
      %dma_wait3A_848 = arith.constant 0 : i32
      %dma_wait3A_849 = tpu.memref_slice %arg9[%dma_wait3A_847, %dma_wait3A_848] : memref<512x16xf32, #tpu.memory_space<vmem>> -> memref<128x16xf32, #tpu.memory_space<vmem>>
      %dma_wait3A_850 = arith.constant 0 : i32
      %dma_wait3A_851 = tpu.memref_slice %arg7[%dma_wait3A_846, %dma_wait3A_850] : memref<24x128xi32, #tpu.memory_space<vmem>> -> memref<1x128xi32, #tpu.memory_space<vmem>>
      %dma_wait3A_852 = tpu.memref_squeeze %dma_wait3A_851 : memref<1x128xi32, #tpu.memory_space<vmem>> -> memref<128xi32, #tpu.memory_space<vmem>>
      %dma_wait3A_853 = arith.constant 0 : i32
      %dma_wait3A_854 = arith.constant 0 : i32
      %dma_wait3A_855 = tpu.memref_slice %arg6[%arg0, %dma_wait3A_853, %dma_wait3A_854] : memref<2x100096x16xf32, #tpu.memory_space<hbm>> -> memref<1x100096x16xf32, #tpu.memory_space<hbm>>
      %dma_wait3A_856 = tpu.memref_squeeze %dma_wait3A_855 : memref<1x100096x16xf32, #tpu.memory_space<hbm>> -> memref<100096x16xf32, #tpu.memory_space<hbm>>
      %dma_wait3A_857 = arith.constant 0 : i32
      %dma_wait3A_858 = arith.constant 0 : i32
      %dma_wait3A_859 = tpu.memref_slice %dma_wait3A_856[%dma_wait3A_857, %dma_wait3A_858] : memref<100096x16xf32, #tpu.memory_space<hbm>> -> memref<100096x16xf32, #tpu.memory_space<hbm>>
      tpu.wait_indirect_dma semaphore(%arg18 : memref<!tpu.dma_semaphore, #tpu.memory_space<semaphore_mem>>) src(%dma_wait3A_859 : memref<100096x16xf32, #tpu.memory_space<hbm>>) dst(%dma_wait3A_849 : memref<128x16xf32, #tpu.memory_space<vmem>>)
      %dma_wait3A_860 = arith.constant 0 : i32
      %dma_wait3A_861 = arith.constant 0 : i32
      %dma_wait3A_862 = arith.constant 0 : i32
      %dma_wait3A_863 = tpu.memref_slice %arg10[%dma_wait3A_861, %dma_wait3A_862] : memref<512x16xf32, #tpu.memory_space<vmem>> -> memref<128x16xf32, #tpu.memory_space<vmem>>
      %dma_wait3A_864 = arith.constant 0 : i32
      %dma_wait3A_865 = tpu.memref_slice %arg7[%dma_wait3A_860, %dma_wait3A_864] : memref<24x128xi32, #tpu.memory_space<vmem>> -> memref<1x128xi32, #tpu.memory_space<vmem>>
      %dma_wait3A_866 = tpu.memref_squeeze %dma_wait3A_865 : memref<1x128xi32, #tpu.memory_space<vmem>> -> memref<128xi32, #tpu.memory_space<vmem>>
      %dma_wait3A_867 = arith.constant 0 : i32
      %dma_wait3A_868 = arith.constant 0 : i32
      %dma_wait3A_869 = tpu.memref_slice %arg6[%arg0, %dma_wait3A_867, %dma_wait3A_868] : memref<2x100096x16xf32, #tpu.memory_space<hbm>> -> memref<1x100096x16xf32, #tpu.memory_space<hbm>>
      %dma_wait3A_870 = tpu.memref_squeeze %dma_wait3A_869 : memref<1x100096x16xf32, #tpu.memory_space<hbm>> -> memref<100096x16xf32, #tpu.memory_space<hbm>>
      %dma_wait3A_871 = arith.constant 0 : i32
      %dma_wait3A_872 = arith.constant 0 : i32
      %dma_wait3A_873 = tpu.memref_slice %dma_wait3A_870[%dma_wait3A_871, %dma_wait3A_872] : memref<100096x16xf32, #tpu.memory_space<hbm>> -> memref<100096x16xf32, #tpu.memory_space<hbm>>
      tpu.wait_indirect_dma semaphore(%arg18 : memref<!tpu.dma_semaphore, #tpu.memory_space<semaphore_mem>>) src(%dma_wait3A_873 : memref<100096x16xf32, #tpu.memory_space<hbm>>) dst(%dma_wait3A_863 : memref<128x16xf32, #tpu.memory_space<vmem>>)
      %dma_wait3A_874 = arith.constant 0 : i32
      %dma_wait3A_875 = arith.constant 0 : i32
      %dma_wait3A_876 = arith.constant 0 : i32
      %dma_wait3A_877 = tpu.memref_slice %arg11[%dma_wait3A_875, %dma_wait3A_876] : memref<256x16xf32, #tpu.memory_space<vmem>> -> memref<128x16xf32, #tpu.memory_space<vmem>>
      %dma_wait3A_878 = arith.constant 0 : i32
      %dma_wait3A_879 = tpu.memref_slice %arg8[%dma_wait3A_874, %dma_wait3A_878] : memref<24x128xi32, #tpu.memory_space<vmem>> -> memref<1x128xi32, #tpu.memory_space<vmem>>
      %dma_wait3A_880 = tpu.memref_squeeze %dma_wait3A_879 : memref<1x128xi32, #tpu.memory_space<vmem>> -> memref<128xi32, #tpu.memory_space<vmem>>
      %dma_wait3A_881 = arith.constant 0 : i32
      %dma_wait3A_882 = arith.constant 0 : i32
      %dma_wait3A_883 = tpu.memref_slice %arg14[%dma_wait3A_881, %dma_wait3A_882] : memref<100096x16xf32, #tpu.memory_space<vmem_shared>> -> memref<100096x16xf32, #tpu.memory_space<vmem_shared>>
      tpu.wait_indirect_dma semaphore(%arg20 : memref<!tpu.dma_semaphore, #tpu.memory_space<semaphore_mem>>) src(%dma_wait3A_877 : memref<128x16xf32, #tpu.memory_space<vmem>>) dst(%dma_wait3A_883 : memref<100096x16xf32, #tpu.memory_space<vmem_shared>>)
      %add3A_884 = arith.constant 3 : i32
      %add3A_885 = arith.addi %add3A_845, %add3A_884 : i32
      %jit3A_886 = arith.constant 8 : i32
      %div3A_887 = arith.divsi %add3A_885, %jit3A_886 : i32
      %sign3A_888 = arith.constant 0 : i32
      %sign3A_889 = arith.cmpi sgt, %add3A_885, %sign3A_888 : i32
      %sign3A_890 = arith.extui %sign3A_889 : i1 to i32
      %sign3A_891 = arith.constant 0 : i32
      %sign3A_892 = arith.cmpi slt, %add3A_885, %sign3A_891 : i32
      %sign3A_893 = arith.extui %sign3A_892 : i1 to i32
      %sign3A_894 = arith.subi %sign3A_890, %sign3A_893 : i32
      %sign3A_895 = arith.constant 0 : i32
      %sign3A_896 = arith.cmpi sgt, %jit3A_886, %sign3A_895 : i32
      %sign3A_897 = arith.extui %sign3A_896 : i1 to i32
      %sign3A_898 = arith.constant 0 : i32
      %sign3A_899 = arith.cmpi slt, %jit3A_886, %sign3A_898 : i32
      %sign3A_900 = arith.extui %sign3A_899 : i1 to i32
      %sign3A_901 = arith.subi %sign3A_897, %sign3A_900 : i32
      %ne3A_902 = arith.cmpi ne, %sign3A_894, %sign3A_901 : i32
      %rem3A_903 = arith.remsi %add3A_885, %jit3A_886 : i32
      %ne3A_904 = arith.constant 0 : i32
      %ne3A_905 = arith.cmpi ne, %rem3A_903, %ne3A_904 : i32
      %and3A_906 = arith.andi %ne3A_902, %ne3A_905 : i1
      %sub3A_907 = arith.constant 1 : i32
      %sub3A_908 = arith.subi %div3A_887, %sub3A_907 : i32
      %select_n3A_909 = arith.select %and3A_906, %sub3A_908, %div3A_887 : i32
      %rem3A_910 = arith.constant 3 : i32
      %rem3A_911 = arith.remsi %select_n3A_909, %rem3A_910 : i32
      %mul3A_912 = arith.constant 8 : i32
      %mul3A_913 = arith.muli %rem3A_911, %mul3A_912 : i32
      %rem3A_914 = arith.constant 8 : i32
      %rem3A_915 = arith.remsi %add3A_885, %rem3A_914 : i32
      %add3A_916 = arith.addi %mul3A_913, %rem3A_915 : i32
      %dma_start3A_917 = arith.constant 256 : i32
      %dma_start3A_918 = arith.constant 0 : i32
      %dma_start3A_919 = tpu.memref_slice %arg9[%dma_start3A_917, %dma_start3A_918] : memref<512x16xf32, #tpu.memory_space<vmem>> -> memref<128x16xf32, #tpu.memory_space<vmem>>
      %dma_start3A_920 = arith.constant 0 : i32
      %dma_start3A_921 = tpu.memref_slice %arg7[%add3A_916, %dma_start3A_920] : memref<24x128xi32, #tpu.memory_space<vmem>> -> memref<1x128xi32, #tpu.memory_space<vmem>>
      %dma_start3A_922 = tpu.memref_squeeze %dma_start3A_921 : memref<1x128xi32, #tpu.memory_space<vmem>> -> memref<128xi32, #tpu.memory_space<vmem>>
      %dma_start3A_923 = arith.constant 0 : i32
      %dma_start3A_924 = arith.constant 0 : i32
      %dma_start3A_925 = tpu.memref_slice %arg6[%arg0, %dma_start3A_923, %dma_start3A_924] : memref<2x100096x16xf32, #tpu.memory_space<hbm>> -> memref<1x100096x16xf32, #tpu.memory_space<hbm>>
      %dma_start3A_926 = tpu.memref_squeeze %dma_start3A_925 : memref<1x100096x16xf32, #tpu.memory_space<hbm>> -> memref<100096x16xf32, #tpu.memory_space<hbm>>
      %dma_start3A_927 = arith.constant 0 : i32
      %dma_start3A_928 = arith.constant 0 : i32
      %dma_start3A_929 = tpu.memref_slice %dma_start3A_926[%dma_start3A_927, %dma_start3A_928] : memref<100096x16xf32, #tpu.memory_space<hbm>> -> memref<100096x16xf32, #tpu.memory_space<hbm>>
      tpu.enqueue_indirect_dma source(%dma_start3A_929 : memref<100096x16xf32, #tpu.memory_space<hbm>>) target(%dma_start3A_919 : memref<128x16xf32, #tpu.memory_space<vmem>>) offsets(%dma_start3A_922 : memref<128xi32, #tpu.memory_space<vmem>>) semaphore(%arg17 : memref<!tpu.dma_semaphore, #tpu.memory_space<semaphore_mem>>)
      %dma_start3A_930 = arith.constant 256 : i32
      %dma_start3A_931 = arith.constant 0 : i32
      %dma_start3A_932 = tpu.memref_slice %arg10[%dma_start3A_930, %dma_start3A_931] : memref<512x16xf32, #tpu.memory_space<vmem>> -> memref<128x16xf32, #tpu.memory_space<vmem>>
      %dma_start3A_933 = arith.constant 0 : i32
      %dma_start3A_934 = tpu.memref_slice %arg8[%add3A_916, %dma_start3A_933] : memref<24x128xi32, #tpu.memory_space<vmem>> -> memref<1x128xi32, #tpu.memory_space<vmem>>
      %dma_start3A_935 = tpu.memref_squeeze %dma_start3A_934 : memref<1x128xi32, #tpu.memory_space<vmem>> -> memref<128xi32, #tpu.memory_space<vmem>>
      %dma_start3A_936 = arith.constant 0 : i32
      %dma_start3A_937 = arith.constant 0 : i32
      %dma_start3A_938 = tpu.memref_slice %arg6[%arg0, %dma_start3A_936, %dma_start3A_937] : memref<2x100096x16xf32, #tpu.memory_space<hbm>> -> memref<1x100096x16xf32, #tpu.memory_space<hbm>>
      %dma_start3A_939 = tpu.memref_squeeze %dma_start3A_938 : memref<1x100096x16xf32, #tpu.memory_space<hbm>> -> memref<100096x16xf32, #tpu.memory_space<hbm>>
      %dma_start3A_940 = arith.constant 0 : i32
      %dma_start3A_941 = arith.constant 0 : i32
      %dma_start3A_942 = tpu.memref_slice %dma_start3A_939[%dma_start3A_940, %dma_start3A_941] : memref<100096x16xf32, #tpu.memory_space<hbm>> -> memref<100096x16xf32, #tpu.memory_space<hbm>>
      tpu.enqueue_indirect_dma source(%dma_start3A_942 : memref<100096x16xf32, #tpu.memory_space<hbm>>) target(%dma_start3A_932 : memref<128x16xf32, #tpu.memory_space<vmem>>) offsets(%dma_start3A_935 : memref<128xi32, #tpu.memory_space<vmem>>) semaphore(%arg17 : memref<!tpu.dma_semaphore, #tpu.memory_space<semaphore_mem>>)
      %scan3A_943 = arith.constant 0 : i32
      %scan3A_944 = arith.constant 0 : i32
      %scan3A_945 = arith.constant 8 : i32
      %scan3A_946 = arith.addi %scan3A_944, %scan3A_945 : i32
      %scan3A_947 = arith.constant 1 : i32
      scf.for %scan3A_989 = %scan3A_944 to %scan3A_946 step %scan3A_947  : i32 {
        %mul3A_990 = arith.constant 16 : i32
        %mul3A_991 = arith.muli %scan3A_989, %mul3A_990 : i32
        %add3A_992 = arith.constant 384 : i32
        %add3A_993 = arith.addi %mul3A_991, %add3A_992 : i32
        %add3A_994 = vector.broadcast %add3A_993 : i32 to vector<16xi32>
        %add3A_995 = arith.addi %iota3A, %add3A_994 : vector<16xi32>
        %mul3A_996 = arith.constant 16 : i32
        %mul3A_997 = arith.muli %scan3A_989, %mul3A_996 : i32
        %add3A_998 = arith.constant 128 : i32
        %add3A_999 = arith.addi %mul3A_997, %add3A_998 : i32
        %add3A_1000 = vector.broadcast %add3A_999 : i32 to vector<16xi32>
        %add3A_1001 = arith.addi %iota3A, %add3A_1000 : vector<16xi32>
        %broadcast_in_dim3A_1002 = arith.constant 0 : i32
        %broadcast_in_dim3A_1003 = vector.broadcast %broadcast_in_dim3A_1002 : i32 to vector<16xi32>
        %gather3A = tpu.vector_load_idx %arg9[%add3A_995, %broadcast_in_dim3A_1003] : memref<512x16xf32, #tpu.memory_space<vmem>>[vector<16xi32>, vector<16xi32>], vector<16xf32>,
        %broadcast_in_dim3A_1004 = arith.constant 1 : i32
        %broadcast_in_dim3A_1005 = vector.broadcast %broadcast_in_dim3A_1004 : i32 to vector<16xi32>
        %gather3A_1006 = tpu.vector_load_idx %arg9[%add3A_995, %broadcast_in_dim3A_1005] : memref<512x16xf32, #tpu.memory_space<vmem>>[vector<16xi32>, vector<16xi32>], vector<16xf32>,
        %broadcast_in_dim3A_1007 = arith.constant 2 : i32
        %broadcast_in_dim3A_1008 = vector.broadcast %broadcast_in_dim3A_1007 : i32 to vector<16xi32>
        %gather3A_1009 = tpu.vector_load_idx %arg9[%add3A_995, %broadcast_in_dim3A_1008] : memref<512x16xf32, #tpu.memory_space<vmem>>[vector<16xi32>, vector<16xi32>], vector<16xf32>,
        %broadcast_in_dim3A_1010 = arith.constant 3 : i32
        %broadcast_in_dim3A_1011 = vector.broadcast %broadcast_in_dim3A_1010 : i32 to vector<16xi32>
        %gather3A_1012 = tpu.vector_load_idx %arg9[%add3A_995, %broadcast_in_dim3A_1011] : memref<512x16xf32, #tpu.memory_space<vmem>>[vector<16xi32>, vector<16xi32>], vector<16xf32>,
        %broadcast_in_dim3A_1013 = arith.constant 4 : i32
        %broadcast_in_dim3A_1014 = vector.broadcast %broadcast_in_dim3A_1013 : i32 to vector<16xi32>
        %gather3A_1015 = tpu.vector_load_idx %arg10[%add3A_995, %broadcast_in_dim3A_1014] : memref<512x16xf32, #tpu.memory_space<vmem>>[vector<16xi32>, vector<16xi32>], vector<16xf32>,
        %broadcast_in_dim3A_1016 = arith.constant 5 : i32
        %broadcast_in_dim3A_1017 = vector.broadcast %broadcast_in_dim3A_1016 : i32 to vector<16xi32>
        %gather3A_1018 = tpu.vector_load_idx %arg10[%add3A_995, %broadcast_in_dim3A_1017] : memref<512x16xf32, #tpu.memory_space<vmem>>[vector<16xi32>, vector<16xi32>], vector<16xf32>,
        %broadcast_in_dim3A_1019 = arith.constant 6 : i32
        %broadcast_in_dim3A_1020 = vector.broadcast %broadcast_in_dim3A_1019 : i32 to vector<16xi32>
        %gather3A_1021 = tpu.vector_load_idx %arg10[%add3A_995, %broadcast_in_dim3A_1020] : memref<512x16xf32, #tpu.memory_space<vmem>>[vector<16xi32>, vector<16xi32>], vector<16xf32>,
        %broadcast_in_dim3A_1022 = arith.constant 7 : i32
        %broadcast_in_dim3A_1023 = vector.broadcast %broadcast_in_dim3A_1022 : i32 to vector<16xi32>
        %gather3A_1024 = tpu.vector_load_idx %arg10[%add3A_995, %broadcast_in_dim3A_1023] : memref<512x16xf32, #tpu.memory_space<vmem>>[vector<16xi32>, vector<16xi32>], vector<16xf32>,
        %broadcast_in_dim3A_1025 = arith.constant 8 : i32
        %broadcast_in_dim3A_1026 = vector.broadcast %broadcast_in_dim3A_1025 : i32 to vector<16xi32>
        %gather3A_1027 = tpu.vector_load_idx %arg9[%add3A_995, %broadcast_in_dim3A_1026] : memref<512x16xf32, #tpu.memory_space<vmem>>[vector<16xi32>, vector<16xi32>], vector<16xf32>,
        %broadcast_in_dim3A_1028 = arith.constant 9 : i32
        %broadcast_in_dim3A_1029 = vector.broadcast %broadcast_in_dim3A_1028 : i32 to vector<16xi32>
        %gather3A_1030 = tpu.vector_load_idx %arg9[%add3A_995, %broadcast_in_dim3A_1029] : memref<512x16xf32, #tpu.memory_space<vmem>>[vector<16xi32>, vector<16xi32>], vector<16xf32>,
        %broadcast_in_dim3A_1031 = arith.constant 10 : i32
        %broadcast_in_dim3A_1032 = vector.broadcast %broadcast_in_dim3A_1031 : i32 to vector<16xi32>
        %gather3A_1033 = tpu.vector_load_idx %arg9[%add3A_995, %broadcast_in_dim3A_1032] : memref<512x16xf32, #tpu.memory_space<vmem>>[vector<16xi32>, vector<16xi32>], vector<16xf32>,
        %broadcast_in_dim3A_1034 = arith.constant 11 : i32
        %broadcast_in_dim3A_1035 = vector.broadcast %broadcast_in_dim3A_1034 : i32 to vector<16xi32>
        %gather3A_1036 = tpu.vector_load_idx %arg9[%add3A_995, %broadcast_in_dim3A_1035] : memref<512x16xf32, #tpu.memory_space<vmem>>[vector<16xi32>, vector<16xi32>], vector<16xf32>,
        %broadcast_in_dim3A_1037 = arith.constant 12 : i32
        %broadcast_in_dim3A_1038 = vector.broadcast %broadcast_in_dim3A_1037 : i32 to vector<16xi32>
        %gather3A_1039 = tpu.vector_load_idx %arg9[%add3A_995, %broadcast_in_dim3A_1038] : memref<512x16xf32, #tpu.memory_space<vmem>>[vector<16xi32>, vector<16xi32>], vector<16xf32>,
        %broadcast_in_dim3A_1040 = arith.constant 13 : i32
        %broadcast_in_dim3A_1041 = vector.broadcast %broadcast_in_dim3A_1040 : i32 to vector<16xi32>
        %gather3A_1042 = tpu.vector_load_idx %arg9[%add3A_995, %broadcast_in_dim3A_1041] : memref<512x16xf32, #tpu.memory_space<vmem>>[vector<16xi32>, vector<16xi32>], vector<16xf32>,
        %broadcast_in_dim3A_1043 = arith.constant 14 : i32
        %broadcast_in_dim3A_1044 = vector.broadcast %broadcast_in_dim3A_1043 : i32 to vector<16xi32>
        %gather3A_1045 = tpu.vector_load_idx %arg9[%add3A_995, %broadcast_in_dim3A_1044] : memref<512x16xf32, #tpu.memory_space<vmem>>[vector<16xi32>, vector<16xi32>], vector<16xf32>,
        %broadcast_in_dim3A_1046 = arith.constant 15 : i32
        %broadcast_in_dim3A_1047 = vector.broadcast %broadcast_in_dim3A_1046 : i32 to vector<16xi32>
        %gather3A_1048 = tpu.vector_load_idx %arg9[%add3A_995, %broadcast_in_dim3A_1047] : memref<512x16xf32, #tpu.memory_space<vmem>>[vector<16xi32>, vector<16xi32>], vector<16xf32>,
        %add3A_1049 = arith.addf %gather3A, %gather3A_1015 : vector<16xf32>
        %mul3A_1050 = arith.constant 2.000000e-01 : f32
        %mul3A_1051 = vector.broadcast %mul3A_1050 : f32 to vector<16xf32>
        %mul3A_1052 = arith.mulf %mul3A_1051, %add3A_1049 : vector<16xf32>
        %max3A = arith.maximumf %add3A_1049, %mul3A_1052 : vector<16xf32>
        %exp3A = math.exp %max3A : vector<16xf32>
        %broadcast_in_dim3A_1053 = arith.constant 0 : i32
        %broadcast_in_dim3A_1054 = vector.broadcast %broadcast_in_dim3A_1053 : i32 to vector<16xi32>
        tpu.vector_store_idx %arg11[%add3A_1001, %broadcast_in_dim3A_1054], %exp3A : memref<256x16xf32, #tpu.memory_space<vmem>>[vector<16xi32>, vector<16xi32>], vector<16xf32>,
        %broadcast_in_dim3A_1055 = arith.constant 4 : i32
        %broadcast_in_dim3A_1056 = vector.broadcast %broadcast_in_dim3A_1055 : i32 to vector<16xi32>
        %mul3A_1057 = arith.mulf %gather3A_1027, %exp3A : vector<16xf32>
        tpu.vector_store_idx %arg11[%add3A_1001, %broadcast_in_dim3A_1056], %mul3A_1057 : memref<256x16xf32, #tpu.memory_space<vmem>>[vector<16xi32>, vector<16xi32>], vector<16xf32>,
        %broadcast_in_dim3A_1058 = arith.constant 5 : i32
        %broadcast_in_dim3A_1059 = vector.broadcast %broadcast_in_dim3A_1058 : i32 to vector<16xi32>
        %mul3A_1060 = arith.mulf %gather3A_1030, %exp3A : vector<16xf32>
        tpu.vector_store_idx %arg11[%add3A_1001, %broadcast_in_dim3A_1059], %mul3A_1060 : memref<256x16xf32, #tpu.memory_space<vmem>>[vector<16xi32>, vector<16xi32>], vector<16xf32>,
        %add3A_1061 = arith.addf %gather3A_1006, %gather3A_1018 : vector<16xf32>
        %mul3A_1062 = arith.constant 2.000000e-01 : f32
        %mul3A_1063 = vector.broadcast %mul3A_1062 : f32 to vector<16xf32>
        %mul3A_1064 = arith.mulf %mul3A_1063, %add3A_1061 : vector<16xf32>
        %max3A_1065 = arith.maximumf %add3A_1061, %mul3A_1064 : vector<16xf32>
        %exp3A_1066 = math.exp %max3A_1065 : vector<16xf32>
        %broadcast_in_dim3A_1067 = arith.constant 1 : i32
        %broadcast_in_dim3A_1068 = vector.broadcast %broadcast_in_dim3A_1067 : i32 to vector<16xi32>
        tpu.vector_store_idx %arg11[%add3A_1001, %broadcast_in_dim3A_1068], %exp3A_1066 : memref<256x16xf32, #tpu.memory_space<vmem>>[vector<16xi32>, vector<16xi32>], vector<16xf32>,
        %broadcast_in_dim3A_1069 = arith.constant 6 : i32
        %broadcast_in_dim3A_1070 = vector.broadcast %broadcast_in_dim3A_1069 : i32 to vector<16xi32>
        %mul3A_1071 = arith.mulf %gather3A_1033, %exp3A_1066 : vector<16xf32>
        tpu.vector_store_idx %arg11[%add3A_1001, %broadcast_in_dim3A_1070], %mul3A_1071 : memref<256x16xf32, #tpu.memory_space<vmem>>[vector<16xi32>, vector<16xi32>], vector<16xf32>,
        %broadcast_in_dim3A_1072 = arith.constant 7 : i32
        %broadcast_in_dim3A_1073 = vector.broadcast %broadcast_in_dim3A_1072 : i32 to vector<16xi32>
        %mul3A_1074 = arith.mulf %gather3A_1036, %exp3A_1066 : vector<16xf32>
        tpu.vector_store_idx %arg11[%add3A_1001, %broadcast_in_dim3A_1073], %mul3A_1074 : memref<256x16xf32, #tpu.memory_space<vmem>>[vector<16xi32>, vector<16xi32>], vector<16xf32>,
        %add3A_1075 = arith.addf %gather3A_1009, %gather3A_1021 : vector<16xf32>
        %mul3A_1076 = arith.constant 2.000000e-01 : f32
        %mul3A_1077 = vector.broadcast %mul3A_1076 : f32 to vector<16xf32>
        %mul3A_1078 = arith.mulf %mul3A_1077, %add3A_1075 : vector<16xf32>
        %max3A_1079 = arith.maximumf %add3A_1075, %mul3A_1078 : vector<16xf32>
        %exp3A_1080 = math.exp %max3A_1079 : vector<16xf32>
        %broadcast_in_dim3A_1081 = arith.constant 2 : i32
        %broadcast_in_dim3A_1082 = vector.broadcast %broadcast_in_dim3A_1081 : i32 to vector<16xi32>
        tpu.vector_store_idx %arg11[%add3A_1001, %broadcast_in_dim3A_1082], %exp3A_1080 : memref<256x16xf32, #tpu.memory_space<vmem>>[vector<16xi32>, vector<16xi32>], vector<16xf32>,
        %broadcast_in_dim3A_1083 = arith.constant 8 : i32
        %broadcast_in_dim3A_1084 = vector.broadcast %broadcast_in_dim3A_1083 : i32 to vector<16xi32>
        %mul3A_1085 = arith.mulf %gather3A_1039, %exp3A_1080 : vector<16xf32>
        tpu.vector_store_idx %arg11[%add3A_1001, %broadcast_in_dim3A_1084], %mul3A_1085 : memref<256x16xf32, #tpu.memory_space<vmem>>[vector<16xi32>, vector<16xi32>], vector<16xf32>,
        %broadcast_in_dim3A_1086 = arith.constant 9 : i32
        %broadcast_in_dim3A_1087 = vector.broadcast %broadcast_in_dim3A_1086 : i32 to vector<16xi32>
        %mul3A_1088 = arith.mulf %gather3A_1042, %exp3A_1080 : vector<16xf32>
        tpu.vector_store_idx %arg11[%add3A_1001, %broadcast_in_dim3A_1087], %mul3A_1088 : memref<256x16xf32, #tpu.memory_space<vmem>>[vector<16xi32>, vector<16xi32>], vector<16xf32>,
        %add3A_1089 = arith.addf %gather3A_1012, %gather3A_1024 : vector<16xf32>
        %mul3A_1090 = arith.constant 2.000000e-01 : f32
        %mul3A_1091 = vector.broadcast %mul3A_1090 : f32 to vector<16xf32>
        %mul3A_1092 = arith.mulf %mul3A_1091, %add3A_1089 : vector<16xf32>
        %max3A_1093 = arith.maximumf %add3A_1089, %mul3A_1092 : vector<16xf32>
        %exp3A_1094 = math.exp %max3A_1093 : vector<16xf32>
        %broadcast_in_dim3A_1095 = arith.constant 3 : i32
        %broadcast_in_dim3A_1096 = vector.broadcast %broadcast_in_dim3A_1095 : i32 to vector<16xi32>
        tpu.vector_store_idx %arg11[%add3A_1001, %broadcast_in_dim3A_1096], %exp3A_1094 : memref<256x16xf32, #tpu.memory_space<vmem>>[vector<16xi32>, vector<16xi32>], vector<16xf32>,
        %broadcast_in_dim3A_1097 = arith.constant 10 : i32
        %broadcast_in_dim3A_1098 = vector.broadcast %broadcast_in_dim3A_1097 : i32 to vector<16xi32>
        %mul3A_1099 = arith.mulf %gather3A_1045, %exp3A_1094 : vector<16xf32>
        tpu.vector_store_idx %arg11[%add3A_1001, %broadcast_in_dim3A_1098], %mul3A_1099 : memref<256x16xf32, #tpu.memory_space<vmem>>[vector<16xi32>, vector<16xi32>], vector<16xf32>,
        %broadcast_in_dim3A_1100 = arith.constant 11 : i32
        %broadcast_in_dim3A_1101 = vector.broadcast %broadcast_in_dim3A_1100 : i32 to vector<16xi32>
        %mul3A_1102 = arith.mulf %gather3A_1048, %exp3A_1094 : vector<16xf32>
        tpu.vector_store_idx %arg11[%add3A_1001, %broadcast_in_dim3A_1101], %mul3A_1102 : memref<256x16xf32, #tpu.memory_space<vmem>>[vector<16xi32>, vector<16xi32>], vector<16xf32>,
      }
      %scan3A_948 = arith.constant 8 : i32
      %jit3A_949 = arith.constant 8 : i32
      %div3A_950 = arith.divsi %add3A_845, %jit3A_949 : i32
      %sign3A_951 = arith.constant 0 : i32
      %sign3A_952 = arith.cmpi sgt, %add3A_845, %sign3A_951 : i32
      %sign3A_953 = arith.extui %sign3A_952 : i1 to i32
      %sign3A_954 = arith.constant 0 : i32
      %sign3A_955 = arith.cmpi slt, %add3A_845, %sign3A_954 : i32
      %sign3A_956 = arith.extui %sign3A_955 : i1 to i32
      %sign3A_957 = arith.subi %sign3A_953, %sign3A_956 : i32
      %sign3A_958 = arith.constant 0 : i32
      %sign3A_959 = arith.cmpi sgt, %jit3A_949, %sign3A_958 : i32
      %sign3A_960 = arith.extui %sign3A_959 : i1 to i32
      %sign3A_961 = arith.constant 0 : i32
      %sign3A_962 = arith.cmpi slt, %jit3A_949, %sign3A_961 : i32
      %sign3A_963 = arith.extui %sign3A_962 : i1 to i32
      %sign3A_964 = arith.subi %sign3A_960, %sign3A_963 : i32
      %ne3A_965 = arith.cmpi ne, %sign3A_957, %sign3A_964 : i32
      %rem3A_966 = arith.remsi %add3A_845, %jit3A_949 : i32
      %ne3A_967 = arith.constant 0 : i32
      %ne3A_968 = arith.cmpi ne, %rem3A_966, %ne3A_967 : i32
      %and3A_969 = arith.andi %ne3A_965, %ne3A_968 : i1
      %sub3A_970 = arith.constant 1 : i32
      %sub3A_971 = arith.subi %div3A_950, %sub3A_970 : i32
      %select_n3A_972 = arith.select %and3A_969, %sub3A_971, %div3A_950 : i32
      %rem3A_973 = arith.constant 3 : i32
      %rem3A_974 = arith.remsi %select_n3A_972, %rem3A_973 : i32
      %mul3A_975 = arith.constant 8 : i32
      %mul3A_976 = arith.muli %rem3A_974, %mul3A_975 : i32
      %rem3A_977 = arith.constant 8 : i32
      %rem3A_978 = arith.remsi %add3A_845, %rem3A_977 : i32
      %add3A_979 = arith.addi %mul3A_976, %rem3A_978 : i32
      %dma_start3A_980 = arith.constant 128 : i32
      %dma_start3A_981 = arith.constant 0 : i32
      %dma_start3A_982 = tpu.memref_slice %arg11[%dma_start3A_980, %dma_start3A_981] : memref<256x16xf32, #tpu.memory_space<vmem>> -> memref<128x16xf32, #tpu.memory_space<vmem>>
      %dma_start3A_983 = arith.constant 0 : i32
      %dma_start3A_984 = tpu.memref_slice %arg8[%add3A_979, %dma_start3A_983] : memref<24x128xi32, #tpu.memory_space<vmem>> -> memref<1x128xi32, #tpu.memory_space<vmem>>
      %dma_start3A_985 = tpu.memref_squeeze %dma_start3A_984 : memref<1x128xi32, #tpu.memory_space<vmem>> -> memref<128xi32, #tpu.memory_space<vmem>>
      %dma_start3A_986 = arith.constant 0 : i32
      %dma_start3A_987 = arith.constant 0 : i32
      %dma_start3A_988 = tpu.memref_slice %arg14[%dma_start3A_986, %dma_start3A_987] : memref<100096x16xf32, #tpu.memory_space<vmem_shared>> -> memref<100096x16xf32, #tpu.memory_space<vmem_shared>>
      tpu.enqueue_indirect_dma source(%dma_start3A_982 : memref<128x16xf32, #tpu.memory_space<vmem>>) target(%dma_start3A_988 : memref<100096x16xf32, #tpu.memory_space<vmem_shared>>) offsets(%dma_start3A_985 : memref<128xi32, #tpu.memory_space<vmem>>) semaphore(%arg20 : memref<!tpu.dma_semaphore, #tpu.memory_space<semaphore_mem>>) {add = true}
    }
    %while3A_260 = arith.constant 1 : i32
    scf.for %while3A_372 = %while3A_258 to %while3A_254 step %while3A_260  : i32 {
      %mul3A_373 = arith.constant 4 : i32
      %mul3A_374 = arith.muli %mul3A_373, %while3A_372 : i32
      %add3A_375 = arith.constant 0 : i32
      %add3A_376 = arith.addi %mul3A_374, %add3A_375 : i32
      %jit3A_377 = arith.constant 2 : i32
      %div3A_378 = arith.divsi %while3A_372, %jit3A_377 : i32
      %sign3A_379 = arith.constant 0 : i32
      %sign3A_380 = arith.cmpi sgt, %while3A_372, %sign3A_379 : i32
      %sign3A_381 = arith.extui %sign3A_380 : i1 to i32
      %sign3A_382 = arith.constant 0 : i32
      %sign3A_383 = arith.cmpi slt, %while3A_372, %sign3A_382 : i32
      %sign3A_384 = arith.extui %sign3A_383 : i1 to i32
      %sign3A_385 = arith.subi %sign3A_381, %sign3A_384 : i32
      %sign3A_386 = arith.constant 0 : i32
      %sign3A_387 = arith.cmpi sgt, %jit3A_377, %sign3A_386 : i32
      %sign3A_388 = arith.extui %sign3A_387 : i1 to i32
      %sign3A_389 = arith.constant 0 : i32
      %sign3A_390 = arith.cmpi slt, %jit3A_377, %sign3A_389 : i32
      %sign3A_391 = arith.extui %sign3A_390 : i1 to i32
      %sign3A_392 = arith.subi %sign3A_388, %sign3A_391 : i32
      %ne3A_393 = arith.cmpi ne, %sign3A_385, %sign3A_392 : i32
      %rem3A_394 = arith.remsi %while3A_372, %jit3A_377 : i32
      %ne3A_395 = arith.constant 0 : i32
      %ne3A_396 = arith.cmpi ne, %rem3A_394, %ne3A_395 : i32
      %and3A_397 = arith.andi %ne3A_393, %ne3A_396 : i1
      %sub3A_398 = arith.constant 1 : i32
      %sub3A_399 = arith.subi %div3A_378, %sub3A_398 : i32
      %select_n3A_400 = arith.select %and3A_397, %sub3A_399, %div3A_378 : i32
      %rem3A_401 = arith.constant 2 : i32
      %rem3A_402 = arith.remsi %while3A_372, %rem3A_401 : i32
      %eq3A_403 = arith.constant 0 : i32
      %eq3A_404 = arith.cmpi eq, %rem3A_402, %eq3A_403 : i32
      %ge3A = arith.constant 2 : i32
      %ge3A_405 = arith.cmpi sge, %while3A_372, %ge3A : i32
      %and3A_406 = arith.andi %eq3A_404, %ge3A_405 : i1
      %convert_element_type3A = arith.extui %and3A_406 : i1 to i32
      %cond3A = arith.constant 0 : i32
      %cond3A_407 = arith.cmpi ne, %convert_element_type3A, %cond3A : i32
      scf.if %cond3A_407 {
        %add3A_989 = arith.constant 1 : i32
        %add3A_990 = arith.addi %select_n3A_400, %add3A_989 : i32
        %rem3A_991 = arith.constant 3 : i32
        %rem3A_992 = arith.remsi %add3A_990, %rem3A_991 : i32
        %mul3A_993 = arith.constant 8 : i32
        %mul3A_994 = arith.muli %rem3A_992, %mul3A_993 : i32
        %mul3A_995 = arith.constant 8 : i32
        %mul3A_996 = arith.muli %add3A_990, %mul3A_995 : i32
        %add3A_997 = arith.addi %select_n3A, %mul3A_996 : i32
        %dma_start3A_998 = arith.constant 0 : i32
        %dma_start3A_999 = tpu.memref_slice %arg7[%mul3A_994, %dma_start3A_998] : memref<24x128xi32, #tpu.memory_space<vmem>> -> memref<8x128xi32, #tpu.memory_space<vmem>>
        %dma_start3A_1000 = arith.constant 0 : i32
        %dma_start3A_1001 = arith.constant 0 : i32
        %dma_start3A_1002 = tpu.memref_slice %arg4[%while3A_250, %dma_start3A_1000, %dma_start3A_1001] : memref<2x25096x128xi32, #tpu.memory_space<hbm>> -> memref<1x25096x128xi32, #tpu.memory_space<hbm>>
        %dma_start3A_1003 = tpu.memref_squeeze %dma_start3A_1002 : memref<1x25096x128xi32, #tpu.memory_space<hbm>> -> memref<25096x128xi32, #tpu.memory_space<hbm>>
        %dma_start3A_1004 = arith.constant 0 : i32
        %dma_start3A_1005 = tpu.memref_slice %dma_start3A_1003[%add3A_997, %dma_start3A_1004] : memref<25096x128xi32, #tpu.memory_space<hbm>> -> memref<8x128xi32, #tpu.memory_space<hbm>>
        %dma_start3A_1006 = arith.constant 0 : i32
        %dma_start3A_1007 = tpu.memref_slice %arg7[%mul3A_994, %dma_start3A_1006] : memref<24x128xi32, #tpu.memory_space<vmem>> -> memref<8x128xi32, #tpu.memory_space<vmem>>
        %dma_start3A_1008 = arith.constant 0 : i32
        %dma_start3A_1009 = arith.constant 0 : i32
        %dma_start3A_1010 = tpu.memref_slice %arg4[%while3A_250, %dma_start3A_1008, %dma_start3A_1009] : memref<2x25096x128xi32, #tpu.memory_space<hbm>> -> memref<1x25096x128xi32, #tpu.memory_space<hbm>>
        %dma_start3A_1011 = tpu.memref_squeeze %dma_start3A_1010 : memref<1x25096x128xi32, #tpu.memory_space<hbm>> -> memref<25096x128xi32, #tpu.memory_space<hbm>>
        %dma_start3A_1012 = arith.constant 0 : i32
        %dma_start3A_1013 = tpu.memref_slice %dma_start3A_1011[%add3A_997, %dma_start3A_1012] : memref<25096x128xi32, #tpu.memory_space<hbm>> -> memref<8x128xi32, #tpu.memory_space<hbm>>
        tpu.enqueue_dma source(%dma_start3A_1013 : memref<8x128xi32, #tpu.memory_space<hbm>>) target(%dma_start3A_1007 : memref<8x128xi32, #tpu.memory_space<vmem>>) target_semaphore(%arg21 : memref<!tpu.dma_semaphore, #tpu.memory_space<semaphore_mem>>)
        %dma_start3A_1014 = arith.constant 0 : i32
        %dma_start3A_1015 = tpu.memref_slice %arg8[%mul3A_994, %dma_start3A_1014] : memref<24x128xi32, #tpu.memory_space<vmem>> -> memref<8x128xi32, #tpu.memory_space<vmem>>
        %dma_start3A_1016 = arith.constant 0 : i32
        %dma_start3A_1017 = arith.constant 0 : i32
        %dma_start3A_1018 = tpu.memref_slice %arg4[%while3A_251, %dma_start3A_1016, %dma_start3A_1017] : memref<2x25096x128xi32, #tpu.memory_space<hbm>> -> memref<1x25096x128xi32, #tpu.memory_space<hbm>>
        %dma_start3A_1019 = tpu.memref_squeeze %dma_start3A_1018 : memref<1x25096x128xi32, #tpu.memory_space<hbm>> -> memref<25096x128xi32, #tpu.memory_space<hbm>>
        %dma_start3A_1020 = arith.constant 0 : i32
        %dma_start3A_1021 = tpu.memref_slice %dma_start3A_1019[%add3A_997, %dma_start3A_1020] : memref<25096x128xi32, #tpu.memory_space<hbm>> -> memref<8x128xi32, #tpu.memory_space<hbm>>
        %dma_start3A_1022 = arith.constant 0 : i32
        %dma_start3A_1023 = tpu.memref_slice %arg8[%mul3A_994, %dma_start3A_1022] : memref<24x128xi32, #tpu.memory_space<vmem>> -> memref<8x128xi32, #tpu.memory_space<vmem>>
        %dma_start3A_1024 = arith.constant 0 : i32
        %dma_start3A_1025 = arith.constant 0 : i32
        %dma_start3A_1026 = tpu.memref_slice %arg4[%while3A_251, %dma_start3A_1024, %dma_start3A_1025] : memref<2x25096x128xi32, #tpu.memory_space<hbm>> -> memref<1x25096x128xi32, #tpu.memory_space<hbm>>
        %dma_start3A_1027 = tpu.memref_squeeze %dma_start3A_1026 : memref<1x25096x128xi32, #tpu.memory_space<hbm>> -> memref<25096x128xi32, #tpu.memory_space<hbm>>
        %dma_start3A_1028 = arith.constant 0 : i32
        %dma_start3A_1029 = tpu.memref_slice %dma_start3A_1027[%add3A_997, %dma_start3A_1028] : memref<25096x128xi32, #tpu.memory_space<hbm>> -> memref<8x128xi32, #tpu.memory_space<hbm>>
        tpu.enqueue_dma source(%dma_start3A_1029 : memref<8x128xi32, #tpu.memory_space<hbm>>) target(%dma_start3A_1023 : memref<8x128xi32, #tpu.memory_space<vmem>>) target_semaphore(%arg21 : memref<!tpu.dma_semaphore, #tpu.memory_space<semaphore_mem>>)
      } else {
      }
      %rem3A_408 = arith.constant 2 : i32
      %rem3A_409 = arith.remsi %while3A_372, %rem3A_408 : i32
      %eq3A_410 = arith.constant 1 : i32
      %eq3A_411 = arith.cmpi eq, %rem3A_409, %eq3A_410 : i32
      %convert_element_type3A_412 = arith.extui %eq3A_411 : i1 to i32
      %cond3A_413 = arith.constant 0 : i32
      %cond3A_414 = arith.cmpi ne, %convert_element_type3A_412, %cond3A_413 : i32
      scf.if %cond3A_414 {
        %dma_wait3A_989 = arith.constant 0 : i32
        %dma_wait3A_990 = arith.constant 0 : i32
        %dma_wait3A_991 = tpu.memref_slice %arg7[%dma_wait3A_989, %dma_wait3A_990] : memref<24x128xi32, #tpu.memory_space<vmem>> -> memref<8x128xi32, #tpu.memory_space<vmem>>
        %dma_wait3A_992 = arith.constant 0 : i32
        %dma_wait3A_993 = arith.constant 0 : i32
        %dma_wait3A_994 = tpu.memref_slice %arg4[%while3A_250, %dma_wait3A_992, %dma_wait3A_993] : memref<2x25096x128xi32, #tpu.memory_space<hbm>> -> memref<1x25096x128xi32, #tpu.memory_space<hbm>>
        %dma_wait3A_995 = tpu.memref_squeeze %dma_wait3A_994 : memref<1x25096x128xi32, #tpu.memory_space<hbm>> -> memref<25096x128xi32, #tpu.memory_space<hbm>>
        %dma_wait3A_996 = arith.constant 0 : i32
        %dma_wait3A_997 = arith.constant 0 : i32
        %dma_wait3A_998 = tpu.memref_slice %dma_wait3A_995[%dma_wait3A_996, %dma_wait3A_997] : memref<25096x128xi32, #tpu.memory_space<hbm>> -> memref<8x128xi32, #tpu.memory_space<hbm>>
        %dma_wait3A_999 = arith.constant 0 : i32
        %dma_wait3A_1000 = arith.constant 0 : i32
        %dma_wait3A_1001 = tpu.memref_slice %arg7[%dma_wait3A_999, %dma_wait3A_1000] : memref<24x128xi32, #tpu.memory_space<vmem>> -> memref<8x128xi32, #tpu.memory_space<vmem>>
        %dma_wait3A_1002 = arith.constant 0 : i32
        %dma_wait3A_1003 = arith.constant 0 : i32
        %dma_wait3A_1004 = tpu.memref_slice %arg4[%while3A_250, %dma_wait3A_1002, %dma_wait3A_1003] : memref<2x25096x128xi32, #tpu.memory_space<hbm>> -> memref<1x25096x128xi32, #tpu.memory_space<hbm>>
        %dma_wait3A_1005 = tpu.memref_squeeze %dma_wait3A_1004 : memref<1x25096x128xi32, #tpu.memory_space<hbm>> -> memref<25096x128xi32, #tpu.memory_space<hbm>>
        %dma_wait3A_1006 = arith.constant 0 : i32
        %dma_wait3A_1007 = arith.constant 0 : i32
        %dma_wait3A_1008 = tpu.memref_slice %dma_wait3A_1005[%dma_wait3A_1006, %dma_wait3A_1007] : memref<25096x128xi32, #tpu.memory_space<hbm>> -> memref<8x128xi32, #tpu.memory_space<hbm>>
        tpu.wait_dma2 semaphore(%arg21 : memref<!tpu.dma_semaphore, #tpu.memory_space<semaphore_mem>>) src(%dma_wait3A_1008 : memref<8x128xi32, #tpu.memory_space<hbm>>) dst(%dma_wait3A_1001 : memref<8x128xi32, #tpu.memory_space<vmem>>)
        %dma_wait3A_1009 = arith.constant 0 : i32
        %dma_wait3A_1010 = arith.constant 0 : i32
        %dma_wait3A_1011 = tpu.memref_slice %arg7[%dma_wait3A_1009, %dma_wait3A_1010] : memref<24x128xi32, #tpu.memory_space<vmem>> -> memref<8x128xi32, #tpu.memory_space<vmem>>
        %dma_wait3A_1012 = arith.constant 0 : i32
        %dma_wait3A_1013 = arith.constant 0 : i32
        %dma_wait3A_1014 = tpu.memref_slice %arg4[%while3A_250, %dma_wait3A_1012, %dma_wait3A_1013] : memref<2x25096x128xi32, #tpu.memory_space<hbm>> -> memref<1x25096x128xi32, #tpu.memory_space<hbm>>
        %dma_wait3A_1015 = tpu.memref_squeeze %dma_wait3A_1014 : memref<1x25096x128xi32, #tpu.memory_space<hbm>> -> memref<25096x128xi32, #tpu.memory_space<hbm>>
        %dma_wait3A_1016 = arith.constant 0 : i32
        %dma_wait3A_1017 = arith.constant 0 : i32
        %dma_wait3A_1018 = tpu.memref_slice %dma_wait3A_1015[%dma_wait3A_1016, %dma_wait3A_1017] : memref<25096x128xi32, #tpu.memory_space<hbm>> -> memref<8x128xi32, #tpu.memory_space<hbm>>
        %dma_wait3A_1019 = arith.constant 0 : i32
        %dma_wait3A_1020 = arith.constant 0 : i32
        %dma_wait3A_1021 = tpu.memref_slice %arg7[%dma_wait3A_1019, %dma_wait3A_1020] : memref<24x128xi32, #tpu.memory_space<vmem>> -> memref<8x128xi32, #tpu.memory_space<vmem>>
        %dma_wait3A_1022 = arith.constant 0 : i32
        %dma_wait3A_1023 = arith.constant 0 : i32
        %dma_wait3A_1024 = tpu.memref_slice %arg4[%while3A_250, %dma_wait3A_1022, %dma_wait3A_1023] : memref<2x25096x128xi32, #tpu.memory_space<hbm>> -> memref<1x25096x128xi32, #tpu.memory_space<hbm>>
        %dma_wait3A_1025 = tpu.memref_squeeze %dma_wait3A_1024 : memref<1x25096x128xi32, #tpu.memory_space<hbm>> -> memref<25096x128xi32, #tpu.memory_space<hbm>>
        %dma_wait3A_1026 = arith.constant 0 : i32
        %dma_wait3A_1027 = arith.constant 0 : i32
        %dma_wait3A_1028 = tpu.memref_slice %dma_wait3A_1025[%dma_wait3A_1026, %dma_wait3A_1027] : memref<25096x128xi32, #tpu.memory_space<hbm>> -> memref<8x128xi32, #tpu.memory_space<hbm>>
        tpu.wait_dma2 semaphore(%arg21 : memref<!tpu.dma_semaphore, #tpu.memory_space<semaphore_mem>>) src(%dma_wait3A_1028 : memref<8x128xi32, #tpu.memory_space<hbm>>) dst(%dma_wait3A_1021 : memref<8x128xi32, #tpu.memory_space<vmem>>)
      } else {
      }
      %dma_wait3A_415 = arith.constant 0 : i32
      %dma_wait3A_416 = arith.constant 0 : i32
      %dma_wait3A_417 = arith.constant 0 : i32
      %dma_wait3A_418 = tpu.memref_slice %arg9[%dma_wait3A_416, %dma_wait3A_417] : memref<512x16xf32, #tpu.memory_space<vmem>> -> memref<128x16xf32, #tpu.memory_space<vmem>>
      %dma_wait3A_419 = arith.constant 0 : i32
      %dma_wait3A_420 = tpu.memref_slice %arg7[%dma_wait3A_415, %dma_wait3A_419] : memref<24x128xi32, #tpu.memory_space<vmem>> -> memref<1x128xi32, #tpu.memory_space<vmem>>
      %dma_wait3A_421 = tpu.memref_squeeze %dma_wait3A_420 : memref<1x128xi32, #tpu.memory_space<vmem>> -> memref<128xi32, #tpu.memory_space<vmem>>
      %dma_wait3A_422 = arith.constant 0 : i32
      %dma_wait3A_423 = arith.constant 0 : i32
      %dma_wait3A_424 = tpu.memref_slice %arg6[%arg0, %dma_wait3A_422, %dma_wait3A_423] : memref<2x100096x16xf32, #tpu.memory_space<hbm>> -> memref<1x100096x16xf32, #tpu.memory_space<hbm>>
      %dma_wait3A_425 = tpu.memref_squeeze %dma_wait3A_424 : memref<1x100096x16xf32, #tpu.memory_space<hbm>> -> memref<100096x16xf32, #tpu.memory_space<hbm>>
      %dma_wait3A_426 = arith.constant 0 : i32
      %dma_wait3A_427 = arith.constant 0 : i32
      %dma_wait3A_428 = tpu.memref_slice %dma_wait3A_425[%dma_wait3A_426, %dma_wait3A_427] : memref<100096x16xf32, #tpu.memory_space<hbm>> -> memref<100096x16xf32, #tpu.memory_space<hbm>>
      tpu.wait_indirect_dma semaphore(%arg15 : memref<!tpu.dma_semaphore, #tpu.memory_space<semaphore_mem>>) src(%dma_wait3A_428 : memref<100096x16xf32, #tpu.memory_space<hbm>>) dst(%dma_wait3A_418 : memref<128x16xf32, #tpu.memory_space<vmem>>)
      %dma_wait3A_429 = arith.constant 0 : i32
      %dma_wait3A_430 = arith.constant 0 : i32
      %dma_wait3A_431 = arith.constant 0 : i32
      %dma_wait3A_432 = tpu.memref_slice %arg10[%dma_wait3A_430, %dma_wait3A_431] : memref<512x16xf32, #tpu.memory_space<vmem>> -> memref<128x16xf32, #tpu.memory_space<vmem>>
      %dma_wait3A_433 = arith.constant 0 : i32
      %dma_wait3A_434 = tpu.memref_slice %arg7[%dma_wait3A_429, %dma_wait3A_433] : memref<24x128xi32, #tpu.memory_space<vmem>> -> memref<1x128xi32, #tpu.memory_space<vmem>>
      %dma_wait3A_435 = tpu.memref_squeeze %dma_wait3A_434 : memref<1x128xi32, #tpu.memory_space<vmem>> -> memref<128xi32, #tpu.memory_space<vmem>>
      %dma_wait3A_436 = arith.constant 0 : i32
      %dma_wait3A_437 = arith.constant 0 : i32
      %dma_wait3A_438 = tpu.memref_slice %arg6[%arg0, %dma_wait3A_436, %dma_wait3A_437] : memref<2x100096x16xf32, #tpu.memory_space<hbm>> -> memref<1x100096x16xf32, #tpu.memory_space<hbm>>
      %dma_wait3A_439 = tpu.memref_squeeze %dma_wait3A_438 : memref<1x100096x16xf32, #tpu.memory_space<hbm>> -> memref<100096x16xf32, #tpu.memory_space<hbm>>
      %dma_wait3A_440 = arith.constant 0 : i32
      %dma_wait3A_441 = arith.constant 0 : i32
      %dma_wait3A_442 = tpu.memref_slice %dma_wait3A_439[%dma_wait3A_440, %dma_wait3A_441] : memref<100096x16xf32, #tpu.memory_space<hbm>> -> memref<100096x16xf32, #tpu.memory_space<hbm>>
      tpu.wait_indirect_dma semaphore(%arg15 : memref<!tpu.dma_semaphore, #tpu.memory_space<semaphore_mem>>) src(%dma_wait3A_442 : memref<100096x16xf32, #tpu.memory_space<hbm>>) dst(%dma_wait3A_432 : memref<128x16xf32, #tpu.memory_space<vmem>>)
      %ge3A_443 = arith.constant 1 : i32
      %ge3A_444 = arith.cmpi sge, %while3A_372, %ge3A_443 : i32
      %convert_element_type3A_445 = arith.extui %ge3A_444 : i1 to i32
      %cond3A_446 = arith.constant 0 : i32
      %cond3A_447 = arith.cmpi ne, %convert_element_type3A_445, %cond3A_446 : i32
      scf.if %cond3A_447 {
        %dma_wait3A_989 = arith.constant 0 : i32
        %dma_wait3A_990 = arith.constant 0 : i32
        %dma_wait3A_991 = arith.constant 0 : i32
        %dma_wait3A_992 = tpu.memref_slice %arg11[%dma_wait3A_990, %dma_wait3A_991] : memref<256x16xf32, #tpu.memory_space<vmem>> -> memref<128x16xf32, #tpu.memory_space<vmem>>
        %dma_wait3A_993 = arith.constant 0 : i32
        %dma_wait3A_994 = tpu.memref_slice %arg8[%dma_wait3A_989, %dma_wait3A_993] : memref<24x128xi32, #tpu.memory_space<vmem>> -> memref<1x128xi32, #tpu.memory_space<vmem>>
        %dma_wait3A_995 = tpu.memref_squeeze %dma_wait3A_994 : memref<1x128xi32, #tpu.memory_space<vmem>> -> memref<128xi32, #tpu.memory_space<vmem>>
        %dma_wait3A_996 = arith.constant 0 : i32
        %dma_wait3A_997 = arith.constant 0 : i32
        %dma_wait3A_998 = tpu.memref_slice %arg14[%dma_wait3A_996, %dma_wait3A_997] : memref<100096x16xf32, #tpu.memory_space<vmem_shared>> -> memref<100096x16xf32, #tpu.memory_space<vmem_shared>>
        tpu.wait_indirect_dma semaphore(%arg19 : memref<!tpu.dma_semaphore, #tpu.memory_space<semaphore_mem>>) src(%dma_wait3A_992 : memref<128x16xf32, #tpu.memory_space<vmem>>) dst(%dma_wait3A_998 : memref<100096x16xf32, #tpu.memory_space<vmem_shared>>)
      } else {
      }
      %add3A_448 = arith.constant 3 : i32
      %add3A_449 = arith.addi %add3A_376, %add3A_448 : i32
      %jit3A_450 = arith.constant 8 : i32
      %div3A_451 = arith.divsi %add3A_449, %jit3A_450 : i32
      %sign3A_452 = arith.constant 0 : i32
      %sign3A_453 = arith.cmpi sgt, %add3A_449, %sign3A_452 : i32
      %sign3A_454 = arith.extui %sign3A_453 : i1 to i32
      %sign3A_455 = arith.constant 0 : i32
      %sign3A_456 = arith.cmpi slt, %add3A_449, %sign3A_455 : i32
      %sign3A_457 = arith.extui %sign3A_456 : i1 to i32
      %sign3A_458 = arith.subi %sign3A_454, %sign3A_457 : i32
      %sign3A_459 = arith.constant 0 : i32
      %sign3A_460 = arith.cmpi sgt, %jit3A_450, %sign3A_459 : i32
      %sign3A_461 = arith.extui %sign3A_460 : i1 to i32
      %sign3A_462 = arith.constant 0 : i32
      %sign3A_463 = arith.cmpi slt, %jit3A_450, %sign3A_462 : i32
      %sign3A_464 = arith.extui %sign3A_463 : i1 to i32
      %sign3A_465 = arith.subi %sign3A_461, %sign3A_464 : i32
      %ne3A_466 = arith.cmpi ne, %sign3A_458, %sign3A_465 : i32
      %rem3A_467 = arith.remsi %add3A_449, %jit3A_450 : i32
      %ne3A_468 = arith.constant 0 : i32
      %ne3A_469 = arith.cmpi ne, %rem3A_467, %ne3A_468 : i32
      %and3A_470 = arith.andi %ne3A_466, %ne3A_469 : i1
      %sub3A_471 = arith.constant 1 : i32
      %sub3A_472 = arith.subi %div3A_451, %sub3A_471 : i32
      %select_n3A_473 = arith.select %and3A_470, %sub3A_472, %div3A_451 : i32
      %rem3A_474 = arith.constant 3 : i32
      %rem3A_475 = arith.remsi %select_n3A_473, %rem3A_474 : i32
      %mul3A_476 = arith.constant 8 : i32
      %mul3A_477 = arith.muli %rem3A_475, %mul3A_476 : i32
      %rem3A_478 = arith.constant 8 : i32
      %rem3A_479 = arith.remsi %add3A_449, %rem3A_478 : i32
      %add3A_480 = arith.addi %mul3A_477, %rem3A_479 : i32
      %dma_start3A_481 = arith.constant 384 : i32
      %dma_start3A_482 = arith.constant 0 : i32
      %dma_start3A_483 = tpu.memref_slice %arg9[%dma_start3A_481, %dma_start3A_482] : memref<512x16xf32, #tpu.memory_space<vmem>> -> memref<128x16xf32, #tpu.memory_space<vmem>>
      %dma_start3A_484 = arith.constant 0 : i32
      %dma_start3A_485 = tpu.memref_slice %arg7[%add3A_480, %dma_start3A_484] : memref<24x128xi32, #tpu.memory_space<vmem>> -> memref<1x128xi32, #tpu.memory_space<vmem>>
      %dma_start3A_486 = tpu.memref_squeeze %dma_start3A_485 : memref<1x128xi32, #tpu.memory_space<vmem>> -> memref<128xi32, #tpu.memory_space<vmem>>
      %dma_start3A_487 = arith.constant 0 : i32
      %dma_start3A_488 = arith.constant 0 : i32
      %dma_start3A_489 = tpu.memref_slice %arg6[%arg0, %dma_start3A_487, %dma_start3A_488] : memref<2x100096x16xf32, #tpu.memory_space<hbm>> -> memref<1x100096x16xf32, #tpu.memory_space<hbm>>
      %dma_start3A_490 = tpu.memref_squeeze %dma_start3A_489 : memref<1x100096x16xf32, #tpu.memory_space<hbm>> -> memref<100096x16xf32, #tpu.memory_space<hbm>>
      %dma_start3A_491 = arith.constant 0 : i32
      %dma_start3A_492 = arith.constant 0 : i32
      %dma_start3A_493 = tpu.memref_slice %dma_start3A_490[%dma_start3A_491, %dma_start3A_492] : memref<100096x16xf32, #tpu.memory_space<hbm>> -> memref<100096x16xf32, #tpu.memory_space<hbm>>
      tpu.enqueue_indirect_dma source(%dma_start3A_493 : memref<100096x16xf32, #tpu.memory_space<hbm>>) target(%dma_start3A_483 : memref<128x16xf32, #tpu.memory_space<vmem>>) offsets(%dma_start3A_486 : memref<128xi32, #tpu.memory_space<vmem>>) semaphore(%arg18 : memref<!tpu.dma_semaphore, #tpu.memory_space<semaphore_mem>>)
      %dma_start3A_494 = arith.constant 384 : i32
      %dma_start3A_495 = arith.constant 0 : i32
      %dma_start3A_496 = tpu.memref_slice %arg10[%dma_start3A_494, %dma_start3A_495] : memref<512x16xf32, #tpu.memory_space<vmem>> -> memref<128x16xf32, #tpu.memory_space<vmem>>
      %dma_start3A_497 = arith.constant 0 : i32
      %dma_start3A_498 = tpu.memref_slice %arg8[%add3A_480, %dma_start3A_497] : memref<24x128xi32, #tpu.memory_space<vmem>> -> memref<1x128xi32, #tpu.memory_space<vmem>>
      %dma_start3A_499 = tpu.memref_squeeze %dma_start3A_498 : memref<1x128xi32, #tpu.memory_space<vmem>> -> memref<128xi32, #tpu.memory_space<vmem>>
      %dma_start3A_500 = arith.constant 0 : i32
      %dma_start3A_501 = arith.constant 0 : i32
      %dma_start3A_502 = tpu.memref_slice %arg6[%arg0, %dma_start3A_500, %dma_start3A_501] : memref<2x100096x16xf32, #tpu.memory_space<hbm>> -> memref<1x100096x16xf32, #tpu.memory_space<hbm>>
      %dma_start3A_503 = tpu.memref_squeeze %dma_start3A_502 : memref<1x100096x16xf32, #tpu.memory_space<hbm>> -> memref<100096x16xf32, #tpu.memory_space<hbm>>
      %dma_start3A_504 = arith.constant 0 : i32
      %dma_start3A_505 = arith.constant 0 : i32
      %dma_start3A_506 = tpu.memref_slice %dma_start3A_503[%dma_start3A_504, %dma_start3A_505] : memref<100096x16xf32, #tpu.memory_space<hbm>> -> memref<100096x16xf32, #tpu.memory_space<hbm>>
      tpu.enqueue_indirect_dma source(%dma_start3A_506 : memref<100096x16xf32, #tpu.memory_space<hbm>>) target(%dma_start3A_496 : memref<128x16xf32, #tpu.memory_space<vmem>>) offsets(%dma_start3A_499 : memref<128xi32, #tpu.memory_space<vmem>>) semaphore(%arg18 : memref<!tpu.dma_semaphore, #tpu.memory_space<semaphore_mem>>)
      %scan3A_507 = arith.constant 0 : i32
      %scan3A_508 = arith.constant 0 : i32
      %scan3A_509 = arith.constant 8 : i32
      %scan3A_510 = arith.addi %scan3A_508, %scan3A_509 : i32
      %scan3A_511 = arith.constant 1 : i32
      scf.for %scan3A_989 = %scan3A_508 to %scan3A_510 step %scan3A_511  : i32 {
        %mul3A_990 = arith.constant 16 : i32
        %mul3A_991 = arith.muli %scan3A_989, %mul3A_990 : i32
        %add3A_992 = arith.constant 0 : i32
        %add3A_993 = arith.addi %mul3A_991, %add3A_992 : i32
        %add3A_994 = vector.broadcast %add3A_993 : i32 to vector<16xi32>
        %add3A_995 = arith.addi %iota3A, %add3A_994 : vector<16xi32>
        %mul3A_996 = arith.constant 16 : i32
        %mul3A_997 = arith.muli %scan3A_989, %mul3A_996 : i32
        %add3A_998 = arith.constant 0 : i32
        %add3A_999 = arith.addi %mul3A_997, %add3A_998 : i32
        %add3A_1000 = vector.broadcast %add3A_999 : i32 to vector<16xi32>
        %add3A_1001 = arith.addi %iota3A, %add3A_1000 : vector<16xi32>
        %broadcast_in_dim3A_1002 = arith.constant 0 : i32
        %broadcast_in_dim3A_1003 = vector.broadcast %broadcast_in_dim3A_1002 : i32 to vector<16xi32>
        %gather3A = tpu.vector_load_idx %arg9[%add3A_995, %broadcast_in_dim3A_1003] : memref<512x16xf32, #tpu.memory_space<vmem>>[vector<16xi32>, vector<16xi32>], vector<16xf32>,
        %broadcast_in_dim3A_1004 = arith.constant 1 : i32
        %broadcast_in_dim3A_1005 = vector.broadcast %broadcast_in_dim3A_1004 : i32 to vector<16xi32>
        %gather3A_1006 = tpu.vector_load_idx %arg9[%add3A_995, %broadcast_in_dim3A_1005] : memref<512x16xf32, #tpu.memory_space<vmem>>[vector<16xi32>, vector<16xi32>], vector<16xf32>,
        %broadcast_in_dim3A_1007 = arith.constant 2 : i32
        %broadcast_in_dim3A_1008 = vector.broadcast %broadcast_in_dim3A_1007 : i32 to vector<16xi32>
        %gather3A_1009 = tpu.vector_load_idx %arg9[%add3A_995, %broadcast_in_dim3A_1008] : memref<512x16xf32, #tpu.memory_space<vmem>>[vector<16xi32>, vector<16xi32>], vector<16xf32>,
        %broadcast_in_dim3A_1010 = arith.constant 3 : i32
        %broadcast_in_dim3A_1011 = vector.broadcast %broadcast_in_dim3A_1010 : i32 to vector<16xi32>
        %gather3A_1012 = tpu.vector_load_idx %arg9[%add3A_995, %broadcast_in_dim3A_1011] : memref<512x16xf32, #tpu.memory_space<vmem>>[vector<16xi32>, vector<16xi32>], vector<16xf32>,
        %broadcast_in_dim3A_1013 = arith.constant 4 : i32
        %broadcast_in_dim3A_1014 = vector.broadcast %broadcast_in_dim3A_1013 : i32 to vector<16xi32>
        %gather3A_1015 = tpu.vector_load_idx %arg10[%add3A_995, %broadcast_in_dim3A_1014] : memref<512x16xf32, #tpu.memory_space<vmem>>[vector<16xi32>, vector<16xi32>], vector<16xf32>,
        %broadcast_in_dim3A_1016 = arith.constant 5 : i32
        %broadcast_in_dim3A_1017 = vector.broadcast %broadcast_in_dim3A_1016 : i32 to vector<16xi32>
        %gather3A_1018 = tpu.vector_load_idx %arg10[%add3A_995, %broadcast_in_dim3A_1017] : memref<512x16xf32, #tpu.memory_space<vmem>>[vector<16xi32>, vector<16xi32>], vector<16xf32>,
        %broadcast_in_dim3A_1019 = arith.constant 6 : i32
        %broadcast_in_dim3A_1020 = vector.broadcast %broadcast_in_dim3A_1019 : i32 to vector<16xi32>
        %gather3A_1021 = tpu.vector_load_idx %arg10[%add3A_995, %broadcast_in_dim3A_1020] : memref<512x16xf32, #tpu.memory_space<vmem>>[vector<16xi32>, vector<16xi32>], vector<16xf32>,
        %broadcast_in_dim3A_1022 = arith.constant 7 : i32
        %broadcast_in_dim3A_1023 = vector.broadcast %broadcast_in_dim3A_1022 : i32 to vector<16xi32>
        %gather3A_1024 = tpu.vector_load_idx %arg10[%add3A_995, %broadcast_in_dim3A_1023] : memref<512x16xf32, #tpu.memory_space<vmem>>[vector<16xi32>, vector<16xi32>], vector<16xf32>,
        %broadcast_in_dim3A_1025 = arith.constant 8 : i32
        %broadcast_in_dim3A_1026 = vector.broadcast %broadcast_in_dim3A_1025 : i32 to vector<16xi32>
        %gather3A_1027 = tpu.vector_load_idx %arg9[%add3A_995, %broadcast_in_dim3A_1026] : memref<512x16xf32, #tpu.memory_space<vmem>>[vector<16xi32>, vector<16xi32>], vector<16xf32>,
        %broadcast_in_dim3A_1028 = arith.constant 9 : i32
        %broadcast_in_dim3A_1029 = vector.broadcast %broadcast_in_dim3A_1028 : i32 to vector<16xi32>
        %gather3A_1030 = tpu.vector_load_idx %arg9[%add3A_995, %broadcast_in_dim3A_1029] : memref<512x16xf32, #tpu.memory_space<vmem>>[vector<16xi32>, vector<16xi32>], vector<16xf32>,
        %broadcast_in_dim3A_1031 = arith.constant 10 : i32
        %broadcast_in_dim3A_1032 = vector.broadcast %broadcast_in_dim3A_1031 : i32 to vector<16xi32>
        %gather3A_1033 = tpu.vector_load_idx %arg9[%add3A_995, %broadcast_in_dim3A_1032] : memref<512x16xf32, #tpu.memory_space<vmem>>[vector<16xi32>, vector<16xi32>], vector<16xf32>,
        %broadcast_in_dim3A_1034 = arith.constant 11 : i32
        %broadcast_in_dim3A_1035 = vector.broadcast %broadcast_in_dim3A_1034 : i32 to vector<16xi32>
        %gather3A_1036 = tpu.vector_load_idx %arg9[%add3A_995, %broadcast_in_dim3A_1035] : memref<512x16xf32, #tpu.memory_space<vmem>>[vector<16xi32>, vector<16xi32>], vector<16xf32>,
        %broadcast_in_dim3A_1037 = arith.constant 12 : i32
        %broadcast_in_dim3A_1038 = vector.broadcast %broadcast_in_dim3A_1037 : i32 to vector<16xi32>
        %gather3A_1039 = tpu.vector_load_idx %arg9[%add3A_995, %broadcast_in_dim3A_1038] : memref<512x16xf32, #tpu.memory_space<vmem>>[vector<16xi32>, vector<16xi32>], vector<16xf32>,
        %broadcast_in_dim3A_1040 = arith.constant 13 : i32
        %broadcast_in_dim3A_1041 = vector.broadcast %broadcast_in_dim3A_1040 : i32 to vector<16xi32>
        %gather3A_1042 = tpu.vector_load_idx %arg9[%add3A_995, %broadcast_in_dim3A_1041] : memref<512x16xf32, #tpu.memory_space<vmem>>[vector<16xi32>, vector<16xi32>], vector<16xf32>,
        %broadcast_in_dim3A_1043 = arith.constant 14 : i32
        %broadcast_in_dim3A_1044 = vector.broadcast %broadcast_in_dim3A_1043 : i32 to vector<16xi32>
        %gather3A_1045 = tpu.vector_load_idx %arg9[%add3A_995, %broadcast_in_dim3A_1044] : memref<512x16xf32, #tpu.memory_space<vmem>>[vector<16xi32>, vector<16xi32>], vector<16xf32>,
        %broadcast_in_dim3A_1046 = arith.constant 15 : i32
        %broadcast_in_dim3A_1047 = vector.broadcast %broadcast_in_dim3A_1046 : i32 to vector<16xi32>
        %gather3A_1048 = tpu.vector_load_idx %arg9[%add3A_995, %broadcast_in_dim3A_1047] : memref<512x16xf32, #tpu.memory_space<vmem>>[vector<16xi32>, vector<16xi32>], vector<16xf32>,
        %add3A_1049 = arith.addf %gather3A, %gather3A_1015 : vector<16xf32>
        %mul3A_1050 = arith.constant 2.000000e-01 : f32
        %mul3A_1051 = vector.broadcast %mul3A_1050 : f32 to vector<16xf32>
        %mul3A_1052 = arith.mulf %mul3A_1051, %add3A_1049 : vector<16xf32>
        %max3A = arith.maximumf %add3A_1049, %mul3A_1052 : vector<16xf32>
        %exp3A = math.exp %max3A : vector<16xf32>
        %broadcast_in_dim3A_1053 = arith.constant 0 : i32
        %broadcast_in_dim3A_1054 = vector.broadcast %broadcast_in_dim3A_1053 : i32 to vector<16xi32>
        tpu.vector_store_idx %arg11[%add3A_1001, %broadcast_in_dim3A_1054], %exp3A : memref<256x16xf32, #tpu.memory_space<vmem>>[vector<16xi32>, vector<16xi32>], vector<16xf32>,
        %broadcast_in_dim3A_1055 = arith.constant 4 : i32
        %broadcast_in_dim3A_1056 = vector.broadcast %broadcast_in_dim3A_1055 : i32 to vector<16xi32>
        %mul3A_1057 = arith.mulf %gather3A_1027, %exp3A : vector<16xf32>
        tpu.vector_store_idx %arg11[%add3A_1001, %broadcast_in_dim3A_1056], %mul3A_1057 : memref<256x16xf32, #tpu.memory_space<vmem>>[vector<16xi32>, vector<16xi32>], vector<16xf32>,
        %broadcast_in_dim3A_1058 = arith.constant 5 : i32
        %broadcast_in_dim3A_1059 = vector.broadcast %broadcast_in_dim3A_1058 : i32 to vector<16xi32>
        %mul3A_1060 = arith.mulf %gather3A_1030, %exp3A : vector<16xf32>
        tpu.vector_store_idx %arg11[%add3A_1001, %broadcast_in_dim3A_1059], %mul3A_1060 : memref<256x16xf32, #tpu.memory_space<vmem>>[vector<16xi32>, vector<16xi32>], vector<16xf32>,
        %add3A_1061 = arith.addf %gather3A_1006, %gather3A_1018 : vector<16xf32>
        %mul3A_1062 = arith.constant 2.000000e-01 : f32
        %mul3A_1063 = vector.broadcast %mul3A_1062 : f32 to vector<16xf32>
        %mul3A_1064 = arith.mulf %mul3A_1063, %add3A_1061 : vector<16xf32>
        %max3A_1065 = arith.maximumf %add3A_1061, %mul3A_1064 : vector<16xf32>
        %exp3A_1066 = math.exp %max3A_1065 : vector<16xf32>
        %broadcast_in_dim3A_1067 = arith.constant 1 : i32
        %broadcast_in_dim3A_1068 = vector.broadcast %broadcast_in_dim3A_1067 : i32 to vector<16xi32>
        tpu.vector_store_idx %arg11[%add3A_1001, %broadcast_in_dim3A_1068], %exp3A_1066 : memref<256x16xf32, #tpu.memory_space<vmem>>[vector<16xi32>, vector<16xi32>], vector<16xf32>,
        %broadcast_in_dim3A_1069 = arith.constant 6 : i32
        %broadcast_in_dim3A_1070 = vector.broadcast %broadcast_in_dim3A_1069 : i32 to vector<16xi32>
        %mul3A_1071 = arith.mulf %gather3A_1033, %exp3A_1066 : vector<16xf32>
        tpu.vector_store_idx %arg11[%add3A_1001, %broadcast_in_dim3A_1070], %mul3A_1071 : memref<256x16xf32, #tpu.memory_space<vmem>>[vector<16xi32>, vector<16xi32>], vector<16xf32>,
        %broadcast_in_dim3A_1072 = arith.constant 7 : i32
        %broadcast_in_dim3A_1073 = vector.broadcast %broadcast_in_dim3A_1072 : i32 to vector<16xi32>
        %mul3A_1074 = arith.mulf %gather3A_1036, %exp3A_1066 : vector<16xf32>
        tpu.vector_store_idx %arg11[%add3A_1001, %broadcast_in_dim3A_1073], %mul3A_1074 : memref<256x16xf32, #tpu.memory_space<vmem>>[vector<16xi32>, vector<16xi32>], vector<16xf32>,
        %add3A_1075 = arith.addf %gather3A_1009, %gather3A_1021 : vector<16xf32>
        %mul3A_1076 = arith.constant 2.000000e-01 : f32
        %mul3A_1077 = vector.broadcast %mul3A_1076 : f32 to vector<16xf32>
        %mul3A_1078 = arith.mulf %mul3A_1077, %add3A_1075 : vector<16xf32>
        %max3A_1079 = arith.maximumf %add3A_1075, %mul3A_1078 : vector<16xf32>
        %exp3A_1080 = math.exp %max3A_1079 : vector<16xf32>
        %broadcast_in_dim3A_1081 = arith.constant 2 : i32
        %broadcast_in_dim3A_1082 = vector.broadcast %broadcast_in_dim3A_1081 : i32 to vector<16xi32>
        tpu.vector_store_idx %arg11[%add3A_1001, %broadcast_in_dim3A_1082], %exp3A_1080 : memref<256x16xf32, #tpu.memory_space<vmem>>[vector<16xi32>, vector<16xi32>], vector<16xf32>,
        %broadcast_in_dim3A_1083 = arith.constant 8 : i32
        %broadcast_in_dim3A_1084 = vector.broadcast %broadcast_in_dim3A_1083 : i32 to vector<16xi32>
        %mul3A_1085 = arith.mulf %gather3A_1039, %exp3A_1080 : vector<16xf32>
        tpu.vector_store_idx %arg11[%add3A_1001, %broadcast_in_dim3A_1084], %mul3A_1085 : memref<256x16xf32, #tpu.memory_space<vmem>>[vector<16xi32>, vector<16xi32>], vector<16xf32>,
        %broadcast_in_dim3A_1086 = arith.constant 9 : i32
        %broadcast_in_dim3A_1087 = vector.broadcast %broadcast_in_dim3A_1086 : i32 to vector<16xi32>
        %mul3A_1088 = arith.mulf %gather3A_1042, %exp3A_1080 : vector<16xf32>
        tpu.vector_store_idx %arg11[%add3A_1001, %broadcast_in_dim3A_1087], %mul3A_1088 : memref<256x16xf32, #tpu.memory_space<vmem>>[vector<16xi32>, vector<16xi32>], vector<16xf32>,
        %add3A_1089 = arith.addf %gather3A_1012, %gather3A_1024 : vector<16xf32>
        %mul3A_1090 = arith.constant 2.000000e-01 : f32
        %mul3A_1091 = vector.broadcast %mul3A_1090 : f32 to vector<16xf32>
        %mul3A_1092 = arith.mulf %mul3A_1091, %add3A_1089 : vector<16xf32>
        %max3A_1093 = arith.maximumf %add3A_1089, %mul3A_1092 : vector<16xf32>
        %exp3A_1094 = math.exp %max3A_1093 : vector<16xf32>
        %broadcast_in_dim3A_1095 = arith.constant 3 : i32
        %broadcast_in_dim3A_1096 = vector.broadcast %broadcast_in_dim3A_1095 : i32 to vector<16xi32>
        tpu.vector_store_idx %arg11[%add3A_1001, %broadcast_in_dim3A_1096], %exp3A_1094 : memref<256x16xf32, #tpu.memory_space<vmem>>[vector<16xi32>, vector<16xi32>], vector<16xf32>,
        %broadcast_in_dim3A_1097 = arith.constant 10 : i32
        %broadcast_in_dim3A_1098 = vector.broadcast %broadcast_in_dim3A_1097 : i32 to vector<16xi32>
        %mul3A_1099 = arith.mulf %gather3A_1045, %exp3A_1094 : vector<16xf32>
        tpu.vector_store_idx %arg11[%add3A_1001, %broadcast_in_dim3A_1098], %mul3A_1099 : memref<256x16xf32, #tpu.memory_space<vmem>>[vector<16xi32>, vector<16xi32>], vector<16xf32>,
        %broadcast_in_dim3A_1100 = arith.constant 11 : i32
        %broadcast_in_dim3A_1101 = vector.broadcast %broadcast_in_dim3A_1100 : i32 to vector<16xi32>
        %mul3A_1102 = arith.mulf %gather3A_1048, %exp3A_1094 : vector<16xf32>
        tpu.vector_store_idx %arg11[%add3A_1001, %broadcast_in_dim3A_1101], %mul3A_1102 : memref<256x16xf32, #tpu.memory_space<vmem>>[vector<16xi32>, vector<16xi32>], vector<16xf32>,
      }
      %scan3A_512 = arith.constant 8 : i32
      %jit3A_513 = arith.constant 8 : i32
      %div3A_514 = arith.divsi %add3A_376, %jit3A_513 : i32
      %sign3A_515 = arith.constant 0 : i32
      %sign3A_516 = arith.cmpi sgt, %add3A_376, %sign3A_515 : i32
      %sign3A_517 = arith.extui %sign3A_516 : i1 to i32
      %sign3A_518 = arith.constant 0 : i32
      %sign3A_519 = arith.cmpi slt, %add3A_376, %sign3A_518 : i32
      %sign3A_520 = arith.extui %sign3A_519 : i1 to i32
      %sign3A_521 = arith.subi %sign3A_517, %sign3A_520 : i32
      %sign3A_522 = arith.constant 0 : i32
      %sign3A_523 = arith.cmpi sgt, %jit3A_513, %sign3A_522 : i32
      %sign3A_524 = arith.extui %sign3A_523 : i1 to i32
      %sign3A_525 = arith.constant 0 : i32
      %sign3A_526 = arith.cmpi slt, %jit3A_513, %sign3A_525 : i32
      %sign3A_527 = arith.extui %sign3A_526 : i1 to i32
      %sign3A_528 = arith.subi %sign3A_524, %sign3A_527 : i32
      %ne3A_529 = arith.cmpi ne, %sign3A_521, %sign3A_528 : i32
      %rem3A_530 = arith.remsi %add3A_376, %jit3A_513 : i32
      %ne3A_531 = arith.constant 0 : i32
      %ne3A_532 = arith.cmpi ne, %rem3A_530, %ne3A_531 : i32
      %and3A_533 = arith.andi %ne3A_529, %ne3A_532 : i1
      %sub3A_534 = arith.constant 1 : i32
      %sub3A_535 = arith.subi %div3A_514, %sub3A_534 : i32
      %select_n3A_536 = arith.select %and3A_533, %sub3A_535, %div3A_514 : i32
      %rem3A_537 = arith.constant 3 : i32
      %rem3A_538 = arith.remsi %select_n3A_536, %rem3A_537 : i32
      %mul3A_539 = arith.constant 8 : i32
      %mul3A_540 = arith.muli %rem3A_538, %mul3A_539 : i32
      %rem3A_541 = arith.constant 8 : i32
      %rem3A_542 = arith.remsi %add3A_376, %rem3A_541 : i32
      %add3A_543 = arith.addi %mul3A_540, %rem3A_542 : i32
      %dma_start3A_544 = arith.constant 0 : i32
      %dma_start3A_545 = arith.constant 0 : i32
      %dma_start3A_546 = tpu.memref_slice %arg11[%dma_start3A_544, %dma_start3A_545] : memref<256x16xf32, #tpu.memory_space<vmem>> -> memref<128x16xf32, #tpu.memory_space<vmem>>
      %dma_start3A_547 = arith.constant 0 : i32
      %dma_start3A_548 = tpu.memref_slice %arg8[%add3A_543, %dma_start3A_547] : memref<24x128xi32, #tpu.memory_space<vmem>> -> memref<1x128xi32, #tpu.memory_space<vmem>>
      %dma_start3A_549 = tpu.memref_squeeze %dma_start3A_548 : memref<1x128xi32, #tpu.memory_space<vmem>> -> memref<128xi32, #tpu.memory_space<vmem>>
      %dma_start3A_550 = arith.constant 0 : i32
      %dma_start3A_551 = arith.constant 0 : i32
      %dma_start3A_552 = tpu.memref_slice %arg14[%dma_start3A_550, %dma_start3A_551] : memref<100096x16xf32, #tpu.memory_space<vmem_shared>> -> memref<100096x16xf32, #tpu.memory_space<vmem_shared>>
      tpu.enqueue_indirect_dma source(%dma_start3A_546 : memref<128x16xf32, #tpu.memory_space<vmem>>) target(%dma_start3A_552 : memref<100096x16xf32, #tpu.memory_space<vmem_shared>>) offsets(%dma_start3A_549 : memref<128xi32, #tpu.memory_space<vmem>>) semaphore(%arg19 : memref<!tpu.dma_semaphore, #tpu.memory_space<semaphore_mem>>) {add = true}
      %mul3A_553 = arith.constant 4 : i32
      %mul3A_554 = arith.muli %mul3A_553, %while3A_372 : i32
      %add3A_555 = arith.constant 1 : i32
      %add3A_556 = arith.addi %mul3A_554, %add3A_555 : i32
      %dma_wait3A_557 = arith.constant 0 : i32
      %dma_wait3A_558 = arith.constant 0 : i32
      %dma_wait3A_559 = arith.constant 0 : i32
      %dma_wait3A_560 = tpu.memref_slice %arg9[%dma_wait3A_558, %dma_wait3A_559] : memref<512x16xf32, #tpu.memory_space<vmem>> -> memref<128x16xf32, #tpu.memory_space<vmem>>
      %dma_wait3A_561 = arith.constant 0 : i32
      %dma_wait3A_562 = tpu.memref_slice %arg7[%dma_wait3A_557, %dma_wait3A_561] : memref<24x128xi32, #tpu.memory_space<vmem>> -> memref<1x128xi32, #tpu.memory_space<vmem>>
      %dma_wait3A_563 = tpu.memref_squeeze %dma_wait3A_562 : memref<1x128xi32, #tpu.memory_space<vmem>> -> memref<128xi32, #tpu.memory_space<vmem>>
      %dma_wait3A_564 = arith.constant 0 : i32
      %dma_wait3A_565 = arith.constant 0 : i32
      %dma_wait3A_566 = tpu.memref_slice %arg6[%arg0, %dma_wait3A_564, %dma_wait3A_565] : memref<2x100096x16xf32, #tpu.memory_space<hbm>> -> memref<1x100096x16xf32, #tpu.memory_space<hbm>>
      %dma_wait3A_567 = tpu.memref_squeeze %dma_wait3A_566 : memref<1x100096x16xf32, #tpu.memory_space<hbm>> -> memref<100096x16xf32, #tpu.memory_space<hbm>>
      %dma_wait3A_568 = arith.constant 0 : i32
      %dma_wait3A_569 = arith.constant 0 : i32
      %dma_wait3A_570 = tpu.memref_slice %dma_wait3A_567[%dma_wait3A_568, %dma_wait3A_569] : memref<100096x16xf32, #tpu.memory_space<hbm>> -> memref<100096x16xf32, #tpu.memory_space<hbm>>
      tpu.wait_indirect_dma semaphore(%arg16 : memref<!tpu.dma_semaphore, #tpu.memory_space<semaphore_mem>>) src(%dma_wait3A_570 : memref<100096x16xf32, #tpu.memory_space<hbm>>) dst(%dma_wait3A_560 : memref<128x16xf32, #tpu.memory_space<vmem>>)
      %dma_wait3A_571 = arith.constant 0 : i32
      %dma_wait3A_572 = arith.constant 0 : i32
      %dma_wait3A_573 = arith.constant 0 : i32
      %dma_wait3A_574 = tpu.memref_slice %arg10[%dma_wait3A_572, %dma_wait3A_573] : memref<512x16xf32, #tpu.memory_space<vmem>> -> memref<128x16xf32, #tpu.memory_space<vmem>>
      %dma_wait3A_575 = arith.constant 0 : i32
      %dma_wait3A_576 = tpu.memref_slice %arg7[%dma_wait3A_571, %dma_wait3A_575] : memref<24x128xi32, #tpu.memory_space<vmem>> -> memref<1x128xi32, #tpu.memory_space<vmem>>
      %dma_wait3A_577 = tpu.memref_squeeze %dma_wait3A_576 : memref<1x128xi32, #tpu.memory_space<vmem>> -> memref<128xi32, #tpu.memory_space<vmem>>
      %dma_wait3A_578 = arith.constant 0 : i32
      %dma_wait3A_579 = arith.constant 0 : i32
      %dma_wait3A_580 = tpu.memref_slice %arg6[%arg0, %dma_wait3A_578, %dma_wait3A_579] : memref<2x100096x16xf32, #tpu.memory_space<hbm>> -> memref<1x100096x16xf32, #tpu.memory_space<hbm>>
      %dma_wait3A_581 = tpu.memref_squeeze %dma_wait3A_580 : memref<1x100096x16xf32, #tpu.memory_space<hbm>> -> memref<100096x16xf32, #tpu.memory_space<hbm>>
      %dma_wait3A_582 = arith.constant 0 : i32
      %dma_wait3A_583 = arith.constant 0 : i32
      %dma_wait3A_584 = tpu.memref_slice %dma_wait3A_581[%dma_wait3A_582, %dma_wait3A_583] : memref<100096x16xf32, #tpu.memory_space<hbm>> -> memref<100096x16xf32, #tpu.memory_space<hbm>>
      tpu.wait_indirect_dma semaphore(%arg16 : memref<!tpu.dma_semaphore, #tpu.memory_space<semaphore_mem>>) src(%dma_wait3A_584 : memref<100096x16xf32, #tpu.memory_space<hbm>>) dst(%dma_wait3A_574 : memref<128x16xf32, #tpu.memory_space<vmem>>)
      %ge3A_585 = arith.constant 1 : i32
      %ge3A_586 = arith.cmpi sge, %while3A_372, %ge3A_585 : i32
      %convert_element_type3A_587 = arith.extui %ge3A_586 : i1 to i32
      %cond3A_588 = arith.constant 0 : i32
      %cond3A_589 = arith.cmpi ne, %convert_element_type3A_587, %cond3A_588 : i32
      scf.if %cond3A_589 {
        %dma_wait3A_989 = arith.constant 0 : i32
        %dma_wait3A_990 = arith.constant 0 : i32
        %dma_wait3A_991 = arith.constant 0 : i32
        %dma_wait3A_992 = tpu.memref_slice %arg11[%dma_wait3A_990, %dma_wait3A_991] : memref<256x16xf32, #tpu.memory_space<vmem>> -> memref<128x16xf32, #tpu.memory_space<vmem>>
        %dma_wait3A_993 = arith.constant 0 : i32
        %dma_wait3A_994 = tpu.memref_slice %arg8[%dma_wait3A_989, %dma_wait3A_993] : memref<24x128xi32, #tpu.memory_space<vmem>> -> memref<1x128xi32, #tpu.memory_space<vmem>>
        %dma_wait3A_995 = tpu.memref_squeeze %dma_wait3A_994 : memref<1x128xi32, #tpu.memory_space<vmem>> -> memref<128xi32, #tpu.memory_space<vmem>>
        %dma_wait3A_996 = arith.constant 0 : i32
        %dma_wait3A_997 = arith.constant 0 : i32
        %dma_wait3A_998 = tpu.memref_slice %arg14[%dma_wait3A_996, %dma_wait3A_997] : memref<100096x16xf32, #tpu.memory_space<vmem_shared>> -> memref<100096x16xf32, #tpu.memory_space<vmem_shared>>
        tpu.wait_indirect_dma semaphore(%arg20 : memref<!tpu.dma_semaphore, #tpu.memory_space<semaphore_mem>>) src(%dma_wait3A_992 : memref<128x16xf32, #tpu.memory_space<vmem>>) dst(%dma_wait3A_998 : memref<100096x16xf32, #tpu.memory_space<vmem_shared>>)
      } else {
      }
      %add3A_590 = arith.constant 3 : i32
      %add3A_591 = arith.addi %add3A_556, %add3A_590 : i32
      %jit3A_592 = arith.constant 8 : i32
      %div3A_593 = arith.divsi %add3A_591, %jit3A_592 : i32
      %sign3A_594 = arith.constant 0 : i32
      %sign3A_595 = arith.cmpi sgt, %add3A_591, %sign3A_594 : i32
      %sign3A_596 = arith.extui %sign3A_595 : i1 to i32
      %sign3A_597 = arith.constant 0 : i32
      %sign3A_598 = arith.cmpi slt, %add3A_591, %sign3A_597 : i32
      %sign3A_599 = arith.extui %sign3A_598 : i1 to i32
      %sign3A_600 = arith.subi %sign3A_596, %sign3A_599 : i32
      %sign3A_601 = arith.constant 0 : i32
      %sign3A_602 = arith.cmpi sgt, %jit3A_592, %sign3A_601 : i32
      %sign3A_603 = arith.extui %sign3A_602 : i1 to i32
      %sign3A_604 = arith.constant 0 : i32
      %sign3A_605 = arith.cmpi slt, %jit3A_592, %sign3A_604 : i32
      %sign3A_606 = arith.extui %sign3A_605 : i1 to i32
      %sign3A_607 = arith.subi %sign3A_603, %sign3A_606 : i32
      %ne3A_608 = arith.cmpi ne, %sign3A_600, %sign3A_607 : i32
      %rem3A_609 = arith.remsi %add3A_591, %jit3A_592 : i32
      %ne3A_610 = arith.constant 0 : i32
      %ne3A_611 = arith.cmpi ne, %rem3A_609, %ne3A_610 : i32
      %and3A_612 = arith.andi %ne3A_608, %ne3A_611 : i1
      %sub3A_613 = arith.constant 1 : i32
      %sub3A_614 = arith.subi %div3A_593, %sub3A_613 : i32
      %select_n3A_615 = arith.select %and3A_612, %sub3A_614, %div3A_593 : i32
      %rem3A_616 = arith.constant 3 : i32
      %rem3A_617 = arith.remsi %select_n3A_615, %rem3A_616 : i32
      %mul3A_618 = arith.constant 8 : i32
      %mul3A_619 = arith.muli %rem3A_617, %mul3A_618 : i32
      %rem3A_620 = arith.constant 8 : i32
      %rem3A_621 = arith.remsi %add3A_591, %rem3A_620 : i32
      %add3A_622 = arith.addi %mul3A_619, %rem3A_621 : i32
      %dma_start3A_623 = arith.constant 0 : i32
      %dma_start3A_624 = arith.constant 0 : i32
      %dma_start3A_625 = tpu.memref_slice %arg9[%dma_start3A_623, %dma_start3A_624] : memref<512x16xf32, #tpu.memory_space<vmem>> -> memref<128x16xf32, #tpu.memory_space<vmem>>
      %dma_start3A_626 = arith.constant 0 : i32
      %dma_start3A_627 = tpu.memref_slice %arg7[%add3A_622, %dma_start3A_626] : memref<24x128xi32, #tpu.memory_space<vmem>> -> memref<1x128xi32, #tpu.memory_space<vmem>>
      %dma_start3A_628 = tpu.memref_squeeze %dma_start3A_627 : memref<1x128xi32, #tpu.memory_space<vmem>> -> memref<128xi32, #tpu.memory_space<vmem>>
      %dma_start3A_629 = arith.constant 0 : i32
      %dma_start3A_630 = arith.constant 0 : i32
      %dma_start3A_631 = tpu.memref_slice %arg6[%arg0, %dma_start3A_629, %dma_start3A_630] : memref<2x100096x16xf32, #tpu.memory_space<hbm>> -> memref<1x100096x16xf32, #tpu.memory_space<hbm>>
      %dma_start3A_632 = tpu.memref_squeeze %dma_start3A_631 : memref<1x100096x16xf32, #tpu.memory_space<hbm>> -> memref<100096x16xf32, #tpu.memory_space<hbm>>
      %dma_start3A_633 = arith.constant 0 : i32
      %dma_start3A_634 = arith.constant 0 : i32
      %dma_start3A_635 = tpu.memref_slice %dma_start3A_632[%dma_start3A_633, %dma_start3A_634] : memref<100096x16xf32, #tpu.memory_space<hbm>> -> memref<100096x16xf32, #tpu.memory_space<hbm>>
      tpu.enqueue_indirect_dma source(%dma_start3A_635 : memref<100096x16xf32, #tpu.memory_space<hbm>>) target(%dma_start3A_625 : memref<128x16xf32, #tpu.memory_space<vmem>>) offsets(%dma_start3A_628 : memref<128xi32, #tpu.memory_space<vmem>>) semaphore(%arg15 : memref<!tpu.dma_semaphore, #tpu.memory_space<semaphore_mem>>)
      %dma_start3A_636 = arith.constant 0 : i32
      %dma_start3A_637 = arith.constant 0 : i32
      %dma_start3A_638 = tpu.memref_slice %arg10[%dma_start3A_636, %dma_start3A_637] : memref<512x16xf32, #tpu.memory_space<vmem>> -> memref<128x16xf32, #tpu.memory_space<vmem>>
      %dma_start3A_639 = arith.constant 0 : i32
      %dma_start3A_640 = tpu.memref_slice %arg8[%add3A_622, %dma_start3A_639] : memref<24x128xi32, #tpu.memory_space<vmem>> -> memref<1x128xi32, #tpu.memory_space<vmem>>
      %dma_start3A_641 = tpu.memref_squeeze %dma_start3A_640 : memref<1x128xi32, #tpu.memory_space<vmem>> -> memref<128xi32, #tpu.memory_space<vmem>>
      %dma_start3A_642 = arith.constant 0 : i32
      %dma_start3A_643 = arith.constant 0 : i32
      %dma_start3A_644 = tpu.memref_slice %arg6[%arg0, %dma_start3A_642, %dma_start3A_643] : memref<2x100096x16xf32, #tpu.memory_space<hbm>> -> memref<1x100096x16xf32, #tpu.memory_space<hbm>>
      %dma_start3A_645 = tpu.memref_squeeze %dma_start3A_644 : memref<1x100096x16xf32, #tpu.memory_space<hbm>> -> memref<100096x16xf32, #tpu.memory_space<hbm>>
      %dma_start3A_646 = arith.constant 0 : i32
      %dma_start3A_647 = arith.constant 0 : i32
      %dma_start3A_648 = tpu.memref_slice %dma_start3A_645[%dma_start3A_646, %dma_start3A_647] : memref<100096x16xf32, #tpu.memory_space<hbm>> -> memref<100096x16xf32, #tpu.memory_space<hbm>>
      tpu.enqueue_indirect_dma source(%dma_start3A_648 : memref<100096x16xf32, #tpu.memory_space<hbm>>) target(%dma_start3A_638 : memref<128x16xf32, #tpu.memory_space<vmem>>) offsets(%dma_start3A_641 : memref<128xi32, #tpu.memory_space<vmem>>) semaphore(%arg15 : memref<!tpu.dma_semaphore, #tpu.memory_space<semaphore_mem>>)
      %scan3A_649 = arith.constant 0 : i32
      %scan3A_650 = arith.constant 0 : i32
      %scan3A_651 = arith.constant 8 : i32
      %scan3A_652 = arith.addi %scan3A_650, %scan3A_651 : i32
      %scan3A_653 = arith.constant 1 : i32
      scf.for %scan3A_989 = %scan3A_650 to %scan3A_652 step %scan3A_653  : i32 {
        %mul3A_990 = arith.constant 16 : i32
        %mul3A_991 = arith.muli %scan3A_989, %mul3A_990 : i32
        %add3A_992 = arith.constant 128 : i32
        %add3A_993 = arith.addi %mul3A_991, %add3A_992 : i32
        %add3A_994 = vector.broadcast %add3A_993 : i32 to vector<16xi32>
        %add3A_995 = arith.addi %iota3A, %add3A_994 : vector<16xi32>
        %mul3A_996 = arith.constant 16 : i32
        %mul3A_997 = arith.muli %scan3A_989, %mul3A_996 : i32
        %add3A_998 = arith.constant 128 : i32
        %add3A_999 = arith.addi %mul3A_997, %add3A_998 : i32
        %add3A_1000 = vector.broadcast %add3A_999 : i32 to vector<16xi32>
        %add3A_1001 = arith.addi %iota3A, %add3A_1000 : vector<16xi32>
        %broadcast_in_dim3A_1002 = arith.constant 0 : i32
        %broadcast_in_dim3A_1003 = vector.broadcast %broadcast_in_dim3A_1002 : i32 to vector<16xi32>
        %gather3A = tpu.vector_load_idx %arg9[%add3A_995, %broadcast_in_dim3A_1003] : memref<512x16xf32, #tpu.memory_space<vmem>>[vector<16xi32>, vector<16xi32>], vector<16xf32>,
        %broadcast_in_dim3A_1004 = arith.constant 1 : i32
        %broadcast_in_dim3A_1005 = vector.broadcast %broadcast_in_dim3A_1004 : i32 to vector<16xi32>
        %gather3A_1006 = tpu.vector_load_idx %arg9[%add3A_995, %broadcast_in_dim3A_1005] : memref<512x16xf32, #tpu.memory_space<vmem>>[vector<16xi32>, vector<16xi32>], vector<16xf32>,
        %broadcast_in_dim3A_1007 = arith.constant 2 : i32
        %broadcast_in_dim3A_1008 = vector.broadcast %broadcast_in_dim3A_1007 : i32 to vector<16xi32>
        %gather3A_1009 = tpu.vector_load_idx %arg9[%add3A_995, %broadcast_in_dim3A_1008] : memref<512x16xf32, #tpu.memory_space<vmem>>[vector<16xi32>, vector<16xi32>], vector<16xf32>,
        %broadcast_in_dim3A_1010 = arith.constant 3 : i32
        %broadcast_in_dim3A_1011 = vector.broadcast %broadcast_in_dim3A_1010 : i32 to vector<16xi32>
        %gather3A_1012 = tpu.vector_load_idx %arg9[%add3A_995, %broadcast_in_dim3A_1011] : memref<512x16xf32, #tpu.memory_space<vmem>>[vector<16xi32>, vector<16xi32>], vector<16xf32>,
        %broadcast_in_dim3A_1013 = arith.constant 4 : i32
        %broadcast_in_dim3A_1014 = vector.broadcast %broadcast_in_dim3A_1013 : i32 to vector<16xi32>
        %gather3A_1015 = tpu.vector_load_idx %arg10[%add3A_995, %broadcast_in_dim3A_1014] : memref<512x16xf32, #tpu.memory_space<vmem>>[vector<16xi32>, vector<16xi32>], vector<16xf32>,
        %broadcast_in_dim3A_1016 = arith.constant 5 : i32
        %broadcast_in_dim3A_1017 = vector.broadcast %broadcast_in_dim3A_1016 : i32 to vector<16xi32>
        %gather3A_1018 = tpu.vector_load_idx %arg10[%add3A_995, %broadcast_in_dim3A_1017] : memref<512x16xf32, #tpu.memory_space<vmem>>[vector<16xi32>, vector<16xi32>], vector<16xf32>,
        %broadcast_in_dim3A_1019 = arith.constant 6 : i32
        %broadcast_in_dim3A_1020 = vector.broadcast %broadcast_in_dim3A_1019 : i32 to vector<16xi32>
        %gather3A_1021 = tpu.vector_load_idx %arg10[%add3A_995, %broadcast_in_dim3A_1020] : memref<512x16xf32, #tpu.memory_space<vmem>>[vector<16xi32>, vector<16xi32>], vector<16xf32>,
        %broadcast_in_dim3A_1022 = arith.constant 7 : i32
        %broadcast_in_dim3A_1023 = vector.broadcast %broadcast_in_dim3A_1022 : i32 to vector<16xi32>
        %gather3A_1024 = tpu.vector_load_idx %arg10[%add3A_995, %broadcast_in_dim3A_1023] : memref<512x16xf32, #tpu.memory_space<vmem>>[vector<16xi32>, vector<16xi32>], vector<16xf32>,
        %broadcast_in_dim3A_1025 = arith.constant 8 : i32
        %broadcast_in_dim3A_1026 = vector.broadcast %broadcast_in_dim3A_1025 : i32 to vector<16xi32>
        %gather3A_1027 = tpu.vector_load_idx %arg9[%add3A_995, %broadcast_in_dim3A_1026] : memref<512x16xf32, #tpu.memory_space<vmem>>[vector<16xi32>, vector<16xi32>], vector<16xf32>,
        %broadcast_in_dim3A_1028 = arith.constant 9 : i32
        %broadcast_in_dim3A_1029 = vector.broadcast %broadcast_in_dim3A_1028 : i32 to vector<16xi32>
        %gather3A_1030 = tpu.vector_load_idx %arg9[%add3A_995, %broadcast_in_dim3A_1029] : memref<512x16xf32, #tpu.memory_space<vmem>>[vector<16xi32>, vector<16xi32>], vector<16xf32>,
        %broadcast_in_dim3A_1031 = arith.constant 10 : i32
        %broadcast_in_dim3A_1032 = vector.broadcast %broadcast_in_dim3A_1031 : i32 to vector<16xi32>
        %gather3A_1033 = tpu.vector_load_idx %arg9[%add3A_995, %broadcast_in_dim3A_1032] : memref<512x16xf32, #tpu.memory_space<vmem>>[vector<16xi32>, vector<16xi32>], vector<16xf32>,
        %broadcast_in_dim3A_1034 = arith.constant 11 : i32
        %broadcast_in_dim3A_1035 = vector.broadcast %broadcast_in_dim3A_1034 : i32 to vector<16xi32>
        %gather3A_1036 = tpu.vector_load_idx %arg9[%add3A_995, %broadcast_in_dim3A_1035] : memref<512x16xf32, #tpu.memory_space<vmem>>[vector<16xi32>, vector<16xi32>], vector<16xf32>,
        %broadcast_in_dim3A_1037 = arith.constant 12 : i32
        %broadcast_in_dim3A_1038 = vector.broadcast %broadcast_in_dim3A_1037 : i32 to vector<16xi32>
        %gather3A_1039 = tpu.vector_load_idx %arg9[%add3A_995, %broadcast_in_dim3A_1038] : memref<512x16xf32, #tpu.memory_space<vmem>>[vector<16xi32>, vector<16xi32>], vector<16xf32>,
        %broadcast_in_dim3A_1040 = arith.constant 13 : i32
        %broadcast_in_dim3A_1041 = vector.broadcast %broadcast_in_dim3A_1040 : i32 to vector<16xi32>
        %gather3A_1042 = tpu.vector_load_idx %arg9[%add3A_995, %broadcast_in_dim3A_1041] : memref<512x16xf32, #tpu.memory_space<vmem>>[vector<16xi32>, vector<16xi32>], vector<16xf32>,
        %broadcast_in_dim3A_1043 = arith.constant 14 : i32
        %broadcast_in_dim3A_1044 = vector.broadcast %broadcast_in_dim3A_1043 : i32 to vector<16xi32>
        %gather3A_1045 = tpu.vector_load_idx %arg9[%add3A_995, %broadcast_in_dim3A_1044] : memref<512x16xf32, #tpu.memory_space<vmem>>[vector<16xi32>, vector<16xi32>], vector<16xf32>,
        %broadcast_in_dim3A_1046 = arith.constant 15 : i32
        %broadcast_in_dim3A_1047 = vector.broadcast %broadcast_in_dim3A_1046 : i32 to vector<16xi32>
        %gather3A_1048 = tpu.vector_load_idx %arg9[%add3A_995, %broadcast_in_dim3A_1047] : memref<512x16xf32, #tpu.memory_space<vmem>>[vector<16xi32>, vector<16xi32>], vector<16xf32>,
        %add3A_1049 = arith.addf %gather3A, %gather3A_1015 : vector<16xf32>
        %mul3A_1050 = arith.constant 2.000000e-01 : f32
        %mul3A_1051 = vector.broadcast %mul3A_1050 : f32 to vector<16xf32>
        %mul3A_1052 = arith.mulf %mul3A_1051, %add3A_1049 : vector<16xf32>
        %max3A = arith.maximumf %add3A_1049, %mul3A_1052 : vector<16xf32>
        %exp3A = math.exp %max3A : vector<16xf32>
        %broadcast_in_dim3A_1053 = arith.constant 0 : i32
        %broadcast_in_dim3A_1054 = vector.broadcast %broadcast_in_dim3A_1053 : i32 to vector<16xi32>
        tpu.vector_store_idx %arg11[%add3A_1001, %broadcast_in_dim3A_1054], %exp3A : memref<256x16xf32, #tpu.memory_space<vmem>>[vector<16xi32>, vector<16xi32>], vector<16xf32>,
        %broadcast_in_dim3A_1055 = arith.constant 4 : i32
        %broadcast_in_dim3A_1056 = vector.broadcast %broadcast_in_dim3A_1055 : i32 to vector<16xi32>
        %mul3A_1057 = arith.mulf %gather3A_1027, %exp3A : vector<16xf32>
        tpu.vector_store_idx %arg11[%add3A_1001, %broadcast_in_dim3A_1056], %mul3A_1057 : memref<256x16xf32, #tpu.memory_space<vmem>>[vector<16xi32>, vector<16xi32>], vector<16xf32>,
        %broadcast_in_dim3A_1058 = arith.constant 5 : i32
        %broadcast_in_dim3A_1059 = vector.broadcast %broadcast_in_dim3A_1058 : i32 to vector<16xi32>
        %mul3A_1060 = arith.mulf %gather3A_1030, %exp3A : vector<16xf32>
        tpu.vector_store_idx %arg11[%add3A_1001, %broadcast_in_dim3A_1059], %mul3A_1060 : memref<256x16xf32, #tpu.memory_space<vmem>>[vector<16xi32>, vector<16xi32>], vector<16xf32>,
        %add3A_1061 = arith.addf %gather3A_1006, %gather3A_1018 : vector<16xf32>
        %mul3A_1062 = arith.constant 2.000000e-01 : f32
        %mul3A_1063 = vector.broadcast %mul3A_1062 : f32 to vector<16xf32>
        %mul3A_1064 = arith.mulf %mul3A_1063, %add3A_1061 : vector<16xf32>
        %max3A_1065 = arith.maximumf %add3A_1061, %mul3A_1064 : vector<16xf32>
        %exp3A_1066 = math.exp %max3A_1065 : vector<16xf32>
        %broadcast_in_dim3A_1067 = arith.constant 1 : i32
        %broadcast_in_dim3A_1068 = vector.broadcast %broadcast_in_dim3A_1067 : i32 to vector<16xi32>
        tpu.vector_store_idx %arg11[%add3A_1001, %broadcast_in_dim3A_1068], %exp3A_1066 : memref<256x16xf32, #tpu.memory_space<vmem>>[vector<16xi32>, vector<16xi32>], vector<16xf32>,
        %broadcast_in_dim3A_1069 = arith.constant 6 : i32
        %broadcast_in_dim3A_1070 = vector.broadcast %broadcast_in_dim3A_1069 : i32 to vector<16xi32>
        %mul3A_1071 = arith.mulf %gather3A_1033, %exp3A_1066 : vector<16xf32>
        tpu.vector_store_idx %arg11[%add3A_1001, %broadcast_in_dim3A_1070], %mul3A_1071 : memref<256x16xf32, #tpu.memory_space<vmem>>[vector<16xi32>, vector<16xi32>], vector<16xf32>,
        %broadcast_in_dim3A_1072 = arith.constant 7 : i32
        %broadcast_in_dim3A_1073 = vector.broadcast %broadcast_in_dim3A_1072 : i32 to vector<16xi32>
        %mul3A_1074 = arith.mulf %gather3A_1036, %exp3A_1066 : vector<16xf32>
        tpu.vector_store_idx %arg11[%add3A_1001, %broadcast_in_dim3A_1073], %mul3A_1074 : memref<256x16xf32, #tpu.memory_space<vmem>>[vector<16xi32>, vector<16xi32>], vector<16xf32>,
        %add3A_1075 = arith.addf %gather3A_1009, %gather3A_1021 : vector<16xf32>
        %mul3A_1076 = arith.constant 2.000000e-01 : f32
        %mul3A_1077 = vector.broadcast %mul3A_1076 : f32 to vector<16xf32>
        %mul3A_1078 = arith.mulf %mul3A_1077, %add3A_1075 : vector<16xf32>
        %max3A_1079 = arith.maximumf %add3A_1075, %mul3A_1078 : vector<16xf32>
        %exp3A_1080 = math.exp %max3A_1079 : vector<16xf32>
        %broadcast_in_dim3A_1081 = arith.constant 2 : i32
        %broadcast_in_dim3A_1082 = vector.broadcast %broadcast_in_dim3A_1081 : i32 to vector<16xi32>
        tpu.vector_store_idx %arg11[%add3A_1001, %broadcast_in_dim3A_1082], %exp3A_1080 : memref<256x16xf32, #tpu.memory_space<vmem>>[vector<16xi32>, vector<16xi32>], vector<16xf32>,
        %broadcast_in_dim3A_1083 = arith.constant 8 : i32
        %broadcast_in_dim3A_1084 = vector.broadcast %broadcast_in_dim3A_1083 : i32 to vector<16xi32>
        %mul3A_1085 = arith.mulf %gather3A_1039, %exp3A_1080 : vector<16xf32>
        tpu.vector_store_idx %arg11[%add3A_1001, %broadcast_in_dim3A_1084], %mul3A_1085 : memref<256x16xf32, #tpu.memory_space<vmem>>[vector<16xi32>, vector<16xi32>], vector<16xf32>,
        %broadcast_in_dim3A_1086 = arith.constant 9 : i32
        %broadcast_in_dim3A_1087 = vector.broadcast %broadcast_in_dim3A_1086 : i32 to vector<16xi32>
        %mul3A_1088 = arith.mulf %gather3A_1042, %exp3A_1080 : vector<16xf32>
        tpu.vector_store_idx %arg11[%add3A_1001, %broadcast_in_dim3A_1087], %mul3A_1088 : memref<256x16xf32, #tpu.memory_space<vmem>>[vector<16xi32>, vector<16xi32>], vector<16xf32>,
        %add3A_1089 = arith.addf %gather3A_1012, %gather3A_1024 : vector<16xf32>
        %mul3A_1090 = arith.constant 2.000000e-01 : f32
        %mul3A_1091 = vector.broadcast %mul3A_1090 : f32 to vector<16xf32>
        %mul3A_1092 = arith.mulf %mul3A_1091, %add3A_1089 : vector<16xf32>
        %max3A_1093 = arith.maximumf %add3A_1089, %mul3A_1092 : vector<16xf32>
        %exp3A_1094 = math.exp %max3A_1093 : vector<16xf32>
        %broadcast_in_dim3A_1095 = arith.constant 3 : i32
        %broadcast_in_dim3A_1096 = vector.broadcast %broadcast_in_dim3A_1095 : i32 to vector<16xi32>
        tpu.vector_store_idx %arg11[%add3A_1001, %broadcast_in_dim3A_1096], %exp3A_1094 : memref<256x16xf32, #tpu.memory_space<vmem>>[vector<16xi32>, vector<16xi32>], vector<16xf32>,
        %broadcast_in_dim3A_1097 = arith.constant 10 : i32
        %broadcast_in_dim3A_1098 = vector.broadcast %broadcast_in_dim3A_1097 : i32 to vector<16xi32>
        %mul3A_1099 = arith.mulf %gather3A_1045, %exp3A_1094 : vector<16xf32>
        tpu.vector_store_idx %arg11[%add3A_1001, %broadcast_in_dim3A_1098], %mul3A_1099 : memref<256x16xf32, #tpu.memory_space<vmem>>[vector<16xi32>, vector<16xi32>], vector<16xf32>,
        %broadcast_in_dim3A_1100 = arith.constant 11 : i32
        %broadcast_in_dim3A_1101 = vector.broadcast %broadcast_in_dim3A_1100 : i32 to vector<16xi32>
        %mul3A_1102 = arith.mulf %gather3A_1048, %exp3A_1094 : vector<16xf32>
        tpu.vector_store_idx %arg11[%add3A_1001, %broadcast_in_dim3A_1101], %mul3A_1102 : memref<256x16xf32, #tpu.memory_space<vmem>>[vector<16xi32>, vector<16xi32>], vector<16xf32>,
      }
      %scan3A_654 = arith.constant 8 : i32
      %jit3A_655 = arith.constant 8 : i32
      %div3A_656 = arith.divsi %add3A_556, %jit3A_655 : i32
      %sign3A_657 = arith.constant 0 : i32
      %sign3A_658 = arith.cmpi sgt, %add3A_556, %sign3A_657 : i32
      %sign3A_659 = arith.extui %sign3A_658 : i1 to i32
      %sign3A_660 = arith.constant 0 : i32
      %sign3A_661 = arith.cmpi slt, %add3A_556, %sign3A_660 : i32
      %sign3A_662 = arith.extui %sign3A_661 : i1 to i32
      %sign3A_663 = arith.subi %sign3A_659, %sign3A_662 : i32
      %sign3A_664 = arith.constant 0 : i32
      %sign3A_665 = arith.cmpi sgt, %jit3A_655, %sign3A_664 : i32
      %sign3A_666 = arith.extui %sign3A_665 : i1 to i32
      %sign3A_667 = arith.constant 0 : i32
      %sign3A_668 = arith.cmpi slt, %jit3A_655, %sign3A_667 : i32
      %sign3A_669 = arith.extui %sign3A_668 : i1 to i32
      %sign3A_670 = arith.subi %sign3A_666, %sign3A_669 : i32
      %ne3A_671 = arith.cmpi ne, %sign3A_663, %sign3A_670 : i32
      %rem3A_672 = arith.remsi %add3A_556, %jit3A_655 : i32
      %ne3A_673 = arith.constant 0 : i32
      %ne3A_674 = arith.cmpi ne, %rem3A_672, %ne3A_673 : i32
      %and3A_675 = arith.andi %ne3A_671, %ne3A_674 : i1
      %sub3A_676 = arith.constant 1 : i32
      %sub3A_677 = arith.subi %div3A_656, %sub3A_676 : i32
      %select_n3A_678 = arith.select %and3A_675, %sub3A_677, %div3A_656 : i32
      %rem3A_679 = arith.constant 3 : i32
      %rem3A_680 = arith.remsi %select_n3A_678, %rem3A_679 : i32
      %mul3A_681 = arith.constant 8 : i32
      %mul3A_682 = arith.muli %rem3A_680, %mul3A_681 : i32
      %rem3A_683 = arith.constant 8 : i32
      %rem3A_684 = arith.remsi %add3A_556, %rem3A_683 : i32
      %add3A_685 = arith.addi %mul3A_682, %rem3A_684 : i32
      %dma_start3A_686 = arith.constant 128 : i32
      %dma_start3A_687 = arith.constant 0 : i32
      %dma_start3A_688 = tpu.memref_slice %arg11[%dma_start3A_686, %dma_start3A_687] : memref<256x16xf32, #tpu.memory_space<vmem>> -> memref<128x16xf32, #tpu.memory_space<vmem>>
      %dma_start3A_689 = arith.constant 0 : i32
      %dma_start3A_690 = tpu.memref_slice %arg8[%add3A_685, %dma_start3A_689] : memref<24x128xi32, #tpu.memory_space<vmem>> -> memref<1x128xi32, #tpu.memory_space<vmem>>
      %dma_start3A_691 = tpu.memref_squeeze %dma_start3A_690 : memref<1x128xi32, #tpu.memory_space<vmem>> -> memref<128xi32, #tpu.memory_space<vmem>>
      %dma_start3A_692 = arith.constant 0 : i32
      %dma_start3A_693 = arith.constant 0 : i32
      %dma_start3A_694 = tpu.memref_slice %arg14[%dma_start3A_692, %dma_start3A_693] : memref<100096x16xf32, #tpu.memory_space<vmem_shared>> -> memref<100096x16xf32, #tpu.memory_space<vmem_shared>>
      tpu.enqueue_indirect_dma source(%dma_start3A_688 : memref<128x16xf32, #tpu.memory_space<vmem>>) target(%dma_start3A_694 : memref<100096x16xf32, #tpu.memory_space<vmem_shared>>) offsets(%dma_start3A_691 : memref<128xi32, #tpu.memory_space<vmem>>) semaphore(%arg20 : memref<!tpu.dma_semaphore, #tpu.memory_space<semaphore_mem>>) {add = true}
      %mul3A_695 = arith.constant 4 : i32
      %mul3A_696 = arith.muli %mul3A_695, %while3A_372 : i32
      %add3A_697 = arith.constant 2 : i32
      %add3A_698 = arith.addi %mul3A_696, %add3A_697 : i32
      %dma_wait3A_699 = arith.constant 0 : i32
      %dma_wait3A_700 = arith.constant 0 : i32
      %dma_wait3A_701 = arith.constant 0 : i32
      %dma_wait3A_702 = tpu.memref_slice %arg9[%dma_wait3A_700, %dma_wait3A_701] : memref<512x16xf32, #tpu.memory_space<vmem>> -> memref<128x16xf32, #tpu.memory_space<vmem>>
      %dma_wait3A_703 = arith.constant 0 : i32
      %dma_wait3A_704 = tpu.memref_slice %arg7[%dma_wait3A_699, %dma_wait3A_703] : memref<24x128xi32, #tpu.memory_space<vmem>> -> memref<1x128xi32, #tpu.memory_space<vmem>>
      %dma_wait3A_705 = tpu.memref_squeeze %dma_wait3A_704 : memref<1x128xi32, #tpu.memory_space<vmem>> -> memref<128xi32, #tpu.memory_space<vmem>>
      %dma_wait3A_706 = arith.constant 0 : i32
      %dma_wait3A_707 = arith.constant 0 : i32
      %dma_wait3A_708 = tpu.memref_slice %arg6[%arg0, %dma_wait3A_706, %dma_wait3A_707] : memref<2x100096x16xf32, #tpu.memory_space<hbm>> -> memref<1x100096x16xf32, #tpu.memory_space<hbm>>
      %dma_wait3A_709 = tpu.memref_squeeze %dma_wait3A_708 : memref<1x100096x16xf32, #tpu.memory_space<hbm>> -> memref<100096x16xf32, #tpu.memory_space<hbm>>
      %dma_wait3A_710 = arith.constant 0 : i32
      %dma_wait3A_711 = arith.constant 0 : i32
      %dma_wait3A_712 = tpu.memref_slice %dma_wait3A_709[%dma_wait3A_710, %dma_wait3A_711] : memref<100096x16xf32, #tpu.memory_space<hbm>> -> memref<100096x16xf32, #tpu.memory_space<hbm>>
      tpu.wait_indirect_dma semaphore(%arg17 : memref<!tpu.dma_semaphore, #tpu.memory_space<semaphore_mem>>) src(%dma_wait3A_712 : memref<100096x16xf32, #tpu.memory_space<hbm>>) dst(%dma_wait3A_702 : memref<128x16xf32, #tpu.memory_space<vmem>>)
      %dma_wait3A_713 = arith.constant 0 : i32
      %dma_wait3A_714 = arith.constant 0 : i32
      %dma_wait3A_715 = arith.constant 0 : i32
      %dma_wait3A_716 = tpu.memref_slice %arg10[%dma_wait3A_714, %dma_wait3A_715] : memref<512x16xf32, #tpu.memory_space<vmem>> -> memref<128x16xf32, #tpu.memory_space<vmem>>
      %dma_wait3A_717 = arith.constant 0 : i32
      %dma_wait3A_718 = tpu.memref_slice %arg7[%dma_wait3A_713, %dma_wait3A_717] : memref<24x128xi32, #tpu.memory_space<vmem>> -> memref<1x128xi32, #tpu.memory_space<vmem>>
      %dma_wait3A_719 = tpu.memref_squeeze %dma_wait3A_718 : memref<1x128xi32, #tpu.memory_space<vmem>> -> memref<128xi32, #tpu.memory_space<vmem>>
      %dma_wait3A_720 = arith.constant 0 : i32
      %dma_wait3A_721 = arith.constant 0 : i32
      %dma_wait3A_722 = tpu.memref_slice %arg6[%arg0, %dma_wait3A_720, %dma_wait3A_721] : memref<2x100096x16xf32, #tpu.memory_space<hbm>> -> memref<1x100096x16xf32, #tpu.memory_space<hbm>>
      %dma_wait3A_723 = tpu.memref_squeeze %dma_wait3A_722 : memref<1x100096x16xf32, #tpu.memory_space<hbm>> -> memref<100096x16xf32, #tpu.memory_space<hbm>>
      %dma_wait3A_724 = arith.constant 0 : i32
      %dma_wait3A_725 = arith.constant 0 : i32
      %dma_wait3A_726 = tpu.memref_slice %dma_wait3A_723[%dma_wait3A_724, %dma_wait3A_725] : memref<100096x16xf32, #tpu.memory_space<hbm>> -> memref<100096x16xf32, #tpu.memory_space<hbm>>
      tpu.wait_indirect_dma semaphore(%arg17 : memref<!tpu.dma_semaphore, #tpu.memory_space<semaphore_mem>>) src(%dma_wait3A_726 : memref<100096x16xf32, #tpu.memory_space<hbm>>) dst(%dma_wait3A_716 : memref<128x16xf32, #tpu.memory_space<vmem>>)
      %dma_wait3A_727 = arith.constant 0 : i32
      %dma_wait3A_728 = arith.constant 0 : i32
      %dma_wait3A_729 = arith.constant 0 : i32
      %dma_wait3A_730 = tpu.memref_slice %arg11[%dma_wait3A_728, %dma_wait3A_729] : memref<256x16xf32, #tpu.memory_space<vmem>> -> memref<128x16xf32, #tpu.memory_space<vmem>>
      %dma_wait3A_731 = arith.constant 0 : i32
      %dma_wait3A_732 = tpu.memref_slice %arg8[%dma_wait3A_727, %dma_wait3A_731] : memref<24x128xi32, #tpu.memory_space<vmem>> -> memref<1x128xi32, #tpu.memory_space<vmem>>
      %dma_wait3A_733 = tpu.memref_squeeze %dma_wait3A_732 : memref<1x128xi32, #tpu.memory_space<vmem>> -> memref<128xi32, #tpu.memory_space<vmem>>
      %dma_wait3A_734 = arith.constant 0 : i32
      %dma_wait3A_735 = arith.constant 0 : i32
      %dma_wait3A_736 = tpu.memref_slice %arg14[%dma_wait3A_734, %dma_wait3A_735] : memref<100096x16xf32, #tpu.memory_space<vmem_shared>> -> memref<100096x16xf32, #tpu.memory_space<vmem_shared>>
      tpu.wait_indirect_dma semaphore(%arg19 : memref<!tpu.dma_semaphore, #tpu.memory_space<semaphore_mem>>) src(%dma_wait3A_730 : memref<128x16xf32, #tpu.memory_space<vmem>>) dst(%dma_wait3A_736 : memref<100096x16xf32, #tpu.memory_space<vmem_shared>>)
      %add3A_737 = arith.constant 3 : i32
      %add3A_738 = arith.addi %add3A_698, %add3A_737 : i32
      %jit3A_739 = arith.constant 8 : i32
      %div3A_740 = arith.divsi %add3A_738, %jit3A_739 : i32
      %sign3A_741 = arith.constant 0 : i32
      %sign3A_742 = arith.cmpi sgt, %add3A_738, %sign3A_741 : i32
      %sign3A_743 = arith.extui %sign3A_742 : i1 to i32
      %sign3A_744 = arith.constant 0 : i32
      %sign3A_745 = arith.cmpi slt, %add3A_738, %sign3A_744 : i32
      %sign3A_746 = arith.extui %sign3A_745 : i1 to i32
      %sign3A_747 = arith.subi %sign3A_743, %sign3A_746 : i32
      %sign3A_748 = arith.constant 0 : i32
      %sign3A_749 = arith.cmpi sgt, %jit3A_739, %sign3A_748 : i32
      %sign3A_750 = arith.extui %sign3A_749 : i1 to i32
      %sign3A_751 = arith.constant 0 : i32
      %sign3A_752 = arith.cmpi slt, %jit3A_739, %sign3A_751 : i32
      %sign3A_753 = arith.extui %sign3A_752 : i1 to i32
      %sign3A_754 = arith.subi %sign3A_750, %sign3A_753 : i32
      %ne3A_755 = arith.cmpi ne, %sign3A_747, %sign3A_754 : i32
      %rem3A_756 = arith.remsi %add3A_738, %jit3A_739 : i32
      %ne3A_757 = arith.constant 0 : i32
      %ne3A_758 = arith.cmpi ne, %rem3A_756, %ne3A_757 : i32
      %and3A_759 = arith.andi %ne3A_755, %ne3A_758 : i1
      %sub3A_760 = arith.constant 1 : i32
      %sub3A_761 = arith.subi %div3A_740, %sub3A_760 : i32
      %select_n3A_762 = arith.select %and3A_759, %sub3A_761, %div3A_740 : i32
      %rem3A_763 = arith.constant 3 : i32
      %rem3A_764 = arith.remsi %select_n3A_762, %rem3A_763 : i32
      %mul3A_765 = arith.constant 8 : i32
      %mul3A_766 = arith.muli %rem3A_764, %mul3A_765 : i32
      %rem3A_767 = arith.constant 8 : i32
      %rem3A_768 = arith.remsi %add3A_738, %rem3A_767 : i32
      %add3A_769 = arith.addi %mul3A_766, %rem3A_768 : i32
      %dma_start3A_770 = arith.constant 128 : i32
      %dma_start3A_771 = arith.constant 0 : i32
      %dma_start3A_772 = tpu.memref_slice %arg9[%dma_start3A_770, %dma_start3A_771] : memref<512x16xf32, #tpu.memory_space<vmem>> -> memref<128x16xf32, #tpu.memory_space<vmem>>
      %dma_start3A_773 = arith.constant 0 : i32
      %dma_start3A_774 = tpu.memref_slice %arg7[%add3A_769, %dma_start3A_773] : memref<24x128xi32, #tpu.memory_space<vmem>> -> memref<1x128xi32, #tpu.memory_space<vmem>>
      %dma_start3A_775 = tpu.memref_squeeze %dma_start3A_774 : memref<1x128xi32, #tpu.memory_space<vmem>> -> memref<128xi32, #tpu.memory_space<vmem>>
      %dma_start3A_776 = arith.constant 0 : i32
      %dma_start3A_777 = arith.constant 0 : i32
      %dma_start3A_778 = tpu.memref_slice %arg6[%arg0, %dma_start3A_776, %dma_start3A_777] : memref<2x100096x16xf32, #tpu.memory_space<hbm>> -> memref<1x100096x16xf32, #tpu.memory_space<hbm>>
      %dma_start3A_779 = tpu.memref_squeeze %dma_start3A_778 : memref<1x100096x16xf32, #tpu.memory_space<hbm>> -> memref<100096x16xf32, #tpu.memory_space<hbm>>
      %dma_start3A_780 = arith.constant 0 : i32
      %dma_start3A_781 = arith.constant 0 : i32
      %dma_start3A_782 = tpu.memref_slice %dma_start3A_779[%dma_start3A_780, %dma_start3A_781] : memref<100096x16xf32, #tpu.memory_space<hbm>> -> memref<100096x16xf32, #tpu.memory_space<hbm>>
      tpu.enqueue_indirect_dma source(%dma_start3A_782 : memref<100096x16xf32, #tpu.memory_space<hbm>>) target(%dma_start3A_772 : memref<128x16xf32, #tpu.memory_space<vmem>>) offsets(%dma_start3A_775 : memref<128xi32, #tpu.memory_space<vmem>>) semaphore(%arg16 : memref<!tpu.dma_semaphore, #tpu.memory_space<semaphore_mem>>)
      %dma_start3A_783 = arith.constant 128 : i32
      %dma_start3A_784 = arith.constant 0 : i32
      %dma_start3A_785 = tpu.memref_slice %arg10[%dma_start3A_783, %dma_start3A_784] : memref<512x16xf32, #tpu.memory_space<vmem>> -> memref<128x16xf32, #tpu.memory_space<vmem>>
      %dma_start3A_786 = arith.constant 0 : i32
      %dma_start3A_787 = tpu.memref_slice %arg8[%add3A_769, %dma_start3A_786] : memref<24x128xi32, #tpu.memory_space<vmem>> -> memref<1x128xi32, #tpu.memory_space<vmem>>
      %dma_start3A_788 = tpu.memref_squeeze %dma_start3A_787 : memref<1x128xi32, #tpu.memory_space<vmem>> -> memref<128xi32, #tpu.memory_space<vmem>>
      %dma_start3A_789 = arith.constant 0 : i32
      %dma_start3A_790 = arith.constant 0 : i32
      %dma_start3A_791 = tpu.memref_slice %arg6[%arg0, %dma_start3A_789, %dma_start3A_790] : memref<2x100096x16xf32, #tpu.memory_space<hbm>> -> memref<1x100096x16xf32, #tpu.memory_space<hbm>>
      %dma_start3A_792 = tpu.memref_squeeze %dma_start3A_791 : memref<1x100096x16xf32, #tpu.memory_space<hbm>> -> memref<100096x16xf32, #tpu.memory_space<hbm>>
      %dma_start3A_793 = arith.constant 0 : i32
      %dma_start3A_794 = arith.constant 0 : i32
      %dma_start3A_795 = tpu.memref_slice %dma_start3A_792[%dma_start3A_793, %dma_start3A_794] : memref<100096x16xf32, #tpu.memory_space<hbm>> -> memref<100096x16xf32, #tpu.memory_space<hbm>>
      tpu.enqueue_indirect_dma source(%dma_start3A_795 : memref<100096x16xf32, #tpu.memory_space<hbm>>) target(%dma_start3A_785 : memref<128x16xf32, #tpu.memory_space<vmem>>) offsets(%dma_start3A_788 : memref<128xi32, #tpu.memory_space<vmem>>) semaphore(%arg16 : memref<!tpu.dma_semaphore, #tpu.memory_space<semaphore_mem>>)
      %scan3A_796 = arith.constant 0 : i32
      %scan3A_797 = arith.constant 0 : i32
      %scan3A_798 = arith.constant 8 : i32
      %scan3A_799 = arith.addi %scan3A_797, %scan3A_798 : i32
      %scan3A_800 = arith.constant 1 : i32
      scf.for %scan3A_989 = %scan3A_797 to %scan3A_799 step %scan3A_800  : i32 {
        %mul3A_990 = arith.constant 16 : i32
        %mul3A_991 = arith.muli %scan3A_989, %mul3A_990 : i32
        %add3A_992 = arith.constant 256 : i32
        %add3A_993 = arith.addi %mul3A_991, %add3A_992 : i32
        %add3A_994 = vector.broadcast %add3A_993 : i32 to vector<16xi32>
        %add3A_995 = arith.addi %iota3A, %add3A_994 : vector<16xi32>
        %mul3A_996 = arith.constant 16 : i32
        %mul3A_997 = arith.muli %scan3A_989, %mul3A_996 : i32
        %add3A_998 = arith.constant 0 : i32
        %add3A_999 = arith.addi %mul3A_997, %add3A_998 : i32
        %add3A_1000 = vector.broadcast %add3A_999 : i32 to vector<16xi32>
        %add3A_1001 = arith.addi %iota3A, %add3A_1000 : vector<16xi32>
        %broadcast_in_dim3A_1002 = arith.constant 0 : i32
        %broadcast_in_dim3A_1003 = vector.broadcast %broadcast_in_dim3A_1002 : i32 to vector<16xi32>
        %gather3A = tpu.vector_load_idx %arg9[%add3A_995, %broadcast_in_dim3A_1003] : memref<512x16xf32, #tpu.memory_space<vmem>>[vector<16xi32>, vector<16xi32>], vector<16xf32>,
        %broadcast_in_dim3A_1004 = arith.constant 1 : i32
        %broadcast_in_dim3A_1005 = vector.broadcast %broadcast_in_dim3A_1004 : i32 to vector<16xi32>
        %gather3A_1006 = tpu.vector_load_idx %arg9[%add3A_995, %broadcast_in_dim3A_1005] : memref<512x16xf32, #tpu.memory_space<vmem>>[vector<16xi32>, vector<16xi32>], vector<16xf32>,
        %broadcast_in_dim3A_1007 = arith.constant 2 : i32
        %broadcast_in_dim3A_1008 = vector.broadcast %broadcast_in_dim3A_1007 : i32 to vector<16xi32>
        %gather3A_1009 = tpu.vector_load_idx %arg9[%add3A_995, %broadcast_in_dim3A_1008] : memref<512x16xf32, #tpu.memory_space<vmem>>[vector<16xi32>, vector<16xi32>], vector<16xf32>,
        %broadcast_in_dim3A_1010 = arith.constant 3 : i32
        %broadcast_in_dim3A_1011 = vector.broadcast %broadcast_in_dim3A_1010 : i32 to vector<16xi32>
        %gather3A_1012 = tpu.vector_load_idx %arg9[%add3A_995, %broadcast_in_dim3A_1011] : memref<512x16xf32, #tpu.memory_space<vmem>>[vector<16xi32>, vector<16xi32>], vector<16xf32>,
        %broadcast_in_dim3A_1013 = arith.constant 4 : i32
        %broadcast_in_dim3A_1014 = vector.broadcast %broadcast_in_dim3A_1013 : i32 to vector<16xi32>
        %gather3A_1015 = tpu.vector_load_idx %arg10[%add3A_995, %broadcast_in_dim3A_1014] : memref<512x16xf32, #tpu.memory_space<vmem>>[vector<16xi32>, vector<16xi32>], vector<16xf32>,
        %broadcast_in_dim3A_1016 = arith.constant 5 : i32
        %broadcast_in_dim3A_1017 = vector.broadcast %broadcast_in_dim3A_1016 : i32 to vector<16xi32>
        %gather3A_1018 = tpu.vector_load_idx %arg10[%add3A_995, %broadcast_in_dim3A_1017] : memref<512x16xf32, #tpu.memory_space<vmem>>[vector<16xi32>, vector<16xi32>], vector<16xf32>,
        %broadcast_in_dim3A_1019 = arith.constant 6 : i32
        %broadcast_in_dim3A_1020 = vector.broadcast %broadcast_in_dim3A_1019 : i32 to vector<16xi32>
        %gather3A_1021 = tpu.vector_load_idx %arg10[%add3A_995, %broadcast_in_dim3A_1020] : memref<512x16xf32, #tpu.memory_space<vmem>>[vector<16xi32>, vector<16xi32>], vector<16xf32>,
        %broadcast_in_dim3A_1022 = arith.constant 7 : i32
        %broadcast_in_dim3A_1023 = vector.broadcast %broadcast_in_dim3A_1022 : i32 to vector<16xi32>
        %gather3A_1024 = tpu.vector_load_idx %arg10[%add3A_995, %broadcast_in_dim3A_1023] : memref<512x16xf32, #tpu.memory_space<vmem>>[vector<16xi32>, vector<16xi32>], vector<16xf32>,
        %broadcast_in_dim3A_1025 = arith.constant 8 : i32
        %broadcast_in_dim3A_1026 = vector.broadcast %broadcast_in_dim3A_1025 : i32 to vector<16xi32>
        %gather3A_1027 = tpu.vector_load_idx %arg9[%add3A_995, %broadcast_in_dim3A_1026] : memref<512x16xf32, #tpu.memory_space<vmem>>[vector<16xi32>, vector<16xi32>], vector<16xf32>,
        %broadcast_in_dim3A_1028 = arith.constant 9 : i32
        %broadcast_in_dim3A_1029 = vector.broadcast %broadcast_in_dim3A_1028 : i32 to vector<16xi32>
        %gather3A_1030 = tpu.vector_load_idx %arg9[%add3A_995, %broadcast_in_dim3A_1029] : memref<512x16xf32, #tpu.memory_space<vmem>>[vector<16xi32>, vector<16xi32>], vector<16xf32>,
        %broadcast_in_dim3A_1031 = arith.constant 10 : i32
        %broadcast_in_dim3A_1032 = vector.broadcast %broadcast_in_dim3A_1031 : i32 to vector<16xi32>
        %gather3A_1033 = tpu.vector_load_idx %arg9[%add3A_995, %broadcast_in_dim3A_1032] : memref<512x16xf32, #tpu.memory_space<vmem>>[vector<16xi32>, vector<16xi32>], vector<16xf32>,
        %broadcast_in_dim3A_1034 = arith.constant 11 : i32
        %broadcast_in_dim3A_1035 = vector.broadcast %broadcast_in_dim3A_1034 : i32 to vector<16xi32>
        %gather3A_1036 = tpu.vector_load_idx %arg9[%add3A_995, %broadcast_in_dim3A_1035] : memref<512x16xf32, #tpu.memory_space<vmem>>[vector<16xi32>, vector<16xi32>], vector<16xf32>,
        %broadcast_in_dim3A_1037 = arith.constant 12 : i32
        %broadcast_in_dim3A_1038 = vector.broadcast %broadcast_in_dim3A_1037 : i32 to vector<16xi32>
        %gather3A_1039 = tpu.vector_load_idx %arg9[%add3A_995, %broadcast_in_dim3A_1038] : memref<512x16xf32, #tpu.memory_space<vmem>>[vector<16xi32>, vector<16xi32>], vector<16xf32>,
        %broadcast_in_dim3A_1040 = arith.constant 13 : i32
        %broadcast_in_dim3A_1041 = vector.broadcast %broadcast_in_dim3A_1040 : i32 to vector<16xi32>
        %gather3A_1042 = tpu.vector_load_idx %arg9[%add3A_995, %broadcast_in_dim3A_1041] : memref<512x16xf32, #tpu.memory_space<vmem>>[vector<16xi32>, vector<16xi32>], vector<16xf32>,
        %broadcast_in_dim3A_1043 = arith.constant 14 : i32
        %broadcast_in_dim3A_1044 = vector.broadcast %broadcast_in_dim3A_1043 : i32 to vector<16xi32>
        %gather3A_1045 = tpu.vector_load_idx %arg9[%add3A_995, %broadcast_in_dim3A_1044] : memref<512x16xf32, #tpu.memory_space<vmem>>[vector<16xi32>, vector<16xi32>], vector<16xf32>,
        %broadcast_in_dim3A_1046 = arith.constant 15 : i32
        %broadcast_in_dim3A_1047 = vector.broadcast %broadcast_in_dim3A_1046 : i32 to vector<16xi32>
        %gather3A_1048 = tpu.vector_load_idx %arg9[%add3A_995, %broadcast_in_dim3A_1047] : memref<512x16xf32, #tpu.memory_space<vmem>>[vector<16xi32>, vector<16xi32>], vector<16xf32>,
        %add3A_1049 = arith.addf %gather3A, %gather3A_1015 : vector<16xf32>
        %mul3A_1050 = arith.constant 2.000000e-01 : f32
        %mul3A_1051 = vector.broadcast %mul3A_1050 : f32 to vector<16xf32>
        %mul3A_1052 = arith.mulf %mul3A_1051, %add3A_1049 : vector<16xf32>
        %max3A = arith.maximumf %add3A_1049, %mul3A_1052 : vector<16xf32>
        %exp3A = math.exp %max3A : vector<16xf32>
        %broadcast_in_dim3A_1053 = arith.constant 0 : i32
        %broadcast_in_dim3A_1054 = vector.broadcast %broadcast_in_dim3A_1053 : i32 to vector<16xi32>
        tpu.vector_store_idx %arg11[%add3A_1001, %broadcast_in_dim3A_1054], %exp3A : memref<256x16xf32, #tpu.memory_space<vmem>>[vector<16xi32>, vector<16xi32>], vector<16xf32>,
        %broadcast_in_dim3A_1055 = arith.constant 4 : i32
        %broadcast_in_dim3A_1056 = vector.broadcast %broadcast_in_dim3A_1055 : i32 to vector<16xi32>
        %mul3A_1057 = arith.mulf %gather3A_1027, %exp3A : vector<16xf32>
        tpu.vector_store_idx %arg11[%add3A_1001, %broadcast_in_dim3A_1056], %mul3A_1057 : memref<256x16xf32, #tpu.memory_space<vmem>>[vector<16xi32>, vector<16xi32>], vector<16xf32>,
        %broadcast_in_dim3A_1058 = arith.constant 5 : i32
        %broadcast_in_dim3A_1059 = vector.broadcast %broadcast_in_dim3A_1058 : i32 to vector<16xi32>
        %mul3A_1060 = arith.mulf %gather3A_1030, %exp3A : vector<16xf32>
        tpu.vector_store_idx %arg11[%add3A_1001, %broadcast_in_dim3A_1059], %mul3A_1060 : memref<256x16xf32, #tpu.memory_space<vmem>>[vector<16xi32>, vector<16xi32>], vector<16xf32>,
        %add3A_1061 = arith.addf %gather3A_1006, %gather3A_1018 : vector<16xf32>
        %mul3A_1062 = arith.constant 2.000000e-01 : f32
        %mul3A_1063 = vector.broadcast %mul3A_1062 : f32 to vector<16xf32>
        %mul3A_1064 = arith.mulf %mul3A_1063, %add3A_1061 : vector<16xf32>
        %max3A_1065 = arith.maximumf %add3A_1061, %mul3A_1064 : vector<16xf32>
        %exp3A_1066 = math.exp %max3A_1065 : vector<16xf32>
        %broadcast_in_dim3A_1067 = arith.constant 1 : i32
        %broadcast_in_dim3A_1068 = vector.broadcast %broadcast_in_dim3A_1067 : i32 to vector<16xi32>
        tpu.vector_store_idx %arg11[%add3A_1001, %broadcast_in_dim3A_1068], %exp3A_1066 : memref<256x16xf32, #tpu.memory_space<vmem>>[vector<16xi32>, vector<16xi32>], vector<16xf32>,
        %broadcast_in_dim3A_1069 = arith.constant 6 : i32
        %broadcast_in_dim3A_1070 = vector.broadcast %broadcast_in_dim3A_1069 : i32 to vector<16xi32>
        %mul3A_1071 = arith.mulf %gather3A_1033, %exp3A_1066 : vector<16xf32>
        tpu.vector_store_idx %arg11[%add3A_1001, %broadcast_in_dim3A_1070], %mul3A_1071 : memref<256x16xf32, #tpu.memory_space<vmem>>[vector<16xi32>, vector<16xi32>], vector<16xf32>,
        %broadcast_in_dim3A_1072 = arith.constant 7 : i32
        %broadcast_in_dim3A_1073 = vector.broadcast %broadcast_in_dim3A_1072 : i32 to vector<16xi32>
        %mul3A_1074 = arith.mulf %gather3A_1036, %exp3A_1066 : vector<16xf32>
        tpu.vector_store_idx %arg11[%add3A_1001, %broadcast_in_dim3A_1073], %mul3A_1074 : memref<256x16xf32, #tpu.memory_space<vmem>>[vector<16xi32>, vector<16xi32>], vector<16xf32>,
        %add3A_1075 = arith.addf %gather3A_1009, %gather3A_1021 : vector<16xf32>
        %mul3A_1076 = arith.constant 2.000000e-01 : f32
        %mul3A_1077 = vector.broadcast %mul3A_1076 : f32 to vector<16xf32>
        %mul3A_1078 = arith.mulf %mul3A_1077, %add3A_1075 : vector<16xf32>
        %max3A_1079 = arith.maximumf %add3A_1075, %mul3A_1078 : vector<16xf32>
        %exp3A_1080 = math.exp %max3A_1079 : vector<16xf32>
        %broadcast_in_dim3A_1081 = arith.constant 2 : i32
        %broadcast_in_dim3A_1082 = vector.broadcast %broadcast_in_dim3A_1081 : i32 to vector<16xi32>
        tpu.vector_store_idx %arg11[%add3A_1001, %broadcast_in_dim3A_1082], %exp3A_1080 : memref<256x16xf32, #tpu.memory_space<vmem>>[vector<16xi32>, vector<16xi32>], vector<16xf32>,
        %broadcast_in_dim3A_1083 = arith.constant 8 : i32
        %broadcast_in_dim3A_1084 = vector.broadcast %broadcast_in_dim3A_1083 : i32 to vector<16xi32>
        %mul3A_1085 = arith.mulf %gather3A_1039, %exp3A_1080 : vector<16xf32>
        tpu.vector_store_idx %arg11[%add3A_1001, %broadcast_in_dim3A_1084], %mul3A_1085 : memref<256x16xf32, #tpu.memory_space<vmem>>[vector<16xi32>, vector<16xi32>], vector<16xf32>,
        %broadcast_in_dim3A_1086 = arith.constant 9 : i32
        %broadcast_in_dim3A_1087 = vector.broadcast %broadcast_in_dim3A_1086 : i32 to vector<16xi32>
        %mul3A_1088 = arith.mulf %gather3A_1042, %exp3A_1080 : vector<16xf32>
        tpu.vector_store_idx %arg11[%add3A_1001, %broadcast_in_dim3A_1087], %mul3A_1088 : memref<256x16xf32, #tpu.memory_space<vmem>>[vector<16xi32>, vector<16xi32>], vector<16xf32>,
        %add3A_1089 = arith.addf %gather3A_1012, %gather3A_1024 : vector<16xf32>
        %mul3A_1090 = arith.constant 2.000000e-01 : f32
        %mul3A_1091 = vector.broadcast %mul3A_1090 : f32 to vector<16xf32>
        %mul3A_1092 = arith.mulf %mul3A_1091, %add3A_1089 : vector<16xf32>
        %max3A_1093 = arith.maximumf %add3A_1089, %mul3A_1092 : vector<16xf32>
        %exp3A_1094 = math.exp %max3A_1093 : vector<16xf32>
        %broadcast_in_dim3A_1095 = arith.constant 3 : i32
        %broadcast_in_dim3A_1096 = vector.broadcast %broadcast_in_dim3A_1095 : i32 to vector<16xi32>
        tpu.vector_store_idx %arg11[%add3A_1001, %broadcast_in_dim3A_1096], %exp3A_1094 : memref<256x16xf32, #tpu.memory_space<vmem>>[vector<16xi32>, vector<16xi32>], vector<16xf32>,
        %broadcast_in_dim3A_1097 = arith.constant 10 : i32
        %broadcast_in_dim3A_1098 = vector.broadcast %broadcast_in_dim3A_1097 : i32 to vector<16xi32>
        %mul3A_1099 = arith.mulf %gather3A_1045, %exp3A_1094 : vector<16xf32>
        tpu.vector_store_idx %arg11[%add3A_1001, %broadcast_in_dim3A_1098], %mul3A_1099 : memref<256x16xf32, #tpu.memory_space<vmem>>[vector<16xi32>, vector<16xi32>], vector<16xf32>,
        %broadcast_in_dim3A_1100 = arith.constant 11 : i32
        %broadcast_in_dim3A_1101 = vector.broadcast %broadcast_in_dim3A_1100 : i32 to vector<16xi32>
        %mul3A_1102 = arith.mulf %gather3A_1048, %exp3A_1094 : vector<16xf32>
        tpu.vector_store_idx %arg11[%add3A_1001, %broadcast_in_dim3A_1101], %mul3A_1102 : memref<256x16xf32, #tpu.memory_space<vmem>>[vector<16xi32>, vector<16xi32>], vector<16xf32>,
      }
      %scan3A_801 = arith.constant 8 : i32
      %jit3A_802 = arith.constant 8 : i32
      %div3A_803 = arith.divsi %add3A_698, %jit3A_802 : i32
      %sign3A_804 = arith.constant 0 : i32
      %sign3A_805 = arith.cmpi sgt, %add3A_698, %sign3A_804 : i32
      %sign3A_806 = arith.extui %sign3A_805 : i1 to i32
      %sign3A_807 = arith.constant 0 : i32
      %sign3A_808 = arith.cmpi slt, %add3A_698, %sign3A_807 : i32
      %sign3A_809 = arith.extui %sign3A_808 : i1 to i32
      %sign3A_810 = arith.subi %sign3A_806, %sign3A_809 : i32
      %sign3A_811 = arith.constant 0 : i32
      %sign3A_812 = arith.cmpi sgt, %jit3A_802, %sign3A_811 : i32
      %sign3A_813 = arith.extui %sign3A_812 : i1 to i32
      %sign3A_814 = arith.constant 0 : i32
      %sign3A_815 = arith.cmpi slt, %jit3A_802, %sign3A_814 : i32
      %sign3A_816 = arith.extui %sign3A_815 : i1 to i32
      %sign3A_817 = arith.subi %sign3A_813, %sign3A_816 : i32
      %ne3A_818 = arith.cmpi ne, %sign3A_810, %sign3A_817 : i32
      %rem3A_819 = arith.remsi %add3A_698, %jit3A_802 : i32
      %ne3A_820 = arith.constant 0 : i32
      %ne3A_821 = arith.cmpi ne, %rem3A_819, %ne3A_820 : i32
      %and3A_822 = arith.andi %ne3A_818, %ne3A_821 : i1
      %sub3A_823 = arith.constant 1 : i32
      %sub3A_824 = arith.subi %div3A_803, %sub3A_823 : i32
      %select_n3A_825 = arith.select %and3A_822, %sub3A_824, %div3A_803 : i32
      %rem3A_826 = arith.constant 3 : i32
      %rem3A_827 = arith.remsi %select_n3A_825, %rem3A_826 : i32
      %mul3A_828 = arith.constant 8 : i32
      %mul3A_829 = arith.muli %rem3A_827, %mul3A_828 : i32
      %rem3A_830 = arith.constant 8 : i32
      %rem3A_831 = arith.remsi %add3A_698, %rem3A_830 : i32
      %add3A_832 = arith.addi %mul3A_829, %rem3A_831 : i32
      %dma_start3A_833 = arith.constant 0 : i32
      %dma_start3A_834 = arith.constant 0 : i32
      %dma_start3A_835 = tpu.memref_slice %arg11[%dma_start3A_833, %dma_start3A_834] : memref<256x16xf32, #tpu.memory_space<vmem>> -> memref<128x16xf32, #tpu.memory_space<vmem>>
      %dma_start3A_836 = arith.constant 0 : i32
      %dma_start3A_837 = tpu.memref_slice %arg8[%add3A_832, %dma_start3A_836] : memref<24x128xi32, #tpu.memory_space<vmem>> -> memref<1x128xi32, #tpu.memory_space<vmem>>
      %dma_start3A_838 = tpu.memref_squeeze %dma_start3A_837 : memref<1x128xi32, #tpu.memory_space<vmem>> -> memref<128xi32, #tpu.memory_space<vmem>>
      %dma_start3A_839 = arith.constant 0 : i32
      %dma_start3A_840 = arith.constant 0 : i32
      %dma_start3A_841 = tpu.memref_slice %arg14[%dma_start3A_839, %dma_start3A_840] : memref<100096x16xf32, #tpu.memory_space<vmem_shared>> -> memref<100096x16xf32, #tpu.memory_space<vmem_shared>>
      tpu.enqueue_indirect_dma source(%dma_start3A_835 : memref<128x16xf32, #tpu.memory_space<vmem>>) target(%dma_start3A_841 : memref<100096x16xf32, #tpu.memory_space<vmem_shared>>) offsets(%dma_start3A_838 : memref<128xi32, #tpu.memory_space<vmem>>) semaphore(%arg19 : memref<!tpu.dma_semaphore, #tpu.memory_space<semaphore_mem>>) {add = true}
      %mul3A_842 = arith.constant 4 : i32
      %mul3A_843 = arith.muli %mul3A_842, %while3A_372 : i32
      %add3A_844 = arith.constant 3 : i32
      %add3A_845 = arith.addi %mul3A_843, %add3A_844 : i32
      %dma_wait3A_846 = arith.constant 0 : i32
      %dma_wait3A_847 = arith.constant 0 : i32
      %dma_wait3A_848 = arith.constant 0 : i32
      %dma_wait3A_849 = tpu.memref_slice %arg9[%dma_wait3A_847, %dma_wait3A_848] : memref<512x16xf32, #tpu.memory_space<vmem>> -> memref<128x16xf32, #tpu.memory_space<vmem>>
      %dma_wait3A_850 = arith.constant 0 : i32
      %dma_wait3A_851 = tpu.memref_slice %arg7[%dma_wait3A_846, %dma_wait3A_850] : memref<24x128xi32, #tpu.memory_space<vmem>> -> memref<1x128xi32, #tpu.memory_space<vmem>>
      %dma_wait3A_852 = tpu.memref_squeeze %dma_wait3A_851 : memref<1x128xi32, #tpu.memory_space<vmem>> -> memref<128xi32, #tpu.memory_space<vmem>>
      %dma_wait3A_853 = arith.constant 0 : i32
      %dma_wait3A_854 = arith.constant 0 : i32
      %dma_wait3A_855 = tpu.memref_slice %arg6[%arg0, %dma_wait3A_853, %dma_wait3A_854] : memref<2x100096x16xf32, #tpu.memory_space<hbm>> -> memref<1x100096x16xf32, #tpu.memory_space<hbm>>
      %dma_wait3A_856 = tpu.memref_squeeze %dma_wait3A_855 : memref<1x100096x16xf32, #tpu.memory_space<hbm>> -> memref<100096x16xf32, #tpu.memory_space<hbm>>
      %dma_wait3A_857 = arith.constant 0 : i32
      %dma_wait3A_858 = arith.constant 0 : i32
      %dma_wait3A_859 = tpu.memref_slice %dma_wait3A_856[%dma_wait3A_857, %dma_wait3A_858] : memref<100096x16xf32, #tpu.memory_space<hbm>> -> memref<100096x16xf32, #tpu.memory_space<hbm>>
      tpu.wait_indirect_dma semaphore(%arg18 : memref<!tpu.dma_semaphore, #tpu.memory_space<semaphore_mem>>) src(%dma_wait3A_859 : memref<100096x16xf32, #tpu.memory_space<hbm>>) dst(%dma_wait3A_849 : memref<128x16xf32, #tpu.memory_space<vmem>>)
      %dma_wait3A_860 = arith.constant 0 : i32
      %dma_wait3A_861 = arith.constant 0 : i32
      %dma_wait3A_862 = arith.constant 0 : i32
      %dma_wait3A_863 = tpu.memref_slice %arg10[%dma_wait3A_861, %dma_wait3A_862] : memref<512x16xf32, #tpu.memory_space<vmem>> -> memref<128x16xf32, #tpu.memory_space<vmem>>
      %dma_wait3A_864 = arith.constant 0 : i32
      %dma_wait3A_865 = tpu.memref_slice %arg7[%dma_wait3A_860, %dma_wait3A_864] : memref<24x128xi32, #tpu.memory_space<vmem>> -> memref<1x128xi32, #tpu.memory_space<vmem>>
      %dma_wait3A_866 = tpu.memref_squeeze %dma_wait3A_865 : memref<1x128xi32, #tpu.memory_space<vmem>> -> memref<128xi32, #tpu.memory_space<vmem>>
      %dma_wait3A_867 = arith.constant 0 : i32
      %dma_wait3A_868 = arith.constant 0 : i32
      %dma_wait3A_869 = tpu.memref_slice %arg6[%arg0, %dma_wait3A_867, %dma_wait3A_868] : memref<2x100096x16xf32, #tpu.memory_space<hbm>> -> memref<1x100096x16xf32, #tpu.memory_space<hbm>>
      %dma_wait3A_870 = tpu.memref_squeeze %dma_wait3A_869 : memref<1x100096x16xf32, #tpu.memory_space<hbm>> -> memref<100096x16xf32, #tpu.memory_space<hbm>>
      %dma_wait3A_871 = arith.constant 0 : i32
      %dma_wait3A_872 = arith.constant 0 : i32
      %dma_wait3A_873 = tpu.memref_slice %dma_wait3A_870[%dma_wait3A_871, %dma_wait3A_872] : memref<100096x16xf32, #tpu.memory_space<hbm>> -> memref<100096x16xf32, #tpu.memory_space<hbm>>
      tpu.wait_indirect_dma semaphore(%arg18 : memref<!tpu.dma_semaphore, #tpu.memory_space<semaphore_mem>>) src(%dma_wait3A_873 : memref<100096x16xf32, #tpu.memory_space<hbm>>) dst(%dma_wait3A_863 : memref<128x16xf32, #tpu.memory_space<vmem>>)
      %dma_wait3A_874 = arith.constant 0 : i32
      %dma_wait3A_875 = arith.constant 0 : i32
      %dma_wait3A_876 = arith.constant 0 : i32
      %dma_wait3A_877 = tpu.memref_slice %arg11[%dma_wait3A_875, %dma_wait3A_876] : memref<256x16xf32, #tpu.memory_space<vmem>> -> memref<128x16xf32, #tpu.memory_space<vmem>>
      %dma_wait3A_878 = arith.constant 0 : i32
      %dma_wait3A_879 = tpu.memref_slice %arg8[%dma_wait3A_874, %dma_wait3A_878] : memref<24x128xi32, #tpu.memory_space<vmem>> -> memref<1x128xi32, #tpu.memory_space<vmem>>
      %dma_wait3A_880 = tpu.memref_squeeze %dma_wait3A_879 : memref<1x128xi32, #tpu.memory_space<vmem>> -> memref<128xi32, #tpu.memory_space<vmem>>
      %dma_wait3A_881 = arith.constant 0 : i32
      %dma_wait3A_882 = arith.constant 0 : i32
      %dma_wait3A_883 = tpu.memref_slice %arg14[%dma_wait3A_881, %dma_wait3A_882] : memref<100096x16xf32, #tpu.memory_space<vmem_shared>> -> memref<100096x16xf32, #tpu.memory_space<vmem_shared>>
      tpu.wait_indirect_dma semaphore(%arg20 : memref<!tpu.dma_semaphore, #tpu.memory_space<semaphore_mem>>) src(%dma_wait3A_877 : memref<128x16xf32, #tpu.memory_space<vmem>>) dst(%dma_wait3A_883 : memref<100096x16xf32, #tpu.memory_space<vmem_shared>>)
      %add3A_884 = arith.constant 3 : i32
      %add3A_885 = arith.addi %add3A_845, %add3A_884 : i32
      %jit3A_886 = arith.constant 8 : i32
      %div3A_887 = arith.divsi %add3A_885, %jit3A_886 : i32
      %sign3A_888 = arith.constant 0 : i32
      %sign3A_889 = arith.cmpi sgt, %add3A_885, %sign3A_888 : i32
      %sign3A_890 = arith.extui %sign3A_889 : i1 to i32
      %sign3A_891 = arith.constant 0 : i32
      %sign3A_892 = arith.cmpi slt, %add3A_885, %sign3A_891 : i32
      %sign3A_893 = arith.extui %sign3A_892 : i1 to i32
      %sign3A_894 = arith.subi %sign3A_890, %sign3A_893 : i32
      %sign3A_895 = arith.constant 0 : i32
      %sign3A_896 = arith.cmpi sgt, %jit3A_886, %sign3A_895 : i32
      %sign3A_897 = arith.extui %sign3A_896 : i1 to i32
      %sign3A_898 = arith.constant 0 : i32
      %sign3A_899 = arith.cmpi slt, %jit3A_886, %sign3A_898 : i32
      %sign3A_900 = arith.extui %sign3A_899 : i1 to i32
      %sign3A_901 = arith.subi %sign3A_897, %sign3A_900 : i32
      %ne3A_902 = arith.cmpi ne, %sign3A_894, %sign3A_901 : i32
      %rem3A_903 = arith.remsi %add3A_885, %jit3A_886 : i32
      %ne3A_904 = arith.constant 0 : i32
      %ne3A_905 = arith.cmpi ne, %rem3A_903, %ne3A_904 : i32
      %and3A_906 = arith.andi %ne3A_902, %ne3A_905 : i1
      %sub3A_907 = arith.constant 1 : i32
      %sub3A_908 = arith.subi %div3A_887, %sub3A_907 : i32
      %select_n3A_909 = arith.select %and3A_906, %sub3A_908, %div3A_887 : i32
      %rem3A_910 = arith.constant 3 : i32
      %rem3A_911 = arith.remsi %select_n3A_909, %rem3A_910 : i32
      %mul3A_912 = arith.constant 8 : i32
      %mul3A_913 = arith.muli %rem3A_911, %mul3A_912 : i32
      %rem3A_914 = arith.constant 8 : i32
      %rem3A_915 = arith.remsi %add3A_885, %rem3A_914 : i32
      %add3A_916 = arith.addi %mul3A_913, %rem3A_915 : i32
      %dma_start3A_917 = arith.constant 256 : i32
      %dma_start3A_918 = arith.constant 0 : i32
      %dma_start3A_919 = tpu.memref_slice %arg9[%dma_start3A_917, %dma_start3A_918] : memref<512x16xf32, #tpu.memory_space<vmem>> -> memref<128x16xf32, #tpu.memory_space<vmem>>
      %dma_start3A_920 = arith.constant 0 : i32
      %dma_start3A_921 = tpu.memref_slice %arg7[%add3A_916, %dma_start3A_920] : memref<24x128xi32, #tpu.memory_space<vmem>> -> memref<1x128xi32, #tpu.memory_space<vmem>>
      %dma_start3A_922 = tpu.memref_squeeze %dma_start3A_921 : memref<1x128xi32, #tpu.memory_space<vmem>> -> memref<128xi32, #tpu.memory_space<vmem>>
      %dma_start3A_923 = arith.constant 0 : i32
      %dma_start3A_924 = arith.constant 0 : i32
      %dma_start3A_925 = tpu.memref_slice %arg6[%arg0, %dma_start3A_923, %dma_start3A_924] : memref<2x100096x16xf32, #tpu.memory_space<hbm>> -> memref<1x100096x16xf32, #tpu.memory_space<hbm>>
      %dma_start3A_926 = tpu.memref_squeeze %dma_start3A_925 : memref<1x100096x16xf32, #tpu.memory_space<hbm>> -> memref<100096x16xf32, #tpu.memory_space<hbm>>
      %dma_start3A_927 = arith.constant 0 : i32
      %dma_start3A_928 = arith.constant 0 : i32
      %dma_start3A_929 = tpu.memref_slice %dma_start3A_926[%dma_start3A_927, %dma_start3A_928] : memref<100096x16xf32, #tpu.memory_space<hbm>> -> memref<100096x16xf32, #tpu.memory_space<hbm>>
      tpu.enqueue_indirect_dma source(%dma_start3A_929 : memref<100096x16xf32, #tpu.memory_space<hbm>>) target(%dma_start3A_919 : memref<128x16xf32, #tpu.memory_space<vmem>>) offsets(%dma_start3A_922 : memref<128xi32, #tpu.memory_space<vmem>>) semaphore(%arg17 : memref<!tpu.dma_semaphore, #tpu.memory_space<semaphore_mem>>)
      %dma_start3A_930 = arith.constant 256 : i32
      %dma_start3A_931 = arith.constant 0 : i32
      %dma_start3A_932 = tpu.memref_slice %arg10[%dma_start3A_930, %dma_start3A_931] : memref<512x16xf32, #tpu.memory_space<vmem>> -> memref<128x16xf32, #tpu.memory_space<vmem>>
      %dma_start3A_933 = arith.constant 0 : i32
      %dma_start3A_934 = tpu.memref_slice %arg8[%add3A_916, %dma_start3A_933] : memref<24x128xi32, #tpu.memory_space<vmem>> -> memref<1x128xi32, #tpu.memory_space<vmem>>
      %dma_start3A_935 = tpu.memref_squeeze %dma_start3A_934 : memref<1x128xi32, #tpu.memory_space<vmem>> -> memref<128xi32, #tpu.memory_space<vmem>>
      %dma_start3A_936 = arith.constant 0 : i32
      %dma_start3A_937 = arith.constant 0 : i32
      %dma_start3A_938 = tpu.memref_slice %arg6[%arg0, %dma_start3A_936, %dma_start3A_937] : memref<2x100096x16xf32, #tpu.memory_space<hbm>> -> memref<1x100096x16xf32, #tpu.memory_space<hbm>>
      %dma_start3A_939 = tpu.memref_squeeze %dma_start3A_938 : memref<1x100096x16xf32, #tpu.memory_space<hbm>> -> memref<100096x16xf32, #tpu.memory_space<hbm>>
      %dma_start3A_940 = arith.constant 0 : i32
      %dma_start3A_941 = arith.constant 0 : i32
      %dma_start3A_942 = tpu.memref_slice %dma_start3A_939[%dma_start3A_940, %dma_start3A_941] : memref<100096x16xf32, #tpu.memory_space<hbm>> -> memref<100096x16xf32, #tpu.memory_space<hbm>>
      tpu.enqueue_indirect_dma source(%dma_start3A_942 : memref<100096x16xf32, #tpu.memory_space<hbm>>) target(%dma_start3A_932 : memref<128x16xf32, #tpu.memory_space<vmem>>) offsets(%dma_start3A_935 : memref<128xi32, #tpu.memory_space<vmem>>) semaphore(%arg17 : memref<!tpu.dma_semaphore, #tpu.memory_space<semaphore_mem>>)
      %scan3A_943 = arith.constant 0 : i32
      %scan3A_944 = arith.constant 0 : i32
      %scan3A_945 = arith.constant 8 : i32
      %scan3A_946 = arith.addi %scan3A_944, %scan3A_945 : i32
      %scan3A_947 = arith.constant 1 : i32
      scf.for %scan3A_989 = %scan3A_944 to %scan3A_946 step %scan3A_947  : i32 {
        %mul3A_990 = arith.constant 16 : i32
        %mul3A_991 = arith.muli %scan3A_989, %mul3A_990 : i32
        %add3A_992 = arith.constant 384 : i32
        %add3A_993 = arith.addi %mul3A_991, %add3A_992 : i32
        %add3A_994 = vector.broadcast %add3A_993 : i32 to vector<16xi32>
        %add3A_995 = arith.addi %iota3A, %add3A_994 : vector<16xi32>
        %mul3A_996 = arith.constant 16 : i32
        %mul3A_997 = arith.muli %scan3A_989, %mul3A_996 : i32
        %add3A_998 = arith.constant 128 : i32
        %add3A_999 = arith.addi %mul3A_997, %add3A_998 : i32
        %add3A_1000 = vector.broadcast %add3A_999 : i32 to vector<16xi32>
        %add3A_1001 = arith.addi %iota3A, %add3A_1000 : vector<16xi32>
        %broadcast_in_dim3A_1002 = arith.constant 0 : i32
        %broadcast_in_dim3A_1003 = vector.broadcast %broadcast_in_dim3A_1002 : i32 to vector<16xi32>
        %gather3A = tpu.vector_load_idx %arg9[%add3A_995, %broadcast_in_dim3A_1003] : memref<512x16xf32, #tpu.memory_space<vmem>>[vector<16xi32>, vector<16xi32>], vector<16xf32>,
        %broadcast_in_dim3A_1004 = arith.constant 1 : i32
        %broadcast_in_dim3A_1005 = vector.broadcast %broadcast_in_dim3A_1004 : i32 to vector<16xi32>
        %gather3A_1006 = tpu.vector_load_idx %arg9[%add3A_995, %broadcast_in_dim3A_1005] : memref<512x16xf32, #tpu.memory_space<vmem>>[vector<16xi32>, vector<16xi32>], vector<16xf32>,
        %broadcast_in_dim3A_1007 = arith.constant 2 : i32
        %broadcast_in_dim3A_1008 = vector.broadcast %broadcast_in_dim3A_1007 : i32 to vector<16xi32>
        %gather3A_1009 = tpu.vector_load_idx %arg9[%add3A_995, %broadcast_in_dim3A_1008] : memref<512x16xf32, #tpu.memory_space<vmem>>[vector<16xi32>, vector<16xi32>], vector<16xf32>,
        %broadcast_in_dim3A_1010 = arith.constant 3 : i32
        %broadcast_in_dim3A_1011 = vector.broadcast %broadcast_in_dim3A_1010 : i32 to vector<16xi32>
        %gather3A_1012 = tpu.vector_load_idx %arg9[%add3A_995, %broadcast_in_dim3A_1011] : memref<512x16xf32, #tpu.memory_space<vmem>>[vector<16xi32>, vector<16xi32>], vector<16xf32>,
        %broadcast_in_dim3A_1013 = arith.constant 4 : i32
        %broadcast_in_dim3A_1014 = vector.broadcast %broadcast_in_dim3A_1013 : i32 to vector<16xi32>
        %gather3A_1015 = tpu.vector_load_idx %arg10[%add3A_995, %broadcast_in_dim3A_1014] : memref<512x16xf32, #tpu.memory_space<vmem>>[vector<16xi32>, vector<16xi32>], vector<16xf32>,
        %broadcast_in_dim3A_1016 = arith.constant 5 : i32
        %broadcast_in_dim3A_1017 = vector.broadcast %broadcast_in_dim3A_1016 : i32 to vector<16xi32>
        %gather3A_1018 = tpu.vector_load_idx %arg10[%add3A_995, %broadcast_in_dim3A_1017] : memref<512x16xf32, #tpu.memory_space<vmem>>[vector<16xi32>, vector<16xi32>], vector<16xf32>,
        %broadcast_in_dim3A_1019 = arith.constant 6 : i32
        %broadcast_in_dim3A_1020 = vector.broadcast %broadcast_in_dim3A_1019 : i32 to vector<16xi32>
        %gather3A_1021 = tpu.vector_load_idx %arg10[%add3A_995, %broadcast_in_dim3A_1020] : memref<512x16xf32, #tpu.memory_space<vmem>>[vector<16xi32>, vector<16xi32>], vector<16xf32>,
        %broadcast_in_dim3A_1022 = arith.constant 7 : i32
        %broadcast_in_dim3A_1023 = vector.broadcast %broadcast_in_dim3A_1022 : i32 to vector<16xi32>
        %gather3A_1024 = tpu.vector_load_idx %arg10[%add3A_995, %broadcast_in_dim3A_1023] : memref<512x16xf32, #tpu.memory_space<vmem>>[vector<16xi32>, vector<16xi32>], vector<16xf32>,
        %broadcast_in_dim3A_1025 = arith.constant 8 : i32
        %broadcast_in_dim3A_1026 = vector.broadcast %broadcast_in_dim3A_1025 : i32 to vector<16xi32>
        %gather3A_1027 = tpu.vector_load_idx %arg9[%add3A_995, %broadcast_in_dim3A_1026] : memref<512x16xf32, #tpu.memory_space<vmem>>[vector<16xi32>, vector<16xi32>], vector<16xf32>,
        %broadcast_in_dim3A_1028 = arith.constant 9 : i32
        %broadcast_in_dim3A_1029 = vector.broadcast %broadcast_in_dim3A_1028 : i32 to vector<16xi32>
        %gather3A_1030 = tpu.vector_load_idx %arg9[%add3A_995, %broadcast_in_dim3A_1029] : memref<512x16xf32, #tpu.memory_space<vmem>>[vector<16xi32>, vector<16xi32>], vector<16xf32>,
        %broadcast_in_dim3A_1031 = arith.constant 10 : i32
        %broadcast_in_dim3A_1032 = vector.broadcast %broadcast_in_dim3A_1031 : i32 to vector<16xi32>
        %gather3A_1033 = tpu.vector_load_idx %arg9[%add3A_995, %broadcast_in_dim3A_1032] : memref<512x16xf32, #tpu.memory_space<vmem>>[vector<16xi32>, vector<16xi32>], vector<16xf32>,
        %broadcast_in_dim3A_1034 = arith.constant 11 : i32
        %broadcast_in_dim3A_1035 = vector.broadcast %broadcast_in_dim3A_1034 : i32 to vector<16xi32>
        %gather3A_1036 = tpu.vector_load_idx %arg9[%add3A_995, %broadcast_in_dim3A_1035] : memref<512x16xf32, #tpu.memory_space<vmem>>[vector<16xi32>, vector<16xi32>], vector<16xf32>,
        %broadcast_in_dim3A_1037 = arith.constant 12 : i32
        %broadcast_in_dim3A_1038 = vector.broadcast %broadcast_in_dim3A_1037 : i32 to vector<16xi32>
        %gather3A_1039 = tpu.vector_load_idx %arg9[%add3A_995, %broadcast_in_dim3A_1038] : memref<512x16xf32, #tpu.memory_space<vmem>>[vector<16xi32>, vector<16xi32>], vector<16xf32>,
        %broadcast_in_dim3A_1040 = arith.constant 13 : i32
        %broadcast_in_dim3A_1041 = vector.broadcast %broadcast_in_dim3A_1040 : i32 to vector<16xi32>
        %gather3A_1042 = tpu.vector_load_idx %arg9[%add3A_995, %broadcast_in_dim3A_1041] : memref<512x16xf32, #tpu.memory_space<vmem>>[vector<16xi32>, vector<16xi32>], vector<16xf32>,
        %broadcast_in_dim3A_1043 = arith.constant 14 : i32
        %broadcast_in_dim3A_1044 = vector.broadcast %broadcast_in_dim3A_1043 : i32 to vector<16xi32>
        %gather3A_1045 = tpu.vector_load_idx %arg9[%add3A_995, %broadcast_in_dim3A_1044] : memref<512x16xf32, #tpu.memory_space<vmem>>[vector<16xi32>, vector<16xi32>], vector<16xf32>,
        %broadcast_in_dim3A_1046 = arith.constant 15 : i32
        %broadcast_in_dim3A_1047 = vector.broadcast %broadcast_in_dim3A_1046 : i32 to vector<16xi32>
        %gather3A_1048 = tpu.vector_load_idx %arg9[%add3A_995, %broadcast_in_dim3A_1047] : memref<512x16xf32, #tpu.memory_space<vmem>>[vector<16xi32>, vector<16xi32>], vector<16xf32>,
        %add3A_1049 = arith.addf %gather3A, %gather3A_1015 : vector<16xf32>
        %mul3A_1050 = arith.constant 2.000000e-01 : f32
        %mul3A_1051 = vector.broadcast %mul3A_1050 : f32 to vector<16xf32>
        %mul3A_1052 = arith.mulf %mul3A_1051, %add3A_1049 : vector<16xf32>
        %max3A = arith.maximumf %add3A_1049, %mul3A_1052 : vector<16xf32>
        %exp3A = math.exp %max3A : vector<16xf32>
        %broadcast_in_dim3A_1053 = arith.constant 0 : i32
        %broadcast_in_dim3A_1054 = vector.broadcast %broadcast_in_dim3A_1053 : i32 to vector<16xi32>
        tpu.vector_store_idx %arg11[%add3A_1001, %broadcast_in_dim3A_1054], %exp3A : memref<256x16xf32, #tpu.memory_space<vmem>>[vector<16xi32>, vector<16xi32>], vector<16xf32>,
        %broadcast_in_dim3A_1055 = arith.constant 4 : i32
        %broadcast_in_dim3A_1056 = vector.broadcast %broadcast_in_dim3A_1055 : i32 to vector<16xi32>
        %mul3A_1057 = arith.mulf %gather3A_1027, %exp3A : vector<16xf32>
        tpu.vector_store_idx %arg11[%add3A_1001, %broadcast_in_dim3A_1056], %mul3A_1057 : memref<256x16xf32, #tpu.memory_space<vmem>>[vector<16xi32>, vector<16xi32>], vector<16xf32>,
        %broadcast_in_dim3A_1058 = arith.constant 5 : i32
        %broadcast_in_dim3A_1059 = vector.broadcast %broadcast_in_dim3A_1058 : i32 to vector<16xi32>
        %mul3A_1060 = arith.mulf %gather3A_1030, %exp3A : vector<16xf32>
        tpu.vector_store_idx %arg11[%add3A_1001, %broadcast_in_dim3A_1059], %mul3A_1060 : memref<256x16xf32, #tpu.memory_space<vmem>>[vector<16xi32>, vector<16xi32>], vector<16xf32>,
        %add3A_1061 = arith.addf %gather3A_1006, %gather3A_1018 : vector<16xf32>
        %mul3A_1062 = arith.constant 2.000000e-01 : f32
        %mul3A_1063 = vector.broadcast %mul3A_1062 : f32 to vector<16xf32>
        %mul3A_1064 = arith.mulf %mul3A_1063, %add3A_1061 : vector<16xf32>
        %max3A_1065 = arith.maximumf %add3A_1061, %mul3A_1064 : vector<16xf32>
        %exp3A_1066 = math.exp %max3A_1065 : vector<16xf32>
        %broadcast_in_dim3A_1067 = arith.constant 1 : i32
        %broadcast_in_dim3A_1068 = vector.broadcast %broadcast_in_dim3A_1067 : i32 to vector<16xi32>
        tpu.vector_store_idx %arg11[%add3A_1001, %broadcast_in_dim3A_1068], %exp3A_1066 : memref<256x16xf32, #tpu.memory_space<vmem>>[vector<16xi32>, vector<16xi32>], vector<16xf32>,
        %broadcast_in_dim3A_1069 = arith.constant 6 : i32
        %broadcast_in_dim3A_1070 = vector.broadcast %broadcast_in_dim3A_1069 : i32 to vector<16xi32>
        %mul3A_1071 = arith.mulf %gather3A_1033, %exp3A_1066 : vector<16xf32>
        tpu.vector_store_idx %arg11[%add3A_1001, %broadcast_in_dim3A_1070], %mul3A_1071 : memref<256x16xf32, #tpu.memory_space<vmem>>[vector<16xi32>, vector<16xi32>], vector<16xf32>,
        %broadcast_in_dim3A_1072 = arith.constant 7 : i32
        %broadcast_in_dim3A_1073 = vector.broadcast %broadcast_in_dim3A_1072 : i32 to vector<16xi32>
        %mul3A_1074 = arith.mulf %gather3A_1036, %exp3A_1066 : vector<16xf32>
        tpu.vector_store_idx %arg11[%add3A_1001, %broadcast_in_dim3A_1073], %mul3A_1074 : memref<256x16xf32, #tpu.memory_space<vmem>>[vector<16xi32>, vector<16xi32>], vector<16xf32>,
        %add3A_1075 = arith.addf %gather3A_1009, %gather3A_1021 : vector<16xf32>
        %mul3A_1076 = arith.constant 2.000000e-01 : f32
        %mul3A_1077 = vector.broadcast %mul3A_1076 : f32 to vector<16xf32>
        %mul3A_1078 = arith.mulf %mul3A_1077, %add3A_1075 : vector<16xf32>
        %max3A_1079 = arith.maximumf %add3A_1075, %mul3A_1078 : vector<16xf32>
        %exp3A_1080 = math.exp %max3A_1079 : vector<16xf32>
        %broadcast_in_dim3A_1081 = arith.constant 2 : i32
        %broadcast_in_dim3A_1082 = vector.broadcast %broadcast_in_dim3A_1081 : i32 to vector<16xi32>
        tpu.vector_store_idx %arg11[%add3A_1001, %broadcast_in_dim3A_1082], %exp3A_1080 : memref<256x16xf32, #tpu.memory_space<vmem>>[vector<16xi32>, vector<16xi32>], vector<16xf32>,
        %broadcast_in_dim3A_1083 = arith.constant 8 : i32
        %broadcast_in_dim3A_1084 = vector.broadcast %broadcast_in_dim3A_1083 : i32 to vector<16xi32>
        %mul3A_1085 = arith.mulf %gather3A_1039, %exp3A_1080 : vector<16xf32>
        tpu.vector_store_idx %arg11[%add3A_1001, %broadcast_in_dim3A_1084], %mul3A_1085 : memref<256x16xf32, #tpu.memory_space<vmem>>[vector<16xi32>, vector<16xi32>], vector<16xf32>,
        %broadcast_in_dim3A_1086 = arith.constant 9 : i32
        %broadcast_in_dim3A_1087 = vector.broadcast %broadcast_in_dim3A_1086 : i32 to vector<16xi32>
        %mul3A_1088 = arith.mulf %gather3A_1042, %exp3A_1080 : vector<16xf32>
        tpu.vector_store_idx %arg11[%add3A_1001, %broadcast_in_dim3A_1087], %mul3A_1088 : memref<256x16xf32, #tpu.memory_space<vmem>>[vector<16xi32>, vector<16xi32>], vector<16xf32>,
        %add3A_1089 = arith.addf %gather3A_1012, %gather3A_1024 : vector<16xf32>
        %mul3A_1090 = arith.constant 2.000000e-01 : f32
        %mul3A_1091 = vector.broadcast %mul3A_1090 : f32 to vector<16xf32>
        %mul3A_1092 = arith.mulf %mul3A_1091, %add3A_1089 : vector<16xf32>
        %max3A_1093 = arith.maximumf %add3A_1089, %mul3A_1092 : vector<16xf32>
        %exp3A_1094 = math.exp %max3A_1093 : vector<16xf32>
        %broadcast_in_dim3A_1095 = arith.constant 3 : i32
        %broadcast_in_dim3A_1096 = vector.broadcast %broadcast_in_dim3A_1095 : i32 to vector<16xi32>
        tpu.vector_store_idx %arg11[%add3A_1001, %broadcast_in_dim3A_1096], %exp3A_1094 : memref<256x16xf32, #tpu.memory_space<vmem>>[vector<16xi32>, vector<16xi32>], vector<16xf32>,
        %broadcast_in_dim3A_1097 = arith.constant 10 : i32
        %broadcast_in_dim3A_1098 = vector.broadcast %broadcast_in_dim3A_1097 : i32 to vector<16xi32>
        %mul3A_1099 = arith.mulf %gather3A_1045, %exp3A_1094 : vector<16xf32>
        tpu.vector_store_idx %arg11[%add3A_1001, %broadcast_in_dim3A_1098], %mul3A_1099 : memref<256x16xf32, #tpu.memory_space<vmem>>[vector<16xi32>, vector<16xi32>], vector<16xf32>,
        %broadcast_in_dim3A_1100 = arith.constant 11 : i32
        %broadcast_in_dim3A_1101 = vector.broadcast %broadcast_in_dim3A_1100 : i32 to vector<16xi32>
        %mul3A_1102 = arith.mulf %gather3A_1048, %exp3A_1094 : vector<16xf32>
        tpu.vector_store_idx %arg11[%add3A_1001, %broadcast_in_dim3A_1101], %mul3A_1102 : memref<256x16xf32, #tpu.memory_space<vmem>>[vector<16xi32>, vector<16xi32>], vector<16xf32>,
      }
      %scan3A_948 = arith.constant 8 : i32
      %jit3A_949 = arith.constant 8 : i32
      %div3A_950 = arith.divsi %add3A_845, %jit3A_949 : i32
      %sign3A_951 = arith.constant 0 : i32
      %sign3A_952 = arith.cmpi sgt, %add3A_845, %sign3A_951 : i32
      %sign3A_953 = arith.extui %sign3A_952 : i1 to i32
      %sign3A_954 = arith.constant 0 : i32
      %sign3A_955 = arith.cmpi slt, %add3A_845, %sign3A_954 : i32
      %sign3A_956 = arith.extui %sign3A_955 : i1 to i32
      %sign3A_957 = arith.subi %sign3A_953, %sign3A_956 : i32
      %sign3A_958 = arith.constant 0 : i32
      %sign3A_959 = arith.cmpi sgt, %jit3A_949, %sign3A_958 : i32
      %sign3A_960 = arith.extui %sign3A_959 : i1 to i32
      %sign3A_961 = arith.constant 0 : i32
      %sign3A_962 = arith.cmpi slt, %jit3A_949, %sign3A_961 : i32
      %sign3A_963 = arith.extui %sign3A_962 : i1 to i32
      %sign3A_964 = arith.subi %sign3A_960, %sign3A_963 : i32
      %ne3A_965 = arith.cmpi ne, %sign3A_957, %sign3A_964 : i32
      %rem3A_966 = arith.remsi %add3A_845, %jit3A_949 : i32
      %ne3A_967 = arith.constant 0 : i32
      %ne3A_968 = arith.cmpi ne, %rem3A_966, %ne3A_967 : i32
      %and3A_969 = arith.andi %ne3A_965, %ne3A_968 : i1
      %sub3A_970 = arith.constant 1 : i32
      %sub3A_971 = arith.subi %div3A_950, %sub3A_970 : i32
      %select_n3A_972 = arith.select %and3A_969, %sub3A_971, %div3A_950 : i32
      %rem3A_973 = arith.constant 3 : i32
      %rem3A_974 = arith.remsi %select_n3A_972, %rem3A_973 : i32
      %mul3A_975 = arith.constant 8 : i32
      %mul3A_976 = arith.muli %rem3A_974, %mul3A_975 : i32
      %rem3A_977 = arith.constant 8 : i32
      %rem3A_978 = arith.remsi %add3A_845, %rem3A_977 : i32
      %add3A_979 = arith.addi %mul3A_976, %rem3A_978 : i32
      %dma_start3A_980 = arith.constant 128 : i32
      %dma_start3A_981 = arith.constant 0 : i32
      %dma_start3A_982 = tpu.memref_slice %arg11[%dma_start3A_980, %dma_start3A_981] : memref<256x16xf32, #tpu.memory_space<vmem>> -> memref<128x16xf32, #tpu.memory_space<vmem>>
      %dma_start3A_983 = arith.constant 0 : i32
      %dma_start3A_984 = tpu.memref_slice %arg8[%add3A_979, %dma_start3A_983] : memref<24x128xi32, #tpu.memory_space<vmem>> -> memref<1x128xi32, #tpu.memory_space<vmem>>
      %dma_start3A_985 = tpu.memref_squeeze %dma_start3A_984 : memref<1x128xi32, #tpu.memory_space<vmem>> -> memref<128xi32, #tpu.memory_space<vmem>>
      %dma_start3A_986 = arith.constant 0 : i32
      %dma_start3A_987 = arith.constant 0 : i32
      %dma_start3A_988 = tpu.memref_slice %arg14[%dma_start3A_986, %dma_start3A_987] : memref<100096x16xf32, #tpu.memory_space<vmem_shared>> -> memref<100096x16xf32, #tpu.memory_space<vmem_shared>>
      tpu.enqueue_indirect_dma source(%dma_start3A_982 : memref<128x16xf32, #tpu.memory_space<vmem>>) target(%dma_start3A_988 : memref<100096x16xf32, #tpu.memory_space<vmem_shared>>) offsets(%dma_start3A_985 : memref<128xi32, #tpu.memory_space<vmem>>) semaphore(%arg20 : memref<!tpu.dma_semaphore, #tpu.memory_space<semaphore_mem>>) {add = true}
    }
    %dma_wait3A = arith.constant 0 : i32
    %dma_wait3A_261 = arith.constant 0 : i32
    %dma_wait3A_262 = arith.constant 0 : i32
    %dma_wait3A_263 = tpu.memref_slice %arg11[%dma_wait3A_261, %dma_wait3A_262] : memref<256x16xf32, #tpu.memory_space<vmem>> -> memref<128x16xf32, #tpu.memory_space<vmem>>
    %dma_wait3A_264 = arith.constant 0 : i32
    %dma_wait3A_265 = tpu.memref_slice %arg8[%dma_wait3A, %dma_wait3A_264] : memref<24x128xi32, #tpu.memory_space<vmem>> -> memref<1x128xi32, #tpu.memory_space<vmem>>
    %dma_wait3A_266 = tpu.memref_squeeze %dma_wait3A_265 : memref<1x128xi32, #tpu.memory_space<vmem>> -> memref<128xi32, #tpu.memory_space<vmem>>
    %dma_wait3A_267 = arith.constant 0 : i32
    %dma_wait3A_268 = arith.constant 0 : i32
    %dma_wait3A_269 = tpu.memref_slice %arg14[%dma_wait3A_267, %dma_wait3A_268] : memref<100096x16xf32, #tpu.memory_space<vmem_shared>> -> memref<100096x16xf32, #tpu.memory_space<vmem_shared>>
    tpu.wait_indirect_dma semaphore(%arg19 : memref<!tpu.dma_semaphore, #tpu.memory_space<semaphore_mem>>) src(%dma_wait3A_263 : memref<128x16xf32, #tpu.memory_space<vmem>>) dst(%dma_wait3A_269 : memref<100096x16xf32, #tpu.memory_space<vmem_shared>>)
    %dma_wait3A_270 = arith.constant 0 : i32
    %dma_wait3A_271 = arith.constant 0 : i32
    %dma_wait3A_272 = arith.constant 0 : i32
    %dma_wait3A_273 = tpu.memref_slice %arg11[%dma_wait3A_271, %dma_wait3A_272] : memref<256x16xf32, #tpu.memory_space<vmem>> -> memref<128x16xf32, #tpu.memory_space<vmem>>
    %dma_wait3A_274 = arith.constant 0 : i32
    %dma_wait3A_275 = tpu.memref_slice %arg8[%dma_wait3A_270, %dma_wait3A_274] : memref<24x128xi32, #tpu.memory_space<vmem>> -> memref<1x128xi32, #tpu.memory_space<vmem>>
    %dma_wait3A_276 = tpu.memref_squeeze %dma_wait3A_275 : memref<1x128xi32, #tpu.memory_space<vmem>> -> memref<128xi32, #tpu.memory_space<vmem>>
    %dma_wait3A_277 = arith.constant 0 : i32
    %dma_wait3A_278 = arith.constant 0 : i32
    %dma_wait3A_279 = tpu.memref_slice %arg14[%dma_wait3A_277, %dma_wait3A_278] : memref<100096x16xf32, #tpu.memory_space<vmem_shared>> -> memref<100096x16xf32, #tpu.memory_space<vmem_shared>>
    tpu.wait_indirect_dma semaphore(%arg20 : memref<!tpu.dma_semaphore, #tpu.memory_space<semaphore_mem>>) src(%dma_wait3A_273 : memref<128x16xf32, #tpu.memory_space<vmem>>) dst(%dma_wait3A_279 : memref<100096x16xf32, #tpu.memory_space<vmem_shared>>)
    %dma_wait3A_280 = arith.constant 0 : i32
    %dma_wait3A_281 = arith.constant 0 : i32
    %dma_wait3A_282 = arith.constant 0 : i32
    %dma_wait3A_283 = tpu.memref_slice %arg9[%dma_wait3A_281, %dma_wait3A_282] : memref<512x16xf32, #tpu.memory_space<vmem>> -> memref<128x16xf32, #tpu.memory_space<vmem>>
    %dma_wait3A_284 = arith.constant 0 : i32
    %dma_wait3A_285 = tpu.memref_slice %arg7[%dma_wait3A_280, %dma_wait3A_284] : memref<24x128xi32, #tpu.memory_space<vmem>> -> memref<1x128xi32, #tpu.memory_space<vmem>>
    %dma_wait3A_286 = tpu.memref_squeeze %dma_wait3A_285 : memref<1x128xi32, #tpu.memory_space<vmem>> -> memref<128xi32, #tpu.memory_space<vmem>>
    %dma_wait3A_287 = arith.constant 0 : i32
    %dma_wait3A_288 = arith.constant 0 : i32
    %dma_wait3A_289 = tpu.memref_slice %arg6[%arg0, %dma_wait3A_287, %dma_wait3A_288] : memref<2x100096x16xf32, #tpu.memory_space<hbm>> -> memref<1x100096x16xf32, #tpu.memory_space<hbm>>
    %dma_wait3A_290 = tpu.memref_squeeze %dma_wait3A_289 : memref<1x100096x16xf32, #tpu.memory_space<hbm>> -> memref<100096x16xf32, #tpu.memory_space<hbm>>
    %dma_wait3A_291 = arith.constant 0 : i32
    %dma_wait3A_292 = arith.constant 0 : i32
    %dma_wait3A_293 = tpu.memref_slice %dma_wait3A_290[%dma_wait3A_291, %dma_wait3A_292] : memref<100096x16xf32, #tpu.memory_space<hbm>> -> memref<100096x16xf32, #tpu.memory_space<hbm>>
    tpu.wait_indirect_dma semaphore(%arg15 : memref<!tpu.dma_semaphore, #tpu.memory_space<semaphore_mem>>) src(%dma_wait3A_293 : memref<100096x16xf32, #tpu.memory_space<hbm>>) dst(%dma_wait3A_283 : memref<128x16xf32, #tpu.memory_space<vmem>>)
    %dma_wait3A_294 = arith.constant 0 : i32
    %dma_wait3A_295 = arith.constant 0 : i32
    %dma_wait3A_296 = arith.constant 0 : i32
    %dma_wait3A_297 = tpu.memref_slice %arg10[%dma_wait3A_295, %dma_wait3A_296] : memref<512x16xf32, #tpu.memory_space<vmem>> -> memref<128x16xf32, #tpu.memory_space<vmem>>
    %dma_wait3A_298 = arith.constant 0 : i32
    %dma_wait3A_299 = tpu.memref_slice %arg7[%dma_wait3A_294, %dma_wait3A_298] : memref<24x128xi32, #tpu.memory_space<vmem>> -> memref<1x128xi32, #tpu.memory_space<vmem>>
    %dma_wait3A_300 = tpu.memref_squeeze %dma_wait3A_299 : memref<1x128xi32, #tpu.memory_space<vmem>> -> memref<128xi32, #tpu.memory_space<vmem>>
    %dma_wait3A_301 = arith.constant 0 : i32
    %dma_wait3A_302 = arith.constant 0 : i32
    %dma_wait3A_303 = tpu.memref_slice %arg6[%arg0, %dma_wait3A_301, %dma_wait3A_302] : memref<2x100096x16xf32, #tpu.memory_space<hbm>> -> memref<1x100096x16xf32, #tpu.memory_space<hbm>>
    %dma_wait3A_304 = tpu.memref_squeeze %dma_wait3A_303 : memref<1x100096x16xf32, #tpu.memory_space<hbm>> -> memref<100096x16xf32, #tpu.memory_space<hbm>>
    %dma_wait3A_305 = arith.constant 0 : i32
    %dma_wait3A_306 = arith.constant 0 : i32
    %dma_wait3A_307 = tpu.memref_slice %dma_wait3A_304[%dma_wait3A_305, %dma_wait3A_306] : memref<100096x16xf32, #tpu.memory_space<hbm>> -> memref<100096x16xf32, #tpu.memory_space<hbm>>
    tpu.wait_indirect_dma semaphore(%arg15 : memref<!tpu.dma_semaphore, #tpu.memory_space<semaphore_mem>>) src(%dma_wait3A_307 : memref<100096x16xf32, #tpu.memory_space<hbm>>) dst(%dma_wait3A_297 : memref<128x16xf32, #tpu.memory_space<vmem>>)
    %dma_wait3A_308 = arith.constant 0 : i32
    %dma_wait3A_309 = arith.constant 0 : i32
    %dma_wait3A_310 = arith.constant 0 : i32
    %dma_wait3A_311 = tpu.memref_slice %arg9[%dma_wait3A_309, %dma_wait3A_310] : memref<512x16xf32, #tpu.memory_space<vmem>> -> memref<128x16xf32, #tpu.memory_space<vmem>>
    %dma_wait3A_312 = arith.constant 0 : i32
    %dma_wait3A_313 = tpu.memref_slice %arg7[%dma_wait3A_308, %dma_wait3A_312] : memref<24x128xi32, #tpu.memory_space<vmem>> -> memref<1x128xi32, #tpu.memory_space<vmem>>
    %dma_wait3A_314 = tpu.memref_squeeze %dma_wait3A_313 : memref<1x128xi32, #tpu.memory_space<vmem>> -> memref<128xi32, #tpu.memory_space<vmem>>
    %dma_wait3A_315 = arith.constant 0 : i32
    %dma_wait3A_316 = arith.constant 0 : i32
    %dma_wait3A_317 = tpu.memref_slice %arg6[%arg0, %dma_wait3A_315, %dma_wait3A_316] : memref<2x100096x16xf32, #tpu.memory_space<hbm>> -> memref<1x100096x16xf32, #tpu.memory_space<hbm>>
    %dma_wait3A_318 = tpu.memref_squeeze %dma_wait3A_317 : memref<1x100096x16xf32, #tpu.memory_space<hbm>> -> memref<100096x16xf32, #tpu.memory_space<hbm>>
    %dma_wait3A_319 = arith.constant 0 : i32
    %dma_wait3A_320 = arith.constant 0 : i32
    %dma_wait3A_321 = tpu.memref_slice %dma_wait3A_318[%dma_wait3A_319, %dma_wait3A_320] : memref<100096x16xf32, #tpu.memory_space<hbm>> -> memref<100096x16xf32, #tpu.memory_space<hbm>>
    tpu.wait_indirect_dma semaphore(%arg16 : memref<!tpu.dma_semaphore, #tpu.memory_space<semaphore_mem>>) src(%dma_wait3A_321 : memref<100096x16xf32, #tpu.memory_space<hbm>>) dst(%dma_wait3A_311 : memref<128x16xf32, #tpu.memory_space<vmem>>)
    %dma_wait3A_322 = arith.constant 0 : i32
    %dma_wait3A_323 = arith.constant 0 : i32
    %dma_wait3A_324 = arith.constant 0 : i32
    %dma_wait3A_325 = tpu.memref_slice %arg10[%dma_wait3A_323, %dma_wait3A_324] : memref<512x16xf32, #tpu.memory_space<vmem>> -> memref<128x16xf32, #tpu.memory_space<vmem>>
    %dma_wait3A_326 = arith.constant 0 : i32
    %dma_wait3A_327 = tpu.memref_slice %arg7[%dma_wait3A_322, %dma_wait3A_326] : memref<24x128xi32, #tpu.memory_space<vmem>> -> memref<1x128xi32, #tpu.memory_space<vmem>>
    %dma_wait3A_328 = tpu.memref_squeeze %dma_wait3A_327 : memref<1x128xi32, #tpu.memory_space<vmem>> -> memref<128xi32, #tpu.memory_space<vmem>>
    %dma_wait3A_329 = arith.constant 0 : i32
    %dma_wait3A_330 = arith.constant 0 : i32
    %dma_wait3A_331 = tpu.memref_slice %arg6[%arg0, %dma_wait3A_329, %dma_wait3A_330] : memref<2x100096x16xf32, #tpu.memory_space<hbm>> -> memref<1x100096x16xf32, #tpu.memory_space<hbm>>
    %dma_wait3A_332 = tpu.memref_squeeze %dma_wait3A_331 : memref<1x100096x16xf32, #tpu.memory_space<hbm>> -> memref<100096x16xf32, #tpu.memory_space<hbm>>
    %dma_wait3A_333 = arith.constant 0 : i32
    %dma_wait3A_334 = arith.constant 0 : i32
    %dma_wait3A_335 = tpu.memref_slice %dma_wait3A_332[%dma_wait3A_333, %dma_wait3A_334] : memref<100096x16xf32, #tpu.memory_space<hbm>> -> memref<100096x16xf32, #tpu.memory_space<hbm>>
    tpu.wait_indirect_dma semaphore(%arg16 : memref<!tpu.dma_semaphore, #tpu.memory_space<semaphore_mem>>) src(%dma_wait3A_335 : memref<100096x16xf32, #tpu.memory_space<hbm>>) dst(%dma_wait3A_325 : memref<128x16xf32, #tpu.memory_space<vmem>>)
    %dma_wait3A_336 = arith.constant 0 : i32
    %dma_wait3A_337 = arith.constant 0 : i32
    %dma_wait3A_338 = arith.constant 0 : i32
    %dma_wait3A_339 = tpu.memref_slice %arg9[%dma_wait3A_337, %dma_wait3A_338] : memref<512x16xf32, #tpu.memory_space<vmem>> -> memref<128x16xf32, #tpu.memory_space<vmem>>
    %dma_wait3A_340 = arith.constant 0 : i32
    %dma_wait3A_341 = tpu.memref_slice %arg7[%dma_wait3A_336, %dma_wait3A_340] : memref<24x128xi32, #tpu.memory_space<vmem>> -> memref<1x128xi32, #tpu.memory_space<vmem>>
    %dma_wait3A_342 = tpu.memref_squeeze %dma_wait3A_341 : memref<1x128xi32, #tpu.memory_space<vmem>> -> memref<128xi32, #tpu.memory_space<vmem>>
    %dma_wait3A_343 = arith.constant 0 : i32
    %dma_wait3A_344 = arith.constant 0 : i32
    %dma_wait3A_345 = tpu.memref_slice %arg6[%arg0, %dma_wait3A_343, %dma_wait3A_344] : memref<2x100096x16xf32, #tpu.memory_space<hbm>> -> memref<1x100096x16xf32, #tpu.memory_space<hbm>>
    %dma_wait3A_346 = tpu.memref_squeeze %dma_wait3A_345 : memref<1x100096x16xf32, #tpu.memory_space<hbm>> -> memref<100096x16xf32, #tpu.memory_space<hbm>>
    %dma_wait3A_347 = arith.constant 0 : i32
    %dma_wait3A_348 = arith.constant 0 : i32
    %dma_wait3A_349 = tpu.memref_slice %dma_wait3A_346[%dma_wait3A_347, %dma_wait3A_348] : memref<100096x16xf32, #tpu.memory_space<hbm>> -> memref<100096x16xf32, #tpu.memory_space<hbm>>
    tpu.wait_indirect_dma semaphore(%arg17 : memref<!tpu.dma_semaphore, #tpu.memory_space<semaphore_mem>>) src(%dma_wait3A_349 : memref<100096x16xf32, #tpu.memory_space<hbm>>) dst(%dma_wait3A_339 : memref<128x16xf32, #tpu.memory_space<vmem>>)
    %dma_wait3A_350 = arith.constant 0 : i32
    %dma_wait3A_351 = arith.constant 0 : i32
    %dma_wait3A_352 = arith.constant 0 : i32
    %dma_wait3A_353 = tpu.memref_slice %arg10[%dma_wait3A_351, %dma_wait3A_352] : memref<512x16xf32, #tpu.memory_space<vmem>> -> memref<128x16xf32, #tpu.memory_space<vmem>>
    %dma_wait3A_354 = arith.constant 0 : i32
    %dma_wait3A_355 = tpu.memref_slice %arg7[%dma_wait3A_350, %dma_wait3A_354] : memref<24x128xi32, #tpu.memory_space<vmem>> -> memref<1x128xi32, #tpu.memory_space<vmem>>
    %dma_wait3A_356 = tpu.memref_squeeze %dma_wait3A_355 : memref<1x128xi32, #tpu.memory_space<vmem>> -> memref<128xi32, #tpu.memory_space<vmem>>
    %dma_wait3A_357 = arith.constant 0 : i32
    %dma_wait3A_358 = arith.constant 0 : i32
    %dma_wait3A_359 = tpu.memref_slice %arg6[%arg0, %dma_wait3A_357, %dma_wait3A_358] : memref<2x100096x16xf32, #tpu.memory_space<hbm>> -> memref<1x100096x16xf32, #tpu.memory_space<hbm>>
    %dma_wait3A_360 = tpu.memref_squeeze %dma_wait3A_359 : memref<1x100096x16xf32, #tpu.memory_space<hbm>> -> memref<100096x16xf32, #tpu.memory_space<hbm>>
    %dma_wait3A_361 = arith.constant 0 : i32
    %dma_wait3A_362 = arith.constant 0 : i32
    %dma_wait3A_363 = tpu.memref_slice %dma_wait3A_360[%dma_wait3A_361, %dma_wait3A_362] : memref<100096x16xf32, #tpu.memory_space<hbm>> -> memref<100096x16xf32, #tpu.memory_space<hbm>>
    tpu.wait_indirect_dma semaphore(%arg17 : memref<!tpu.dma_semaphore, #tpu.memory_space<semaphore_mem>>) src(%dma_wait3A_363 : memref<100096x16xf32, #tpu.memory_space<hbm>>) dst(%dma_wait3A_353 : memref<128x16xf32, #tpu.memory_space<vmem>>)
    %barrier3A_364 = arith.constant 0 : index
    tpu.barrier barrier_id(%barrier3A_364)
    %mul3A_365 = arith.constant 6256 : i32
    %mul3A_366 = arith.muli %arg1, %mul3A_365 : i32
    %mul3A_367 = arith.constant 100352 : i32
    %mul3A_368 = arith.muli %arg0, %mul3A_367 : i32
    %mul3A_369 = arith.constant 6256 : i32
    %mul3A_370 = arith.muli %arg1, %mul3A_369 : i32
    %add3A_371 = arith.addi %mul3A_368, %mul3A_370 : i32
    "tpu.region"() ({
      %run_scoped3A_372 = tpu.sem_alloc : memref<!tpu.dma_semaphore, #tpu.memory_space<semaphore_mem>>
      %dma_start3A_373 = arith.constant 0 : i32
      %dma_start3A_374 = tpu.memref_slice %arg5[%add3A_371, %dma_start3A_373] : memref<200704x16xf32, #tpu.memory_space<hbm>> -> memref<6256x16xf32, #tpu.memory_space<hbm>>
      %dma_start3A_375 = arith.constant 0 : i32
      %dma_start3A_376 = tpu.memref_slice %arg14[%mul3A_366, %dma_start3A_375] : memref<100096x16xf32, #tpu.memory_space<vmem_shared>> -> memref<6256x16xf32, #tpu.memory_space<vmem_shared>>
      tpu.enqueue_dma source(%dma_start3A_376 : memref<6256x16xf32, #tpu.memory_space<vmem_shared>>) target(%dma_start3A_374 : memref<6256x16xf32, #tpu.memory_space<hbm>>) target_semaphore(%run_scoped3A_372 : memref<!tpu.dma_semaphore, #tpu.memory_space<semaphore_mem>>)
      %dma_wait3A_377 = arith.constant 0 : i32
      %dma_wait3A_378 = tpu.memref_slice %arg5[%add3A_371, %dma_wait3A_377] : memref<200704x16xf32, #tpu.memory_space<hbm>> -> memref<6256x16xf32, #tpu.memory_space<hbm>>
      %dma_wait3A_379 = arith.constant 0 : i32
      %dma_wait3A_380 = tpu.memref_slice %arg14[%mul3A_366, %dma_wait3A_379] : memref<100096x16xf32, #tpu.memory_space<vmem_shared>> -> memref<6256x16xf32, #tpu.memory_space<vmem_shared>>
      tpu.wait_dma2 semaphore(%run_scoped3A_372 : memref<!tpu.dma_semaphore, #tpu.memory_space<semaphore_mem>>) src(%dma_wait3A_380 : memref<6256x16xf32, #tpu.memory_space<vmem_shared>>) dst(%dma_wait3A_378 : memref<6256x16xf32, #tpu.memory_space<hbm>>)
      tpu.yield
    }) : () -> ()
    return
  }
}

#map = affine_map<(d0, d1) -> (0, 0)>
#map1 = affine_map<(d0, d1) -> (0)>
module attributes {stable_mosaic.version = 14 : i64} {
  func.func @_combine_body(%arg0: i32, %arg1: i32, %arg2: memref<200704x16xf32, #tpu.memory_space<hbm>>, %arg3: memref<100352x4xf32, #tpu.memory_space<hbm>>, %arg4: memref<16xf32, #tpu.memory_space<hbm>>, %arg5: memref<100000x2xf32, #tpu.memory_space<hbm>>, %arg6: memref<100000x2xf32, #tpu.memory_space<hbm>>, %arg7: memref<100000xf32, #tpu.memory_space<hbm>>, %arg8: memref<784x16xf32, #tpu.memory_space<vmem>>, %arg9: memref<784x16xf32, #tpu.memory_space<vmem>>, %arg10: memref<784x4xf32, #tpu.memory_space<vmem>>, %arg11: memref<3136x2xf32, #tpu.memory_space<vmem>>, %arg12: memref<3136x2xf32, #tpu.memory_space<vmem>>, %arg13: memref<3136xf32, #tpu.memory_space<vmem>>, %arg14: memref<16xf32, #tpu.memory_space<vmem>>) attributes {dimension_semantics = [#tpu.dimension_semantics<core_parallel>, #tpu.dimension_semantics<subcore_parallel>], iteration_bounds = array<i64: 2, 16>, scalar_prefetch = 0 : i64, scratch_operands = 7 : i64, tpu.core_type = #tpu.core_type<sc_vector_subcore>, window_params = [{transform_indices = #map}, {transform_indices = #map}, {transform_indices = #map1}, {transform_indices = #map}, {transform_indices = #map}, {transform_indices = #map1}]} {
    %mul3A = arith.constant 16 : i32
    %mul3A_0 = arith.muli %arg0, %mul3A : i32
    %add3A = arith.addi %mul3A_0, %arg1 : i32
    %mul3A_1 = arith.constant 3120 : i32
    %mul3A_2 = arith.muli %add3A, %mul3A_1 : i32
    %min3A = arith.constant 10 : i32
    %min3A_3 = arith.minsi %add3A, %min3A : i32
    %mul3A_4 = arith.constant 16 : i32
    %mul3A_5 = arith.muli %min3A_3, %mul3A_4 : i32
    %add3A_6 = arith.addi %mul3A_2, %mul3A_5 : i32
    %lt3A = arith.constant 10 : i32
    %lt3A_7 = arith.cmpi slt, %add3A, %lt3A : i32
    %jit3A = arith.constant 196 : i32
    %jit3A_8 = arith.constant 195 : i32
    %select_n3A = arith.select %lt3A_7, %jit3A, %jit3A_8 : i32
    %iota3A = tpu.iota {dimensions = array<i32: 0>} : vector<16xi32>
    "tpu.region"() ({
      %run_scoped3A = tpu.sem_alloc : memref<!tpu.dma_semaphore, #tpu.memory_space<semaphore_mem>>
      tpu.enqueue_dma source(%arg4 : memref<16xf32, #tpu.memory_space<hbm>>) target(%arg14 : memref<16xf32, #tpu.memory_space<vmem>>) target_semaphore(%run_scoped3A : memref<!tpu.dma_semaphore, #tpu.memory_space<semaphore_mem>>)
      tpu.wait_dma2 semaphore(%run_scoped3A : memref<!tpu.dma_semaphore, #tpu.memory_space<semaphore_mem>>) src(%arg4 : memref<16xf32, #tpu.memory_space<hbm>>) dst(%arg14 : memref<16xf32, #tpu.memory_space<vmem>>)
      tpu.yield
    }) : () -> ()
    %get3A = arith.constant 0 : index
    %get3A_9 = tpu.vector_load %arg14[%get3A] {strides = array<i32>} : memref<16xf32, #tpu.memory_space<vmem>>, vector<16xf32>,
    %slice3A = vector.extract_strided_slice %get3A_9 {offsets = [0], sizes = [1], strides = [1]} : vector<16xf32> to vector<1xf32>
    %squeeze3A = vector.extract %slice3A[0] : f32 from vector<1xf32>
    %slice3A_10 = vector.extract_strided_slice %get3A_9 {offsets = [1], sizes = [1], strides = [1]} : vector<16xf32> to vector<1xf32>
    %squeeze3A_11 = vector.extract %slice3A_10[0] : f32 from vector<1xf32>
    %slice3A_12 = vector.extract_strided_slice %get3A_9 {offsets = [2], sizes = [1], strides = [1]} : vector<16xf32> to vector<1xf32>
    %squeeze3A_13 = vector.extract %slice3A_12[0] : f32 from vector<1xf32>
    %slice3A_14 = vector.extract_strided_slice %get3A_9 {offsets = [3], sizes = [1], strides = [1]} : vector<16xf32> to vector<1xf32>
    %squeeze3A_15 = vector.extract %slice3A_14[0] : f32 from vector<1xf32>
    %slice3A_16 = vector.extract_strided_slice %get3A_9 {offsets = [4], sizes = [1], strides = [1]} : vector<16xf32> to vector<1xf32>
    %squeeze3A_17 = vector.extract %slice3A_16[0] : f32 from vector<1xf32>
    %slice3A_18 = vector.extract_strided_slice %get3A_9 {offsets = [5], sizes = [1], strides = [1]} : vector<16xf32> to vector<1xf32>
    %squeeze3A_19 = vector.extract %slice3A_18[0] : f32 from vector<1xf32>
    %slice3A_20 = vector.extract_strided_slice %get3A_9 {offsets = [6], sizes = [1], strides = [1]} : vector<16xf32> to vector<1xf32>
    %squeeze3A_21 = vector.extract %slice3A_20[0] : f32 from vector<1xf32>
    %slice3A_22 = vector.extract_strided_slice %get3A_9 {offsets = [7], sizes = [1], strides = [1]} : vector<16xf32> to vector<1xf32>
    %squeeze3A_23 = vector.extract %slice3A_22[0] : f32 from vector<1xf32>
    %scan3A = arith.constant 0 : i32
    %scan3A_24 = arith.constant 0 : i32
    %scan3A_25 = arith.constant 4 : i32
    %scan3A_26 = arith.addi %scan3A_24, %scan3A_25 : i32
    %scan3A_27 = arith.constant 1 : i32
    scf.for %scan3A_36 = %scan3A_24 to %scan3A_26 step %scan3A_27  : i32 {
      %mul3A_37 = arith.constant 784 : i32
      %mul3A_38 = arith.muli %scan3A_36, %mul3A_37 : i32
      %add3A_39 = arith.addi %add3A_6, %mul3A_38 : i32
      "tpu.region"() ({
        %run_scoped3A = tpu.sem_alloc : memref<!tpu.dma_semaphore, #tpu.memory_space<semaphore_mem>>
        %dma_start3A = arith.constant 0 : i32
        %dma_start3A_55 = tpu.memref_slice %arg2[%add3A_39, %dma_start3A] : memref<200704x16xf32, #tpu.memory_space<hbm>> -> memref<784x16xf32, #tpu.memory_space<hbm>>
        %dma_start3A_56 = arith.constant 0 : i32
        %dma_start3A_57 = tpu.memref_slice %arg2[%add3A_39, %dma_start3A_56] : memref<200704x16xf32, #tpu.memory_space<hbm>> -> memref<784x16xf32, #tpu.memory_space<hbm>>
        tpu.enqueue_dma source(%dma_start3A_57 : memref<784x16xf32, #tpu.memory_space<hbm>>) target(%arg8 : memref<784x16xf32, #tpu.memory_space<vmem>>) target_semaphore(%run_scoped3A : memref<!tpu.dma_semaphore, #tpu.memory_space<semaphore_mem>>)
        %dma_wait3A = arith.constant 0 : i32
        %dma_wait3A_58 = tpu.memref_slice %arg2[%add3A_39, %dma_wait3A] : memref<200704x16xf32, #tpu.memory_space<hbm>> -> memref<784x16xf32, #tpu.memory_space<hbm>>
        %dma_wait3A_59 = arith.constant 0 : i32
        %dma_wait3A_60 = tpu.memref_slice %arg2[%add3A_39, %dma_wait3A_59] : memref<200704x16xf32, #tpu.memory_space<hbm>> -> memref<784x16xf32, #tpu.memory_space<hbm>>
        tpu.wait_dma2 semaphore(%run_scoped3A : memref<!tpu.dma_semaphore, #tpu.memory_space<semaphore_mem>>) src(%dma_wait3A_60 : memref<784x16xf32, #tpu.memory_space<hbm>>) dst(%arg8 : memref<784x16xf32, #tpu.memory_space<vmem>>)
        tpu.yield
      }) : () -> ()
      %add3A_40 = arith.constant 100352 : i32
      %add3A_41 = arith.addi %add3A_40, %add3A_39 : i32
      "tpu.region"() ({
        %run_scoped3A = tpu.sem_alloc : memref<!tpu.dma_semaphore, #tpu.memory_space<semaphore_mem>>
        %dma_start3A = arith.constant 0 : i32
        %dma_start3A_55 = tpu.memref_slice %arg2[%add3A_41, %dma_start3A] : memref<200704x16xf32, #tpu.memory_space<hbm>> -> memref<784x16xf32, #tpu.memory_space<hbm>>
        %dma_start3A_56 = arith.constant 0 : i32
        %dma_start3A_57 = tpu.memref_slice %arg2[%add3A_41, %dma_start3A_56] : memref<200704x16xf32, #tpu.memory_space<hbm>> -> memref<784x16xf32, #tpu.memory_space<hbm>>
        tpu.enqueue_dma source(%dma_start3A_57 : memref<784x16xf32, #tpu.memory_space<hbm>>) target(%arg9 : memref<784x16xf32, #tpu.memory_space<vmem>>) target_semaphore(%run_scoped3A : memref<!tpu.dma_semaphore, #tpu.memory_space<semaphore_mem>>)
        %dma_wait3A = arith.constant 0 : i32
        %dma_wait3A_58 = tpu.memref_slice %arg2[%add3A_41, %dma_wait3A] : memref<200704x16xf32, #tpu.memory_space<hbm>> -> memref<784x16xf32, #tpu.memory_space<hbm>>
        %dma_wait3A_59 = arith.constant 0 : i32
        %dma_wait3A_60 = tpu.memref_slice %arg2[%add3A_41, %dma_wait3A_59] : memref<200704x16xf32, #tpu.memory_space<hbm>> -> memref<784x16xf32, #tpu.memory_space<hbm>>
        tpu.wait_dma2 semaphore(%run_scoped3A : memref<!tpu.dma_semaphore, #tpu.memory_space<semaphore_mem>>) src(%dma_wait3A_60 : memref<784x16xf32, #tpu.memory_space<hbm>>) dst(%arg9 : memref<784x16xf32, #tpu.memory_space<vmem>>)
        tpu.yield
      }) : () -> ()
      "tpu.region"() ({
        %run_scoped3A = tpu.sem_alloc : memref<!tpu.dma_semaphore, #tpu.memory_space<semaphore_mem>>
        %dma_start3A = arith.constant 0 : i32
        %dma_start3A_55 = tpu.memref_slice %arg3[%add3A_39, %dma_start3A] : memref<100352x4xf32, #tpu.memory_space<hbm>> -> memref<784x4xf32, #tpu.memory_space<hbm>>
        %dma_start3A_56 = arith.constant 0 : i32
        %dma_start3A_57 = tpu.memref_slice %arg3[%add3A_39, %dma_start3A_56] : memref<100352x4xf32, #tpu.memory_space<hbm>> -> memref<784x4xf32, #tpu.memory_space<hbm>>
        tpu.enqueue_dma source(%dma_start3A_57 : memref<784x4xf32, #tpu.memory_space<hbm>>) target(%arg10 : memref<784x4xf32, #tpu.memory_space<vmem>>) target_semaphore(%run_scoped3A : memref<!tpu.dma_semaphore, #tpu.memory_space<semaphore_mem>>)
        %dma_wait3A = arith.constant 0 : i32
        %dma_wait3A_58 = tpu.memref_slice %arg3[%add3A_39, %dma_wait3A] : memref<100352x4xf32, #tpu.memory_space<hbm>> -> memref<784x4xf32, #tpu.memory_space<hbm>>
        %dma_wait3A_59 = arith.constant 0 : i32
        %dma_wait3A_60 = tpu.memref_slice %arg3[%add3A_39, %dma_wait3A_59] : memref<100352x4xf32, #tpu.memory_space<hbm>> -> memref<784x4xf32, #tpu.memory_space<hbm>>
        tpu.wait_dma2 semaphore(%run_scoped3A : memref<!tpu.dma_semaphore, #tpu.memory_space<semaphore_mem>>) src(%dma_wait3A_60 : memref<784x4xf32, #tpu.memory_space<hbm>>) dst(%arg10 : memref<784x4xf32, #tpu.memory_space<vmem>>)
        tpu.yield
      }) : () -> ()
      %mul3A_42 = arith.constant 49 : i32
      %mul3A_43 = arith.muli %scan3A_36, %mul3A_42 : i32
      %sub3A = arith.subi %select_n3A, %mul3A_43 : i32
      %min3A_44 = arith.constant 49 : i32
      %min3A_45 = arith.minsi %min3A_44, %sub3A : i32
      %while3A = arith.constant 0 : i32
      %while3A_46 = arith.constant 0 : i32
      %while3A_47 = arith.subi %min3A_45, %while3A_46 : i32
      %while3A_48 = arith.addi %while3A_46, %while3A_47 : i32
      %while3A_49 = arith.constant 1 : i32
      %while3A_50 = arith.divsi %while3A_47, %while3A_49 : i32
      %while3A_51 = arith.muli %while3A_50, %while3A_49 : i32
      %while3A_52 = arith.addi %while3A_46, %while3A_51 : i32
      %while3A_53 = arith.constant 1 : i32
      scf.for %while3A_55 = %while3A_46 to %while3A_52 step %while3A_53  : i32 {
        %mul3A_56 = arith.constant 16 : i32
        %mul3A_57 = arith.muli %while3A_55, %mul3A_56 : i32
        %add3A_58 = vector.broadcast %mul3A_57 : i32 to vector<16xi32>
        %add3A_59 = arith.addi %iota3A, %add3A_58 : vector<16xi32>
        %mul3A_60 = arith.constant 784 : i32
        %mul3A_61 = arith.muli %scan3A_36, %mul3A_60 : i32
        %add3A_62 = vector.broadcast %mul3A_61 : i32 to vector<16xi32>
        %add3A_63 = arith.addi %add3A_59, %add3A_62 : vector<16xi32>
        %broadcast_in_dim3A = arith.constant 0 : i32
        %broadcast_in_dim3A_64 = vector.broadcast %broadcast_in_dim3A : i32 to vector<16xi32>
        %gather3A = tpu.vector_load_idx %arg8[%add3A_59, %broadcast_in_dim3A_64] : memref<784x16xf32, #tpu.memory_space<vmem>>[vector<16xi32>, vector<16xi32>], vector<16xf32>,
        %broadcast_in_dim3A_65 = arith.constant 0 : i32
        %broadcast_in_dim3A_66 = vector.broadcast %broadcast_in_dim3A_65 : i32 to vector<16xi32>
        %gather3A_67 = tpu.vector_load_idx %arg9[%add3A_59, %broadcast_in_dim3A_66] : memref<784x16xf32, #tpu.memory_space<vmem>>[vector<16xi32>, vector<16xi32>], vector<16xf32>,
        %add3A_68 = arith.addf %gather3A, %gather3A_67 : vector<16xf32>
        %broadcast_in_dim3A_69 = arith.constant 1 : i32
        %broadcast_in_dim3A_70 = vector.broadcast %broadcast_in_dim3A_69 : i32 to vector<16xi32>
        %gather3A_71 = tpu.vector_load_idx %arg8[%add3A_59, %broadcast_in_dim3A_70] : memref<784x16xf32, #tpu.memory_space<vmem>>[vector<16xi32>, vector<16xi32>], vector<16xf32>,
        %broadcast_in_dim3A_72 = arith.constant 1 : i32
        %broadcast_in_dim3A_73 = vector.broadcast %broadcast_in_dim3A_72 : i32 to vector<16xi32>
        %gather3A_74 = tpu.vector_load_idx %arg9[%add3A_59, %broadcast_in_dim3A_73] : memref<784x16xf32, #tpu.memory_space<vmem>>[vector<16xi32>, vector<16xi32>], vector<16xf32>,
        %add3A_75 = arith.addf %gather3A_71, %gather3A_74 : vector<16xf32>
        %broadcast_in_dim3A_76 = arith.constant 2 : i32
        %broadcast_in_dim3A_77 = vector.broadcast %broadcast_in_dim3A_76 : i32 to vector<16xi32>
        %gather3A_78 = tpu.vector_load_idx %arg8[%add3A_59, %broadcast_in_dim3A_77] : memref<784x16xf32, #tpu.memory_space<vmem>>[vector<16xi32>, vector<16xi32>], vector<16xf32>,
        %broadcast_in_dim3A_79 = arith.constant 2 : i32
        %broadcast_in_dim3A_80 = vector.broadcast %broadcast_in_dim3A_79 : i32 to vector<16xi32>
        %gather3A_81 = tpu.vector_load_idx %arg9[%add3A_59, %broadcast_in_dim3A_80] : memref<784x16xf32, #tpu.memory_space<vmem>>[vector<16xi32>, vector<16xi32>], vector<16xf32>,
        %add3A_82 = arith.addf %gather3A_78, %gather3A_81 : vector<16xf32>
        %broadcast_in_dim3A_83 = arith.constant 3 : i32
        %broadcast_in_dim3A_84 = vector.broadcast %broadcast_in_dim3A_83 : i32 to vector<16xi32>
        %gather3A_85 = tpu.vector_load_idx %arg8[%add3A_59, %broadcast_in_dim3A_84] : memref<784x16xf32, #tpu.memory_space<vmem>>[vector<16xi32>, vector<16xi32>], vector<16xf32>,
        %broadcast_in_dim3A_86 = arith.constant 3 : i32
        %broadcast_in_dim3A_87 = vector.broadcast %broadcast_in_dim3A_86 : i32 to vector<16xi32>
        %gather3A_88 = tpu.vector_load_idx %arg9[%add3A_59, %broadcast_in_dim3A_87] : memref<784x16xf32, #tpu.memory_space<vmem>>[vector<16xi32>, vector<16xi32>], vector<16xf32>,
        %add3A_89 = arith.addf %gather3A_85, %gather3A_88 : vector<16xf32>
        %broadcast_in_dim3A_90 = arith.constant 4 : i32
        %broadcast_in_dim3A_91 = vector.broadcast %broadcast_in_dim3A_90 : i32 to vector<16xi32>
        %gather3A_92 = tpu.vector_load_idx %arg8[%add3A_59, %broadcast_in_dim3A_91] : memref<784x16xf32, #tpu.memory_space<vmem>>[vector<16xi32>, vector<16xi32>], vector<16xf32>,
        %broadcast_in_dim3A_93 = arith.constant 4 : i32
        %broadcast_in_dim3A_94 = vector.broadcast %broadcast_in_dim3A_93 : i32 to vector<16xi32>
        %gather3A_95 = tpu.vector_load_idx %arg9[%add3A_59, %broadcast_in_dim3A_94] : memref<784x16xf32, #tpu.memory_space<vmem>>[vector<16xi32>, vector<16xi32>], vector<16xf32>,
        %add3A_96 = arith.addf %gather3A_92, %gather3A_95 : vector<16xf32>
        %broadcast_in_dim3A_97 = arith.constant 5 : i32
        %broadcast_in_dim3A_98 = vector.broadcast %broadcast_in_dim3A_97 : i32 to vector<16xi32>
        %gather3A_99 = tpu.vector_load_idx %arg8[%add3A_59, %broadcast_in_dim3A_98] : memref<784x16xf32, #tpu.memory_space<vmem>>[vector<16xi32>, vector<16xi32>], vector<16xf32>,
        %broadcast_in_dim3A_100 = arith.constant 5 : i32
        %broadcast_in_dim3A_101 = vector.broadcast %broadcast_in_dim3A_100 : i32 to vector<16xi32>
        %gather3A_102 = tpu.vector_load_idx %arg9[%add3A_59, %broadcast_in_dim3A_101] : memref<784x16xf32, #tpu.memory_space<vmem>>[vector<16xi32>, vector<16xi32>], vector<16xf32>,
        %add3A_103 = arith.addf %gather3A_99, %gather3A_102 : vector<16xf32>
        %broadcast_in_dim3A_104 = arith.constant 6 : i32
        %broadcast_in_dim3A_105 = vector.broadcast %broadcast_in_dim3A_104 : i32 to vector<16xi32>
        %gather3A_106 = tpu.vector_load_idx %arg8[%add3A_59, %broadcast_in_dim3A_105] : memref<784x16xf32, #tpu.memory_space<vmem>>[vector<16xi32>, vector<16xi32>], vector<16xf32>,
        %broadcast_in_dim3A_107 = arith.constant 6 : i32
        %broadcast_in_dim3A_108 = vector.broadcast %broadcast_in_dim3A_107 : i32 to vector<16xi32>
        %gather3A_109 = tpu.vector_load_idx %arg9[%add3A_59, %broadcast_in_dim3A_108] : memref<784x16xf32, #tpu.memory_space<vmem>>[vector<16xi32>, vector<16xi32>], vector<16xf32>,
        %add3A_110 = arith.addf %gather3A_106, %gather3A_109 : vector<16xf32>
        %broadcast_in_dim3A_111 = arith.constant 7 : i32
        %broadcast_in_dim3A_112 = vector.broadcast %broadcast_in_dim3A_111 : i32 to vector<16xi32>
        %gather3A_113 = tpu.vector_load_idx %arg8[%add3A_59, %broadcast_in_dim3A_112] : memref<784x16xf32, #tpu.memory_space<vmem>>[vector<16xi32>, vector<16xi32>], vector<16xf32>,
        %broadcast_in_dim3A_114 = arith.constant 7 : i32
        %broadcast_in_dim3A_115 = vector.broadcast %broadcast_in_dim3A_114 : i32 to vector<16xi32>
        %gather3A_116 = tpu.vector_load_idx %arg9[%add3A_59, %broadcast_in_dim3A_115] : memref<784x16xf32, #tpu.memory_space<vmem>>[vector<16xi32>, vector<16xi32>], vector<16xf32>,
        %add3A_117 = arith.addf %gather3A_113, %gather3A_116 : vector<16xf32>
        %broadcast_in_dim3A_118 = arith.constant 8 : i32
        %broadcast_in_dim3A_119 = vector.broadcast %broadcast_in_dim3A_118 : i32 to vector<16xi32>
        %gather3A_120 = tpu.vector_load_idx %arg8[%add3A_59, %broadcast_in_dim3A_119] : memref<784x16xf32, #tpu.memory_space<vmem>>[vector<16xi32>, vector<16xi32>], vector<16xf32>,
        %broadcast_in_dim3A_121 = arith.constant 8 : i32
        %broadcast_in_dim3A_122 = vector.broadcast %broadcast_in_dim3A_121 : i32 to vector<16xi32>
        %gather3A_123 = tpu.vector_load_idx %arg9[%add3A_59, %broadcast_in_dim3A_122] : memref<784x16xf32, #tpu.memory_space<vmem>>[vector<16xi32>, vector<16xi32>], vector<16xf32>,
        %add3A_124 = arith.addf %gather3A_120, %gather3A_123 : vector<16xf32>
        %broadcast_in_dim3A_125 = arith.constant 9 : i32
        %broadcast_in_dim3A_126 = vector.broadcast %broadcast_in_dim3A_125 : i32 to vector<16xi32>
        %gather3A_127 = tpu.vector_load_idx %arg8[%add3A_59, %broadcast_in_dim3A_126] : memref<784x16xf32, #tpu.memory_space<vmem>>[vector<16xi32>, vector<16xi32>], vector<16xf32>,
        %broadcast_in_dim3A_128 = arith.constant 9 : i32
        %broadcast_in_dim3A_129 = vector.broadcast %broadcast_in_dim3A_128 : i32 to vector<16xi32>
        %gather3A_130 = tpu.vector_load_idx %arg9[%add3A_59, %broadcast_in_dim3A_129] : memref<784x16xf32, #tpu.memory_space<vmem>>[vector<16xi32>, vector<16xi32>], vector<16xf32>,
        %add3A_131 = arith.addf %gather3A_127, %gather3A_130 : vector<16xf32>
        %broadcast_in_dim3A_132 = arith.constant 10 : i32
        %broadcast_in_dim3A_133 = vector.broadcast %broadcast_in_dim3A_132 : i32 to vector<16xi32>
        %gather3A_134 = tpu.vector_load_idx %arg8[%add3A_59, %broadcast_in_dim3A_133] : memref<784x16xf32, #tpu.memory_space<vmem>>[vector<16xi32>, vector<16xi32>], vector<16xf32>,
        %broadcast_in_dim3A_135 = arith.constant 10 : i32
        %broadcast_in_dim3A_136 = vector.broadcast %broadcast_in_dim3A_135 : i32 to vector<16xi32>
        %gather3A_137 = tpu.vector_load_idx %arg9[%add3A_59, %broadcast_in_dim3A_136] : memref<784x16xf32, #tpu.memory_space<vmem>>[vector<16xi32>, vector<16xi32>], vector<16xf32>,
        %add3A_138 = arith.addf %gather3A_134, %gather3A_137 : vector<16xf32>
        %broadcast_in_dim3A_139 = arith.constant 11 : i32
        %broadcast_in_dim3A_140 = vector.broadcast %broadcast_in_dim3A_139 : i32 to vector<16xi32>
        %gather3A_141 = tpu.vector_load_idx %arg8[%add3A_59, %broadcast_in_dim3A_140] : memref<784x16xf32, #tpu.memory_space<vmem>>[vector<16xi32>, vector<16xi32>], vector<16xf32>,
        %broadcast_in_dim3A_142 = arith.constant 11 : i32
        %broadcast_in_dim3A_143 = vector.broadcast %broadcast_in_dim3A_142 : i32 to vector<16xi32>
        %gather3A_144 = tpu.vector_load_idx %arg9[%add3A_59, %broadcast_in_dim3A_143] : memref<784x16xf32, #tpu.memory_space<vmem>>[vector<16xi32>, vector<16xi32>], vector<16xf32>,
        %add3A_145 = arith.addf %gather3A_141, %gather3A_144 : vector<16xf32>
        %add3A_146 = arith.constant 1.000000e-16 : f32
        %add3A_147 = vector.broadcast %add3A_146 : f32 to vector<16xf32>
        %add3A_148 = arith.addf %add3A_68, %add3A_147 : vector<16xf32>
        %add3A_149 = arith.constant 1.000000e-16 : f32
        %add3A_150 = vector.broadcast %add3A_149 : f32 to vector<16xf32>
        %add3A_151 = arith.addf %add3A_75, %add3A_150 : vector<16xf32>
        %add3A_152 = arith.constant 1.000000e-16 : f32
        %add3A_153 = vector.broadcast %add3A_152 : f32 to vector<16xf32>
        %add3A_154 = arith.addf %add3A_82, %add3A_153 : vector<16xf32>
        %add3A_155 = arith.constant 1.000000e-16 : f32
        %add3A_156 = vector.broadcast %add3A_155 : f32 to vector<16xf32>
        %add3A_157 = arith.addf %add3A_89, %add3A_156 : vector<16xf32>
        %div3A = arith.divf %add3A_96, %add3A_148 : vector<16xf32>
        %add3A_158 = vector.broadcast %squeeze3A : f32 to vector<16xf32>
        %add3A_159 = arith.addf %div3A, %add3A_158 : vector<16xf32>
        %div3A_160 = arith.divf %add3A_103, %add3A_148 : vector<16xf32>
        %add3A_161 = vector.broadcast %squeeze3A_11 : f32 to vector<16xf32>
        %add3A_162 = arith.addf %div3A_160, %add3A_161 : vector<16xf32>
        %div3A_163 = arith.divf %add3A_110, %add3A_151 : vector<16xf32>
        %add3A_164 = vector.broadcast %squeeze3A_13 : f32 to vector<16xf32>
        %add3A_165 = arith.addf %div3A_163, %add3A_164 : vector<16xf32>
        %div3A_166 = arith.divf %add3A_117, %add3A_151 : vector<16xf32>
        %add3A_167 = vector.broadcast %squeeze3A_15 : f32 to vector<16xf32>
        %add3A_168 = arith.addf %div3A_166, %add3A_167 : vector<16xf32>
        %div3A_169 = arith.divf %add3A_124, %add3A_154 : vector<16xf32>
        %add3A_170 = vector.broadcast %squeeze3A_17 : f32 to vector<16xf32>
        %add3A_171 = arith.addf %div3A_169, %add3A_170 : vector<16xf32>
        %div3A_172 = arith.divf %add3A_131, %add3A_154 : vector<16xf32>
        %add3A_173 = vector.broadcast %squeeze3A_19 : f32 to vector<16xf32>
        %add3A_174 = arith.addf %div3A_172, %add3A_173 : vector<16xf32>
        %div3A_175 = arith.divf %add3A_138, %add3A_157 : vector<16xf32>
        %add3A_176 = vector.broadcast %squeeze3A_21 : f32 to vector<16xf32>
        %add3A_177 = arith.addf %div3A_175, %add3A_176 : vector<16xf32>
        %div3A_178 = arith.divf %add3A_145, %add3A_157 : vector<16xf32>
        %add3A_179 = vector.broadcast %squeeze3A_23 : f32 to vector<16xf32>
        %add3A_180 = arith.addf %div3A_178, %add3A_179 : vector<16xf32>
        %broadcast_in_dim3A_181 = arith.constant 2 : i32
        %broadcast_in_dim3A_182 = vector.broadcast %broadcast_in_dim3A_181 : i32 to vector<16xi32>
        %gather3A_183 = tpu.vector_load_idx %arg10[%add3A_59, %broadcast_in_dim3A_182] : memref<784x4xf32, #tpu.memory_space<vmem>>[vector<16xi32>, vector<16xi32>], vector<16xf32>,
        %broadcast_in_dim3A_184 = arith.constant 3 : i32
        %broadcast_in_dim3A_185 = vector.broadcast %broadcast_in_dim3A_184 : i32 to vector<16xi32>
        %gather3A_186 = tpu.vector_load_idx %arg10[%add3A_59, %broadcast_in_dim3A_185] : memref<784x4xf32, #tpu.memory_space<vmem>>[vector<16xi32>, vector<16xi32>], vector<16xf32>,
        %exp3A = math.exp %add3A_159 : vector<16xf32>
        %mul3A_187 = arith.mulf %gather3A_183, %exp3A : vector<16xf32>
        %add3A_188 = arith.addf %mul3A_187, %add3A_165 : vector<16xf32>
        %exp3A_189 = math.exp %add3A_162 : vector<16xf32>
        %mul3A_190 = arith.mulf %gather3A_186, %exp3A_189 : vector<16xf32>
        %add3A_191 = arith.addf %mul3A_190, %add3A_168 : vector<16xf32>
        %exp3A_192 = math.exp %add3A_171 : vector<16xf32>
        %mul3A_193 = arith.mulf %add3A_188, %exp3A_192 : vector<16xf32>
        %add3A_194 = arith.addf %mul3A_193, %add3A_177 : vector<16xf32>
        %exp3A_195 = math.exp %add3A_174 : vector<16xf32>
        %mul3A_196 = arith.mulf %add3A_191, %exp3A_195 : vector<16xf32>
        %add3A_197 = arith.addf %mul3A_196, %add3A_180 : vector<16xf32>
        %broadcast_in_dim3A_198 = arith.constant 0 : i32
        %broadcast_in_dim3A_199 = vector.broadcast %broadcast_in_dim3A_198 : i32 to vector<16xi32>
        tpu.vector_store_idx %arg11[%add3A_63, %broadcast_in_dim3A_199], %add3A_188 : memref<3136x2xf32, #tpu.memory_space<vmem>>[vector<16xi32>, vector<16xi32>], vector<16xf32>,
        %broadcast_in_dim3A_200 = arith.constant 1 : i32
        %broadcast_in_dim3A_201 = vector.broadcast %broadcast_in_dim3A_200 : i32 to vector<16xi32>
        tpu.vector_store_idx %arg11[%add3A_63, %broadcast_in_dim3A_201], %add3A_191 : memref<3136x2xf32, #tpu.memory_space<vmem>>[vector<16xi32>, vector<16xi32>], vector<16xf32>,
        %broadcast_in_dim3A_202 = arith.constant 0 : i32
        %broadcast_in_dim3A_203 = vector.broadcast %broadcast_in_dim3A_202 : i32 to vector<16xi32>
        tpu.vector_store_idx %arg12[%add3A_63, %broadcast_in_dim3A_203], %add3A_194 : memref<3136x2xf32, #tpu.memory_space<vmem>>[vector<16xi32>, vector<16xi32>], vector<16xf32>,
        %broadcast_in_dim3A_204 = arith.constant 1 : i32
        %broadcast_in_dim3A_205 = vector.broadcast %broadcast_in_dim3A_204 : i32 to vector<16xi32>
        tpu.vector_store_idx %arg12[%add3A_63, %broadcast_in_dim3A_205], %add3A_197 : memref<3136x2xf32, #tpu.memory_space<vmem>>[vector<16xi32>, vector<16xi32>], vector<16xf32>,
        %add3A_206 = arith.addf %add3A_159, %add3A_162 : vector<16xf32>
        %add3A_207 = arith.addf %add3A_206, %add3A_171 : vector<16xf32>
        %add3A_208 = arith.addf %add3A_207, %add3A_174 : vector<16xf32>
        %mul3A_209 = arith.constant 784 : i32
        %mul3A_210 = arith.muli %scan3A_36, %mul3A_209 : i32
        %mul3A_211 = arith.constant 16 : i32
        %mul3A_212 = arith.muli %while3A_55, %mul3A_211 : i32
        %add3A_213 = arith.addi %mul3A_210, %mul3A_212 : i32
        %swap3A = arith.index_cast %add3A_213 : i32 to index
        %swap3A_214 = tpu.vector_load %arg13[%swap3A] {strides = array<i32>} : memref<3136xf32, #tpu.memory_space<vmem>>, vector<16xf32>,
        tpu.vector_store %arg13[%swap3A], %add3A_208 {strides = array<i32>} : memref<3136xf32, #tpu.memory_space<vmem>>, vector<16xf32>,
      }
      %while3A_54 = arith.constant 1 : i32
      scf.for %while3A_55 = %while3A_52 to %while3A_48 step %while3A_54  : i32 {
        %mul3A_56 = arith.constant 16 : i32
        %mul3A_57 = arith.muli %while3A_55, %mul3A_56 : i32
        %add3A_58 = vector.broadcast %mul3A_57 : i32 to vector<16xi32>
        %add3A_59 = arith.addi %iota3A, %add3A_58 : vector<16xi32>
        %mul3A_60 = arith.constant 784 : i32
        %mul3A_61 = arith.muli %scan3A_36, %mul3A_60 : i32
        %add3A_62 = vector.broadcast %mul3A_61 : i32 to vector<16xi32>
        %add3A_63 = arith.addi %add3A_59, %add3A_62 : vector<16xi32>
        %broadcast_in_dim3A = arith.constant 0 : i32
        %broadcast_in_dim3A_64 = vector.broadcast %broadcast_in_dim3A : i32 to vector<16xi32>
        %gather3A = tpu.vector_load_idx %arg8[%add3A_59, %broadcast_in_dim3A_64] : memref<784x16xf32, #tpu.memory_space<vmem>>[vector<16xi32>, vector<16xi32>], vector<16xf32>,
        %broadcast_in_dim3A_65 = arith.constant 0 : i32
        %broadcast_in_dim3A_66 = vector.broadcast %broadcast_in_dim3A_65 : i32 to vector<16xi32>
        %gather3A_67 = tpu.vector_load_idx %arg9[%add3A_59, %broadcast_in_dim3A_66] : memref<784x16xf32, #tpu.memory_space<vmem>>[vector<16xi32>, vector<16xi32>], vector<16xf32>,
        %add3A_68 = arith.addf %gather3A, %gather3A_67 : vector<16xf32>
        %broadcast_in_dim3A_69 = arith.constant 1 : i32
        %broadcast_in_dim3A_70 = vector.broadcast %broadcast_in_dim3A_69 : i32 to vector<16xi32>
        %gather3A_71 = tpu.vector_load_idx %arg8[%add3A_59, %broadcast_in_dim3A_70] : memref<784x16xf32, #tpu.memory_space<vmem>>[vector<16xi32>, vector<16xi32>], vector<16xf32>,
        %broadcast_in_dim3A_72 = arith.constant 1 : i32
        %broadcast_in_dim3A_73 = vector.broadcast %broadcast_in_dim3A_72 : i32 to vector<16xi32>
        %gather3A_74 = tpu.vector_load_idx %arg9[%add3A_59, %broadcast_in_dim3A_73] : memref<784x16xf32, #tpu.memory_space<vmem>>[vector<16xi32>, vector<16xi32>], vector<16xf32>,
        %add3A_75 = arith.addf %gather3A_71, %gather3A_74 : vector<16xf32>
        %broadcast_in_dim3A_76 = arith.constant 2 : i32
        %broadcast_in_dim3A_77 = vector.broadcast %broadcast_in_dim3A_76 : i32 to vector<16xi32>
        %gather3A_78 = tpu.vector_load_idx %arg8[%add3A_59, %broadcast_in_dim3A_77] : memref<784x16xf32, #tpu.memory_space<vmem>>[vector<16xi32>, vector<16xi32>], vector<16xf32>,
        %broadcast_in_dim3A_79 = arith.constant 2 : i32
        %broadcast_in_dim3A_80 = vector.broadcast %broadcast_in_dim3A_79 : i32 to vector<16xi32>
        %gather3A_81 = tpu.vector_load_idx %arg9[%add3A_59, %broadcast_in_dim3A_80] : memref<784x16xf32, #tpu.memory_space<vmem>>[vector<16xi32>, vector<16xi32>], vector<16xf32>,
        %add3A_82 = arith.addf %gather3A_78, %gather3A_81 : vector<16xf32>
        %broadcast_in_dim3A_83 = arith.constant 3 : i32
        %broadcast_in_dim3A_84 = vector.broadcast %broadcast_in_dim3A_83 : i32 to vector<16xi32>
        %gather3A_85 = tpu.vector_load_idx %arg8[%add3A_59, %broadcast_in_dim3A_84] : memref<784x16xf32, #tpu.memory_space<vmem>>[vector<16xi32>, vector<16xi32>], vector<16xf32>,
        %broadcast_in_dim3A_86 = arith.constant 3 : i32
        %broadcast_in_dim3A_87 = vector.broadcast %broadcast_in_dim3A_86 : i32 to vector<16xi32>
        %gather3A_88 = tpu.vector_load_idx %arg9[%add3A_59, %broadcast_in_dim3A_87] : memref<784x16xf32, #tpu.memory_space<vmem>>[vector<16xi32>, vector<16xi32>], vector<16xf32>,
        %add3A_89 = arith.addf %gather3A_85, %gather3A_88 : vector<16xf32>
        %broadcast_in_dim3A_90 = arith.constant 4 : i32
        %broadcast_in_dim3A_91 = vector.broadcast %broadcast_in_dim3A_90 : i32 to vector<16xi32>
        %gather3A_92 = tpu.vector_load_idx %arg8[%add3A_59, %broadcast_in_dim3A_91] : memref<784x16xf32, #tpu.memory_space<vmem>>[vector<16xi32>, vector<16xi32>], vector<16xf32>,
        %broadcast_in_dim3A_93 = arith.constant 4 : i32
        %broadcast_in_dim3A_94 = vector.broadcast %broadcast_in_dim3A_93 : i32 to vector<16xi32>
        %gather3A_95 = tpu.vector_load_idx %arg9[%add3A_59, %broadcast_in_dim3A_94] : memref<784x16xf32, #tpu.memory_space<vmem>>[vector<16xi32>, vector<16xi32>], vector<16xf32>,
        %add3A_96 = arith.addf %gather3A_92, %gather3A_95 : vector<16xf32>
        %broadcast_in_dim3A_97 = arith.constant 5 : i32
        %broadcast_in_dim3A_98 = vector.broadcast %broadcast_in_dim3A_97 : i32 to vector<16xi32>
        %gather3A_99 = tpu.vector_load_idx %arg8[%add3A_59, %broadcast_in_dim3A_98] : memref<784x16xf32, #tpu.memory_space<vmem>>[vector<16xi32>, vector<16xi32>], vector<16xf32>,
        %broadcast_in_dim3A_100 = arith.constant 5 : i32
        %broadcast_in_dim3A_101 = vector.broadcast %broadcast_in_dim3A_100 : i32 to vector<16xi32>
        %gather3A_102 = tpu.vector_load_idx %arg9[%add3A_59, %broadcast_in_dim3A_101] : memref<784x16xf32, #tpu.memory_space<vmem>>[vector<16xi32>, vector<16xi32>], vector<16xf32>,
        %add3A_103 = arith.addf %gather3A_99, %gather3A_102 : vector<16xf32>
        %broadcast_in_dim3A_104 = arith.constant 6 : i32
        %broadcast_in_dim3A_105 = vector.broadcast %broadcast_in_dim3A_104 : i32 to vector<16xi32>
        %gather3A_106 = tpu.vector_load_idx %arg8[%add3A_59, %broadcast_in_dim3A_105] : memref<784x16xf32, #tpu.memory_space<vmem>>[vector<16xi32>, vector<16xi32>], vector<16xf32>,
        %broadcast_in_dim3A_107 = arith.constant 6 : i32
        %broadcast_in_dim3A_108 = vector.broadcast %broadcast_in_dim3A_107 : i32 to vector<16xi32>
        %gather3A_109 = tpu.vector_load_idx %arg9[%add3A_59, %broadcast_in_dim3A_108] : memref<784x16xf32, #tpu.memory_space<vmem>>[vector<16xi32>, vector<16xi32>], vector<16xf32>,
        %add3A_110 = arith.addf %gather3A_106, %gather3A_109 : vector<16xf32>
        %broadcast_in_dim3A_111 = arith.constant 7 : i32
        %broadcast_in_dim3A_112 = vector.broadcast %broadcast_in_dim3A_111 : i32 to vector<16xi32>
        %gather3A_113 = tpu.vector_load_idx %arg8[%add3A_59, %broadcast_in_dim3A_112] : memref<784x16xf32, #tpu.memory_space<vmem>>[vector<16xi32>, vector<16xi32>], vector<16xf32>,
        %broadcast_in_dim3A_114 = arith.constant 7 : i32
        %broadcast_in_dim3A_115 = vector.broadcast %broadcast_in_dim3A_114 : i32 to vector<16xi32>
        %gather3A_116 = tpu.vector_load_idx %arg9[%add3A_59, %broadcast_in_dim3A_115] : memref<784x16xf32, #tpu.memory_space<vmem>>[vector<16xi32>, vector<16xi32>], vector<16xf32>,
        %add3A_117 = arith.addf %gather3A_113, %gather3A_116 : vector<16xf32>
        %broadcast_in_dim3A_118 = arith.constant 8 : i32
        %broadcast_in_dim3A_119 = vector.broadcast %broadcast_in_dim3A_118 : i32 to vector<16xi32>
        %gather3A_120 = tpu.vector_load_idx %arg8[%add3A_59, %broadcast_in_dim3A_119] : memref<784x16xf32, #tpu.memory_space<vmem>>[vector<16xi32>, vector<16xi32>], vector<16xf32>,
        %broadcast_in_dim3A_121 = arith.constant 8 : i32
        %broadcast_in_dim3A_122 = vector.broadcast %broadcast_in_dim3A_121 : i32 to vector<16xi32>
        %gather3A_123 = tpu.vector_load_idx %arg9[%add3A_59, %broadcast_in_dim3A_122] : memref<784x16xf32, #tpu.memory_space<vmem>>[vector<16xi32>, vector<16xi32>], vector<16xf32>,
        %add3A_124 = arith.addf %gather3A_120, %gather3A_123 : vector<16xf32>
        %broadcast_in_dim3A_125 = arith.constant 9 : i32
        %broadcast_in_dim3A_126 = vector.broadcast %broadcast_in_dim3A_125 : i32 to vector<16xi32>
        %gather3A_127 = tpu.vector_load_idx %arg8[%add3A_59, %broadcast_in_dim3A_126] : memref<784x16xf32, #tpu.memory_space<vmem>>[vector<16xi32>, vector<16xi32>], vector<16xf32>,
        %broadcast_in_dim3A_128 = arith.constant 9 : i32
        %broadcast_in_dim3A_129 = vector.broadcast %broadcast_in_dim3A_128 : i32 to vector<16xi32>
        %gather3A_130 = tpu.vector_load_idx %arg9[%add3A_59, %broadcast_in_dim3A_129] : memref<784x16xf32, #tpu.memory_space<vmem>>[vector<16xi32>, vector<16xi32>], vector<16xf32>,
        %add3A_131 = arith.addf %gather3A_127, %gather3A_130 : vector<16xf32>
        %broadcast_in_dim3A_132 = arith.constant 10 : i32
        %broadcast_in_dim3A_133 = vector.broadcast %broadcast_in_dim3A_132 : i32 to vector<16xi32>
        %gather3A_134 = tpu.vector_load_idx %arg8[%add3A_59, %broadcast_in_dim3A_133] : memref<784x16xf32, #tpu.memory_space<vmem>>[vector<16xi32>, vector<16xi32>], vector<16xf32>,
        %broadcast_in_dim3A_135 = arith.constant 10 : i32
        %broadcast_in_dim3A_136 = vector.broadcast %broadcast_in_dim3A_135 : i32 to vector<16xi32>
        %gather3A_137 = tpu.vector_load_idx %arg9[%add3A_59, %broadcast_in_dim3A_136] : memref<784x16xf32, #tpu.memory_space<vmem>>[vector<16xi32>, vector<16xi32>], vector<16xf32>,
        %add3A_138 = arith.addf %gather3A_134, %gather3A_137 : vector<16xf32>
        %broadcast_in_dim3A_139 = arith.constant 11 : i32
        %broadcast_in_dim3A_140 = vector.broadcast %broadcast_in_dim3A_139 : i32 to vector<16xi32>
        %gather3A_141 = tpu.vector_load_idx %arg8[%add3A_59, %broadcast_in_dim3A_140] : memref<784x16xf32, #tpu.memory_space<vmem>>[vector<16xi32>, vector<16xi32>], vector<16xf32>,
        %broadcast_in_dim3A_142 = arith.constant 11 : i32
        %broadcast_in_dim3A_143 = vector.broadcast %broadcast_in_dim3A_142 : i32 to vector<16xi32>
        %gather3A_144 = tpu.vector_load_idx %arg9[%add3A_59, %broadcast_in_dim3A_143] : memref<784x16xf32, #tpu.memory_space<vmem>>[vector<16xi32>, vector<16xi32>], vector<16xf32>,
        %add3A_145 = arith.addf %gather3A_141, %gather3A_144 : vector<16xf32>
        %add3A_146 = arith.constant 1.000000e-16 : f32
        %add3A_147 = vector.broadcast %add3A_146 : f32 to vector<16xf32>
        %add3A_148 = arith.addf %add3A_68, %add3A_147 : vector<16xf32>
        %add3A_149 = arith.constant 1.000000e-16 : f32
        %add3A_150 = vector.broadcast %add3A_149 : f32 to vector<16xf32>
        %add3A_151 = arith.addf %add3A_75, %add3A_150 : vector<16xf32>
        %add3A_152 = arith.constant 1.000000e-16 : f32
        %add3A_153 = vector.broadcast %add3A_152 : f32 to vector<16xf32>
        %add3A_154 = arith.addf %add3A_82, %add3A_153 : vector<16xf32>
        %add3A_155 = arith.constant 1.000000e-16 : f32
        %add3A_156 = vector.broadcast %add3A_155 : f32 to vector<16xf32>
        %add3A_157 = arith.addf %add3A_89, %add3A_156 : vector<16xf32>
        %div3A = arith.divf %add3A_96, %add3A_148 : vector<16xf32>
        %add3A_158 = vector.broadcast %squeeze3A : f32 to vector<16xf32>
        %add3A_159 = arith.addf %div3A, %add3A_158 : vector<16xf32>
        %div3A_160 = arith.divf %add3A_103, %add3A_148 : vector<16xf32>
        %add3A_161 = vector.broadcast %squeeze3A_11 : f32 to vector<16xf32>
        %add3A_162 = arith.addf %div3A_160, %add3A_161 : vector<16xf32>
        %div3A_163 = arith.divf %add3A_110, %add3A_151 : vector<16xf32>
        %add3A_164 = vector.broadcast %squeeze3A_13 : f32 to vector<16xf32>
        %add3A_165 = arith.addf %div3A_163, %add3A_164 : vector<16xf32>
        %div3A_166 = arith.divf %add3A_117, %add3A_151 : vector<16xf32>
        %add3A_167 = vector.broadcast %squeeze3A_15 : f32 to vector<16xf32>
        %add3A_168 = arith.addf %div3A_166, %add3A_167 : vector<16xf32>
        %div3A_169 = arith.divf %add3A_124, %add3A_154 : vector<16xf32>
        %add3A_170 = vector.broadcast %squeeze3A_17 : f32 to vector<16xf32>
        %add3A_171 = arith.addf %div3A_169, %add3A_170 : vector<16xf32>
        %div3A_172 = arith.divf %add3A_131, %add3A_154 : vector<16xf32>
        %add3A_173 = vector.broadcast %squeeze3A_19 : f32 to vector<16xf32>
        %add3A_174 = arith.addf %div3A_172, %add3A_173 : vector<16xf32>
        %div3A_175 = arith.divf %add3A_138, %add3A_157 : vector<16xf32>
        %add3A_176 = vector.broadcast %squeeze3A_21 : f32 to vector<16xf32>
        %add3A_177 = arith.addf %div3A_175, %add3A_176 : vector<16xf32>
        %div3A_178 = arith.divf %add3A_145, %add3A_157 : vector<16xf32>
        %add3A_179 = vector.broadcast %squeeze3A_23 : f32 to vector<16xf32>
        %add3A_180 = arith.addf %div3A_178, %add3A_179 : vector<16xf32>
        %broadcast_in_dim3A_181 = arith.constant 2 : i32
        %broadcast_in_dim3A_182 = vector.broadcast %broadcast_in_dim3A_181 : i32 to vector<16xi32>
        %gather3A_183 = tpu.vector_load_idx %arg10[%add3A_59, %broadcast_in_dim3A_182] : memref<784x4xf32, #tpu.memory_space<vmem>>[vector<16xi32>, vector<16xi32>], vector<16xf32>,
        %broadcast_in_dim3A_184 = arith.constant 3 : i32
        %broadcast_in_dim3A_185 = vector.broadcast %broadcast_in_dim3A_184 : i32 to vector<16xi32>
        %gather3A_186 = tpu.vector_load_idx %arg10[%add3A_59, %broadcast_in_dim3A_185] : memref<784x4xf32, #tpu.memory_space<vmem>>[vector<16xi32>, vector<16xi32>], vector<16xf32>,
        %exp3A = math.exp %add3A_159 : vector<16xf32>
        %mul3A_187 = arith.mulf %gather3A_183, %exp3A : vector<16xf32>
        %add3A_188 = arith.addf %mul3A_187, %add3A_165 : vector<16xf32>
        %exp3A_189 = math.exp %add3A_162 : vector<16xf32>
        %mul3A_190 = arith.mulf %gather3A_186, %exp3A_189 : vector<16xf32>
        %add3A_191 = arith.addf %mul3A_190, %add3A_168 : vector<16xf32>
        %exp3A_192 = math.exp %add3A_171 : vector<16xf32>
        %mul3A_193 = arith.mulf %add3A_188, %exp3A_192 : vector<16xf32>
        %add3A_194 = arith.addf %mul3A_193, %add3A_177 : vector<16xf32>
        %exp3A_195 = math.exp %add3A_174 : vector<16xf32>
        %mul3A_196 = arith.mulf %add3A_191, %exp3A_195 : vector<16xf32>
        %add3A_197 = arith.addf %mul3A_196, %add3A_180 : vector<16xf32>
        %broadcast_in_dim3A_198 = arith.constant 0 : i32
        %broadcast_in_dim3A_199 = vector.broadcast %broadcast_in_dim3A_198 : i32 to vector<16xi32>
        tpu.vector_store_idx %arg11[%add3A_63, %broadcast_in_dim3A_199], %add3A_188 : memref<3136x2xf32, #tpu.memory_space<vmem>>[vector<16xi32>, vector<16xi32>], vector<16xf32>,
        %broadcast_in_dim3A_200 = arith.constant 1 : i32
        %broadcast_in_dim3A_201 = vector.broadcast %broadcast_in_dim3A_200 : i32 to vector<16xi32>
        tpu.vector_store_idx %arg11[%add3A_63, %broadcast_in_dim3A_201], %add3A_191 : memref<3136x2xf32, #tpu.memory_space<vmem>>[vector<16xi32>, vector<16xi32>], vector<16xf32>,
        %broadcast_in_dim3A_202 = arith.constant 0 : i32
        %broadcast_in_dim3A_203 = vector.broadcast %broadcast_in_dim3A_202 : i32 to vector<16xi32>
        tpu.vector_store_idx %arg12[%add3A_63, %broadcast_in_dim3A_203], %add3A_194 : memref<3136x2xf32, #tpu.memory_space<vmem>>[vector<16xi32>, vector<16xi32>], vector<16xf32>,
        %broadcast_in_dim3A_204 = arith.constant 1 : i32
        %broadcast_in_dim3A_205 = vector.broadcast %broadcast_in_dim3A_204 : i32 to vector<16xi32>
        tpu.vector_store_idx %arg12[%add3A_63, %broadcast_in_dim3A_205], %add3A_197 : memref<3136x2xf32, #tpu.memory_space<vmem>>[vector<16xi32>, vector<16xi32>], vector<16xf32>,
        %add3A_206 = arith.addf %add3A_159, %add3A_162 : vector<16xf32>
        %add3A_207 = arith.addf %add3A_206, %add3A_171 : vector<16xf32>
        %add3A_208 = arith.addf %add3A_207, %add3A_174 : vector<16xf32>
        %mul3A_209 = arith.constant 784 : i32
        %mul3A_210 = arith.muli %scan3A_36, %mul3A_209 : i32
        %mul3A_211 = arith.constant 16 : i32
        %mul3A_212 = arith.muli %while3A_55, %mul3A_211 : i32
        %add3A_213 = arith.addi %mul3A_210, %mul3A_212 : i32
        %swap3A = arith.index_cast %add3A_213 : i32 to index
        %swap3A_214 = tpu.vector_load %arg13[%swap3A] {strides = array<i32>} : memref<3136xf32, #tpu.memory_space<vmem>>, vector<16xf32>,
        tpu.vector_store %arg13[%swap3A], %add3A_208 {strides = array<i32>} : memref<3136xf32, #tpu.memory_space<vmem>>, vector<16xf32>,
      }
    }
    %scan3A_28 = arith.constant 4 : i32
    %lt3A_29 = arith.constant 10 : i32
    %lt3A_30 = arith.cmpi slt, %add3A, %lt3A_29 : i32
    %convert_element_type3A = arith.extui %lt3A_30 : i1 to i32
    %cond3A = arith.constant 0 : i32
    %cond3A_31 = arith.cmpi ne, %convert_element_type3A, %cond3A : i32
    scf.if %cond3A_31 {
      "tpu.region"() ({
        %run_scoped3A = tpu.sem_alloc : memref<!tpu.dma_semaphore, #tpu.memory_space<semaphore_mem>>
        %dma_start3A = arith.constant 0 : i32
        %dma_start3A_36 = arith.constant 0 : i32
        %dma_start3A_37 = tpu.memref_slice %arg11[%dma_start3A, %dma_start3A_36] : memref<3136x2xf32, #tpu.memory_space<vmem>> -> memref<3136x2xf32, #tpu.memory_space<vmem>>
        %dma_start3A_38 = arith.constant 0 : i32
        %dma_start3A_39 = tpu.memref_slice %arg5[%add3A_6, %dma_start3A_38] : memref<100000x2xf32, #tpu.memory_space<hbm>> -> memref<3136x2xf32, #tpu.memory_space<hbm>>
        %dma_start3A_40 = arith.constant 0 : i32
        %dma_start3A_41 = tpu.memref_slice %arg5[%add3A_6, %dma_start3A_40] : memref<100000x2xf32, #tpu.memory_space<hbm>> -> memref<3136x2xf32, #tpu.memory_space<hbm>>
        %dma_start3A_42 = arith.constant 0 : i32
        %dma_start3A_43 = arith.constant 0 : i32
        %dma_start3A_44 = tpu.memref_slice %arg11[%dma_start3A_42, %dma_start3A_43] : memref<3136x2xf32, #tpu.memory_space<vmem>> -> memref<3136x2xf32, #tpu.memory_space<vmem>>
        tpu.enqueue_dma source(%dma_start3A_44 : memref<3136x2xf32, #tpu.memory_space<vmem>>) target(%dma_start3A_41 : memref<3136x2xf32, #tpu.memory_space<hbm>>) target_semaphore(%run_scoped3A : memref<!tpu.dma_semaphore, #tpu.memory_space<semaphore_mem>>)
        %dma_wait3A = arith.constant 0 : i32
        %dma_wait3A_45 = arith.constant 0 : i32
        %dma_wait3A_46 = tpu.memref_slice %arg11[%dma_wait3A, %dma_wait3A_45] : memref<3136x2xf32, #tpu.memory_space<vmem>> -> memref<3136x2xf32, #tpu.memory_space<vmem>>
        %dma_wait3A_47 = arith.constant 0 : i32
        %dma_wait3A_48 = tpu.memref_slice %arg5[%add3A_6, %dma_wait3A_47] : memref<100000x2xf32, #tpu.memory_space<hbm>> -> memref<3136x2xf32, #tpu.memory_space<hbm>>
        %dma_wait3A_49 = arith.constant 0 : i32
        %dma_wait3A_50 = tpu.memref_slice %arg5[%add3A_6, %dma_wait3A_49] : memref<100000x2xf32, #tpu.memory_space<hbm>> -> memref<3136x2xf32, #tpu.memory_space<hbm>>
        %dma_wait3A_51 = arith.constant 0 : i32
        %dma_wait3A_52 = arith.constant 0 : i32
        %dma_wait3A_53 = tpu.memref_slice %arg11[%dma_wait3A_51, %dma_wait3A_52] : memref<3136x2xf32, #tpu.memory_space<vmem>> -> memref<3136x2xf32, #tpu.memory_space<vmem>>
        tpu.wait_dma2 semaphore(%run_scoped3A : memref<!tpu.dma_semaphore, #tpu.memory_space<semaphore_mem>>) src(%dma_wait3A_53 : memref<3136x2xf32, #tpu.memory_space<vmem>>) dst(%dma_wait3A_50 : memref<3136x2xf32, #tpu.memory_space<hbm>>)
        tpu.yield
      }) : () -> ()
      "tpu.region"() ({
        %run_scoped3A = tpu.sem_alloc : memref<!tpu.dma_semaphore, #tpu.memory_space<semaphore_mem>>
        %dma_start3A = arith.constant 0 : i32
        %dma_start3A_36 = arith.constant 0 : i32
        %dma_start3A_37 = tpu.memref_slice %arg12[%dma_start3A, %dma_start3A_36] : memref<3136x2xf32, #tpu.memory_space<vmem>> -> memref<3136x2xf32, #tpu.memory_space<vmem>>
        %dma_start3A_38 = arith.constant 0 : i32
        %dma_start3A_39 = tpu.memref_slice %arg6[%add3A_6, %dma_start3A_38] : memref<100000x2xf32, #tpu.memory_space<hbm>> -> memref<3136x2xf32, #tpu.memory_space<hbm>>
        %dma_start3A_40 = arith.constant 0 : i32
        %dma_start3A_41 = tpu.memref_slice %arg6[%add3A_6, %dma_start3A_40] : memref<100000x2xf32, #tpu.memory_space<hbm>> -> memref<3136x2xf32, #tpu.memory_space<hbm>>
        %dma_start3A_42 = arith.constant 0 : i32
        %dma_start3A_43 = arith.constant 0 : i32
        %dma_start3A_44 = tpu.memref_slice %arg12[%dma_start3A_42, %dma_start3A_43] : memref<3136x2xf32, #tpu.memory_space<vmem>> -> memref<3136x2xf32, #tpu.memory_space<vmem>>
        tpu.enqueue_dma source(%dma_start3A_44 : memref<3136x2xf32, #tpu.memory_space<vmem>>) target(%dma_start3A_41 : memref<3136x2xf32, #tpu.memory_space<hbm>>) target_semaphore(%run_scoped3A : memref<!tpu.dma_semaphore, #tpu.memory_space<semaphore_mem>>)
        %dma_wait3A = arith.constant 0 : i32
        %dma_wait3A_45 = arith.constant 0 : i32
        %dma_wait3A_46 = tpu.memref_slice %arg12[%dma_wait3A, %dma_wait3A_45] : memref<3136x2xf32, #tpu.memory_space<vmem>> -> memref<3136x2xf32, #tpu.memory_space<vmem>>
        %dma_wait3A_47 = arith.constant 0 : i32
        %dma_wait3A_48 = tpu.memref_slice %arg6[%add3A_6, %dma_wait3A_47] : memref<100000x2xf32, #tpu.memory_space<hbm>> -> memref<3136x2xf32, #tpu.memory_space<hbm>>
        %dma_wait3A_49 = arith.constant 0 : i32
        %dma_wait3A_50 = tpu.memref_slice %arg6[%add3A_6, %dma_wait3A_49] : memref<100000x2xf32, #tpu.memory_space<hbm>> -> memref<3136x2xf32, #tpu.memory_space<hbm>>
        %dma_wait3A_51 = arith.constant 0 : i32
        %dma_wait3A_52 = arith.constant 0 : i32
        %dma_wait3A_53 = tpu.memref_slice %arg12[%dma_wait3A_51, %dma_wait3A_52] : memref<3136x2xf32, #tpu.memory_space<vmem>> -> memref<3136x2xf32, #tpu.memory_space<vmem>>
        tpu.wait_dma2 semaphore(%run_scoped3A : memref<!tpu.dma_semaphore, #tpu.memory_space<semaphore_mem>>) src(%dma_wait3A_53 : memref<3136x2xf32, #tpu.memory_space<vmem>>) dst(%dma_wait3A_50 : memref<3136x2xf32, #tpu.memory_space<hbm>>)
        tpu.yield
      }) : () -> ()
      "tpu.region"() ({
        %run_scoped3A = tpu.sem_alloc : memref<!tpu.dma_semaphore, #tpu.memory_space<semaphore_mem>>
        %dma_start3A = arith.constant 0 : i32
        %dma_start3A_36 = tpu.memref_slice %arg13[%dma_start3A] : memref<3136xf32, #tpu.memory_space<vmem>> -> memref<3136xf32, #tpu.memory_space<vmem>>
        %dma_start3A_37 = tpu.memref_slice %arg7[%add3A_6] : memref<100000xf32, #tpu.memory_space<hbm>> -> memref<3136xf32, #tpu.memory_space<hbm>>
        %dma_start3A_38 = tpu.memref_slice %arg7[%add3A_6] : memref<100000xf32, #tpu.memory_space<hbm>> -> memref<3136xf32, #tpu.memory_space<hbm>>
        %dma_start3A_39 = arith.constant 0 : i32
        %dma_start3A_40 = tpu.memref_slice %arg13[%dma_start3A_39] : memref<3136xf32, #tpu.memory_space<vmem>> -> memref<3136xf32, #tpu.memory_space<vmem>>
        tpu.enqueue_dma source(%dma_start3A_40 : memref<3136xf32, #tpu.memory_space<vmem>>) target(%dma_start3A_38 : memref<3136xf32, #tpu.memory_space<hbm>>) target_semaphore(%run_scoped3A : memref<!tpu.dma_semaphore, #tpu.memory_space<semaphore_mem>>)
        %dma_wait3A = arith.constant 0 : i32
        %dma_wait3A_41 = tpu.memref_slice %arg13[%dma_wait3A] : memref<3136xf32, #tpu.memory_space<vmem>> -> memref<3136xf32, #tpu.memory_space<vmem>>
        %dma_wait3A_42 = tpu.memref_slice %arg7[%add3A_6] : memref<100000xf32, #tpu.memory_space<hbm>> -> memref<3136xf32, #tpu.memory_space<hbm>>
        %dma_wait3A_43 = tpu.memref_slice %arg7[%add3A_6] : memref<100000xf32, #tpu.memory_space<hbm>> -> memref<3136xf32, #tpu.memory_space<hbm>>
        %dma_wait3A_44 = arith.constant 0 : i32
        %dma_wait3A_45 = tpu.memref_slice %arg13[%dma_wait3A_44] : memref<3136xf32, #tpu.memory_space<vmem>> -> memref<3136xf32, #tpu.memory_space<vmem>>
        tpu.wait_dma2 semaphore(%run_scoped3A : memref<!tpu.dma_semaphore, #tpu.memory_space<semaphore_mem>>) src(%dma_wait3A_45 : memref<3136xf32, #tpu.memory_space<vmem>>) dst(%dma_wait3A_43 : memref<3136xf32, #tpu.memory_space<hbm>>)
        tpu.yield
      }) : () -> ()
    } else {
    }
    %ge3A = arith.constant 10 : i32
    %ge3A_32 = arith.cmpi sge, %add3A, %ge3A : i32
    %convert_element_type3A_33 = arith.extui %ge3A_32 : i1 to i32
    %cond3A_34 = arith.constant 0 : i32
    %cond3A_35 = arith.cmpi ne, %convert_element_type3A_33, %cond3A_34 : i32
    scf.if %cond3A_35 {
      "tpu.region"() ({
        %run_scoped3A = tpu.sem_alloc : memref<!tpu.dma_semaphore, #tpu.memory_space<semaphore_mem>>
        %dma_start3A = arith.constant 0 : i32
        %dma_start3A_36 = arith.constant 0 : i32
        %dma_start3A_37 = tpu.memref_slice %arg11[%dma_start3A, %dma_start3A_36] : memref<3136x2xf32, #tpu.memory_space<vmem>> -> memref<3120x2xf32, #tpu.memory_space<vmem>>
        %dma_start3A_38 = arith.constant 0 : i32
        %dma_start3A_39 = tpu.memref_slice %arg5[%add3A_6, %dma_start3A_38] : memref<100000x2xf32, #tpu.memory_space<hbm>> -> memref<3120x2xf32, #tpu.memory_space<hbm>>
        %dma_start3A_40 = arith.constant 0 : i32
        %dma_start3A_41 = tpu.memref_slice %arg5[%add3A_6, %dma_start3A_40] : memref<100000x2xf32, #tpu.memory_space<hbm>> -> memref<3120x2xf32, #tpu.memory_space<hbm>>
        %dma_start3A_42 = arith.constant 0 : i32
        %dma_start3A_43 = arith.constant 0 : i32
        %dma_start3A_44 = tpu.memref_slice %arg11[%dma_start3A_42, %dma_start3A_43] : memref<3136x2xf32, #tpu.memory_space<vmem>> -> memref<3120x2xf32, #tpu.memory_space<vmem>>
        tpu.enqueue_dma source(%dma_start3A_44 : memref<3120x2xf32, #tpu.memory_space<vmem>>) target(%dma_start3A_41 : memref<3120x2xf32, #tpu.memory_space<hbm>>) target_semaphore(%run_scoped3A : memref<!tpu.dma_semaphore, #tpu.memory_space<semaphore_mem>>)
        %dma_wait3A = arith.constant 0 : i32
        %dma_wait3A_45 = arith.constant 0 : i32
        %dma_wait3A_46 = tpu.memref_slice %arg11[%dma_wait3A, %dma_wait3A_45] : memref<3136x2xf32, #tpu.memory_space<vmem>> -> memref<3120x2xf32, #tpu.memory_space<vmem>>
        %dma_wait3A_47 = arith.constant 0 : i32
        %dma_wait3A_48 = tpu.memref_slice %arg5[%add3A_6, %dma_wait3A_47] : memref<100000x2xf32, #tpu.memory_space<hbm>> -> memref<3120x2xf32, #tpu.memory_space<hbm>>
        %dma_wait3A_49 = arith.constant 0 : i32
        %dma_wait3A_50 = tpu.memref_slice %arg5[%add3A_6, %dma_wait3A_49] : memref<100000x2xf32, #tpu.memory_space<hbm>> -> memref<3120x2xf32, #tpu.memory_space<hbm>>
        %dma_wait3A_51 = arith.constant 0 : i32
        %dma_wait3A_52 = arith.constant 0 : i32
        %dma_wait3A_53 = tpu.memref_slice %arg11[%dma_wait3A_51, %dma_wait3A_52] : memref<3136x2xf32, #tpu.memory_space<vmem>> -> memref<3120x2xf32, #tpu.memory_space<vmem>>
        tpu.wait_dma2 semaphore(%run_scoped3A : memref<!tpu.dma_semaphore, #tpu.memory_space<semaphore_mem>>) src(%dma_wait3A_53 : memref<3120x2xf32, #tpu.memory_space<vmem>>) dst(%dma_wait3A_50 : memref<3120x2xf32, #tpu.memory_space<hbm>>)
        tpu.yield
      }) : () -> ()
      "tpu.region"() ({
        %run_scoped3A = tpu.sem_alloc : memref<!tpu.dma_semaphore, #tpu.memory_space<semaphore_mem>>
        %dma_start3A = arith.constant 0 : i32
        %dma_start3A_36 = arith.constant 0 : i32
        %dma_start3A_37 = tpu.memref_slice %arg12[%dma_start3A, %dma_start3A_36] : memref<3136x2xf32, #tpu.memory_space<vmem>> -> memref<3120x2xf32, #tpu.memory_space<vmem>>
        %dma_start3A_38 = arith.constant 0 : i32
        %dma_start3A_39 = tpu.memref_slice %arg6[%add3A_6, %dma_start3A_38] : memref<100000x2xf32, #tpu.memory_space<hbm>> -> memref<3120x2xf32, #tpu.memory_space<hbm>>
        %dma_start3A_40 = arith.constant 0 : i32
        %dma_start3A_41 = tpu.memref_slice %arg6[%add3A_6, %dma_start3A_40] : memref<100000x2xf32, #tpu.memory_space<hbm>> -> memref<3120x2xf32, #tpu.memory_space<hbm>>
        %dma_start3A_42 = arith.constant 0 : i32
        %dma_start3A_43 = arith.constant 0 : i32
        %dma_start3A_44 = tpu.memref_slice %arg12[%dma_start3A_42, %dma_start3A_43] : memref<3136x2xf32, #tpu.memory_space<vmem>> -> memref<3120x2xf32, #tpu.memory_space<vmem>>
        tpu.enqueue_dma source(%dma_start3A_44 : memref<3120x2xf32, #tpu.memory_space<vmem>>) target(%dma_start3A_41 : memref<3120x2xf32, #tpu.memory_space<hbm>>) target_semaphore(%run_scoped3A : memref<!tpu.dma_semaphore, #tpu.memory_space<semaphore_mem>>)
        %dma_wait3A = arith.constant 0 : i32
        %dma_wait3A_45 = arith.constant 0 : i32
        %dma_wait3A_46 = tpu.memref_slice %arg12[%dma_wait3A, %dma_wait3A_45] : memref<3136x2xf32, #tpu.memory_space<vmem>> -> memref<3120x2xf32, #tpu.memory_space<vmem>>
        %dma_wait3A_47 = arith.constant 0 : i32
        %dma_wait3A_48 = tpu.memref_slice %arg6[%add3A_6, %dma_wait3A_47] : memref<100000x2xf32, #tpu.memory_space<hbm>> -> memref<3120x2xf32, #tpu.memory_space<hbm>>
        %dma_wait3A_49 = arith.constant 0 : i32
        %dma_wait3A_50 = tpu.memref_slice %arg6[%add3A_6, %dma_wait3A_49] : memref<100000x2xf32, #tpu.memory_space<hbm>> -> memref<3120x2xf32, #tpu.memory_space<hbm>>
        %dma_wait3A_51 = arith.constant 0 : i32
        %dma_wait3A_52 = arith.constant 0 : i32
        %dma_wait3A_53 = tpu.memref_slice %arg12[%dma_wait3A_51, %dma_wait3A_52] : memref<3136x2xf32, #tpu.memory_space<vmem>> -> memref<3120x2xf32, #tpu.memory_space<vmem>>
        tpu.wait_dma2 semaphore(%run_scoped3A : memref<!tpu.dma_semaphore, #tpu.memory_space<semaphore_mem>>) src(%dma_wait3A_53 : memref<3120x2xf32, #tpu.memory_space<vmem>>) dst(%dma_wait3A_50 : memref<3120x2xf32, #tpu.memory_space<hbm>>)
        tpu.yield
      }) : () -> ()
      "tpu.region"() ({
        %run_scoped3A = tpu.sem_alloc : memref<!tpu.dma_semaphore, #tpu.memory_space<semaphore_mem>>
        %dma_start3A = arith.constant 0 : i32
        %dma_start3A_36 = tpu.memref_slice %arg13[%dma_start3A] : memref<3136xf32, #tpu.memory_space<vmem>> -> memref<3120xf32, #tpu.memory_space<vmem>>
        %dma_start3A_37 = tpu.memref_slice %arg7[%add3A_6] : memref<100000xf32, #tpu.memory_space<hbm>> -> memref<3120xf32, #tpu.memory_space<hbm>>
        %dma_start3A_38 = tpu.memref_slice %arg7[%add3A_6] : memref<100000xf32, #tpu.memory_space<hbm>> -> memref<3120xf32, #tpu.memory_space<hbm>>
        %dma_start3A_39 = arith.constant 0 : i32
        %dma_start3A_40 = tpu.memref_slice %arg13[%dma_start3A_39] : memref<3136xf32, #tpu.memory_space<vmem>> -> memref<3120xf32, #tpu.memory_space<vmem>>
        tpu.enqueue_dma source(%dma_start3A_40 : memref<3120xf32, #tpu.memory_space<vmem>>) target(%dma_start3A_38 : memref<3120xf32, #tpu.memory_space<hbm>>) target_semaphore(%run_scoped3A : memref<!tpu.dma_semaphore, #tpu.memory_space<semaphore_mem>>)
        %dma_wait3A = arith.constant 0 : i32
        %dma_wait3A_41 = tpu.memref_slice %arg13[%dma_wait3A] : memref<3136xf32, #tpu.memory_space<vmem>> -> memref<3120xf32, #tpu.memory_space<vmem>>
        %dma_wait3A_42 = tpu.memref_slice %arg7[%add3A_6] : memref<100000xf32, #tpu.memory_space<hbm>> -> memref<3120xf32, #tpu.memory_space<hbm>>
        %dma_wait3A_43 = tpu.memref_slice %arg7[%add3A_6] : memref<100000xf32, #tpu.memory_space<hbm>> -> memref<3120xf32, #tpu.memory_space<hbm>>
        %dma_wait3A_44 = arith.constant 0 : i32
        %dma_wait3A_45 = tpu.memref_slice %arg13[%dma_wait3A_44] : memref<3136xf32, #tpu.memory_space<vmem>> -> memref<3120xf32, #tpu.memory_space<vmem>>
        tpu.wait_dma2 semaphore(%run_scoped3A : memref<!tpu.dma_semaphore, #tpu.memory_space<semaphore_mem>>) src(%dma_wait3A_45 : memref<3120xf32, #tpu.memory_space<vmem>>) dst(%dma_wait3A_43 : memref<3120xf32, #tpu.memory_space<hbm>>)
        tpu.yield
      }) : () -> ()
    } else {
    }
    return
  }
}

</mosaic_0001>

<sc_bundles>
// kernel: kernel.4.cloned.1.call-start
scs
__scs_entry_jumppad:
0x0: {  	(pc) =	sbr.rel $0x88, $3  }
0x1: {  	(tag) =	ssettag $0x0;
	lr =	simm.s32 $0x1  }
0x2: {  	[smem:$0x3F8F] =	sst lr;
	_ =	strace $0xD0000000  }
0x3: {  	_ = 	snop  }
0x4: {  	_ = 	snop  }
0x5: {  	_ = 	snop  }
0x6: {  	_ = 	snop  }
0x7: {  	_ = 	snop  }
__scs_overlays_trampoline_lowered:
0x8: {  	[smem:$0x3F9E] =	sst s0  }
0x9: {  	[smem:$0x3F9F] =	sst s1  }
0xa: {  	[smem:$0x3FA0] =	sst s2  }
0xb: {  	[smem:$0x3FA1] =	sst s3  }
0xc: {  	[smem:$0x3FA2] =	sst s4  }
0xd: {  	[smem:$0x3FA3] =	sst s5  }
0xe: {  	[smem:$0x3FA4] =	sst s6  }
0xf: {  	[smem:$0x3FA5] =	sst s7  }
0x10: {  	[smem:$0x3FA6] =	sst s8  }
0x11: {  	[smem:$0x3FA7] =	sst s9;
	s0 =	simm.s32 @!p0 $0x0  }
0x12: {  	s1 =	sld [smem:$0x3F8D];
	s0 =	simm.s32 @p0 $0x1  }
0x13: {  	[smem:$0x3FA8] =	sst s0;
	s0 =	simm.s32 @!p1 $0x0  }
0x14: {  	s2 =	sld [smem:$0x3F8C];
	s0 =	simm.s32 @p1 $0x1  }
0x15: {  	[smem:$0x3FA9] =	sst s0;
	s0 =	simm.s32 @!p2 $0x0  }
0x16: {  	s3 =	sld [smem:$0x3FDB];
	s0 =	simm.s32 @p2 $0x1  }
0x17: {  	s4 =	simm.s32 $0x1BF5;
	[smem:$0x3FAB] =	sst s0  }
0x18: {  	s0 =	sld [smem:$0x3F8E];
	_ =	swait.ge [sflag:s4], $0x0  }
0x19: {  	s7 =	sld [smem:$0x3F8F]  }
0x1a: {  	s8 =	sadd.s32 $0xFFFFE003, lr  }
0x1b: {  	s9 =	sadd.s32 $0xFFFFFEF7, lr;
	s5 =	simm.s32 $0xFFFFFFFF;
	p2 =	slt.u32 s8, $0xFFFFF086  }
0x1c: {  	p1 =	slt.u32 s9, $0xF7A;
	s5 =	simm.s32 @!p2 $0x0  }
0x1d: {  	s5 =	simm.s32 @p1 $0x1;
	p0 =	seq.s32 s7, s2  }
0x1e: {  	s7 =	smul.u32 @!p0 $0xF7A, s2;
	p2 =	seq.s32 @!p0 s5, $0x0  }
0x1f: {  	s9 =	smul.u32 $0xF7A, s1;
	s8 =	simm.s32 @!p0 $0x1BF5;
	p2 =	por !p2, p0  }
0x20: {  	[sflag:s8] =	ssyncset.s32 @!p0 $0xFFFFF086;
	s6 =	sadd.s32 @!p0 s3, s7;
	s7 =	simm.s32 @!p0 $0x108  }
0x21: {  	s3 =	sadd.s32 s3, s9;
	s6 =	sadd.s32 @!p0 $0x88, s6;
	s7 =	simm.s32 @p2 $0x1082  }
0x22: {  	[simem:s7], [sflag:s8] =	dma.local @!p0 [hbm:s6], $0xF7A  }
0x23: {  	s9 =	sor.u32 $0xD0000000, s2;
	s6 =	simm.s32 $0x108;
	_ =	swait.ge @!p0 [sflag:s8], $0x0  }
0x24: {  	s3 =	sadd.s32 $0x88, s3;
	s6 =	simm.s32 @!p1 $0x1082;
	[sflag:s4] =	ssyncset.s32 $0xFFFFF086  }
0x25: {  	[simem:s6], [sflag:s4] =	dma.local [hbm:s3], $0xF7A  }
0x26: {  	[smem:$0x3F8F] =	sst s1;
	(tag) =	ssettag s2;
	_ =	strace s9  }
0x27: {  	s1 =	sld [smem:$0x3F9F]  }
0x28: {  	s2 =	sld [smem:$0x3FA0]  }
0x29: {  	s4 =	sld [smem:$0x3FA2]  }
0x2a: {  	p0 =	seq.s32 s5, $0x0;
	s5 =	sld [smem:$0x3FA3]  }
0x2b: {  	s6 =	sld [smem:$0x3FA4]  }
0x2c: {  	s7 =	sld [smem:$0x3FA5]  }
0x2d: {  	s3 =	simm.s32 $0x108;
	s8 =	sld [smem:$0x3FA6]  }
0x2e: {  	s3 =	simm.s32 @!p0 $0x1082;
	s9 =	sld [smem:$0x3FA7]  }
0x2f: {  	lr =	sadd.s32 s0, s3;
	s0 =	sld [smem:$0x3F9E]  }
0x30: {  	s3 =	sld [smem:$0x3FA1]  }
0x31: {  	[smem:$0x3FAA] =	sst s10  }
0x32: {  	s10 =	sld [smem:$0x3FA8];
	_ =	sdelay $0x3  }
0x33: {  	p0 =	seq.s32 s10, $0x1;
	s10 =	sld [smem:$0x3FAA];
	_ =	sdelay $0x3  }
0x34: {  	[smem:$0x3FAA] =	sst s10  }
0x35: {  	s10 =	sld [smem:$0x3FA9];
	_ =	sdelay $0x3  }
0x36: {  	p1 =	seq.s32 s10, $0x1;
	s10 =	sld [smem:$0x3FAA];
	_ =	sdelay $0x3  }
0x37: {  	[smem:$0x3FAA] =	sst s10  }
0x38: {  	s10 =	sld [smem:$0x3FAB]  }
0x39: {  	_ = 	snop;
	(pc) =	sbr.ind lr, $3  }
0x3a: {  	_ = 	snop  }
0x3b: {  	_ = 	snop  }
0x3c: {  	p2 =	seq.s32 s10, $0x1;
	s10 =	sld [smem:$0x3FAA]  }
0x3d: {  	_ =	shalt  }
0x3e: {  	_ =	shalt  }
0x3f: {  	_ =	shalt  }
0x40: {  	_ =	shalt  }
0x41: {  	_ =	shalt  }
0x42: {  	_ =	shalt  }
0x43: {  	_ =	shalt  }
0x44: {  	_ =	shalt  }
0x45: {  	_ =	shalt  }
0x46: {  	_ =	shalt  }
0x47: {  	_ =	shalt  }
0x48: {  	_ =	shalt  }
0x49: {  	_ =	shalt  }
0x4a: {  	_ =	shalt  }
0x4b: {  	_ =	shalt  }
0x4c: {  	_ =	shalt  }
0x4d: {  	_ =	shalt  }
0x4e: {  	_ =	shalt  }
0x4f: {  	_ =	shalt  }
0x50: {  	_ =	shalt  }
0x51: {  	_ =	shalt  }
0x52: {  	_ =	shalt  }
0x53: {  	_ =	shalt  }
0x54: {  	_ =	shalt  }
0x55: {  	_ =	shalt  }
0x56: {  	_ =	shalt  }
0x57: {  	_ =	shalt  }
0x58: {  	_ =	shalt  }
0x59: {  	_ =	shalt  }
0x5a: {  	_ =	shalt  }
0x5b: {  	_ =	shalt  }
0x5c: {  	_ =	shalt  }
0x5d: {  	_ =	shalt  }
0x5e: {  	_ =	shalt  }
0x5f: {  	_ =	shalt  }
0x60: {  	_ =	shalt  }
0x61: {  	_ =	shalt  }
0x62: {  	_ =	shalt  }
0x63: {  	_ =	shalt  }
0x64: {  	_ =	shalt  }
0x65: {  	_ =	shalt  }
0x66: {  	_ =	shalt  }
0x67: {  	_ =	shalt  }
0x68: {  	_ =	shalt  }
0x69: {  	_ =	shalt  }
0x6a: {  	_ =	shalt  }
0x6b: {  	_ =	shalt  }
0x6c: {  	_ =	shalt  }
0x6d: {  	_ =	shalt  }
0x6e: {  	_ =	shalt  }
0x6f: {  	_ =	shalt  }
0x70: {  	_ =	shalt  }
0x71: {  	_ =	shalt  }
0x72: {  	_ =	shalt  }
0x73: {  	_ =	shalt  }
0x74: {  	_ =	shalt  }
0x75: {  	_ =	shalt  }
0x76: {  	_ =	shalt  }
0x77: {  	_ =	shalt  }
0x78: {  	_ =	shalt  }
0x79: {  	_ =	shalt  }
0x7a: {  	_ =	shalt  }
0x7b: {  	_ =	shalt  }
0x7c: {  	_ =	shalt  }
0x7d: {  	_ =	shalt  }
0x7e: {  	_ =	shalt  }
0x7f: {  	_ =	shalt  }
0x80: {  	_ =	shalt  }
0x81: {  	_ =	shalt  }
0x82: {  	_ =	shalt  }
0x83: {  	_ =	shalt  }
0x84: {  	_ =	shalt  }
0x85: {  	_ =	shalt  }
0x86: {  	_ =	shalt  }
0x87: {  	_ =	shalt  }
.Lfunc_end0:
.L_simem_size_0:
called_computation_lowered:
.L_overlay_start_0:
0x88: {  	s2 =	sld [smem:$0x3FD9]  }
0x89: {  	s3 =	sld [smem:$0x3FFE];
	_ =	sdelay $0x1  }
0x8a: {  	s1 =	srdreg.scid  }
0x8b: {  	s0 =	sand.u32 $0x1, s1  }
0x8c: {  	s14 =	sshll.u32 s0, $0xA;
	s2 =	sadd.s32 s3, s2  }
0x8d: {  	s2 =	sadd.s32 s2, s14  }
0x8e: {  	[smem:$0x3FB6] =	sst s2  }
0x8f: {  	_ = 	snop  }
0x90: {  	s2 =	sld [smem:$0x3FD0];
	_ =	sdelay $0x2  }
0x91: {  	s15 =	simm.s32 $0xA;
	s4 =	simm.s32 $0x10  }
0x92: {  	[smem:s4], [sflag:s15] =	dma.local [hbm:s2], $0x1  }
0x93: {  	_ =	swait.eq [sflag:s15], $0x1  }
0x94: {  	[sflag:s15] =	ssyncset.done $0x0  }
0x95: {  	[sflag:s15] =	ssyncadd.s32 $0xFFFFFFFF  }
0x96: {  	s16 =	sld [smem:$0x12];
	(tm) =	ssettm $0x1  }
0x97: {  	s17 =	sld [smem:$0x3FFB];
	_ =	sdelay $0x3  }
0x98: {  	_ =	strace s17  }
0x99: {  	s3 =	sld [smem:$0x3FFC];
	_ =	sdelay $0x3  }
0x9a: {  	_ =	strace s3  }
0x9b: {  	s3 =	sld [smem:$0x3FFD];
	_ =	sdelay $0x3  }
0x9c: {  	_ =	strace s3  }
0x9d: {  	_ =	strace $0x8FFFFFFF  }
0x9e: {  	s18 =	sld [smem:$0x3FDB];
	_ =	sdelay $0x1  }
0x9f: {  	s19 =	simm.s32 $_scs_section_size  }
0xa0: {  	s5 =	simm.s32 $_size__tile_overlayer_lowered;
	s6 =	simm.s32 $_tile_overlayer_lowered  }
0xa1: {  	s22 =	simm.s32 $0x1BFF;
	s21 =	sshll.u32 s6, $0x1;
	s3 =	sadd.s32 s19, s18  }
0xa2: {  	s7 =	simm.s32 $0x0;
	s20 =	sshll.u32 s5, $0x1;
	s5 =	sadd.s32 s21, s3  }
0xa3: {  	[timem:s7], [sflag:s22] =	dma.local [hbm:s5], s20  }
0xa4: {  	_ =	swait.ge [sflag:s22], s20  }
0xa5: {  	s4 =	ssub.s32 $0x0, s20;
	[sflag:s22] =	ssyncset.done $0x0  }
0xa6: {  	[sflag:s22] =	ssyncadd.s32 s4;
	_ =	sdelay $0x1  }
0xa7: {  	s23 =	simm.s32 $0x1B8B  }
0xa8: {  	_ =	swait.ge [sflag:s23], $0x1  }
0xa9: {  	[sflag:s23] =	ssyncset.done $0x0  }
0xaa: {  	s25 =	simm.s32 $0x1B8E;
	s24 =	sld [smem:$0x3FFE];
	[sflag:s23] =	ssyncadd.s32 $0xFFFFFFFF  }
0xab: {  	s26 =	simm.s32 $execute0_lowered;
	[smem:$0x3FD2] =	sst s25  }
0xac: {  	s5 =	sshll.u32 s26, $0x1;
	_ =	strace $0x80000046;
	[dreg:$0x1] =	wrdreg $0xFFFFFFFF  }
0xad: {  	s28 =	simm.s32 $_size_execute0_lowered;
	s3 =	sadd.s32 s3, s5;
	[dreg:$0x0] =	wrdreg $0x0  }
0xae: {  	s5 =	sshll.u32 s28, $0x1;
	[dreg:$0x2] =	wrdreg s3  }
0xaf: {  	[dreg:$0x3] =	wrdreg s5  }
0xb0: {  	[dreg:$0x4] =	wrdreg $0xC0  }
0xb1: {  	_ =	task [dreg:s7], $0x5FFFF  }
0xb2: {  	[dreg:$0x1] =	wrdreg $0xFFFFFFFF  }
0xb3: {  	[dreg:$0x0] =	wrdreg $0x60  }
0xb4: {  	[dreg:$0x2] =	wrdreg s24  }
0xb5: {  	[dreg:$0x3] =	wrdreg s16  }
0xb6: {  	[dreg:$0x4] =	wrdreg $0x70C00  }
0xb7: {  	[dreg:$0x5] =	wrdreg $0x9  }
0xb8: {  	_ =	task.clear_ibuf [dreg:s7], $0x6FFFF;
	_ =	strace $0x90000046  }
0xb9: {  	s29 =	simm.s32 $0x9;
	_ =	strace $0x80000048  }
0xba: {  	_ =	swait.ge [sflag:s29], $0x1  }
0xbb: {  	[sflag:s29] =	ssyncadd.s32 $0xFFFFFFFF  }
0xbc: {  	_ =	strace $0x90000048  }
0xbd: {  	_ =	sfence  }
0xbe: {  	s30 =	sld [smem:$0x0];
	_ =	sdelay $0x2  }
0xbf: {  	s31 =	sshll.u32 s1, $0xD;
	s1 =	sshrl.u32 s1, $0x2  }
0xc0: {  	s3 =	sand.u32 $0x4000, s31;
	s1 =	sadd.s32 s1, s30  }
0xc1: {  	s0 =	sor.u32 s3, s0;
	s1 =	sshll.u32 s1, $0x11  }
0xc2: {  	s0 =	sor.u32 s1, s0  }
0xc3: {  	s0 =	sadd.s32 $0x8F2B, s0  }
0xc4: {  	[sflag:s0] =	ssyncadd.remote.s32 $0x1  }
0xc5: {  	_ =	sfence.sel $0xFFFF  }
0xc6: {  	[dreg:$0x0] =	wrdreg $0xFFFFFFFF;
	(pc) =	sbr.abs _section_cstart, $3  }
0xc7: {  	[dreg:$0x1] =	wrdreg $0xFFFFFFFF  }
0xc8: {  	_ =	task.clear_ibuf [dreg:s7], $0x2FFFF;
	_ =	strace $0x9FFFFFFF  }
0xc9: {  	(tm) =	ssettm $0x7FFFFFFF  }
tec
execute0_lowered:
.L_overlay_start_1:
0x0: {  	(tag) =	ssettag $0x1  }
0x1: {  	s0 =	rddreg [dreg:$0x0];
	s1 =	srdreg.scid  }
0x2: {  	s7 =	stileid.u32;
	s3 =	rddreg [dreg:$0x2]  }
0x3: {  	s5 =	simm.s32 $0x0;
	s1 =	sand.u32 $0x1, s1;
	s10 =	smul.u32 $0x61C00, s7  }
0x4: {  	s4 =	smul.u32 $0x1870, s7;
	[smem:$0x7FF] =	sst s5;
	s9 =	ssub.s32 $0x2, s1  }
0x5: {  	s12 =	smul.u32 $0x290, s7;
	s11 =	sshrl.u32 s9, $0x1;
	s10 =	sshrl.u32 s10, $0x2  }
0x6: {  	s9 =	ssub.s32 s9, s11;
	s11 =	smul.u32 $0x390, s7;
	s7 =	sadd.s32 s10, s3  }
0x7: {  	_ =	strace $0x80000047;
	s10 =	sadd.s32 $0x18000, s7;
	[dreg:$0x4] =	wrdreg s7  }
0x8: {  	s22 =	smax.u32 s9, $0x1;
	[dreg:$0x5] =	wrdreg s10  }
0x9: {  	s23 =	sadd.s32 $0x1000, s7;
	[dreg:$0xc] =	wrdreg s22  }
0xa: {  	s28 =	simm.s32 $0x1800;
	s24 =	sadd.s32 $0x2000, s7;
	[dreg:$0xd] =	wrdreg s23  }
0xb: {  	s29 =	simm.s32 $0x80;
	s25 =	sadd.s32 $0x3000, s7;
	[dreg:$0xe] =	wrdreg s24  }
0xc: {  	s2 =	smul.u32 $0x18800, s1;
	s26 =	sadd.s32 $0x4000, s7;
	[dreg:$0xf] =	wrdreg s25  }
0xd: {  	s8 =	smul.u32 $0x30E00, s1;
	s31 =	sadd.s32 $0x5000, s7;
	[dreg:$0x10] =	wrdreg s26  }
0xe: {  	p0 =	seq.s32 s1, $0x0;
	s9 =	sadd.s32 $0x9000, s7;
	[dreg:$0x11] =	wrdreg s31  }
0xf: {  	s1 =	sadd.s32 $0x3900, s12;
	s12 =	sadd.s32 $0xA000, s7;
	[dreg:$0x15] =	wrdreg s9  }
0x10: {  	s8 =	sadd.s32 s8, s0;
	s15 =	sadd.s32 $0xC000, s7;
	[dreg:$0x16] =	wrdreg s12  }
0x11: {  	s16 =	sadd.s32 $0xD000, s7;
	s1 =	smov.u32 @p0 s11;
	[dreg:$0x18] =	wrdreg s15  }
0x12: {  	s11 =	sadd.s32 $0xDE000, s8;
	s8 =	sadd.s32 $0x8000, s7;
	[dreg:$0x19] =	wrdreg s16  }
0x13: {  	s30 =	simm.s32 $0x3800;
	s22 =	sadd.s32 $0x12000, s7;
	[dreg:$0x14] =	wrdreg s8  }
0x14: {  	s6 =	sadd.s32 $0x1600, s0;
	s23 =	sadd.s32 $0x13000, s7;
	[dreg:$0x1e] =	wrdreg s22  }
0x15: {  	s13 =	sadd.s32 $0x19E00, s0;
	s24 =	sadd.s32 $0x14000, s7;
	[dreg:$0x1f] =	wrdreg s23  }
0x16: {  	s14 =	sadd.s32 $0x7BE80, s0;
	s25 =	sadd.s32 $0x15000, s7;
	[smem:$0x7FA] =	sst s24  }
0x17: {  	s2 =	sadd.s32 s4, s2;
	s26 =	sadd.s32 $0x16000, s7;
	[smem:$0x7FB] =	sst s25  }
0x18: {  	s2 =	sshll.u32 s2, $0x1;
	s31 =	sadd.s32 $0x17000, s7;
	[smem:$0x7FC] =	sst s26  }
0x19: {  	s2 =	sadd.s32 s2, s0;
	s17 =	sshll.u32 s1, $0x4;
	[smem:$0x7FD] =	sst s31  }
0x1a: {  	s10 =	simm.s32 $0xE4;
	s20 =	sshll.u32 s1, $0x7;
	[dreg:$0x6] =	wrdreg s17  }
0x1b: {  	s9 =	simm.s32 $0x1;
	s21 =	sadd.s32 $0x13FC00, s2;
	[dreg:$0xa] =	wrdreg s20  }
0x1c: {  	s10 =	simm.s32 @!p0 $0xA4;
	s1 =	sadd.s32 $0x6000, s7;
	[dreg:$0xb] =	wrdreg s21  }
0x1d: {  	s2 =	sadd.s32 $0x7000, s7;
	s24 =	simm.s32 $0x5800;
	[dreg:$0x12] =	wrdreg s1  }
0x1e: {  	s25 =	simm.s32 $0x8;
	s18 =	sadd.s32 s13, s17;
	[dreg:$0x13] =	wrdreg s2  }
0x1f: {  	s26 =	simm.s32 $0x6800;
	s19 =	sor.u32 $0x80, s17;
	[dreg:$0x7] =	wrdreg s18  }
0x20: {  	s22 =	simm.s32 $0x4;
	s20 =	sadd.s32 $0x10000, s7;
	[dreg:$0x8] =	wrdreg s19  }
0x21: {  	s23 =	simm.s32 $0x6;
	s21 =	sadd.s32 $0x11000, s7;
	[dreg:$0x1c] =	wrdreg s20  }
0x22: {  	s17 =	smov.u32 s13;
	s0 =	sadd.s32 s13, s19;
	[dreg:$0x1d] =	wrdreg s21  }
0x23: {  	s1 =	simm.s32 $0x0;
	s13 =	sadd.s32 $0xB000, s7;
	[dreg:$0x9] =	wrdreg s0  }
0x24: {  	s18 =	sadd.s32 $0xE000, s7;
	s19 =	sadd.s32 $0xF000, s7;
	[dreg:$0x17] =	wrdreg s13  }
0x25: {  	v0 =	vlaneseq.u32;
	s20 =	simm.s32 $0x3;
	s21 =	simm.s32 $0x5;
	[dreg:$0x1a] =	wrdreg s18  }
0x26: {  	v1 =	vimm.f32 $0.0e+00;
	v2 =	vmul.u32 $0x10, v0;
	[dreg:$0x1b] =	wrdreg s19;
	s18 =	simm.s32 $0x2;
	s19 =	simm.s32 $0x6000  }
.LBB2_1:
0x27: {  	[smem:$0x7F9] =	sst s1;
	s1 =	simm.s32 $0x40;
	s8 =	simm.s32 $0x0  }
.LBB2_2:
0x28: {  	p0 =	sne.s32 s1, $0x3FC0;
	[tilespmem:s8+$0x5800] =	vst v1;
	s8 =	smov.u32 s1;
	s1 =	sadd.s32 $0x40, s1  }
.Ltmp0:
0x29: {  	(pc) =	sbr.rel @p0 .LBB2_2-.Ltmp0, $2  }
0x2a: {  	_ =	sdelay $0x2  }
0x2b: {  	s8 =	sshra.s32 s8, $0x2  }
0x2c: {  	[tilespmem:s8+$0x5800] =	vst v1  }
0x2d: {  	[spmem:s7] =	stream.linear.scatter [tilespmem:s24], [sflag:$0x8], $0x1000, $0x38;
	[tilespmem:$0x1F7C0] =	vst v63  }
0x2e: {  	_ =	swait.ge [sflag:s25], $0x1000  }
0x2f: {  	[sflag:s25] =	ssyncset.done $0x0  }
0x30: {  	s0 =	rddreg [dreg:$0xd];
	[sflag:s25] =	ssyncadd.s32 $0xFFFFF000  }
0x31: {  	[spmem:s0] =	stream.linear.scatter [tilespmem:s24], [sflag:$0x8], $0x1000, $0x38;
	[tilespmem:$0x1F7C0] =	vst v63  }
0x32: {  	_ =	swait.ge [sflag:s25], $0x1000  }
0x33: {  	[sflag:s25] =	ssyncset.done $0x0  }
0x34: {  	s8 =	rddreg [dreg:$0xe];
	[sflag:s25] =	ssyncadd.s32 $0xFFFFF000  }
0x35: {  	[spmem:s8] =	stream.linear.scatter [tilespmem:s24], [sflag:$0x8], $0x1000, $0x38;
	[tilespmem:$0x1F7C0] =	vst v63  }
0x36: {  	_ =	swait.ge [sflag:s25], $0x1000  }
0x37: {  	[sflag:s25] =	ssyncset.done $0x0  }
0x38: {  	s12 =	rddreg [dreg:$0xf];
	[sflag:s25] =	ssyncadd.s32 $0xFFFFF000  }
0x39: {  	[spmem:s12] =	stream.linear.scatter [tilespmem:s24], [sflag:$0x8], $0x1000, $0x38;
	[tilespmem:$0x1F7C0] =	vst v63  }
0x3a: {  	_ =	swait.ge [sflag:s25], $0x1000  }
0x3b: {  	[sflag:s25] =	ssyncset.done $0x0  }
0x3c: {  	s13 =	rddreg [dreg:$0x10];
	[sflag:s25] =	ssyncadd.s32 $0xFFFFF000  }
0x3d: {  	[spmem:s13] =	stream.linear.scatter [tilespmem:s24], [sflag:$0x8], $0x1000, $0x38;
	[tilespmem:$0x1F7C0] =	vst v63  }
0x3e: {  	_ =	swait.ge [sflag:s25], $0x1000  }
0x3f: {  	[sflag:s25] =	ssyncset.done $0x0  }
0x40: {  	s15 =	rddreg [dreg:$0x11];
	[sflag:s25] =	ssyncadd.s32 $0xFFFFF000  }
0x41: {  	[spmem:s15] =	stream.linear.scatter [tilespmem:s24], [sflag:$0x8], $0x1000, $0x38;
	[tilespmem:$0x1F7C0] =	vst v63  }
0x42: {  	_ =	swait.ge [sflag:s25], $0x1000  }
0x43: {  	[sflag:s25] =	ssyncset.done $0x0  }
0x44: {  	s16 =	rddreg [dreg:$0x12];
	[sflag:s25] =	ssyncadd.s32 $0xFFFFF000  }
0x45: {  	[spmem:s16] =	stream.linear.scatter [tilespmem:s24], [sflag:$0x8], $0x1000, $0x38;
	[tilespmem:$0x1F7C0] =	vst v63  }
0x46: {  	_ =	swait.ge [sflag:s25], $0x1000  }
0x47: {  	[sflag:s25] =	ssyncset.done $0x0  }
0x48: {  	s31 =	rddreg [dreg:$0x13];
	[sflag:s25] =	ssyncadd.s32 $0xFFFFF000  }
0x49: {  	[spmem:s31] =	stream.linear.scatter [tilespmem:s24], [sflag:$0x8], $0x1000, $0x38;
	[tilespmem:$0x1F7C0] =	vst v63  }
0x4a: {  	_ =	swait.ge [sflag:s25], $0x1000  }
0x4b: {  	[sflag:s25] =	ssyncset.done $0x0  }
0x4c: {  	s1 =	rddreg [dreg:$0x14];
	[sflag:s25] =	ssyncadd.s32 $0xFFFFF000  }
0x4d: {  	[spmem:s1] =	stream.linear.scatter [tilespmem:s24], [sflag:$0x8], $0x1000, $0x38;
	[tilespmem:$0x1F7C0] =	vst v63  }
0x4e: {  	_ =	swait.ge [sflag:s25], $0x1000  }
0x4f: {  	[sflag:s25] =	ssyncset.done $0x0  }
0x50: {  	s2 =	rddreg [dreg:$0x15];
	[sflag:s25] =	ssyncadd.s32 $0xFFFFF000  }
0x51: {  	[spmem:s2] =	stream.linear.scatter [tilespmem:s24], [sflag:$0x8], $0x1000, $0x38;
	[tilespmem:$0x1F7C0] =	vst v63  }
0x52: {  	_ =	swait.ge [sflag:s25], $0x1000  }
0x53: {  	[sflag:s25] =	ssyncset.done $0x0  }
0x54: {  	s7 =	rddreg [dreg:$0x16];
	[sflag:s25] =	ssyncadd.s32 $0xFFFFF000  }
0x55: {  	[spmem:s7] =	stream.linear.scatter [tilespmem:s24], [sflag:$0x8], $0x1000, $0x38;
	[tilespmem:$0x1F7C0] =	vst v63  }
0x56: {  	_ =	swait.ge [sflag:s25], $0x1000  }
0x57: {  	[sflag:s25] =	ssyncset.done $0x0  }
0x58: {  	s8 =	rddreg [dreg:$0x17];
	[sflag:s25] =	ssyncadd.s32 $0xFFFFF000  }
0x59: {  	[spmem:s8] =	stream.linear.scatter [tilespmem:s24], [sflag:$0x8], $0x1000, $0x38;
	[tilespmem:$0x1F7C0] =	vst v63  }
0x5a: {  	_ =	swait.ge [sflag:s25], $0x1000  }
0x5b: {  	[sflag:s25] =	ssyncset.done $0x0  }
0x5c: {  	s12 =	rddreg [dreg:$0x18];
	[sflag:s25] =	ssyncadd.s32 $0xFFFFF000  }
0x5d: {  	[spmem:s12] =	stream.linear.scatter [tilespmem:s24], [sflag:$0x8], $0x1000, $0x38;
	[tilespmem:$0x1F7C0] =	vst v63  }
0x5e: {  	_ =	swait.ge [sflag:s25], $0x1000  }
0x5f: {  	[sflag:s25] =	ssyncset.done $0x0  }
0x60: {  	s13 =	rddreg [dreg:$0x19];
	[sflag:s25] =	ssyncadd.s32 $0xFFFFF000  }
0x61: {  	[spmem:s13] =	stream.linear.scatter [tilespmem:s24], [sflag:$0x8], $0x1000, $0x38;
	[tilespmem:$0x1F7C0] =	vst v63  }
0x62: {  	_ =	swait.ge [sflag:s25], $0x1000  }
0x63: {  	[sflag:s25] =	ssyncset.done $0x0  }
0x64: {  	s15 =	rddreg [dreg:$0x1a];
	[sflag:s25] =	ssyncadd.s32 $0xFFFFF000  }
0x65: {  	[spmem:s15] =	stream.linear.scatter [tilespmem:s24], [sflag:$0x8], $0x1000, $0x38;
	[tilespmem:$0x1F7C0] =	vst v63  }
0x66: {  	_ =	swait.ge [sflag:s25], $0x1000  }
0x67: {  	[sflag:s25] =	ssyncset.done $0x0  }
0x68: {  	s16 =	rddreg [dreg:$0x1b];
	[sflag:s25] =	ssyncadd.s32 $0xFFFFF000  }
0x69: {  	[spmem:s16] =	stream.linear.scatter [tilespmem:s24], [sflag:$0x8], $0x1000, $0x38;
	[tilespmem:$0x1F7C0] =	vst v63  }
0x6a: {  	_ =	swait.ge [sflag:s25], $0x1000  }
0x6b: {  	[sflag:s25] =	ssyncset.done $0x0  }
0x6c: {  	s31 =	rddreg [dreg:$0x1c];
	[sflag:s25] =	ssyncadd.s32 $0xFFFFF000  }
0x6d: {  	[spmem:s31] =	stream.linear.scatter [tilespmem:s24], [sflag:$0x8], $0x1000, $0x38;
	[tilespmem:$0x1F7C0] =	vst v63  }
0x6e: {  	_ =	swait.ge [sflag:s25], $0x1000  }
0x6f: {  	[sflag:s25] =	ssyncset.done $0x0  }
0x70: {  	s1 =	rddreg [dreg:$0x1d];
	[sflag:s25] =	ssyncadd.s32 $0xFFFFF000  }
0x71: {  	[spmem:s1] =	stream.linear.scatter [tilespmem:s24], [sflag:$0x8], $0x1000, $0x38;
	[tilespmem:$0x1F7C0] =	vst v63  }
0x72: {  	_ =	swait.ge [sflag:s25], $0x1000  }
0x73: {  	[sflag:s25] =	ssyncset.done $0x0  }
0x74: {  	s2 =	rddreg [dreg:$0x1e];
	[sflag:s25] =	ssyncadd.s32 $0xFFFFF000  }
0x75: {  	[spmem:s2] =	stream.linear.scatter [tilespmem:s24], [sflag:$0x8], $0x1000, $0x38;
	[tilespmem:$0x1F7C0] =	vst v63  }
0x76: {  	_ =	swait.ge [sflag:s25], $0x1000  }
0x77: {  	[sflag:s25] =	ssyncset.done $0x0  }
0x78: {  	s7 =	rddreg [dreg:$0x1f];
	[sflag:s25] =	ssyncadd.s32 $0xFFFFF000  }
0x79: {  	[spmem:s7] =	stream.linear.scatter [tilespmem:s24], [sflag:$0x8], $0x1000, $0x38;
	[tilespmem:$0x1F7C0] =	vst v63  }
0x7a: {  	_ =	swait.ge [sflag:s25], $0x1000  }
0x7b: {  	s8 =	sld [smem:$0x7FA]  }
0x7c: {  	[sflag:s25] =	ssyncset.done $0x0  }
0x7d: {  	[sflag:s25] =	ssyncadd.s32 $0xFFFFF000  }
0x7e: {  	[spmem:s8] =	stream.linear.scatter [tilespmem:s24], [sflag:$0x8], $0x1000, $0x38;
	[tilespmem:$0x1F7C0] =	vst v63  }
0x7f: {  	_ =	swait.ge [sflag:s25], $0x1000  }
0x80: {  	s12 =	sld [smem:$0x7FB]  }
0x81: {  	[sflag:s25] =	ssyncset.done $0x0  }
0x82: {  	[sflag:s25] =	ssyncadd.s32 $0xFFFFF000  }
0x83: {  	[spmem:s12] =	stream.linear.scatter [tilespmem:s24], [sflag:$0x8], $0x1000, $0x38;
	[tilespmem:$0x1F7C0] =	vst v63  }
0x84: {  	_ =	swait.ge [sflag:s25], $0x1000  }
0x85: {  	s13 =	sld [smem:$0x7FC]  }
0x86: {  	[sflag:s25] =	ssyncset.done $0x0  }
0x87: {  	[sflag:s25] =	ssyncadd.s32 $0xFFFFF000  }
0x88: {  	[spmem:s13] =	stream.linear.scatter [tilespmem:s24], [sflag:$0x8], $0x1000, $0x38;
	[tilespmem:$0x1F7C0] =	vst v63  }
0x89: {  	_ =	swait.ge [sflag:s25], $0x1000  }
0x8a: {  	s15 =	sld [smem:$0x7FD]  }
0x8b: {  	[sflag:s25] =	ssyncset.done $0x0  }
0x8c: {  	[sflag:s25] =	ssyncadd.s32 $0xFFFFF000  }
0x8d: {  	[spmem:s15] =	stream.linear.scatter [tilespmem:s24], [sflag:$0x8], $0x1000, $0x38;
	[tilespmem:$0x1F7C0] =	vst v63  }
0x8e: {  	_ =	swait.ge [sflag:s25], $0x1000  }
0x8f: {  	[sflag:s25] =	ssyncset.done $0x0  }
0x90: {  	s16 =	rddreg [dreg:$0x5];
	[sflag:s25] =	ssyncadd.s32 $0xFFFFF000  }
0x91: {  	[spmem:s16] =	stream.linear.scatter [tilespmem:s24], [sflag:$0x8], $0x700, $0x38;
	[tilespmem:$0x1F7C0] =	vst v63  }
0x92: {  	_ =	swait.ge [sflag:s25], $0x700  }
0x93: {  	[sflag:s25] =	ssyncset.done $0x0  }
0x94: {  	[sflag:s25] =	ssyncadd.s32 $0xFFFFF900  }
0x95: {  	s1 =	simm.s32 $0x7080;
	s8 =	simm.s32 $0x0;
	s31 =	rddreg [dreg:$0x1]  }
0x96: {  	[tilespmem:s1], [sflag:$0x8] =	stream.linear.gather [hbm4b:s31+s8], $0x40, $0x38;
	[tilespmem:$0x1F7C0] =	vst v63  }
0x97: {  	_ =	swait.ge [sflag:s25], $0x40  }
0x98: {  	[sflag:s25] =	ssyncset.done $0x0  }
0x99: {  	s12 =	simm.s32 $0x0;
	[sflag:s25] =	ssyncadd.s32 $0xFFFFFFC0  }
.LBB2_4:
0x9a: {  	s1 =	smul.u32 $0x110, s12;
	_ =	sdelay $0x1  }
0x9b: {  	s13 =	sadd.s32 s4, s1  }
0x9c: {  	s1 =	sadd.s32 s6, s13  }
0x9d: {  	[tilespmem:s26], [sflag:$0x8] =	stream.linear.gather [hbm4b:s1+s8], $0x880, $0x38;
	[tilespmem:$0x1F7C0] =	vst v63  }
0x9e: {  	_ =	swait.ge [sflag:s25], $0x880  }
0x9f: {  	[sflag:s25] =	ssyncset.done $0x0  }
0xa0: {  	s15 =	simm.s32 $0x0;
	[sflag:s25] =	ssyncadd.s32 $0xFFFFF780  }
.LBB2_5:
0xa1: {  	v9 =	vld [tilespmem:$0x7080]  }
0xa2: {  	v8 =	vld [tilespmem:$0x7090]  }
0xa3: {  	v6 =	vld [tilespmem:$0x70A0]  }
0xa4: {  	v4 =	vld [tilespmem:$0x70B0];
	_ =	sdelay $0x3  }
0xa5: {  	v61 =	vbroadcast v9, $0x0;
	v62 =	vbroadcast v8, $0x0  }
0xa6: {  	v14 =	vbroadcast v6, $0x0;
	v15 =	vbroadcast v4, $0x0  }
0xa7: {  	v16 =	vbroadcast v9, $0x1;
	v17 =	vbroadcast v8, $0x1  }
0xa8: {  	v11 =	vor.u32 s15, v0;
	v18 =	vbroadcast v6, $0x1;
	v23 =	vbroadcast v4, $0x1  }
0xa9: {  	v3 =	vshll.u32 v11, $0x3;
	v19 =	vbroadcast v9, $0x2;
	v25 =	vbroadcast v8, $0x2  }
0xaa: {  	v20 =	vbroadcast v6, $0x2;
	v27 =	vbroadcast v4, $0x2  }
0xab: {  	v29 =	vbroadcast v9, $0x3;
	v21 =	vbroadcast v8, $0x3  }
0xac: {  	v31 =	vbroadcast v6, $0x3;
	v33 =	vbroadcast v4, $0x3  }
0xad: {  	v5 =	vor.u32 $0x1, v3;
	v35 =	vbroadcast v9, $0x4;
	v37 =	vbroadcast v8, $0x4  }
0xae: {  	v12 =	vor.u32 $0x2, v3;
	v39 =	vbroadcast v4, $0x4;
	v41 =	vbroadcast v9, $0x5;
	v10 =	vld.idx.msk [tilespmem:v3+s26+$0x0], $0xffff  }
0xaf: {  	v13 =	vor.u32 $0x3, v3;
	v43 =	vbroadcast v6, $0x5;
	v45 =	vbroadcast v4, $0x5  }
0xb0: {  	v47 =	vbroadcast v9, $0x6;
	v49 =	vbroadcast v8, $0x6  }
0xb1: {  	v51 =	vbroadcast v4, $0x6;
	v53 =	vbroadcast v9, $0x7  }
0xb2: {  	v55 =	vbroadcast v6, $0x7;
	v57 =	vbroadcast v4, $0x7;
	v7 =	vld.idx.msk [tilespmem:v5+s26+$0x0], $0xffff  }
0xb3: {  	v59 =	vbroadcast v9, $0x8;
	v5 =	vld.idx.msk [tilespmem:v12+s26+$0x0], $0xffff;
	v12 =	vmul.f32 v10, v61  }
0xb4: {  	v3 =	vld.idx.msk [tilespmem:v13+s26+$0x0], $0xffff;
	v16 =	vmul.f32 v10, v16;
	v19 =	vmul.f32 v10, v19  }
0xb5: {  	v30 =	vmul.f32 v10, v29;
	v42 =	vmul.f32 v10, v41  }
0xb6: {  	v29 =	vbroadcast v8, $0x7;
	v54 =	vmul.f32 v10, v53  }
0xb7: {  	v61 =	vbroadcast v8, $0x8;
	v41 =	vbroadcast v4, $0x9  }
0xb8: {  	v53 =	vbroadcast v4, $0xB;
	v13 =	vmul.f32 v7, v62  }
0xb9: {  	v14 =	vmul.f32 v5, v14;
	v15 =	vmul.f32 v3, v15  }
0xba: {  	v63 =	vmul.f32 v7, v17;
	v18 =	vmul.f32 v5, v18  }
0xbb: {  	v24 =	vmul.f32 v3, v23;
	v26 =	vmul.f32 v7, v25  }
0xbc: {  	v28 =	vmul.f32 v5, v20;
	v17 =	vmul.f32 v3, v27  }
0xbd: {  	v32 =	vmul.f32 v7, v21;
	v34 =	vmul.f32 v5, v31  }
0xbe: {  	v36 =	vmul.f32 v3, v33;
	v20 =	vmul.f32 v10, v35  }
0xbf: {  	v23 =	vbroadcast v6, $0x4;
	v38 =	vmul.f32 v7, v37  }
0xc0: {  	v21 =	vmul.f32 v3, v39;
	v25 =	vbroadcast v8, $0x5  }
0xc1: {  	v46 =	vmul.f32 v5, v43;
	v48 =	vmul.f32 v3, v45  }
0xc2: {  	v27 =	vbroadcast v6, $0x6;
	v50 =	vmul.f32 v7, v49  }
0xc3: {  	v58 =	vmul.f32 v5, v55;
	v60 =	vmul.f32 v3, v57  }
0xc4: {  	v31 =	vbroadcast v6, $0x8;
	v37 =	vbroadcast v9, $0x9  }
0xc5: {  	v33 =	vbroadcast v8, $0x9;
	v39 =	vbroadcast v6, $0x9  }
0xc6: {  	v43 =	vbroadcast v9, $0xA;
	v45 =	vbroadcast v8, $0xA  }
0xc7: {  	v35 =	vbroadcast v6, $0xA;
	v49 =	vbroadcast v9, $0xB  }
0xc8: {  	v55 =	vbroadcast v9, $0xC;
	v57 =	vbroadcast v8, $0xC  }
0xc9: {  	v56 =	vmul.f32 v7, v29;
	v62 =	vmul.f32 v7, v61  }
0xca: {  	v11 =	vshll.u32 v11, $0x4;
	v61 =	vbroadcast v9, $0xD;
	v40 =	vmul.f32 v5, v23  }
0xcb: {  	v22 =	vor.u32 $0x1, v11;
	v44 =	vmul.f32 v7, v25;
	v23 =	vmul.f32 v10, v47  }
0xcc: {  	v12 =	vadd.f32 v13, v12;
	v52 =	vmul.f32 v5, v27;
	v25 =	vmul.f32 v3, v51  }
0xcd: {  	v13 =	vadd.f32 v63, v16;
	v27 =	vmul.f32 v10, v59;
	v63 =	vbroadcast v4, $0x8  }
0xce: {  	v47 =	vbroadcast v4, $0xA;
	v51 =	vbroadcast v6, $0xB;
	v12 =	vadd.f32 v14, v12  }
0xcf: {  	v59 =	vbroadcast v6, $0xC;
	v13 =	vadd.f32 v18, v13;
	v18 =	vadd.f32 v32, v30  }
0xd0: {  	v30 =	vor.u32 $0x5, v11;
	v32 =	vor.u32 $0x6, v11;
	v29 =	vmul.f32 v3, v63  }
0xd1: {  	v63 =	vbroadcast v8, $0xD;
	v12 =	vadd.f32 v15, v12;
	v15 =	vadd.f32 v26, v19  }
0xd2: {  	v13 =	vadd.f32 v24, v13;
	v24 =	vor.u32 $0x2, v11;
	v14 =	vadd.f32 v34, v18  }
0xd3: {  	v26 =	vor.u32 $0x3, v11;
	v18 =	vadd.f32 v44, v42;
	v42 =	vmul.f32 v5, v39  }
0xd4: {  	v44 =	vmul.f32 v3, v41;
	v34 =	vor.u32 $0x7, v11;
	v15 =	vadd.f32 v28, v15  }
0xd5: {  	v14 =	vadd.f32 v36, v14;
	v28 =	vor.u32 $0x4, v11;
	v36 =	vmul.f32 v5, v31  }
0xd6: {  	v16 =	vadd.f32 v46, v18;
	v31 =	vmul.f32 v10, v43;
	v46 =	vmul.f32 v7, v45  }
0xd7: {  	v18 =	vadd.f32 v56, v54;
	v54 =	vmul.f32 v5, v51;
	v56 =	vmul.f32 v3, v53  }
0xd8: {  	v43 =	vbroadcast v6, $0xD;
	v45 =	vor.u32 $0x9, v11;
	v15 =	vadd.f32 v17, v15  }
0xd9: {  	v17 =	vadd.f32 v38, v20;
	v16 =	vadd.f32 v48, v16;
	v38 =	vmul.f32 v10, v37  }
0xda: {  	v18 =	vadd.f32 v58, v18;
	v48 =	vmul.f32 v5, v35;
	v37 =	vbroadcast v8, $0xB  }
0xdb: {  	v58 =	vmul.f32 v10, v55;
	v17 =	vadd.f32 v40, v17;
	v40 =	vmul.f32 v7, v33  }
0xdc: {  	v18 =	vadd.f32 v60, v18;
	v33 =	vmul.f32 v3, v47;
	v60 =	vmul.f32 v7, v57  }
0xdd: {  	[tilespmem:v11+s28+$0x0] =	vst.idx.msk $0xffff, v12;
	v53 =	vor.u32 $0xA, v11;
	v57 =	vbroadcast v6, $0xE;
	v6 =	vbroadcast v6, $0xF  }
0xde: {  	v17 =	vadd.f32 v21, v17;
	v21 =	vadd.f32 v50, v23;
	v50 =	vmul.f32 v10, v49  }
0xdf: {  	[tilespmem:v22+s28+$0x0] =	vst.idx.msk $0xffff, v13;
	v19 =	vadd.f32 v40, v38;
	v40 =	vbroadcast v4, $0xC;
	v49 =	vbroadcast v9, $0xE  }
0xe0: {  	[tilespmem:v24+s28+$0x0] =	vst.idx.msk $0xffff, v15;
	v9 =	vbroadcast v9, $0xF;
	v20 =	vadd.f32 v52, v21;
	v52 =	vmul.f32 v7, v37  }
0xe1: {  	v19 =	vadd.f32 v42, v19;
	v37 =	vmul.f32 v10, v61;
	v42 =	vmul.f32 v7, v63  }
0xe2: {  	v51 =	vmul.f32 v10, v49;
	v9 =	vmul.f32 v10, v9;
	v20 =	vadd.f32 v25, v20  }
0xe3: {  	v25 =	vadd.f32 v62, v27;
	v19 =	vadd.f32 v44, v19;
	v62 =	vmul.f32 v5, v59  }
0xe4: {  	[tilespmem:v26+s28+$0x0] =	vst.idx.msk $0xffff, v14;
	v21 =	vadd.f32 v52, v50;
	v50 =	vbroadcast v4, $0xD;
	v52 =	vbroadcast v8, $0xE  }
0xe5: {  	[tilespmem:v28+s28+$0x0] =	vst.idx.msk $0xffff, v17;
	v47 =	vadd.f32 v42, v37;
	v8 =	vbroadcast v8, $0xF;
	v59 =	vbroadcast v4, $0xE  }
0xe6: {  	[tilespmem:v30+s28+$0x0] =	vst.idx.msk $0xffff, v16;
	v4 =	vbroadcast v4, $0xF;
	v23 =	vadd.f32 v36, v25;
	v36 =	vor.u32 $0x8, v11  }
0xe7: {  	v21 =	vadd.f32 v54, v21;
	[tilespmem:v32+s28+$0x0] =	vst.idx.msk $0xffff, v20;
	v54 =	vor.u32 $0xB, v11;
	v14 =	vmul.f32 v3, v50  }
0xe8: {  	v55 =	vmul.f32 v7, v52;
	v7 =	vmul.f32 v7, v8;
	v23 =	vadd.f32 v29, v23  }
0xe9: {  	v8 =	vmul.f32 v5, v57;
	v29 =	vadd.f32 v46, v31;
	v31 =	vadd.f32 v60, v58  }
0xea: {  	[tilespmem:v34+s28+$0x0] =	vst.idx.msk $0xffff, v18;
	v41 =	vadd.f32 v56, v21;
	v46 =	vmul.f32 v3, v40;
	v56 =	vor.u32 $0xC, v11  }
0xeb: {  	v7 =	vadd.f32 v7, v9;
	v9 =	vmul.f32 v3, v59;
	v27 =	vadd.f32 v48, v29  }
0xec: {  	v17 =	vadd.f32 v55, v51;
	v3 =	vmul.f32 v3, v4;
	v48 =	vmul.f32 v5, v43  }
0xed: {  	v58 =	vor.u32 $0xD, v11;
	v44 =	vadd.f32 v62, v31;
	[tilespmem:v36+s28+$0x0] =	vst.idx.msk $0xffff, v23;
	v27 =	vadd.f32 v33, v27  }
0xee: {  	v60 =	vor.u32 $0xE, v11;
	v5 =	vmul.f32 v5, v6;
	v15 =	vadd.f32 v48, v47;
	[tilespmem:v45+s28+$0x0] =	vst.idx.msk $0xffff, v19  }
0xef: {  	p0 =	sne.s32 s15, $0x100;
	v61 =	vor.u32 $0xF, v11;
	v8 =	vadd.f32 v8, v17;
	v13 =	vadd.f32 v46, v44;
	[tilespmem:v53+s28+$0x0] =	vst.idx.msk $0xffff, v27  }
.Ltmp1:
0xf0: {  	v5 =	vadd.f32 v5, v7;
	v62 =	vadd.f32 v14, v15;
	[tilespmem:v54+s28+$0x0] =	vst.idx.msk $0xffff, v41;
	(pc) =	sbr.rel @p0 .LBB2_5-.Ltmp1, $4  }
0xf1: {  	v63 =	vadd.f32 v9, v8;
	[tilespmem:v56+s28+$0x0] =	vst.idx.msk $0xffff, v13  }
0xf2: {  	v3 =	vadd.f32 v3, v5;
	[tilespmem:v58+s28+$0x0] =	vst.idx.msk $0xffff, v62  }
0xf3: {  	[tilespmem:v60+s28+$0x0] =	vst.idx.msk $0xffff, v63  }
0xf4: {  	s15 =	sadd.s32 $0x10, s15;
	[tilespmem:v61+s28+$0x0] =	vst.idx.msk $0xffff, v3  }
0xf5: {  	s12 =	sadd.s32 $0x1, s12  }
0xf6: {  	s1 =	sshll.u32 s13, $0x1;
	p0 =	sne.s32 s12, $0x17  }
.Ltmp2:
0xf7: {  	s1 =	sadd.s32 s1, s11;
	(pc) =	sbr.rel @p0 .LBB2_4-.Ltmp2, $4  }
0xf8: {  	[hbm4b:s1+s5] =	stream.linear.scatter [tilespmem:s28], [sflag:$0x8], $0x1100, $0x38;
	[tilespmem:$0x1F7C0] =	vst v63  }
0xf9: {  	_ =	swait.ge [sflag:s25], $0x1100  }
0xfa: {  	[sflag:s25] =	ssyncset.done $0x0  }
0xfb: {  	[sflag:s25] =	ssyncadd.s32 $0xFFFFEF00  }
0xfc: {  	[bflag:$0x0] =	sbarrier.arrive $0xFFFF  }
0xfd: {  	s12 =	simm.s32 $0x0;
	s0 =	rddreg [dreg:$0x7]  }
0xfe: {  	[tilespmem:s12], [sflag:$0x8] =	stream.linear.gather [hbm4b:s0+s12], $0x400, $0x38;
	[tilespmem:$0x1F7C0] =	vst v63  }
0xff: {  	_ =	swait.ge [sflag:s25], $0x400  }
0x100: {  	[sflag:s25] =	ssyncset.done $0x0;
	s7 =	rddreg [dreg:$0x6]  }
0x101: {  	s2 =	simm.s32 $0xC00;
	[sflag:s25] =	ssyncadd.s32 $0xFFFFFC00;
	s1 =	sadd.s32 s7, s14  }
0x102: {  	[tilespmem:s2], [sflag:$0x8] =	stream.linear.gather [hbm4b:s1+s12], $0x400, $0x38;
	[tilespmem:$0x1F7C0] =	vst v63  }
0x103: {  	_ =	swait.ge [sflag:s25], $0x400  }
0x104: {  	[sflag:s25] =	ssyncset.done $0x0;
	s8 =	rddreg [dreg:$0x9]  }
0x105: {  	s13 =	simm.s32 $0x400;
	s15 =	rddreg [dreg:$0x8];
	[sflag:s25] =	ssyncadd.s32 $0xFFFFFC00  }
0x106: {  	[tilespmem:s13], [sflag:$0x7] =	stream.linear.gather [hbm4b:s8+s12], $0x400, $0x38;
	[tilespmem:$0x1F7C0] =	vst v63  }
0x107: {  	s31 =	simm.s32 $0x1000;
	s16 =	sadd.s32 s15, s14  }
0x108: {  	[tilespmem:s31], [sflag:$0x7] =	stream.linear.gather [hbm4b:s16+s12], $0x400, $0x38;
	[tilespmem:$0x1F7C0] =	vst v63  }
0x109: {  	_ = 	snop  }
0x10a: {  	[tilespmem:s28], [sflag:$0x1] =	stream.indirect.gather [hbm4b:s11+s29], $0x10, s12, s29, $0xb8;
	[tilespmem:$0x1F7C0] =	vst v63  }
0x10b: {  	_ = 	snop  }
0x10c: {  	[tilespmem:s30], [sflag:$0x1] =	stream.indirect.gather [hbm4b:s11+s29], $0x10, s2, s29, $0xb8;
	[tilespmem:$0x1F7C0] =	vst v63  }
0x10d: {  	s2 =	simm.s32 $0x2000  }
0x10e: {  	[tilespmem:s2], [sflag:$0x2] =	stream.indirect.gather [hbm4b:s11+s29], $0x10, s29, s29, $0xb8;
	[tilespmem:$0x1F7C0] =	vst v63  }
0x10f: {  	s7 =	simm.s32 $0xC80;
	s8 =	simm.s32 $0x4000  }
0x110: {  	[tilespmem:s8], [sflag:$0x2] =	stream.indirect.gather [hbm4b:s11+s29], $0x10, s7, s29, $0xb8;
	[tilespmem:$0x1F7C0] =	vst v63  }
0x111: {  	s15 =	simm.s32 $0x2800;
	s13 =	simm.s32 $0x100  }
0x112: {  	[tilespmem:s15], [sflag:$0x3] =	stream.indirect.gather [hbm4b:s11+s29], $0x10, s13, s29, $0xb8;
	[tilespmem:$0x1F7C0] =	vst v63  }
0x113: {  	s16 =	simm.s32 $0xD00;
	s31 =	simm.s32 $0x4800  }
0x114: {  	[tilespmem:s31], [sflag:$0x3] =	stream.indirect.gather [hbm4b:s11+s29], $0x10, s16, s29, $0xb8;
	[tilespmem:$0x1F7C0] =	vst v63  }
.LBB2_8:
0x115: {  	s1 =	sand.u32 $0x1, s12;
	p0 =	slt.u32 s12, $0x2  }
0x116: {  	p1 =	sne.s32 @!p0 s1, $0x0  }
0x117: {  	p0 =	por p0, p1  }
.Ltmp3:
0x118: {  	_ = 	snop;
	(pc) =	sbr.rel @p0 .LBB2_10-.Ltmp3, $1  }
0x119: {  	_ =	sdelay $0x3  }
0x11a: {  	s1 =	sshrl.u32 s12, $0x1  }
0x11b: {  	s1 =	sadd.s32 $0x1, s1  }
0x11c: {  	s8 =	smulhi.u32 $0x55555556, s1;
	_ =	sdelay $0x1  }
0x11d: {  	s0 =	rddreg [dreg:$0xa];
	s13 =	sshll.u32 s1, $0xA;
	s8 =	smul.u32 $0x3, s8  }
0x11e: {  	s13 =	sadd.s32 s0, s13  }
.Ltmp4:
0x11f: {  	s31 =	sshrl.u32 s13, $0x3;
	s1 =	ssub.s32 s1, s8;
	(pc) =	sbr.rel .LBB2_11-.Ltmp4, $4  }
0x120: {  	s13 =	sadd.s32 s17, s31;
	s1 =	sshll.u32 s1, $0xA  }
0x121: {  	[tilespmem:s1], [sflag:$0x7] =	stream.linear.gather [hbm4b:s13+s5], $0x400, $0x38;
	[tilespmem:$0x1F7C0] =	vst v63  }
0x122: {  	s8 =	sadd.s32 s14, s31;
	s1 =	sadd.s32 $0xC00, s1  }
0x123: {  	[tilespmem:s1], [sflag:$0x7] =	stream.linear.gather [hbm4b:s8+s5], $0x400, $0x38;
	[tilespmem:$0x1F7C0] =	vst v63  }
.LBB2_10:
0x124: {  	p0 =	seq.s32 s1, $0x0  }
0x125: {  	s1 =	simm.s32 @!p0 $0x7  }
0x126: {  	_ =	swait.ge @!p0 [sflag:s1], $0x400  }
0x127: {  	[sflag:s1] =	ssyncset.done @!p0 $0x0  }
0x128: {  	[sflag:s1] =	ssyncadd.s32 @!p0 $0xFFFFFC00  }
0x129: {  	_ =	swait.ge @!p0 [sflag:s1], $0x400  }
0x12a: {  	[sflag:s1] =	ssyncset.done @!p0 $0x0  }
0x12b: {  	[sflag:s1] =	ssyncadd.s32 @!p0 $0xFFFFFC00  }
.LBB2_11:
0x12c: {  	s15 =	sshll.u32 s12, $0x2  }
0x12d: {  	s16 =	sshrl.u32 s15, $0x3;
	s1 =	sshra.s32 s15, $0x1F  }
0x12e: {  	s1 =	sadd.s32 s1, s16  }
0x12f: {  	s8 =	smulhi.u32 $0x55555556, s1;
	s13 =	sshra.s32 s1, $0x1F  }
0x130: {  	s13 =	smul.u32 $0x55555556, s13;
	_ =	sdelay $0x1  }
0x131: {  	_ =	swait.ge [sflag:s9], $0x800;
	s8 =	sadd.s32 s13, s8  }
0x132: {  	[sflag:s9] =	ssyncset.done $0x0;
	s13 =	sshrl.u32 s8, $0x1F  }
0x133: {  	[sflag:s9] =	ssyncadd.s32 $0xFFFFF800;
	s8 =	sadd.s32 s13, s8  }
0x134: {  	s7 =	simm.s32 $0x0;
	_ =	swait.ge [sflag:s9], $0x800;
	s8 =	smul.u32 $0x3, s8  }
0x135: {  	p0 =	seq.s32 s12, $0x0;
	s0 =	sshll.u32 s12, $0x9;
	v3 =	vmov s7;
	[sflag:s9] =	ssyncset.done $0x0  }
0x136: {  	s31 =	simm.s32 @!p0 $0x5;
	v3 =	vshll.u32 v3, $0x4;
	[sflag:s9] =	ssyncadd.s32 $0xFFFFF800;
	s13 =	ssub.s32 s1, s8  }
0x137: {  	v3 =	vor.u32 v2, v3;
	_ =	swait.ge @!p0 [sflag:s31], $0x800;
	s1 =	sand.u32 $0x200, s0;
	s8 =	sshll.u32 s13, $0xA  }
0x138: {  	v4 =	vor.u32 $0x4, v3;
	[sflag:s31] =	ssyncset.done @!p0 $0x0;
	s1 =	sor.u32 s8, s1  }
0x139: {  	[sflag:s31] =	ssyncadd.s32 @!p0 $0xFFFFF800;
	s0 =	simm.s32 $0x3000;
	s8 =	sor.u32 $0x180, s1  }
0x13a: {  	[tilespmem:s0], [sflag:$0x4] =	stream.indirect.gather [hbm4b:s11+s29], $0x10, s8, s29, $0xb8;
	[tilespmem:$0x1F7C0] =	vst v63  }
0x13b: {  	s2 =	simm.s32 $0x5000;
	v5 =	vor.u32 $0x5, v3;
	s8 =	sadd.s32 $0xD80, s1  }
0x13c: {  	v6 =	vor.u32 $0x1, v3;
	[tilespmem:s2], [sflag:$0x4] =	stream.indirect.gather [hbm4b:s11+s29], $0x10, s8, s29, $0xb8;
	[tilespmem:$0x1F7C0] =	vst v63  }
0x13d: {  	v7 =	vld.idx.msk [tilespmem:v4+s30+$0x0], $0xffff  }
0x13e: {  	v8 =	vld.idx.msk [tilespmem:v3+s28+$0x0], $0xffff;
	_ =	sdelay $0x1  }
0x13f: {  	v11 =	vor.u32 $0x2, v3;
	v9 =	vld.idx.msk [tilespmem:v5+s30+$0x0], $0xffff  }
0x140: {  	v12 =	vor.u32 $0x6, v3;
	v10 =	vld.idx.msk [tilespmem:v6+s28+$0x0], $0xffff;
	_ =	sdelay $0x1  }
0x141: {  	v14 =	vor.u32 $0x3, v3;
	v7 =	vadd.f32 v7, v8  }
0x142: {  	v13 =	vor.u32 $0x7, v3  }
0x143: {  	v15 =	vld.idx.msk [tilespmem:v11+s28+$0x0], $0xffff;
	v16 =	vmul.f32 $2.000000030e-01, v7  }
0x144: {  	v8 =	vld.idx.msk [tilespmem:v12+s30+$0x0], $0xffff;
	v9 =	vadd.f32 v9, v10  }
0x145: {  	v7 =	vmax.f32 v7, v16  }
0x146: {  	v17 =	vld.idx.msk [tilespmem:v14+s28+$0x0], $0xffff;
	v18 =	vmul.f32 $2.000000030e-01, v9;
	v7 =	vmul.f32 $1.442695020e+00, v7  }
0x147: {  	v19 =	vor.u32 $0x8, v3;
	v10 =	vld.idx.msk [tilespmem:v13+s30+$0x0], $0xffff  }
0x148: {  	v58 =	vor.u32 $0xF, v3;
	v9 =	vmax.f32 v9, v18;
	(erf) = vpow2.f32 v7  }
0x149: {  	v8 =	vadd.f32 v8, v15;
	v15 =	vor.u32 $0x9, v3;
	v18 =	vmul.f32 $1.442695020e+00, v9  }
0x14a: {  	v7 =	vor.u32 $0xE, v3  }
0x14b: {  	v9 =	vor.u32 $0xA, v3;
	v20 =	vmul.f32 $2.000000030e-01, v8;
	(erf) = vpow2.f32 v18  }
0x14c: {  	v59 =	vor.u32 $0xD, v3;
	v60 =	vld.idx.msk [tilespmem:v19+s28+$0x0], $0xffff;
	v17 =	vadd.f32 v10, v17  }
0x14d: {  	v16 =	vld.idx.msk [tilespmem:v58+s28+$0x0], $0xffff;
	v10 =	vor.u32 $0xB, v3;
	v8 =	vmax.f32 v8, v20  }
0x14e: {  	v22 =	vor.u32 $0xC, v3;
	v21 =	vmul.f32 $2.000000030e-01, v17;
	v8 =	vmul.f32 $1.442695020e+00, v8;
	v23 =	vld.idx.msk [tilespmem:v15+s28+$0x0], $0xffff  }
0x14f: {  	v24 =	vld.idx.msk [tilespmem:v7+s28+$0x0], $0xffff  }
0x150: {  	v7 =	vmax.f32 v17, v21;
	(erf) = vpow2.f32 v8;
	v8 =	vld.idx.msk [tilespmem:v9+s28+$0x0], $0xffff  }
0x151: {  	v18 =	vld.idx.msk [tilespmem:v59+s28+$0x0], $0xffff;
	v7 =	vmul.f32 $1.442695020e+00, v7;
	v62 =	vpop (erf)  }
0x152: {  	v61 =	vld.idx.msk [tilespmem:v10+s28+$0x0], $0xffff;
	v20 =	vmul.f32 v62, v60  }
0x153: {  	(erf) = vpow2.f32 v7;
	v7 =	vld.idx.msk [tilespmem:v22+s28+$0x0], $0xffff;
	[tilespmem:v3+s24+$0x0] =	vst.idx.msk $0xffff, v62;
	v3 =	vmul.f32 v62, v23  }
0x154: {  	[tilespmem:v4+s24+$0x0] =	vst.idx.msk $0xffff, v20;
	v4 =	vpop (erf)  }
0x155: {  	[tilespmem:v5+s24+$0x0] =	vst.idx.msk $0xffff, v3;
	v3 =	vmul.f32 v4, v8;
	_ =	sdelay $0x2  }
0x156: {  	s7 =	simm.s32 $0x10;
	[tilespmem:v6+s24+$0x0] =	vst.idx.msk $0xffff, v4;
	v4 =	vmul.f32 v61, v4  }
0x157: {  	v5 =	vmov s7;
	[tilespmem:v12+s24+$0x0] =	vst.idx.msk $0xffff, v3;
	v3 =	vpop (erf)  }
0x158: {  	v5 =	vshll.u32 v5, $0x4;
	[tilespmem:v13+s24+$0x0] =	vst.idx.msk $0xffff, v4;
	v7 =	vmul.f32 v7, v3  }
0x159: {  	v4 =	vor.u32 v2, v5;
	[tilespmem:v11+s24+$0x0] =	vst.idx.msk $0xffff, v3;
	v11 =	vmul.f32 v18, v3  }
0x15a: {  	v6 =	vor.u32 $0x4, v4;
	v5 =	vor.u32 $0x5, v4;
	v8 =	vor.u32 $0xD, v4;
	v63 =	vpop (erf);
	[tilespmem:v19+s24+$0x0] =	vst.idx.msk $0xffff, v7  }
0x15b: {  	v12 =	vor.u32 $0xF, v4;
	v3 =	vor.u32 $0x1, v4;
	v13 =	vmul.f32 v24, v63;
	[tilespmem:v15+s24+$0x0] =	vst.idx.msk $0xffff, v11  }
0x15c: {  	s31 =	simm.s32 $0x20;
	v7 =	vor.u32 $0xC, v4;
	v11 =	vor.u32 $0xE, v4;
	[tilespmem:v14+s24+$0x0] =	vst.idx.msk $0xffff, v63;
	v14 =	vmul.f32 v16, v63  }
.LBB2_12:
0x15d: {  	p1 =	sne.s32 s31, $0x70;
	[tilespmem:v9+s24+$0x0] =	vst.idx.msk $0xffff, v13;
	s1 =	smov.u32 s31;
	s31 =	sadd.s32 $0x10, s31  }
0x15e: {  	[tilespmem:v10+s24+$0x0] =	vst.idx.msk $0xffff, v14  }
0x15f: {  	v9 =	vld.idx.msk [tilespmem:v6+s30+$0x0], $0xffff  }
0x160: {  	v13 =	vor.u32 $0x2, v4;
	v14 =	vor.u32 $0x6, v4;
	v10 =	vld.idx.msk [tilespmem:v4+s28+$0x0], $0xffff  }
0x161: {  	v15 =	vld.idx.msk [tilespmem:v5+s30+$0x0], $0xffff  }
0x162: {  	v16 =	vld.idx.msk [tilespmem:v3+s28+$0x0], $0xffff  }
0x163: {  	v17 =	vor.u32 $0x3, v4;
	v18 =	vor.u32 $0x7, v4;
	_ =	sdelay $0x1  }
0x164: {  	v19 =	vld.idx.msk [tilespmem:v13+s28+$0x0], $0xffff  }
0x165: {  	v9 =	vadd.f32 v9, v10;
	v20 =	vld.idx.msk [tilespmem:v14+s30+$0x0], $0xffff;
	_ =	sdelay $0x1  }
0x166: {  	v21 =	vmul.f32 $2.000000030e-01, v9;
	v15 =	vadd.f32 v15, v16;
	v10 =	vld.idx.msk [tilespmem:v17+s28+$0x0], $0xffff  }
0x167: {  	v16 =	vld.idx.msk [tilespmem:v18+s30+$0x0], $0xffff  }
0x168: {  	v9 =	vmax.f32 v9, v21;
	v21 =	vmul.f32 $2.000000030e-01, v15  }
0x169: {  	v9 =	vmul.f32 $1.442695020e+00, v9  }
0x16a: {  	v22 =	vor.u32 $0x8, v4;
	v15 =	vmax.f32 v15, v21;
	v19 =	vadd.f32 v20, v19  }
0x16b: {  	v20 =	vor.u32 $0x9, v4;
	v15 =	vmul.f32 $1.442695020e+00, v15;
	(erf) = vpow2.f32 v9  }
0x16c: {  	v21 =	vmul.f32 $2.000000030e-01, v19  }
0x16d: {  	v9 =	vor.u32 $0xA, v4;
	v16 =	vadd.f32 v16, v10  }
0x16e: {  	v10 =	vor.u32 $0xB, v4;
	v23 =	vld.idx.msk [tilespmem:v12+s28+$0x0], $0xffff;
	v12 =	vmax.f32 v19, v21;
	(erf) = vpow2.f32 v15  }
0x16f: {  	v19 =	vmul.f32 $2.000000030e-01, v16;
	v15 =	vld.idx.msk [tilespmem:v22+s28+$0x0], $0xffff;
	v12 =	vmul.f32 $1.442695020e+00, v12  }
0x170: {  	v21 =	vld.idx.msk [tilespmem:v20+s28+$0x0], $0xffff  }
0x171: {  	v16 =	vmax.f32 v16, v19;
	v11 =	vld.idx.msk [tilespmem:v11+s28+$0x0], $0xffff;
	(erf) = vpow2.f32 v12  }
0x172: {  	v16 =	vmul.f32 $1.442695020e+00, v16;
	v12 =	vld.idx.msk [tilespmem:v9+s28+$0x0], $0xffff  }
0x173: {  	v19 =	vld.idx.msk [tilespmem:v10+s28+$0x0], $0xffff  }
0x174: {  	v8 =	vld.idx.msk [tilespmem:v8+s28+$0x0], $0xffff;
	v24 =	vpop (erf);
	(erf) = vpow2.f32 v16  }
0x175: {  	v7 =	vld.idx.msk [tilespmem:v7+s28+$0x0], $0xffff;
	v15 =	vmul.f32 v24, v15  }
0x176: {  	[tilespmem:v4+s24+$0x0] =	vst.idx.msk $0xffff, v24;
	v4 =	vmul.f32 v24, v21  }
0x177: {  	[tilespmem:v6+s24+$0x0] =	vst.idx.msk $0xffff, v15;
	v6 =	vpop (erf)  }
0x178: {  	[tilespmem:v5+s24+$0x0] =	vst.idx.msk $0xffff, v4;
	v4 =	vmul.f32 v6, v12  }
0x179: {  	[tilespmem:v3+s24+$0x0] =	vst.idx.msk $0xffff, v6;
	v3 =	vmul.f32 v19, v6  }
0x17a: {  	v5 =	vmov s1;
	[tilespmem:v14+s24+$0x0] =	vst.idx.msk $0xffff, v4;
	v6 =	vpop (erf)  }
.Ltmp5:
0x17b: {  	v4 =	vshll.u32 v5, $0x4;
	[tilespmem:v18+s24+$0x0] =	vst.idx.msk $0xffff, v3;
	v7 =	vmul.f32 v7, v6;
	(pc) =	sbr.rel @p1 .LBB2_12-.Ltmp5, $4  }
0x17c: {  	v4 =	vor.u32 v2, v4;
	v12 =	vmul.f32 v8, v6;
	[tilespmem:v13+s24+$0x0] =	vst.idx.msk $0xffff, v6  }
0x17d: {  	v3 =	vor.u32 $0x1, v4;
	v6 =	vor.u32 $0x4, v4;
	v5 =	vor.u32 $0x5, v4;
	[tilespmem:v22+s24+$0x0] =	vst.idx.msk $0xffff, v7;
	v14 =	vpop (erf)  }
0x17e: {  	v8 =	vor.u32 $0xD, v4;
	v7 =	vor.u32 $0xC, v4;
	[tilespmem:v20+s24+$0x0] =	vst.idx.msk $0xffff, v12;
	v13 =	vmul.f32 v11, v14  }
0x17f: {  	v11 =	vor.u32 $0xE, v4;
	v12 =	vor.u32 $0xF, v4;
	[tilespmem:v17+s24+$0x0] =	vst.idx.msk $0xffff, v14;
	v14 =	vmul.f32 v23, v14  }
0x180: {  	_ =	sdelay $0x3  }
0x181: {  	[tilespmem:v9+s24+$0x0] =	vst.idx.msk $0xffff, v13  }
0x182: {  	[tilespmem:v10+s24+$0x0] =	vst.idx.msk $0xffff, v14  }
0x183: {  	v9 =	vld.idx.msk [tilespmem:v6+s30+$0x0], $0xffff  }
0x184: {  	v10 =	vld.idx.msk [tilespmem:v4+s28+$0x0], $0xffff;
	_ =	sdelay $0x1  }
0x185: {  	v13 =	vor.u32 $0x2, v4;
	v15 =	vld.idx.msk [tilespmem:v5+s30+$0x0], $0xffff  }
0x186: {  	v14 =	vor.u32 $0x6, v4;
	v16 =	vld.idx.msk [tilespmem:v3+s28+$0x0], $0xffff;
	_ =	sdelay $0x1  }
0x187: {  	v9 =	vadd.f32 v9, v10;
	_ =	sdelay $0x1  }
0x188: {  	v17 =	vor.u32 $0x3, v4;
	v19 =	vld.idx.msk [tilespmem:v13+s28+$0x0], $0xffff;
	v20 =	vmul.f32 $2.000000030e-01, v9  }
0x189: {  	v18 =	vor.u32 $0x7, v4;
	v10 =	vld.idx.msk [tilespmem:v14+s30+$0x0], $0xffff;
	v15 =	vadd.f32 v15, v16  }
0x18a: {  	v9 =	vmax.f32 v9, v20  }
0x18b: {  	v44 =	vmul.f32 $2.000000030e-01, v15;
	v9 =	vmul.f32 $1.442695020e+00, v9;
	_ =	sdelay $0x1  }
0x18c: {  	v22 =	vor.u32 $0x8, v4;
	v21 =	vld.idx.msk [tilespmem:v17+s28+$0x0], $0xffff;
	v15 =	vmax.f32 v15, v44;
	(erf) = vpow2.f32 v9  }
0x18d: {  	v45 =	vor.u32 $0x9, v4;
	v43 =	vld.idx.msk [tilespmem:v18+s30+$0x0], $0xffff;
	v10 =	vadd.f32 v10, v19;
	v9 =	vmul.f32 $1.442695020e+00, v15;
	_ =	sdelay $0x1  }
0x18e: {  	v46 =	vor.u32 $0xA, v4;
	v15 =	vmul.f32 $2.000000030e-01, v10;
	(erf) = vpow2.f32 v9  }
0x18f: {  	v12 =	vld.idx.msk [tilespmem:v12+s28+$0x0], $0xffff  }
0x190: {  	v10 =	vmax.f32 v10, v15;
	v9 =	vld.idx.msk [tilespmem:v22+s28+$0x0], $0xffff  }
0x191: {  	v47 =	vor.u32 $0xB, v4;
	v23 =	vld.idx.msk [tilespmem:v45+s28+$0x0], $0xffff;
	v16 =	vadd.f32 v43, v21;
	v10 =	vmul.f32 $1.442695020e+00, v10  }
0x192: {  	v11 =	vld.idx.msk [tilespmem:v11+s28+$0x0], $0xffff  }
0x193: {  	v15 =	vmul.f32 $2.000000030e-01, v16;
	(erf) = vpow2.f32 v10;
	v10 =	vld.idx.msk [tilespmem:v46+s28+$0x0], $0xffff  }
0x194: {  	v8 =	vld.idx.msk [tilespmem:v8+s28+$0x0], $0xffff;
	v24 =	vpop (erf)  }
0x195: {  	v7 =	vld.idx.msk [tilespmem:v7+s28+$0x0], $0xffff;
	v15 =	vmax.f32 v16, v15;
	v9 =	vmul.f32 v24, v9  }
0x196: {  	v48 =	vld.idx.msk [tilespmem:v47+s28+$0x0], $0xffff;
	v15 =	vmul.f32 $1.442695020e+00, v15;
	[tilespmem:v4+s24+$0x0] =	vst.idx.msk $0xffff, v24;
	v4 =	vmul.f32 v24, v23  }
0x197: {  	[tilespmem:v6+s24+$0x0] =	vst.idx.msk $0xffff, v9;
	v6 =	vpop (erf)  }
0x198: {  	(erf) = vpow2.f32 v15;
	[tilespmem:v5+s24+$0x0] =	vst.idx.msk $0xffff, v4;
	v4 =	vmul.f32 v6, v10;
	_ =	sdelay $0x2  }
0x199: {  	[tilespmem:v3+s24+$0x0] =	vst.idx.msk $0xffff, v6;
	v3 =	vmul.f32 v48, v6  }
0x19a: {  	[tilespmem:v14+s24+$0x0] =	vst.idx.msk $0xffff, v4;
	v4 =	vpop (erf)  }
0x19b: {  	[tilespmem:v18+s24+$0x0] =	vst.idx.msk $0xffff, v3;
	v3 =	vmul.f32 v7, v4  }
0x19c: {  	s1 =	smulhi.u32 $0x55555556, s16;
	_ =	sdelay $0x1  }
0x19d: {  	s1 =	smul.u32 $0x3, s1;
	[tilespmem:v13+s24+$0x0] =	vst.idx.msk $0xffff, v4;
	v4 =	vmul.f32 v8, v4  }
0x19e: {  	s31 =	sshll.u32 s12, $0xB;
	[tilespmem:v22+s24+$0x0] =	vst.idx.msk $0xffff, v3;
	v3 =	vpop (erf)  }
0x19f: {  	s2 =	sand.u32 $0x800, s31;
	s1 =	ssub.s32 s16, s1;
	[tilespmem:v45+s24+$0x0] =	vst.idx.msk $0xffff, v4;
	v4 =	vmul.f32 v11, v3  }
0x1a0: {  	s16 =	sshrl.u32 s2, $0x2;
	s1 =	sshll.u32 s1, $0xA;
	[tilespmem:v17+s24+$0x0] =	vst.idx.msk $0xffff, v3;
	v3 =	vmul.f32 v12, v3  }
0x1a1: {  	s1 =	sor.u32 s16, s1;
	[tilespmem:v46+s24+$0x0] =	vst.idx.msk $0xffff, v4  }
0x1a2: {  	s1 =	sadd.s32 $0xC00, s1;
	[tilespmem:v47+s24+$0x0] =	vst.idx.msk $0xffff, v3  }
0x1a3: {  	[spmem:s3] =	stream.indirect.scatter.add.f32 [tilespmem:s24], [sflag:$0x5], $0x10, s1, s29, $0xb8;
	[tilespmem:$0x1F7C0] =	vst v63  }
0x1a4: {  	s1 =	sadd.s32 $0x4, s15;
	_ =	swait.ge [sflag:s18], $0x800  }
0x1a5: {  	s31 =	sshrl.u32 s1, $0x3;
	[sflag:s18] =	ssyncset.done $0x0  }
0x1a6: {  	s2 =	smulhi.u32 $0x55555556, s31;
	[sflag:s18] =	ssyncadd.s32 $0xFFFFF800  }
0x1a7: {  	s0 =	simm.s32 $0x80;
	_ =	swait.ge [sflag:s18], $0x800  }
0x1a8: {  	v3 =	vmov s0;
	s2 =	smul.u32 $0x3, s2;
	[sflag:s18] =	ssyncset.done $0x0  }
0x1a9: {  	s7 =	simm.s32 @!p0 $0x6;
	v3 =	vshll.u32 v3, $0x4;
	[sflag:s18] =	ssyncadd.s32 $0xFFFFF800  }
0x1aa: {  	s1 =	sshll.u32 s1, $0x7;
	v3 =	vor.u32 v2, v3;
	s2 =	ssub.s32 s31, s2;
	_ =	swait.ge @!p0 [sflag:s7], $0x800  }
0x1ab: {  	s1 =	sand.u32 $0x200, s1;
	v4 =	vor.u32 $0x4, v3;
	s2 =	sshll.u32 s2, $0xA;
	[sflag:s7] =	ssyncset.done @!p0 $0x0  }
0x1ac: {  	s1 =	sor.u32 s1, s2;
	[sflag:s7] =	ssyncadd.s32 @!p0 $0xFFFFF800  }
0x1ad: {  	[tilespmem:s28], [sflag:$0x1] =	stream.indirect.gather [hbm4b:s11+s0], $0x10, s1, s0, $0xb8;
	[tilespmem:$0x1F7C0] =	vst v63  }
0x1ae: {  	v5 =	vor.u32 $0x5, v3;
	s1 =	sadd.s32 $0xC00, s1  }
0x1af: {  	v6 =	vor.u32 $0x1, v3;
	[tilespmem:s30], [sflag:$0x1] =	stream.indirect.gather [hbm4b:s11+s0], $0x10, s1, s0, $0xb8;
	[tilespmem:$0x1F7C0] =	vst v63  }
0x1b0: {  	v7 =	vld.idx.msk [tilespmem:v4+s30+$0x0], $0xffff  }
0x1b1: {  	v8 =	vld.idx.msk [tilespmem:v3+s28+$0x0], $0xffff;
	_ =	sdelay $0x1  }
0x1b2: {  	v11 =	vor.u32 $0x2, v3;
	v9 =	vld.idx.msk [tilespmem:v5+s30+$0x0], $0xffff  }
0x1b3: {  	v12 =	vor.u32 $0x6, v3;
	v10 =	vld.idx.msk [tilespmem:v6+s28+$0x0], $0xffff;
	_ =	sdelay $0x1  }
0x1b4: {  	v14 =	vor.u32 $0x3, v3;
	v7 =	vadd.f32 v7, v8  }
0x1b5: {  	v13 =	vor.u32 $0x7, v3  }
0x1b6: {  	v15 =	vld.idx.msk [tilespmem:v11+s28+$0x0], $0xffff;
	v49 =	vmul.f32 $2.000000030e-01, v7  }
0x1b7: {  	v8 =	vld.idx.msk [tilespmem:v12+s30+$0x0], $0xffff;
	v9 =	vadd.f32 v9, v10  }
0x1b8: {  	v7 =	vmax.f32 v7, v49  }
0x1b9: {  	v50 =	vld.idx.msk [tilespmem:v14+s28+$0x0], $0xffff;
	v52 =	vmul.f32 $2.000000030e-01, v9;
	v7 =	vmul.f32 $1.442695020e+00, v7  }
0x1ba: {  	v51 =	vor.u32 $0xF, v3;
	v10 =	vld.idx.msk [tilespmem:v13+s30+$0x0], $0xffff  }
0x1bb: {  	v53 =	vor.u32 $0x8, v3;
	v9 =	vmax.f32 v9, v52;
	(erf) = vpow2.f32 v7  }
0x1bc: {  	v8 =	vadd.f32 v8, v15;
	v15 =	vor.u32 $0x9, v3;
	v18 =	vmul.f32 $1.442695020e+00, v9  }
0x1bd: {  	v7 =	vor.u32 $0xE, v3  }
0x1be: {  	v9 =	vor.u32 $0xA, v3;
	v54 =	vmul.f32 $2.000000030e-01, v8;
	(erf) = vpow2.f32 v18  }
0x1bf: {  	v55 =	vor.u32 $0xD, v3;
	v16 =	vld.idx.msk [tilespmem:v51+s28+$0x0], $0xffff;
	v17 =	vadd.f32 v10, v50  }
0x1c0: {  	v56 =	vld.idx.msk [tilespmem:v53+s28+$0x0], $0xffff;
	v10 =	vor.u32 $0xB, v3;
	v8 =	vmax.f32 v8, v54  }
0x1c1: {  	v58 =	vor.u32 $0xC, v3;
	v57 =	vmul.f32 $2.000000030e-01, v17;
	v8 =	vmul.f32 $1.442695020e+00, v8;
	v59 =	vld.idx.msk [tilespmem:v15+s28+$0x0], $0xffff  }
0x1c2: {  	v60 =	vld.idx.msk [tilespmem:v7+s28+$0x0], $0xffff  }
0x1c3: {  	v7 =	vmax.f32 v17, v57;
	(erf) = vpow2.f32 v8;
	v8 =	vld.idx.msk [tilespmem:v9+s28+$0x0], $0xffff  }
0x1c4: {  	v18 =	vld.idx.msk [tilespmem:v55+s28+$0x0], $0xffff;
	v7 =	vmul.f32 $1.442695020e+00, v7;
	v62 =	vpop (erf)  }
0x1c5: {  	v61 =	vld.idx.msk [tilespmem:v10+s28+$0x0], $0xffff;
	v20 =	vmul.f32 v62, v56  }
0x1c6: {  	(erf) = vpow2.f32 v7;
	v7 =	vld.idx.msk [tilespmem:v58+s28+$0x0], $0xffff;
	[tilespmem:v3+s24+$0x0] =	vst.idx.msk $0xffff, v62;
	v3 =	vmul.f32 v62, v59  }
0x1c7: {  	[tilespmem:v4+s24+$0x0] =	vst.idx.msk $0xffff, v20;
	v4 =	vpop (erf)  }
0x1c8: {  	[tilespmem:v5+s24+$0x0] =	vst.idx.msk $0xffff, v3;
	v3 =	vmul.f32 v4, v8;
	_ =	sdelay $0x2  }
0x1c9: {  	s7 =	simm.s32 $0x90;
	[tilespmem:v6+s24+$0x0] =	vst.idx.msk $0xffff, v4;
	v4 =	vmul.f32 v61, v4  }
0x1ca: {  	v5 =	vmov s7;
	[tilespmem:v12+s24+$0x0] =	vst.idx.msk $0xffff, v3;
	v3 =	vpop (erf)  }
0x1cb: {  	v5 =	vshll.u32 v5, $0x4;
	[tilespmem:v13+s24+$0x0] =	vst.idx.msk $0xffff, v4;
	v7 =	vmul.f32 v7, v3  }
0x1cc: {  	v4 =	vor.u32 v2, v5;
	[tilespmem:v11+s24+$0x0] =	vst.idx.msk $0xffff, v3;
	v11 =	vmul.f32 v18, v3  }
0x1cd: {  	v6 =	vor.u32 $0x4, v4;
	v5 =	vor.u32 $0x5, v4;
	v8 =	vor.u32 $0xD, v4;
	v63 =	vpop (erf);
	[tilespmem:v53+s24+$0x0] =	vst.idx.msk $0xffff, v7  }
0x1ce: {  	v12 =	vor.u32 $0xF, v4;
	v3 =	vor.u32 $0x1, v4;
	v13 =	vmul.f32 v60, v63;
	[tilespmem:v15+s24+$0x0] =	vst.idx.msk $0xffff, v11  }
0x1cf: {  	s31 =	simm.s32 $0xA0;
	v7 =	vor.u32 $0xC, v4;
	v11 =	vor.u32 $0xE, v4;
	[tilespmem:v14+s24+$0x0] =	vst.idx.msk $0xffff, v63;
	v14 =	vmul.f32 v16, v63  }
.LBB2_14:
0x1d0: {  	p0 =	sne.s32 s31, $0xF0;
	[tilespmem:v9+s24+$0x0] =	vst.idx.msk $0xffff, v13;
	s1 =	smov.u32 s31;
	s31 =	sadd.s32 $0x10, s31  }
0x1d1: {  	[tilespmem:v10+s24+$0x0] =	vst.idx.msk $0xffff, v14  }
0x1d2: {  	v9 =	vld.idx.msk [tilespmem:v6+s30+$0x0], $0xffff  }
0x1d3: {  	v13 =	vor.u32 $0x2, v4;
	v14 =	vor.u32 $0x6, v4;
	v10 =	vld.idx.msk [tilespmem:v4+s28+$0x0], $0xffff  }
0x1d4: {  	v15 =	vld.idx.msk [tilespmem:v5+s30+$0x0], $0xffff  }
0x1d5: {  	v16 =	vld.idx.msk [tilespmem:v3+s28+$0x0], $0xffff  }
0x1d6: {  	v17 =	vor.u32 $0x3, v4;
	v18 =	vor.u32 $0x7, v4;
	_ =	sdelay $0x1  }
0x1d7: {  	v19 =	vld.idx.msk [tilespmem:v13+s28+$0x0], $0xffff  }
0x1d8: {  	v9 =	vadd.f32 v9, v10;
	v20 =	vld.idx.msk [tilespmem:v14+s30+$0x0], $0xffff;
	_ =	sdelay $0x1  }
0x1d9: {  	v21 =	vmul.f32 $2.000000030e-01, v9;
	v15 =	vadd.f32 v15, v16;
	v10 =	vld.idx.msk [tilespmem:v17+s28+$0x0], $0xffff  }
0x1da: {  	v16 =	vld.idx.msk [tilespmem:v18+s30+$0x0], $0xffff  }
0x1db: {  	v9 =	vmax.f32 v9, v21;
	v21 =	vmul.f32 $2.000000030e-01, v15  }
0x1dc: {  	v9 =	vmul.f32 $1.442695020e+00, v9  }
0x1dd: {  	v22 =	vor.u32 $0x8, v4;
	v15 =	vmax.f32 v15, v21;
	v19 =	vadd.f32 v20, v19  }
0x1de: {  	v20 =	vor.u32 $0x9, v4;
	v15 =	vmul.f32 $1.442695020e+00, v15;
	(erf) = vpow2.f32 v9  }
0x1df: {  	v21 =	vmul.f32 $2.000000030e-01, v19  }
0x1e0: {  	v9 =	vor.u32 $0xA, v4;
	v16 =	vadd.f32 v16, v10  }
0x1e1: {  	v10 =	vor.u32 $0xB, v4;
	v23 =	vld.idx.msk [tilespmem:v12+s28+$0x0], $0xffff;
	v12 =	vmax.f32 v19, v21;
	(erf) = vpow2.f32 v15  }
0x1e2: {  	v19 =	vmul.f32 $2.000000030e-01, v16;
	v15 =	vld.idx.msk [tilespmem:v22+s28+$0x0], $0xffff;
	v12 =	vmul.f32 $1.442695020e+00, v12  }
0x1e3: {  	v21 =	vld.idx.msk [tilespmem:v20+s28+$0x0], $0xffff  }
0x1e4: {  	v16 =	vmax.f32 v16, v19;
	v11 =	vld.idx.msk [tilespmem:v11+s28+$0x0], $0xffff;
	(erf) = vpow2.f32 v12  }
0x1e5: {  	v16 =	vmul.f32 $1.442695020e+00, v16;
	v12 =	vld.idx.msk [tilespmem:v9+s28+$0x0], $0xffff  }
0x1e6: {  	v19 =	vld.idx.msk [tilespmem:v10+s28+$0x0], $0xffff  }
0x1e7: {  	v8 =	vld.idx.msk [tilespmem:v8+s28+$0x0], $0xffff;
	v24 =	vpop (erf);
	(erf) = vpow2.f32 v16  }
0x1e8: {  	v7 =	vld.idx.msk [tilespmem:v7+s28+$0x0], $0xffff;
	v15 =	vmul.f32 v24, v15  }
0x1e9: {  	[tilespmem:v4+s24+$0x0] =	vst.idx.msk $0xffff, v24;
	v4 =	vmul.f32 v24, v21  }
0x1ea: {  	[tilespmem:v6+s24+$0x0] =	vst.idx.msk $0xffff, v15;
	v6 =	vpop (erf)  }
0x1eb: {  	[tilespmem:v5+s24+$0x0] =	vst.idx.msk $0xffff, v4;
	v4 =	vmul.f32 v6, v12  }
0x1ec: {  	[tilespmem:v3+s24+$0x0] =	vst.idx.msk $0xffff, v6;
	v3 =	vmul.f32 v19, v6  }
0x1ed: {  	v5 =	vmov s1;
	[tilespmem:v14+s24+$0x0] =	vst.idx.msk $0xffff, v4;
	v6 =	vpop (erf)  }
.Ltmp6:
0x1ee: {  	v4 =	vshll.u32 v5, $0x4;
	[tilespmem:v18+s24+$0x0] =	vst.idx.msk $0xffff, v3;
	v7 =	vmul.f32 v7, v6;
	(pc) =	sbr.rel @p0 .LBB2_14-.Ltmp6, $4  }
0x1ef: {  	v4 =	vor.u32 v2, v4;
	v12 =	vmul.f32 v8, v6;
	[tilespmem:v13+s24+$0x0] =	vst.idx.msk $0xffff, v6  }
0x1f0: {  	v3 =	vor.u32 $0x1, v4;
	v6 =	vor.u32 $0x4, v4;
	v5 =	vor.u32 $0x5, v4;
	[tilespmem:v22+s24+$0x0] =	vst.idx.msk $0xffff, v7;
	v14 =	vpop (erf)  }
0x1f1: {  	v8 =	vor.u32 $0xD, v4;
	v7 =	vor.u32 $0xC, v4;
	[tilespmem:v20+s24+$0x0] =	vst.idx.msk $0xffff, v12;
	v13 =	vmul.f32 v11, v14  }
0x1f2: {  	v11 =	vor.u32 $0xE, v4;
	v12 =	vor.u32 $0xF, v4;
	[tilespmem:v17+s24+$0x0] =	vst.idx.msk $0xffff, v14;
	v14 =	vmul.f32 v23, v14  }
0x1f3: {  	_ =	sdelay $0x3  }
0x1f4: {  	[tilespmem:v9+s24+$0x0] =	vst.idx.msk $0xffff, v13  }
0x1f5: {  	[tilespmem:v10+s24+$0x0] =	vst.idx.msk $0xffff, v14  }
0x1f6: {  	v9 =	vld.idx.msk [tilespmem:v6+s30+$0x0], $0xffff  }
0x1f7: {  	v10 =	vld.idx.msk [tilespmem:v4+s28+$0x0], $0xffff;
	_ =	sdelay $0x1  }
0x1f8: {  	v13 =	vor.u32 $0x2, v4;
	v15 =	vld.idx.msk [tilespmem:v5+s30+$0x0], $0xffff  }
0x1f9: {  	v14 =	vor.u32 $0x6, v4;
	v16 =	vld.idx.msk [tilespmem:v3+s28+$0x0], $0xffff;
	_ =	sdelay $0x1  }
0x1fa: {  	v9 =	vadd.f32 v9, v10;
	_ =	sdelay $0x1  }
0x1fb: {  	v17 =	vor.u32 $0x3, v4;
	v19 =	vld.idx.msk [tilespmem:v13+s28+$0x0], $0xffff;
	v20 =	vmul.f32 $2.000000030e-01, v9  }
0x1fc: {  	v18 =	vor.u32 $0x7, v4;
	v10 =	vld.idx.msk [tilespmem:v14+s30+$0x0], $0xffff;
	v15 =	vadd.f32 v15, v16  }
0x1fd: {  	v9 =	vmax.f32 v9, v20  }
0x1fe: {  	v59 =	vmul.f32 $2.000000030e-01, v15;
	v9 =	vmul.f32 $1.442695020e+00, v9;
	_ =	sdelay $0x1  }
0x1ff: {  	v22 =	vor.u32 $0x8, v4;
	v21 =	vld.idx.msk [tilespmem:v17+s28+$0x0], $0xffff;
	v15 =	vmax.f32 v15, v59;
	(erf) = vpow2.f32 v9  }
0x200: {  	v16 =	vld.idx.msk [tilespmem:v18+s30+$0x0], $0xffff;
	v10 =	vadd.f32 v10, v19;
	v19 =	vor.u32 $0x9, v4;
	v9 =	vmul.f32 $1.442695020e+00, v15;
	_ =	sdelay $0x1  }
0x201: {  	v60 =	vor.u32 $0xA, v4;
	v15 =	vmul.f32 $2.000000030e-01, v10;
	(erf) = vpow2.f32 v9  }
0x202: {  	v12 =	vld.idx.msk [tilespmem:v12+s28+$0x0], $0xffff  }
0x203: {  	v10 =	vmax.f32 v10, v15;
	v9 =	vld.idx.msk [tilespmem:v22+s28+$0x0], $0xffff  }
0x204: {  	v61 =	vor.u32 $0xB, v4;
	v16 =	vadd.f32 v16, v21;
	v10 =	vmul.f32 $1.442695020e+00, v10;
	v23 =	vld.idx.msk [tilespmem:v19+s28+$0x0], $0xffff  }
0x205: {  	v11 =	vld.idx.msk [tilespmem:v11+s28+$0x0], $0xffff  }
0x206: {  	v15 =	vmul.f32 $2.000000030e-01, v16;
	(erf) = vpow2.f32 v10;
	v10 =	vld.idx.msk [tilespmem:v60+s28+$0x0], $0xffff  }
0x207: {  	v8 =	vld.idx.msk [tilespmem:v8+s28+$0x0], $0xffff;
	v24 =	vpop (erf)  }
0x208: {  	v7 =	vld.idx.msk [tilespmem:v7+s28+$0x0], $0xffff;
	v15 =	vmax.f32 v16, v15;
	v9 =	vmul.f32 v24, v9  }
0x209: {  	v16 =	vld.idx.msk [tilespmem:v61+s28+$0x0], $0xffff;
	v15 =	vmul.f32 $1.442695020e+00, v15;
	[tilespmem:v4+s24+$0x0] =	vst.idx.msk $0xffff, v24;
	v4 =	vmul.f32 v24, v23  }
0x20a: {  	[tilespmem:v6+s24+$0x0] =	vst.idx.msk $0xffff, v9;
	v6 =	vpop (erf)  }
0x20b: {  	(erf) = vpow2.f32 v15;
	[tilespmem:v5+s24+$0x0] =	vst.idx.msk $0xffff, v4;
	v4 =	vmul.f32 v6, v10;
	_ =	sdelay $0x2  }
0x20c: {  	[tilespmem:v3+s24+$0x0] =	vst.idx.msk $0xffff, v6;
	v3 =	vmul.f32 v16, v6  }
0x20d: {  	[tilespmem:v14+s24+$0x0] =	vst.idx.msk $0xffff, v4;
	v4 =	vpop (erf)  }
0x20e: {  	[tilespmem:v18+s24+$0x0] =	vst.idx.msk $0xffff, v3;
	v3 =	vmul.f32 v7, v4;
	_ =	sdelay $0x2  }
0x20f: {  	[tilespmem:v13+s24+$0x0] =	vst.idx.msk $0xffff, v4;
	v4 =	vmul.f32 v8, v4  }
0x210: {  	[tilespmem:v22+s24+$0x0] =	vst.idx.msk $0xffff, v3;
	v3 =	vpop (erf)  }
0x211: {  	s0 =	sshll.u32 s13, $0xC;
	[tilespmem:v19+s24+$0x0] =	vst.idx.msk $0xffff, v4;
	v4 =	vmul.f32 v11, v3  }
0x212: {  	s0 =	sshra.s32 s0, $0x2;
	[tilespmem:v17+s24+$0x0] =	vst.idx.msk $0xffff, v3;
	v3 =	vmul.f32 v12, v3  }
0x213: {  	s13 =	sor.u32 s16, s0;
	[tilespmem:v60+s24+$0x0] =	vst.idx.msk $0xffff, v4  }
0x214: {  	s0 =	sadd.s32 $0xC80, s13;
	[tilespmem:v61+s24+$0x0] =	vst.idx.msk $0xffff, v3  }
0x215: {  	[spmem:s3] =	stream.indirect.scatter.add.f32 [tilespmem:s19], [sflag:$0x6], $0x10, s0, s29, $0xb8;
	[tilespmem:$0x1F7C0] =	vst v63  }
0x216: {  	s0 =	sadd.s32 $0x5, s15  }
0x217: {  	s1 =	sshrl.u32 s0, $0x3;
	s2 =	sshra.s32 s0, $0x1F  }
0x218: {  	s1 =	sadd.s32 s2, s1  }
0x219: {  	s2 =	smulhi.u32 $0x55555556, s1;
	s7 =	sshra.s32 s1, $0x1F  }
0x21a: {  	s7 =	smul.u32 $0x55555556, s7  }
0x21b: {  	_ =	swait.ge [sflag:s20], $0x800  }
0x21c: {  	[sflag:s20] =	ssyncset.done $0x0;
	s2 =	sadd.s32 s7, s2  }
0x21d: {  	[sflag:s20] =	ssyncadd.s32 $0xFFFFF800;
	s7 =	sshrl.u32 s2, $0x1F  }
0x21e: {  	_ =	swait.ge [sflag:s20], $0x800;
	s2 =	sadd.s32 s7, s2  }
0x21f: {  	s16 =	simm.s32 $0x100;
	[sflag:s20] =	ssyncset.done $0x0;
	s2 =	smul.u32 $0x3, s2  }
0x220: {  	v3 =	vmov s16;
	[sflag:s20] =	ssyncadd.s32 $0xFFFFF800  }
0x221: {  	v3 =	vshll.u32 v3, $0x4;
	s0 =	sshll.u32 s0, $0x7;
	_ =	swait.ge [sflag:s21], $0x800;
	s1 =	ssub.s32 s1, s2  }
0x222: {  	v3 =	vor.u32 v2, v3;
	s0 =	sand.u32 $0x280, s0;
	[sflag:s21] =	ssyncset.done $0x0;
	s1 =	sshll.u32 s1, $0xA  }
0x223: {  	s16 =	simm.s32 $0x2000;
	v4 =	vor.u32 $0x4, v3;
	[sflag:s21] =	ssyncadd.s32 $0xFFFFF800;
	s0 =	sor.u32 s0, s1  }
0x224: {  	v5 =	vor.u32 $0x1, v3;
	[tilespmem:s16], [sflag:$0x2] =	stream.indirect.gather [hbm4b:s11+s29], $0x10, s0, s29, $0xb8;
	[tilespmem:$0x1F7C0] =	vst v63  }
0x225: {  	v6 =	vor.u32 $0x5, v3;
	s2 =	simm.s32 $0x4000;
	s0 =	sadd.s32 $0xC00, s0  }
0x226: {  	[tilespmem:s2], [sflag:$0x2] =	stream.indirect.gather [hbm4b:s11+s29], $0x10, s0, s29, $0xb8;
	[tilespmem:$0x1F7C0] =	vst v63  }
0x227: {  	v7 =	vld.idx.msk [tilespmem:v3+s28+$0x0], $0xffff  }
0x228: {  	v8 =	vor.u32 $0x6, v3;
	v4 =	vld.idx.msk [tilespmem:v4+s30+$0x0], $0xffff  }
0x229: {  	v9 =	vor.u32 $0x2, v3;
	v5 =	vld.idx.msk [tilespmem:v5+s28+$0x0], $0xffff  }
0x22a: {  	v6 =	vld.idx.msk [tilespmem:v6+s30+$0x0], $0xffff  }
0x22b: {  	v10 =	vor.u32 $0x7, v3  }
0x22c: {  	v11 =	vor.u32 $0x3, v3  }
0x22d: {  	v8 =	vld.idx.msk [tilespmem:v8+s30+$0x0], $0xffff;
	v4 =	vadd.f32 v4, v7  }
0x22e: {  	v7 =	vld.idx.msk [tilespmem:v9+s28+$0x0], $0xffff  }
0x22f: {  	v5 =	vadd.f32 v6, v5;
	v9 =	vmul.f32 $2.000000030e-01, v4  }
0x230: {  	v6 =	vld.idx.msk [tilespmem:v10+s30+$0x0], $0xffff  }
0x231: {  	v10 =	vmul.f32 $2.000000030e-01, v5;
	v4 =	vmax.f32 v4, v9;
	v9 =	vld.idx.msk [tilespmem:v11+s28+$0x0], $0xffff  }
0x232: {  	v11 =	vor.u32 $0xF, v3;
	v4 =	vmul.f32 $1.442695020e+00, v4  }
0x233: {  	v5 =	vmax.f32 v5, v10;
	v7 =	vadd.f32 v8, v7  }
0x234: {  	v8 =	vor.u32 $0x8, v3;
	(erf) = vpow2.f32 v4;
	v4 =	vmul.f32 $1.442695020e+00, v5  }
0x235: {  	v10 =	vor.u32 $0x9, v3;
	v12 =	vmul.f32 $2.000000030e-01, v7  }
0x236: {  	v13 =	vor.u32 $0xA, v3;
	s7 =	simm.s32 $0x0;
	v6 =	vadd.f32 v6, v9;
	(erf) = vpow2.f32 v4  }
0x237: {  	v9 =	vor.u32 $0xB, v3;
	v4 =	vld.idx.msk [tilespmem:v11+s28+$0x0], $0xffff;
	v11 =	vmov s7;
	v7 =	vmax.f32 v7, v12  }
0x238: {  	v12 =	vor.u32 $0xD, v3;
	v7 =	vmul.f32 $1.442695020e+00, v7;
	v14 =	vmul.f32 $2.000000030e-01, v6  }
0x239: {  	v5 =	vor.u32 $0xE, v3;
	v3 =	vor.u32 $0xC, v3;
	v8 =	vld.idx.msk [tilespmem:v8+s28+$0x0], $0xffff;
	v11 =	vshll.u32 v11, $0x4  }
0x23a: {  	v10 =	vld.idx.msk [tilespmem:v10+s28+$0x0], $0xffff;
	v15 =	vor.u32 v2, v11;
	(erf) = vpow2.f32 v7;
	v6 =	vmax.f32 v6, v14  }
0x23b: {  	v11 =	vld.idx.msk [tilespmem:v13+s28+$0x0], $0xffff;
	v7 =	vor.u32 $0x4, v15;
	v6 =	vmul.f32 $1.442695020e+00, v6  }
0x23c: {  	v13 =	vor.u32 $0x5, v15;
	v9 =	vld.idx.msk [tilespmem:v9+s28+$0x0], $0xffff  }
0x23d: {  	v16 =	vld.idx.msk [tilespmem:v12+s28+$0x0], $0xffff;
	v12 =	vor.u32 $0x1, v15;
	v14 =	vpop (erf);
	(erf) = vpow2.f32 v6  }
0x23e: {  	v17 =	vld.idx.msk [tilespmem:v3+s28+$0x0], $0xffff;
	v3 =	vmul.f32 v14, v8;
	v8 =	vor.u32 $0x6, v15  }
0x23f: {  	s16 =	simm.s32 $0x110;
	v5 =	vld.idx.msk [tilespmem:v5+s28+$0x0], $0xffff;
	v18 =	vor.u32 $0x7, v15;
	[tilespmem:v15+s24+$0x0] =	vst.idx.msk $0xffff, v14;
	v10 =	vmul.f32 v14, v10  }
0x240: {  	v19 =	vmov s16;
	v62 =	vor.u32 $0x2, v15;
	v6 =	vor.u32 $0xA, v15;
	v14 =	vpop (erf);
	[tilespmem:v7+s24+$0x0] =	vst.idx.msk $0xffff, v3  }
0x241: {  	v3 =	vshll.u32 v19, $0x4;
	[tilespmem:v13+s24+$0x0] =	vst.idx.msk $0xffff, v10;
	v10 =	vmul.f32 v14, v11;
	v13 =	vor.u32 $0x8, v15  }
0x242: {  	v19 =	vmul.f32 v9, v14;
	v3 =	vor.u32 v2, v3;
	[tilespmem:v12+s24+$0x0] =	vst.idx.msk $0xffff, v14;
	v14 =	vor.u32 $0x9, v15  }
0x243: {  	v7 =	vor.u32 $0x3, v15;
	v9 =	vor.u32 $0x1, v3;
	v12 =	vor.u32 $0x4, v3;
	v63 =	vpop (erf);
	[tilespmem:v8+s24+$0x0] =	vst.idx.msk $0xffff, v10  }
0x244: {  	v11 =	vor.u32 $0x6, v3;
	v15 =	vor.u32 $0xB, v15;
	v17 =	vmul.f32 v17, v63;
	[tilespmem:v18+s24+$0x0] =	vst.idx.msk $0xffff, v19  }
0x245: {  	s31 =	simm.s32 $0x20;
	s13 =	sadd.s32 $0xC00, s13;
	s16 =	simm.s32 $0x10;
	v10 =	vor.u32 $0x5, v3;
	v8 =	vor.u32 $0x2, v3;
	v16 =	vmul.f32 v16, v63;
	[tilespmem:v62+s24+$0x0] =	vst.idx.msk $0xffff, v63  }
.LBB2_16:
0x246: {  	p0 =	sne.s32 s31, $0x70;
	[tilespmem:v13+s24+$0x0] =	vst.idx.msk $0xffff, v17;
	v13 =	vpop (erf);
	s0 =	smov.u32 s31;
	s31 =	sadd.s32 $0x10, s31  }
0x247: {  	[tilespmem:v14+s24+$0x0] =	vst.idx.msk $0xffff, v16;
	v5 =	vmul.f32 v5, v13  }
0x248: {  	v4 =	vmul.f32 v4, v13;
	[tilespmem:v7+s24+$0x0] =	vst.idx.msk $0xffff, v13  }
0x249: {  	[tilespmem:v6+s24+$0x0] =	vst.idx.msk $0xffff, v5  }
0x24a: {  	[tilespmem:v15+s24+$0x0] =	vst.idx.msk $0xffff, v4  }
0x24b: {  	v4 =	vld.idx.msk [tilespmem:v3+s28+$0x0], $0xffff  }
0x24c: {  	v5 =	vld.idx.msk [tilespmem:v12+s30+$0x0], $0xffff  }
0x24d: {  	v6 =	vld.idx.msk [tilespmem:v9+s28+$0x0], $0xffff  }
0x24e: {  	v7 =	vld.idx.msk [tilespmem:v10+s30+$0x0], $0xffff  }
0x24f: {  	v9 =	vor.u32 $0x7, v3  }
0x250: {  	v10 =	vor.u32 $0x3, v3;
	v11 =	vld.idx.msk [tilespmem:v11+s30+$0x0], $0xffff  }
0x251: {  	v8 =	vld.idx.msk [tilespmem:v8+s28+$0x0], $0xffff  }
0x252: {  	v4 =	vadd.f32 v5, v4;
	_ =	sdelay $0x1  }
0x253: {  	v6 =	vadd.f32 v7, v6;
	v5 =	vld.idx.msk [tilespmem:v9+s30+$0x0], $0xffff;
	v9 =	vmul.f32 $2.000000030e-01, v4  }
0x254: {  	v7 =	vld.idx.msk [tilespmem:v10+s28+$0x0], $0xffff  }
0x255: {  	v4 =	vmax.f32 v4, v9;
	v9 =	vmul.f32 $2.000000030e-01, v6  }
0x256: {  	v10 =	vor.u32 $0xF, v3;
	v8 =	vadd.f32 v11, v8;
	v4 =	vmul.f32 $1.442695020e+00, v4  }
0x257: {  	v11 =	vor.u32 $0x8, v3;
	v6 =	vmax.f32 v6, v9  }
0x258: {  	v9 =	vor.u32 $0x9, v3;
	v6 =	vmul.f32 $1.442695020e+00, v6;
	(erf) = vpow2.f32 v4  }
0x259: {  	v12 =	vor.u32 $0xE, v3;
	v13 =	vmul.f32 $2.000000030e-01, v8  }
0x25a: {  	v14 =	vor.u32 $0xA, v3;
	v7 =	vadd.f32 v5, v7;
	(erf) = vpow2.f32 v6  }
0x25b: {  	v5 =	vmov s16;
	v8 =	vmax.f32 v8, v13;
	s16 =	smov.u32 s0;
	v6 =	vor.u32 $0xB, v3;
	v4 =	vld.idx.msk [tilespmem:v10+s28+$0x0], $0xffff  }
0x25c: {  	v8 =	vmul.f32 $1.442695020e+00, v8;
	v13 =	vmul.f32 $2.000000030e-01, v7;
	v10 =	vld.idx.msk [tilespmem:v11+s28+$0x0], $0xffff;
	v11 =	vor.u32 $0xD, v3  }
0x25d: {  	v15 =	vshll.u32 v5, $0x4;
	v3 =	vor.u32 $0xC, v3;
	v9 =	vld.idx.msk [tilespmem:v9+s28+$0x0], $0xffff  }
0x25e: {  	v15 =	vor.u32 v2, v15;
	v7 =	vmax.f32 v7, v13;
	v5 =	vld.idx.msk [tilespmem:v12+s28+$0x0], $0xffff;
	(erf) = vpow2.f32 v8  }
0x25f: {  	v12 =	vor.u32 $0x4, v15;
	v7 =	vmul.f32 $1.442695020e+00, v7;
	v8 =	vld.idx.msk [tilespmem:v14+s28+$0x0], $0xffff  }
0x260: {  	v13 =	vor.u32 $0x5, v15;
	v14 =	vld.idx.msk [tilespmem:v6+s28+$0x0], $0xffff  }
0x261: {  	v16 =	vld.idx.msk [tilespmem:v11+s28+$0x0], $0xffff;
	v11 =	vor.u32 $0x1, v15;
	v6 =	vpop (erf);
	(erf) = vpow2.f32 v7  }
0x262: {  	v18 =	vor.u32 $0x6, v15;
	v17 =	vld.idx.msk [tilespmem:v3+s28+$0x0], $0xffff;
	v3 =	vmul.f32 v6, v10  }
0x263: {  	s0 =	sadd.s32 $0x100, s16;
	v19 =	vor.u32 $0x7, v15;
	v9 =	vmul.f32 v6, v9;
	[tilespmem:v15+s24+$0x0] =	vst.idx.msk $0xffff, v6;
	v6 =	vor.u32 $0xA, v15;
	v10 =	vpop (erf)  }
0x264: {  	v20 =	vmov s0;
	v21 =	vor.u32 $0x2, v15;
	v7 =	vor.u32 $0x3, v15;
	[tilespmem:v12+s24+$0x0] =	vst.idx.msk $0xffff, v3  }
.Ltmp7:
0x265: {  	v3 =	vshll.u32 v20, $0x4;
	v8 =	vmul.f32 v10, v8;
	[tilespmem:v13+s24+$0x0] =	vst.idx.msk $0xffff, v9;
	v13 =	vor.u32 $0x8, v15;
	(pc) =	sbr.rel @p0 .LBB2_16-.Ltmp7, $4  }
0x266: {  	v3 =	vor.u32 v2, v3;
	v20 =	vmul.f32 v14, v10;
	v14 =	vor.u32 $0x9, v15;
	[tilespmem:v11+s24+$0x0] =	vst.idx.msk $0xffff, v10  }
0x267: {  	v9 =	vor.u32 $0x1, v3;
	v12 =	vor.u32 $0x4, v3;
	v10 =	vor.u32 $0x5, v3;
	[tilespmem:v18+s24+$0x0] =	vst.idx.msk $0xffff, v8;
	v18 =	vpop (erf)  }
0x268: {  	v11 =	vor.u32 $0x6, v3;
	v8 =	vor.u32 $0x2, v3;
	[tilespmem:v19+s24+$0x0] =	vst.idx.msk $0xffff, v20;
	v17 =	vmul.f32 v17, v18  }
0x269: {  	v15 =	vor.u32 $0xB, v15;
	v16 =	vmul.f32 v16, v18;
	[tilespmem:v21+s24+$0x0] =	vst.idx.msk $0xffff, v18  }
0x26a: {  	_ =	sdelay $0x3  }
0x26b: {  	[tilespmem:v13+s24+$0x0] =	vst.idx.msk $0xffff, v17;
	v13 =	vpop (erf)  }
0x26c: {  	[tilespmem:v14+s24+$0x0] =	vst.idx.msk $0xffff, v16;
	v5 =	vmul.f32 v5, v13  }
0x26d: {  	v4 =	vmul.f32 v4, v13;
	[tilespmem:v7+s24+$0x0] =	vst.idx.msk $0xffff, v13  }
0x26e: {  	[tilespmem:v6+s24+$0x0] =	vst.idx.msk $0xffff, v5  }
0x26f: {  	[tilespmem:v15+s24+$0x0] =	vst.idx.msk $0xffff, v4  }
0x270: {  	v4 =	vld.idx.msk [tilespmem:v3+s28+$0x0], $0xffff  }
0x271: {  	v5 =	vld.idx.msk [tilespmem:v12+s30+$0x0], $0xffff  }
0x272: {  	v6 =	vld.idx.msk [tilespmem:v9+s28+$0x0], $0xffff  }
0x273: {  	v7 =	vld.idx.msk [tilespmem:v10+s30+$0x0], $0xffff;
	_ =	sdelay $0x2  }
0x274: {  	v9 =	vor.u32 $0x7, v3;
	v4 =	vadd.f32 v5, v4  }
0x275: {  	v10 =	vor.u32 $0x3, v3;
	v11 =	vld.idx.msk [tilespmem:v11+s30+$0x0], $0xffff  }
0x276: {  	v5 =	vld.idx.msk [tilespmem:v8+s28+$0x0], $0xffff;
	v6 =	vadd.f32 v7, v6;
	v8 =	vmul.f32 $2.000000030e-01, v4;
	_ =	sdelay $0x1  }
0x277: {  	v4 =	vmax.f32 v4, v8;
	v8 =	vmul.f32 $2.000000030e-01, v6  }
0x278: {  	v7 =	vld.idx.msk [tilespmem:v9+s30+$0x0], $0xffff  }
0x279: {  	v9 =	vld.idx.msk [tilespmem:v10+s28+$0x0], $0xffff;
	v4 =	vmul.f32 $1.442695020e+00, v4;
	v6 =	vmax.f32 v6, v8  }
0x27a: {  	v5 =	vadd.f32 v11, v5;
	v11 =	vor.u32 $0x8, v3;
	v6 =	vmul.f32 $1.442695020e+00, v6  }
0x27b: {  	v8 =	vor.u32 $0x9, v3;
	(erf) = vpow2.f32 v4  }
0x27c: {  	v13 =	vor.u32 $0xA, v3;
	v12 =	vmul.f32 $2.000000030e-01, v5;
	(erf) = vpow2.f32 v6  }
0x27d: {  	v10 =	vor.u32 $0xF, v3  }
0x27e: {  	v7 =	vadd.f32 v7, v9;
	v9 =	vor.u32 $0xB, v3;
	v5 =	vmax.f32 v5, v12  }
0x27f: {  	v4 =	vor.u32 $0xE, v3;
	v6 =	vmov s16;
	v11 =	vld.idx.msk [tilespmem:v11+s28+$0x0], $0xffff;
	v5 =	vmul.f32 $1.442695020e+00, v5  }
0x280: {  	v14 =	vmul.f32 $2.000000030e-01, v7;
	v12 =	vor.u32 $0xD, v3;
	v6 =	vshll.u32 v6, $0x4;
	v8 =	vld.idx.msk [tilespmem:v8+s28+$0x0], $0xffff  }
0x281: {  	v3 =	vor.u32 $0xC, v3;
	v6 =	vor.u32 v2, v6;
	(erf) = vpow2.f32 v5;
	v5 =	vld.idx.msk [tilespmem:v13+s28+$0x0], $0xffff  }
0x282: {  	v10 =	vld.idx.msk [tilespmem:v10+s28+$0x0], $0xffff;
	v7 =	vmax.f32 v7, v14;
	v13 =	vor.u32 $0x4, v6  }
0x283: {  	v7 =	vmul.f32 $1.442695020e+00, v7;
	v9 =	vld.idx.msk [tilespmem:v9+s28+$0x0], $0xffff;
	v14 =	vor.u32 $0x5, v6  }
0x284: {  	v4 =	vld.idx.msk [tilespmem:v4+s28+$0x0], $0xffff;
	v15 =	vor.u32 $0x1, v6;
	v16 =	vpop (erf)  }
0x285: {  	v12 =	vld.idx.msk [tilespmem:v12+s28+$0x0], $0xffff;
	(erf) = vpow2.f32 v7;
	v7 =	vmul.f32 v16, v11;
	v11 =	vor.u32 $0x6, v6;
	v17 =	vpop (erf)  }
0x286: {  	v3 =	vld.idx.msk [tilespmem:v3+s28+$0x0], $0xffff;
	[tilespmem:v6+s24+$0x0] =	vst.idx.msk $0xffff, v16;
	v8 =	vmul.f32 v16, v8;
	v5 =	vmul.f32 v17, v5  }
0x287: {  	[tilespmem:v13+s24+$0x0] =	vst.idx.msk $0xffff, v7  }
0x288: {  	v16 =	vor.u32 $0x7, v6;
	[tilespmem:v14+s24+$0x0] =	vst.idx.msk $0xffff, v8  }
0x289: {  	v7 =	vor.u32 $0x2, v6;
	[tilespmem:v15+s24+$0x0] =	vst.idx.msk $0xffff, v17  }
0x28a: {  	v8 =	vor.u32 $0x8, v6;
	[tilespmem:v11+s24+$0x0] =	vst.idx.msk $0xffff, v5;
	v5 =	vpop (erf)  }
0x28b: {  	v9 =	vmul.f32 v9, v17;
	v13 =	vor.u32 $0x9, v6;
	v3 =	vmul.f32 v3, v5  }
0x28c: {  	v14 =	vor.u32 $0x3, v6  }
0x28d: {  	v11 =	vor.u32 $0xA, v6;
	[tilespmem:v16+s24+$0x0] =	vst.idx.msk $0xffff, v9  }
0x28e: {  	v6 =	vor.u32 $0xB, v6;
	[tilespmem:v7+s24+$0x0] =	vst.idx.msk $0xffff, v5;
	v5 =	vmul.f32 v12, v5  }
0x28f: {  	s15 =	sadd.s32 $0x6, s15;
	[tilespmem:v8+s24+$0x0] =	vst.idx.msk $0xffff, v3;
	v3 =	vpop (erf)  }
0x290: {  	s2 =	sshrl.u32 s15, $0x3;
	s7 =	sshra.s32 s15, $0x1F;
	[tilespmem:v13+s24+$0x0] =	vst.idx.msk $0xffff, v5;
	v4 =	vmul.f32 v4, v3  }
0x291: {  	s2 =	sadd.s32 s7, s2;
	[tilespmem:v14+s24+$0x0] =	vst.idx.msk $0xffff, v3;
	v3 =	vmul.f32 v10, v3  }
0x292: {  	s7 =	smulhi.u32 $0x55555556, s2;
	s16 =	sshra.s32 s2, $0x1F;
	[tilespmem:v11+s24+$0x0] =	vst.idx.msk $0xffff, v4  }
0x293: {  	s0 =	sadd.s32 $0x100, s13;
	s1 =	simm.s32 $0x80;
	s13 =	smul.u32 $0x55555556, s16;
	[tilespmem:v6+s24+$0x0] =	vst.idx.msk $0xffff, v3  }
0x294: {  	[spmem:s3] =	stream.indirect.scatter.add.f32 [tilespmem:s24], [sflag:$0x5], $0x10, s0, s1, $0xb8;
	[tilespmem:$0x1F7C0] =	vst v63  }
0x295: {  	_ =	swait.ge [sflag:s22], $0x800  }
0x296: {  	s7 =	sadd.s32 s13, s7;
	[sflag:s22] =	ssyncset.done $0x0  }
0x297: {  	s13 =	sshrl.u32 s7, $0x1F;
	[sflag:s22] =	ssyncadd.s32 $0xFFFFF800  }
0x298: {  	s7 =	sadd.s32 s13, s7;
	_ =	swait.ge [sflag:s22], $0x800  }
0x299: {  	s31 =	simm.s32 $0x180;
	s7 =	smul.u32 $0x3, s7;
	[sflag:s22] =	ssyncset.done $0x0  }
0x29a: {  	v3 =	vmov s31;
	[sflag:s22] =	ssyncadd.s32 $0xFFFFF800  }
0x29b: {  	s2 =	ssub.s32 s2, s7;
	s0 =	sshll.u32 s15, $0x7;
	v3 =	vshll.u32 v3, $0x4;
	_ =	swait.ge [sflag:s23], $0x800  }
0x29c: {  	s2 =	sshll.u32 s2, $0xA;
	s0 =	sand.u32 $0x300, s0;
	v3 =	vor.u32 v2, v3;
	[sflag:s23] =	ssyncset.done $0x0  }
0x29d: {  	s15 =	simm.s32 $0x2800;
	s0 =	sor.u32 s0, s2;
	v4 =	vor.u32 $0x4, v3;
	[sflag:s23] =	ssyncadd.s32 $0xFFFFF800  }
0x29e: {  	v5 =	vor.u32 $0x1, v3;
	[tilespmem:s15], [sflag:$0x3] =	stream.indirect.gather [hbm4b:s11+s1], $0x10, s0, s1, $0xb8;
	[tilespmem:$0x1F7C0] =	vst v63  }
0x29f: {  	s16 =	simm.s32 $0x4800;
	v6 =	vor.u32 $0x5, v3;
	s0 =	sadd.s32 $0xC00, s0  }
0x2a0: {  	[tilespmem:s16], [sflag:$0x3] =	stream.indirect.gather [hbm4b:s11+s1], $0x10, s0, s1, $0xb8;
	[tilespmem:$0x1F7C0] =	vst v63  }
0x2a1: {  	v7 =	vld.idx.msk [tilespmem:v3+s28+$0x0], $0xffff  }
0x2a2: {  	v8 =	vor.u32 $0x6, v3;
	v4 =	vld.idx.msk [tilespmem:v4+s30+$0x0], $0xffff  }
0x2a3: {  	v9 =	vor.u32 $0x2, v3;
	v5 =	vld.idx.msk [tilespmem:v5+s28+$0x0], $0xffff  }
0x2a4: {  	v6 =	vld.idx.msk [tilespmem:v6+s30+$0x0], $0xffff  }
0x2a5: {  	v10 =	vor.u32 $0x7, v3  }
0x2a6: {  	v11 =	vor.u32 $0x3, v3  }
0x2a7: {  	v8 =	vld.idx.msk [tilespmem:v8+s30+$0x0], $0xffff;
	v4 =	vadd.f32 v4, v7  }
0x2a8: {  	v7 =	vld.idx.msk [tilespmem:v9+s28+$0x0], $0xffff  }
0x2a9: {  	v5 =	vadd.f32 v6, v5;
	v9 =	vmul.f32 $2.000000030e-01, v4  }
0x2aa: {  	v6 =	vld.idx.msk [tilespmem:v10+s30+$0x0], $0xffff  }
0x2ab: {  	v10 =	vmul.f32 $2.000000030e-01, v5;
	v4 =	vmax.f32 v4, v9;
	v9 =	vld.idx.msk [tilespmem:v11+s28+$0x0], $0xffff  }
0x2ac: {  	v11 =	vor.u32 $0xF, v3;
	v4 =	vmul.f32 $1.442695020e+00, v4  }
0x2ad: {  	v5 =	vmax.f32 v5, v10;
	v7 =	vadd.f32 v8, v7  }
0x2ae: {  	v8 =	vor.u32 $0x8, v3;
	(erf) = vpow2.f32 v4;
	v4 =	vmul.f32 $1.442695020e+00, v5  }
0x2af: {  	v10 =	vor.u32 $0x9, v3;
	v12 =	vmul.f32 $2.000000030e-01, v7  }
0x2b0: {  	v13 =	vor.u32 $0xA, v3;
	v6 =	vadd.f32 v6, v9;
	(erf) = vpow2.f32 v4  }
0x2b1: {  	v9 =	vor.u32 $0xB, v3;
	v4 =	vld.idx.msk [tilespmem:v11+s28+$0x0], $0xffff;
	v11 =	vmov s1;
	v7 =	vmax.f32 v7, v12  }
0x2b2: {  	v12 =	vor.u32 $0xD, v3;
	v7 =	vmul.f32 $1.442695020e+00, v7;
	v14 =	vmul.f32 $2.000000030e-01, v6  }
0x2b3: {  	v5 =	vor.u32 $0xE, v3;
	v3 =	vor.u32 $0xC, v3;
	v8 =	vld.idx.msk [tilespmem:v8+s28+$0x0], $0xffff;
	v11 =	vshll.u32 v11, $0x4  }
0x2b4: {  	v10 =	vld.idx.msk [tilespmem:v10+s28+$0x0], $0xffff;
	v15 =	vor.u32 v2, v11;
	(erf) = vpow2.f32 v7;
	v6 =	vmax.f32 v6, v14  }
0x2b5: {  	v11 =	vld.idx.msk [tilespmem:v13+s28+$0x0], $0xffff;
	v7 =	vor.u32 $0x4, v15;
	v6 =	vmul.f32 $1.442695020e+00, v6  }
0x2b6: {  	v13 =	vor.u32 $0x5, v15;
	v9 =	vld.idx.msk [tilespmem:v9+s28+$0x0], $0xffff  }
0x2b7: {  	v16 =	vld.idx.msk [tilespmem:v12+s28+$0x0], $0xffff;
	v12 =	vor.u32 $0x1, v15;
	v14 =	vpop (erf);
	(erf) = vpow2.f32 v6  }
0x2b8: {  	v17 =	vld.idx.msk [tilespmem:v3+s28+$0x0], $0xffff;
	v3 =	vmul.f32 v14, v8;
	v8 =	vor.u32 $0x6, v15  }
0x2b9: {  	s31 =	simm.s32 $0x190;
	v5 =	vld.idx.msk [tilespmem:v5+s28+$0x0], $0xffff;
	v18 =	vor.u32 $0x7, v15;
	[tilespmem:v15+s24+$0x0] =	vst.idx.msk $0xffff, v14;
	v10 =	vmul.f32 v14, v10  }
0x2ba: {  	v19 =	vmov s31;
	v20 =	vor.u32 $0x2, v15;
	v6 =	vor.u32 $0xA, v15;
	v14 =	vpop (erf);
	[tilespmem:v7+s24+$0x0] =	vst.idx.msk $0xffff, v3  }
0x2bb: {  	v3 =	vshll.u32 v19, $0x4;
	[tilespmem:v13+s24+$0x0] =	vst.idx.msk $0xffff, v10;
	v10 =	vmul.f32 v14, v11;
	v13 =	vor.u32 $0x8, v15  }
0x2bc: {  	v19 =	vmul.f32 v9, v14;
	v3 =	vor.u32 v2, v3;
	[tilespmem:v12+s24+$0x0] =	vst.idx.msk $0xffff, v14;
	v14 =	vor.u32 $0x9, v15  }
0x2bd: {  	v7 =	vor.u32 $0x3, v15;
	v9 =	vor.u32 $0x1, v3;
	v12 =	vor.u32 $0x4, v3;
	v21 =	vpop (erf);
	[tilespmem:v8+s24+$0x0] =	vst.idx.msk $0xffff, v10  }
0x2be: {  	v11 =	vor.u32 $0x6, v3;
	v15 =	vor.u32 $0xB, v15;
	v17 =	vmul.f32 v17, v21;
	[tilespmem:v18+s24+$0x0] =	vst.idx.msk $0xffff, v19  }
0x2bf: {  	s13 =	simm.s32 $0x90;
	s15 =	simm.s32 $0xA0;
	v10 =	vor.u32 $0x5, v3;
	v8 =	vor.u32 $0x2, v3;
	v16 =	vmul.f32 v16, v21;
	[tilespmem:v20+s24+$0x0] =	vst.idx.msk $0xffff, v21  }
.LBB2_18:
0x2c0: {  	p0 =	sne.s32 s15, $0xF0;
	[tilespmem:v13+s24+$0x0] =	vst.idx.msk $0xffff, v17;
	v13 =	vpop (erf);
	s0 =	smov.u32 s15;
	s15 =	sadd.s32 $0x10, s15  }
0x2c1: {  	[tilespmem:v14+s24+$0x0] =	vst.idx.msk $0xffff, v16;
	v5 =	vmul.f32 v5, v13  }
0x2c2: {  	v4 =	vmul.f32 v4, v13;
	[tilespmem:v7+s24+$0x0] =	vst.idx.msk $0xffff, v13  }
0x2c3: {  	[tilespmem:v6+s24+$0x0] =	vst.idx.msk $0xffff, v5  }
0x2c4: {  	[tilespmem:v15+s24+$0x0] =	vst.idx.msk $0xffff, v4  }
0x2c5: {  	v4 =	vld.idx.msk [tilespmem:v3+s28+$0x0], $0xffff  }
0x2c6: {  	v5 =	vld.idx.msk [tilespmem:v12+s30+$0x0], $0xffff  }
0x2c7: {  	v6 =	vld.idx.msk [tilespmem:v9+s28+$0x0], $0xffff  }
0x2c8: {  	v7 =	vld.idx.msk [tilespmem:v10+s30+$0x0], $0xffff  }
0x2c9: {  	v9 =	vor.u32 $0x7, v3  }
0x2ca: {  	v10 =	vor.u32 $0x3, v3;
	v11 =	vld.idx.msk [tilespmem:v11+s30+$0x0], $0xffff  }
0x2cb: {  	v8 =	vld.idx.msk [tilespmem:v8+s28+$0x0], $0xffff  }
0x2cc: {  	v4 =	vadd.f32 v5, v4;
	_ =	sdelay $0x1  }
0x2cd: {  	v6 =	vadd.f32 v7, v6;
	v5 =	vld.idx.msk [tilespmem:v9+s30+$0x0], $0xffff;
	v9 =	vmul.f32 $2.000000030e-01, v4  }
0x2ce: {  	v7 =	vld.idx.msk [tilespmem:v10+s28+$0x0], $0xffff  }
0x2cf: {  	v4 =	vmax.f32 v4, v9;
	v9 =	vmul.f32 $2.000000030e-01, v6  }
0x2d0: {  	v10 =	vor.u32 $0xF, v3;
	v8 =	vadd.f32 v11, v8;
	v4 =	vmul.f32 $1.442695020e+00, v4  }
0x2d1: {  	v11 =	vor.u32 $0x8, v3;
	v6 =	vmax.f32 v6, v9  }
0x2d2: {  	v9 =	vor.u32 $0x9, v3;
	v6 =	vmul.f32 $1.442695020e+00, v6;
	(erf) = vpow2.f32 v4  }
0x2d3: {  	v12 =	vor.u32 $0xE, v3;
	v13 =	vmul.f32 $2.000000030e-01, v8  }
0x2d4: {  	v14 =	vor.u32 $0xA, v3;
	v7 =	vadd.f32 v5, v7;
	(erf) = vpow2.f32 v6  }
0x2d5: {  	v5 =	vmov s13;
	v8 =	vmax.f32 v8, v13;
	s13 =	smov.u32 s0;
	v6 =	vor.u32 $0xB, v3;
	v4 =	vld.idx.msk [tilespmem:v10+s28+$0x0], $0xffff  }
0x2d6: {  	v8 =	vmul.f32 $1.442695020e+00, v8;
	v13 =	vmul.f32 $2.000000030e-01, v7;
	v10 =	vld.idx.msk [tilespmem:v11+s28+$0x0], $0xffff;
	v11 =	vor.u32 $0xD, v3  }
0x2d7: {  	v15 =	vshll.u32 v5, $0x4;
	v3 =	vor.u32 $0xC, v3;
	v9 =	vld.idx.msk [tilespmem:v9+s28+$0x0], $0xffff  }
0x2d8: {  	v15 =	vor.u32 v2, v15;
	v7 =	vmax.f32 v7, v13;
	v5 =	vld.idx.msk [tilespmem:v12+s28+$0x0], $0xffff;
	(erf) = vpow2.f32 v8  }
0x2d9: {  	v12 =	vor.u32 $0x4, v15;
	v7 =	vmul.f32 $1.442695020e+00, v7;
	v8 =	vld.idx.msk [tilespmem:v14+s28+$0x0], $0xffff  }
0x2da: {  	v13 =	vor.u32 $0x5, v15;
	v14 =	vld.idx.msk [tilespmem:v6+s28+$0x0], $0xffff  }
0x2db: {  	v16 =	vld.idx.msk [tilespmem:v11+s28+$0x0], $0xffff;
	v11 =	vor.u32 $0x1, v15;
	v6 =	vpop (erf);
	(erf) = vpow2.f32 v7  }
0x2dc: {  	v18 =	vor.u32 $0x6, v15;
	v17 =	vld.idx.msk [tilespmem:v3+s28+$0x0], $0xffff;
	v3 =	vmul.f32 v6, v10  }
0x2dd: {  	s0 =	sadd.s32 $0x100, s13;
	v19 =	vor.u32 $0x7, v15;
	v9 =	vmul.f32 v6, v9;
	[tilespmem:v15+s24+$0x0] =	vst.idx.msk $0xffff, v6;
	v6 =	vor.u32 $0xA, v15;
	v10 =	vpop (erf)  }
0x2de: {  	v20 =	vmov s0;
	v21 =	vor.u32 $0x2, v15;
	v7 =	vor.u32 $0x3, v15;
	[tilespmem:v12+s24+$0x0] =	vst.idx.msk $0xffff, v3  }
.Ltmp8:
0x2df: {  	v3 =	vshll.u32 v20, $0x4;
	v8 =	vmul.f32 v10, v8;
	[tilespmem:v13+s24+$0x0] =	vst.idx.msk $0xffff, v9;
	v13 =	vor.u32 $0x8, v15;
	(pc) =	sbr.rel @p0 .LBB2_18-.Ltmp8, $4  }
0x2e0: {  	v3 =	vor.u32 v2, v3;
	v20 =	vmul.f32 v14, v10;
	v14 =	vor.u32 $0x9, v15;
	[tilespmem:v11+s24+$0x0] =	vst.idx.msk $0xffff, v10  }
0x2e1: {  	v9 =	vor.u32 $0x1, v3;
	v12 =	vor.u32 $0x4, v3;
	v10 =	vor.u32 $0x5, v3;
	[tilespmem:v18+s24+$0x0] =	vst.idx.msk $0xffff, v8;
	v18 =	vpop (erf)  }
0x2e2: {  	v11 =	vor.u32 $0x6, v3;
	v8 =	vor.u32 $0x2, v3;
	[tilespmem:v19+s24+$0x0] =	vst.idx.msk $0xffff, v20;
	v17 =	vmul.f32 v17, v18  }
0x2e3: {  	v15 =	vor.u32 $0xB, v15;
	v16 =	vmul.f32 v16, v18;
	[tilespmem:v21+s24+$0x0] =	vst.idx.msk $0xffff, v18  }
0x2e4: {  	_ =	sdelay $0x3  }
0x2e5: {  	[tilespmem:v13+s24+$0x0] =	vst.idx.msk $0xffff, v17;
	v31 =	vpop (erf)  }
0x2e6: {  	[tilespmem:v14+s24+$0x0] =	vst.idx.msk $0xffff, v16;
	v5 =	vmul.f32 v5, v31  }
0x2e7: {  	v4 =	vmul.f32 v4, v31;
	[tilespmem:v7+s24+$0x0] =	vst.idx.msk $0xffff, v31  }
0x2e8: {  	[tilespmem:v6+s24+$0x0] =	vst.idx.msk $0xffff, v5  }
0x2e9: {  	[tilespmem:v15+s24+$0x0] =	vst.idx.msk $0xffff, v4  }
0x2ea: {  	v4 =	vld.idx.msk [tilespmem:v3+s28+$0x0], $0xffff  }
0x2eb: {  	v5 =	vld.idx.msk [tilespmem:v12+s30+$0x0], $0xffff  }
0x2ec: {  	v6 =	vld.idx.msk [tilespmem:v9+s28+$0x0], $0xffff  }
0x2ed: {  	v7 =	vld.idx.msk [tilespmem:v10+s30+$0x0], $0xffff  }
0x2ee: {  	v32 =	vor.u32 $0x7, v3;
	v11 =	vld.idx.msk [tilespmem:v11+s30+$0x0], $0xffff  }
0x2ef: {  	v33 =	vor.u32 $0x3, v3;
	v34 =	vld.idx.msk [tilespmem:v8+s28+$0x0], $0xffff  }
0x2f0: {  	v4 =	vadd.f32 v5, v4;
	_ =	sdelay $0x1  }
0x2f1: {  	v35 =	vmul.f32 $2.000000030e-01, v4  }
0x2f2: {  	v36 =	vld.idx.msk [tilespmem:v32+s30+$0x0], $0xffff;
	v6 =	vadd.f32 v7, v6  }
0x2f3: {  	v37 =	vld.idx.msk [tilespmem:v33+s28+$0x0], $0xffff;
	v5 =	vadd.f32 v11, v34;
	v4 =	vmax.f32 v4, v35  }
0x2f4: {  	v39 =	vor.u32 $0xF, v3;
	v38 =	vmul.f32 $2.000000030e-01, v6;
	v4 =	vmul.f32 $1.442695020e+00, v4  }
0x2f5: {  	v40 =	vor.u32 $0x8, v3;
	v41 =	vor.u32 $0x9, v3;
	v43 =	vmul.f32 $2.000000030e-01, v5  }
0x2f6: {  	v42 =	vor.u32 $0xE, v3;
	v6 =	vmax.f32 v6, v38;
	(erf) = vpow2.f32 v4  }
0x2f7: {  	v44 =	vor.u32 $0xA, v3;
	v5 =	vmax.f32 v5, v43;
	v6 =	vmul.f32 $1.442695020e+00, v6  }
0x2f8: {  	v45 =	vmov s13;
	v7 =	vadd.f32 v36, v37;
	v5 =	vmul.f32 $1.442695020e+00, v5  }
0x2f9: {  	v46 =	vor.u32 $0xB, v3;
	v47 =	vor.u32 $0xD, v3;
	(erf) = vpow2.f32 v6  }
0x2fa: {  	v10 =	vld.idx.msk [tilespmem:v39+s28+$0x0], $0xffff;
	v3 =	vor.u32 $0xC, v3;
	v48 =	vmul.f32 $2.000000030e-01, v7;
	(erf) = vpow2.f32 v5  }
0x2fb: {  	v11 =	vld.idx.msk [tilespmem:v40+s28+$0x0], $0xffff;
	v6 =	vshll.u32 v45, $0x4  }
0x2fc: {  	v8 =	vld.idx.msk [tilespmem:v41+s28+$0x0], $0xffff;
	v7 =	vmax.f32 v7, v48;
	v6 =	vor.u32 v2, v6  }
0x2fd: {  	v49 =	vld.idx.msk [tilespmem:v44+s28+$0x0], $0xffff;
	v7 =	vmul.f32 $1.442695020e+00, v7;
	v50 =	vor.u32 $0x4, v6  }
0x2fe: {  	v9 =	vld.idx.msk [tilespmem:v46+s28+$0x0], $0xffff;
	v51 =	vor.u32 $0x5, v6  }
0x2ff: {  	v3 =	vld.idx.msk [tilespmem:v3+s28+$0x0], $0xffff;
	v52 =	vor.u32 $0x1, v6;
	v53 =	vpop (erf);
	(erf) = vpow2.f32 v7  }
0x300: {  	v12 =	vld.idx.msk [tilespmem:v47+s28+$0x0], $0xffff;
	v55 =	vor.u32 $0x6, v6;
	v54 =	vmul.f32 v53, v11  }
0x301: {  	v4 =	vld.idx.msk [tilespmem:v42+s28+$0x0], $0xffff;
	v56 =	vor.u32 $0x7, v6;
	[tilespmem:v6+s24+$0x0] =	vst.idx.msk $0xffff, v53;
	v8 =	vmul.f32 v53, v8  }
0x302: {  	v58 =	vor.u32 $0x2, v6;
	v57 =	vpop (erf);
	[tilespmem:v50+s24+$0x0] =	vst.idx.msk $0xffff, v54  }
0x303: {  	v59 =	vor.u32 $0x8, v6;
	v5 =	vmul.f32 v57, v49;
	v62 =	vpop (erf);
	[tilespmem:v51+s24+$0x0] =	vst.idx.msk $0xffff, v8  }
0x304: {  	v60 =	vor.u32 $0x9, v6;
	v9 =	vmul.f32 v9, v57;
	v3 =	vmul.f32 v3, v62;
	[tilespmem:v52+s24+$0x0] =	vst.idx.msk $0xffff, v57  }
0x305: {  	v61 =	vor.u32 $0x3, v6;
	[tilespmem:v55+s24+$0x0] =	vst.idx.msk $0xffff, v5  }
0x306: {  	v63 =	vor.u32 $0xA, v6;
	[tilespmem:v56+s24+$0x0] =	vst.idx.msk $0xffff, v9  }
0x307: {  	s12 =	sadd.s32 $0x1, s12;
	v6 =	vor.u32 $0xB, v6;
	v5 =	vmul.f32 v12, v62;
	[tilespmem:v58+s24+$0x0] =	vst.idx.msk $0xffff, v62  }
0x308: {  	p0 =	sne.s32 s12, s10;
	[tilespmem:v59+s24+$0x0] =	vst.idx.msk $0xffff, v3;
	v3 =	vpop (erf)  }
.Ltmp9:
0x309: {  	[tilespmem:v60+s24+$0x0] =	vst.idx.msk $0xffff, v5;
	v4 =	vmul.f32 v4, v3;
	(pc) =	sbr.rel @p0 .LBB2_8-.Ltmp9, $4  }
0x30a: {  	[tilespmem:v61+s24+$0x0] =	vst.idx.msk $0xffff, v3;
	v3 =	vmul.f32 v10, v3  }
0x30b: {  	[tilespmem:v63+s24+$0x0] =	vst.idx.msk $0xffff, v4  }
0x30c: {  	[tilespmem:v6+s24+$0x0] =	vst.idx.msk $0xffff, v3  }
0x30d: {  	[spmem:s3] =	stream.indirect.scatter.add.f32 [tilespmem:s19], [sflag:$0x6], $0x10, s8, s29, $0xb8;
	[tilespmem:$0x1F7C0] =	vst v63  }
0x30e: {  	_ =	swait.ge [sflag:s21], $0x800  }
0x30f: {  	[sflag:s21] =	ssyncset.done $0x0  }
0x310: {  	[sflag:s21] =	ssyncadd.s32 $0xFFFFF800  }
0x311: {  	_ =	swait.ge [sflag:s23], $0x800  }
0x312: {  	[sflag:s23] =	ssyncset.done $0x0  }
0x313: {  	[sflag:s23] =	ssyncadd.s32 $0xFFFFF800  }
0x314: {  	_ =	swait.ge [sflag:s9], $0x800  }
0x315: {  	[sflag:s9] =	ssyncset.done $0x0  }
0x316: {  	[sflag:s9] =	ssyncadd.s32 $0xFFFFF800  }
0x317: {  	_ =	swait.ge [sflag:s9], $0x800  }
0x318: {  	[sflag:s9] =	ssyncset.done $0x0  }
0x319: {  	[sflag:s9] =	ssyncadd.s32 $0xFFFFF800  }
0x31a: {  	_ =	swait.ge [sflag:s18], $0x800  }
0x31b: {  	[sflag:s18] =	ssyncset.done $0x0  }
0x31c: {  	[sflag:s18] =	ssyncadd.s32 $0xFFFFF800  }
0x31d: {  	_ =	swait.ge [sflag:s18], $0x800  }
0x31e: {  	[sflag:s18] =	ssyncset.done $0x0  }
0x31f: {  	[sflag:s18] =	ssyncadd.s32 $0xFFFFF800  }
0x320: {  	_ =	swait.ge [sflag:s20], $0x800  }
0x321: {  	[sflag:s20] =	ssyncset.done $0x0  }
0x322: {  	[sflag:s20] =	ssyncadd.s32 $0xFFFFF800  }
0x323: {  	_ =	swait.ge [sflag:s20], $0x800  }
0x324: {  	[sflag:s20] =	ssyncset.done $0x0  }
0x325: {  	[sflag:s20] =	ssyncadd.s32 $0xFFFFF800  }
0x326: {  	s0 =	stileid.u32;
	[bflag:$0x0] =	sbarrier.arrive $0xFFFF  }
0x327: {  	s0 =	sshll.u32 s0, $0x6;
	s7 =	rddreg [dreg:$0x4]  }
0x328: {  	s0 =	sor.u32 $0x1C08, s0;
	s2 =	rddreg [dreg:$0xb];
	s1 =	sshrl.u32 s7, $0x3  }
0x329: {  	[hbm:s2], [sflag:s0] =	dma.local [spmem:s1], $0x30E0  }
0x32a: {  	_ =	swait.ge [sflag:s25], $0x30E0  }
0x32b: {  	s16 =	sld [smem:$0x7F9];
	_ =	sdelay $0x2  }
0x32c: {  	s31 =	rddreg [dreg:$0xc];
	s1 =	sadd.s32 $0x1, s16  }
0x32d: {  	p0 =	sne.s32 s1, s31  }
.Ltmp10:
0x32e: {  	_ = 	snop;
	(pc) =	sbr.rel @p0 .LBB2_1-.Ltmp10, $3  }
0x32f: {  	_ =	sdelay $0x1  }
0x330: {  	[sflag:s25] =	ssyncset.done $0x0  }
0x331: {  	[sflag:s25] =	ssyncadd.s32 $0xFFFFCF20  }
0x332: {  	_ =	sfence.sel $0x180000  }
0x333: {  	[bflag:$0x0] =	sbarrier.arrive $0xFFFF  }
0x334: {  	_ =	strace $0x90000047  }
0x335: {  	s0 =	stileid.u32;
	[bflag:$0x2] =	sbarrier.arrive $0xFFFF  }
0x336: {  	p0 =	sne.s32 s0, $0x0;
	s0 =	rddreg [dreg:$0x3]  }
0x337: {  	s0 =	sadd.s32 @!p0 $0x100000, s0  }
0x338: {  	[sflag:s0] =	ssyncadd.tile.s32 @!p0 $0x1;
	_ =	shalt  }
.Lfunc_end2:
_tile_overlayer_lowered:
.L_overlay_start_2:
0x339: {  	(tag) =	ssettag $0x2  }
0x33a: {  	s0 =	rddreg [dreg:$0x0];
	s2 =	stileid.u32  }
0x33b: {  	s1 =	rddreg [dreg:$0x1];
	p0 =	sne.s32 s2, $0x0  }
0x33c: {  	s3 =	rddreg [dreg:$0x2];
	[bflag:$0x3] =	sbarrier.arrive $0xFFFF;
	s2 =	simm.s32 @!p0 $0x1C08  }
0x33d: {  	[timem:s3], [sflag:s2] =	dma.local @!p0 [hbm:s0], s1  }
0x33e: {  	s0 =	simm.s32 @!p0 $0x8  }
0x33f: {  	_ =	swait.ge @!p0 [sflag:s0], s1  }
0x340: {  	s1 =	ssub.s32 @!p0 $0x0, s1;
	[sflag:s0] =	ssyncset.done @!p0 $0x0  }
0x341: {  	[sflag:s0] =	ssyncadd.s32 @!p0 s1  }
0x342: {  	[bflag:$0x3] =	sbarrier.arrive $0xFFFF  }
0x343: {  	_ =	shalt  }

// kernel: kernel.7.cloned.1.call-start
scs
__scs_entry_jumppad:
0x0: {  	(pc) =	sbr.rel $0x88, $3  }
0x1: {  	(tag) =	ssettag $0x0;
	lr =	simm.s32 $0x1  }
0x2: {  	[smem:$0x3F8F] =	sst lr;
	_ =	strace $0xD0000000  }
0x3: {  	_ = 	snop  }
0x4: {  	_ = 	snop  }
0x5: {  	_ = 	snop  }
0x6: {  	_ = 	snop  }
0x7: {  	_ = 	snop  }
__scs_overlays_trampoline_lowered:
0x8: {  	[smem:$0x3F9E] =	sst s0  }
0x9: {  	[smem:$0x3F9F] =	sst s1  }
0xa: {  	[smem:$0x3FA0] =	sst s2  }
0xb: {  	[smem:$0x3FA1] =	sst s3  }
0xc: {  	[smem:$0x3FA2] =	sst s4  }
0xd: {  	[smem:$0x3FA3] =	sst s5  }
0xe: {  	[smem:$0x3FA4] =	sst s6  }
0xf: {  	[smem:$0x3FA5] =	sst s7  }
0x10: {  	[smem:$0x3FA6] =	sst s8  }
0x11: {  	[smem:$0x3FA7] =	sst s9;
	s0 =	simm.s32 @!p0 $0x0  }
0x12: {  	s1 =	sld [smem:$0x3F8D];
	s0 =	simm.s32 @p0 $0x1  }
0x13: {  	[smem:$0x3FA8] =	sst s0;
	s0 =	simm.s32 @!p1 $0x0  }
0x14: {  	s2 =	sld [smem:$0x3F8C];
	s0 =	simm.s32 @p1 $0x1  }
0x15: {  	[smem:$0x3FA9] =	sst s0;
	s0 =	simm.s32 @!p2 $0x0  }
0x16: {  	s3 =	sld [smem:$0x3FDB];
	s0 =	simm.s32 @p2 $0x1  }
0x17: {  	s4 =	simm.s32 $0x1BF5;
	[smem:$0x3FAB] =	sst s0  }
0x18: {  	s0 =	sld [smem:$0x3F8E];
	_ =	swait.ge [sflag:s4], $0x0  }
0x19: {  	s7 =	sld [smem:$0x3F8F]  }
0x1a: {  	s8 =	sadd.s32 $0xFFFFE003, lr  }
0x1b: {  	s9 =	sadd.s32 $0xFFFFFEF7, lr;
	s5 =	simm.s32 $0xFFFFFFFF;
	p2 =	slt.u32 s8, $0xFFFFF086  }
0x1c: {  	p1 =	slt.u32 s9, $0xF7A;
	s5 =	simm.s32 @!p2 $0x0  }
0x1d: {  	s5 =	simm.s32 @p1 $0x1;
	p0 =	seq.s32 s7, s2  }
0x1e: {  	s7 =	smul.u32 @!p0 $0xF7A, s2;
	p2 =	seq.s32 @!p0 s5, $0x0  }
0x1f: {  	s9 =	smul.u32 $0xF7A, s1;
	s8 =	simm.s32 @!p0 $0x1BF5;
	p2 =	por !p2, p0  }
0x20: {  	[sflag:s8] =	ssyncset.s32 @!p0 $0xFFFFF086;
	s6 =	sadd.s32 @!p0 s3, s7;
	s7 =	simm.s32 @!p0 $0x108  }
0x21: {  	s3 =	sadd.s32 s3, s9;
	s6 =	sadd.s32 @!p0 $0x88, s6;
	s7 =	simm.s32 @p2 $0x1082  }
0x22: {  	[simem:s7], [sflag:s8] =	dma.local @!p0 [hbm:s6], $0xF7A  }
0x23: {  	s9 =	sor.u32 $0xD0000000, s2;
	s6 =	simm.s32 $0x108;
	_ =	swait.ge @!p0 [sflag:s8], $0x0  }
0x24: {  	s3 =	sadd.s32 $0x88, s3;
	s6 =	simm.s32 @!p1 $0x1082;
	[sflag:s4] =	ssyncset.s32 $0xFFFFF086  }
0x25: {  	[simem:s6], [sflag:s4] =	dma.local [hbm:s3], $0xF7A  }
0x26: {  	[smem:$0x3F8F] =	sst s1;
	(tag) =	ssettag s2;
	_ =	strace s9  }
0x27: {  	s1 =	sld [smem:$0x3F9F]  }
0x28: {  	s2 =	sld [smem:$0x3FA0]  }
0x29: {  	s4 =	sld [smem:$0x3FA2]  }
0x2a: {  	p0 =	seq.s32 s5, $0x0;
	s5 =	sld [smem:$0x3FA3]  }
0x2b: {  	s6 =	sld [smem:$0x3FA4]  }
0x2c: {  	s7 =	sld [smem:$0x3FA5]  }
0x2d: {  	s3 =	simm.s32 $0x108;
	s8 =	sld [smem:$0x3FA6]  }
0x2e: {  	s3 =	simm.s32 @!p0 $0x1082;
	s9 =	sld [smem:$0x3FA7]  }
0x2f: {  	lr =	sadd.s32 s0, s3;
	s0 =	sld [smem:$0x3F9E]  }
0x30: {  	s3 =	sld [smem:$0x3FA1]  }
0x31: {  	[smem:$0x3FAA] =	sst s10  }
0x32: {  	s10 =	sld [smem:$0x3FA8];
	_ =	sdelay $0x3  }
0x33: {  	p0 =	seq.s32 s10, $0x1;
	s10 =	sld [smem:$0x3FAA];
	_ =	sdelay $0x3  }
0x34: {  	[smem:$0x3FAA] =	sst s10  }
0x35: {  	s10 =	sld [smem:$0x3FA9];
	_ =	sdelay $0x3  }
0x36: {  	p1 =	seq.s32 s10, $0x1;
	s10 =	sld [smem:$0x3FAA];
	_ =	sdelay $0x3  }
0x37: {  	[smem:$0x3FAA] =	sst s10  }
0x38: {  	s10 =	sld [smem:$0x3FAB]  }
0x39: {  	_ = 	snop;
	(pc) =	sbr.ind lr, $3  }
0x3a: {  	_ = 	snop  }
0x3b: {  	_ = 	snop  }
0x3c: {  	p2 =	seq.s32 s10, $0x1;
	s10 =	sld [smem:$0x3FAA]  }
0x3d: {  	_ =	shalt  }
0x3e: {  	_ =	shalt  }
0x3f: {  	_ =	shalt  }
0x40: {  	_ =	shalt  }
0x41: {  	_ =	shalt  }
0x42: {  	_ =	shalt  }
0x43: {  	_ =	shalt  }
0x44: {  	_ =	shalt  }
0x45: {  	_ =	shalt  }
0x46: {  	_ =	shalt  }
0x47: {  	_ =	shalt  }
0x48: {  	_ =	shalt  }
0x49: {  	_ =	shalt  }
0x4a: {  	_ =	shalt  }
0x4b: {  	_ =	shalt  }
0x4c: {  	_ =	shalt  }
0x4d: {  	_ =	shalt  }
0x4e: {  	_ =	shalt  }
0x4f: {  	_ =	shalt  }
0x50: {  	_ =	shalt  }
0x51: {  	_ =	shalt  }
0x52: {  	_ =	shalt  }
0x53: {  	_ =	shalt  }
0x54: {  	_ =	shalt  }
0x55: {  	_ =	shalt  }
0x56: {  	_ =	shalt  }
0x57: {  	_ =	shalt  }
0x58: {  	_ =	shalt  }
0x59: {  	_ =	shalt  }
0x5a: {  	_ =	shalt  }
0x5b: {  	_ =	shalt  }
0x5c: {  	_ =	shalt  }
0x5d: {  	_ =	shalt  }
0x5e: {  	_ =	shalt  }
0x5f: {  	_ =	shalt  }
0x60: {  	_ =	shalt  }
0x61: {  	_ =	shalt  }
0x62: {  	_ =	shalt  }
0x63: {  	_ =	shalt  }
0x64: {  	_ =	shalt  }
0x65: {  	_ =	shalt  }
0x66: {  	_ =	shalt  }
0x67: {  	_ =	shalt  }
0x68: {  	_ =	shalt  }
0x69: {  	_ =	shalt  }
0x6a: {  	_ =	shalt  }
0x6b: {  	_ =	shalt  }
0x6c: {  	_ =	shalt  }
0x6d: {  	_ =	shalt  }
0x6e: {  	_ =	shalt  }
0x6f: {  	_ =	shalt  }
0x70: {  	_ =	shalt  }
0x71: {  	_ =	shalt  }
0x72: {  	_ =	shalt  }
0x73: {  	_ =	shalt  }
0x74: {  	_ =	shalt  }
0x75: {  	_ =	shalt  }
0x76: {  	_ =	shalt  }
0x77: {  	_ =	shalt  }
0x78: {  	_ =	shalt  }
0x79: {  	_ =	shalt  }
0x7a: {  	_ =	shalt  }
0x7b: {  	_ =	shalt  }
0x7c: {  	_ =	shalt  }
0x7d: {  	_ =	shalt  }
0x7e: {  	_ =	shalt  }
0x7f: {  	_ =	shalt  }
0x80: {  	_ =	shalt  }
0x81: {  	_ =	shalt  }
0x82: {  	_ =	shalt  }
0x83: {  	_ =	shalt  }
0x84: {  	_ =	shalt  }
0x85: {  	_ =	shalt  }
0x86: {  	_ =	shalt  }
0x87: {  	_ =	shalt  }
.Lfunc_end0:
.L_simem_size_0:
called_computation.1_lowered:
.L_overlay_start_0:
0x88: {  	s2 =	sld [smem:$0x3FD9]  }
0x89: {  	s3 =	sld [smem:$0x3FFE];
	_ =	sdelay $0x1  }
0x8a: {  	s1 =	srdreg.scid  }
0x8b: {  	s0 =	sand.u32 $0x1, s1  }
0x8c: {  	s14 =	sshll.u32 s0, $0xA;
	s2 =	sadd.s32 s3, s2  }
0x8d: {  	s2 =	sadd.s32 s2, s14  }
0x8e: {  	[smem:$0x3FB6] =	sst s2  }
0x8f: {  	_ = 	snop  }
0x90: {  	s2 =	sld [smem:$0x3FD0];
	_ =	sdelay $0x2  }
0x91: {  	s15 =	simm.s32 $0xA;
	s4 =	simm.s32 $0x10  }
0x92: {  	[smem:s4], [sflag:s15] =	dma.local [hbm:s2], $0x1  }
0x93: {  	_ =	swait.eq [sflag:s15], $0x1  }
0x94: {  	[sflag:s15] =	ssyncset.done $0x0  }
0x95: {  	s16 =	sld [smem:$0x11];
	[sflag:s15] =	ssyncadd.s32 $0xFFFFFFFF  }
0x96: {  	s17 =	sld [smem:$0x12];
	(tm) =	ssettm $0x1  }
0x97: {  	s18 =	sld [smem:$0x3FFB];
	_ =	sdelay $0x3  }
0x98: {  	_ =	strace s18  }
0x99: {  	s4 =	sld [smem:$0x3FFC];
	_ =	sdelay $0x3  }
0x9a: {  	_ =	strace s4  }
0x9b: {  	s4 =	sld [smem:$0x3FFD];
	_ =	sdelay $0x3  }
0x9c: {  	_ =	strace s4  }
0x9d: {  	_ =	strace $0x8FFFFFFF  }
0x9e: {  	s19 =	sld [smem:$0x3FDB];
	_ =	sdelay $0x1  }
0x9f: {  	s5 =	simm.s32 $_scs_section_size  }
0xa0: {  	s6 =	simm.s32 $_size__tile_overlayer_lowered;
	s7 =	simm.s32 $_tile_overlayer_lowered  }
0xa1: {  	s22 =	simm.s32 $0x1BFF;
	s21 =	sshll.u32 s7, $0x1;
	s4 =	sadd.s32 s5, s19  }
0xa2: {  	s8 =	simm.s32 $0x0;
	s20 =	sshll.u32 s6, $0x1;
	s6 =	sadd.s32 s21, s4  }
0xa3: {  	[timem:s8], [sflag:s22] =	dma.local [hbm:s6], s20  }
0xa4: {  	_ =	swait.ge [sflag:s22], s20  }
0xa5: {  	s5 =	ssub.s32 $0x0, s20;
	[sflag:s22] =	ssyncset.done $0x0  }
0xa6: {  	[sflag:s22] =	ssyncadd.s32 s5;
	_ =	sdelay $0x1  }
0xa7: {  	s23 =	simm.s32 $0x1B8B  }
0xa8: {  	_ =	swait.ge [sflag:s23], $0x1  }
0xa9: {  	[sflag:s23] =	ssyncset.done $0x0  }
0xaa: {  	s25 =	simm.s32 $0x1B8E;
	s24 =	sld [smem:$0x3FFE];
	[sflag:s23] =	ssyncadd.s32 $0xFFFFFFFF  }
0xab: {  	s26 =	simm.s32 $execute0_lowered;
	[smem:$0x3FD2] =	sst s25  }
0xac: {  	s6 =	sshll.u32 s26, $0x1;
	_ =	strace $0x80000049;
	[dreg:$0x1] =	wrdreg $0xFFFFFFFF  }
0xad: {  	s28 =	simm.s32 $_size_execute0_lowered;
	s4 =	sadd.s32 s4, s6;
	[dreg:$0x0] =	wrdreg $0x0  }
0xae: {  	s6 =	sshll.u32 s28, $0x1;
	[dreg:$0x2] =	wrdreg s4  }
0xaf: {  	[dreg:$0x3] =	wrdreg s6  }
0xb0: {  	[dreg:$0x4] =	wrdreg $0xC0  }
0xb1: {  	_ =	task [dreg:s8], $0x5FFFF  }
0xb2: {  	[dreg:$0x1] =	wrdreg $0xFFFFFFFF  }
0xb3: {  	[dreg:$0x0] =	wrdreg $0x60  }
0xb4: {  	[dreg:$0x2] =	wrdreg s24  }
0xb5: {  	[dreg:$0x3] =	wrdreg s16  }
0xb6: {  	[dreg:$0x4] =	wrdreg s17  }
0xb7: {  	[dreg:$0x5] =	wrdreg $0x9  }
0xb8: {  	_ =	task.clear_ibuf [dreg:s8], $0x6FFFF;
	_ =	strace $0x90000049  }
0xb9: {  	s29 =	simm.s32 $0x9;
	_ =	strace $0x8000004B  }
0xba: {  	_ =	swait.ge [sflag:s29], $0x1  }
0xbb: {  	[sflag:s29] =	ssyncadd.s32 $0xFFFFFFFF  }
0xbc: {  	_ =	strace $0x9000004B  }
0xbd: {  	_ =	sfence  }
0xbe: {  	s30 =	sld [smem:$0x0];
	_ =	sdelay $0x2  }
0xbf: {  	s31 =	sshll.u32 s1, $0xD;
	s1 =	sshrl.u32 s1, $0x2  }
0xc0: {  	s3 =	sand.u32 $0x4000, s31;
	s1 =	sadd.s32 s1, s30  }
0xc1: {  	s0 =	sor.u32 s3, s0;
	s1 =	sshll.u32 s1, $0x11  }
0xc2: {  	s0 =	sor.u32 s1, s0  }
0xc3: {  	s0 =	sadd.s32 $0x8F2B, s0  }
0xc4: {  	[sflag:s0] =	ssyncadd.remote.s32 $0x1  }
0xc5: {  	_ =	sfence.sel $0xFFFF  }
0xc6: {  	[dreg:$0x0] =	wrdreg $0xFFFFFFFF;
	(pc) =	sbr.abs _section_cstart, $3  }
0xc7: {  	[dreg:$0x1] =	wrdreg $0xFFFFFFFF  }
0xc8: {  	_ =	task.clear_ibuf [dreg:s8], $0x2FFFF;
	_ =	strace $0x9FFFFFFF  }
0xc9: {  	(tm) =	ssettm $0x7FFFFFFF  }
tec
execute0_lowered:
.L_overlay_start_1:
0x0: {  	(tag) =	ssettag $0x1  }
0x1: {  	s8 =	rddreg [dreg:$0x0]  }
0x2: {  	s2 =	rddreg [dreg:$0x1]  }
0x3: {  	s0 =	srdreg.scid;
	s11 =	rddreg [dreg:$0x2]  }
0x4: {  	s1 =	stileid.u32;
	s3 =	simm.s32 $0x0;
	s14 =	simm.s32 $0x1  }
0x5: {  	s15 =	simm.s32 $0x3100;
	s16 =	simm.s32 $0x6200;
	s17 =	simm.s32 $0x7A80  }
0x6: {  	s18 =	simm.s32 $0xDC80;
	s6 =	sand.u32 $0x1, s0;
	[smem:$0x7FF] =	sst s3  }
0x7: {  	s0 =	rddreg [dreg:$0x3];
	s4 =	sshll.u32 s6, $0x4;
	_ =	strace $0x8000004A  }
0x8: {  	s31 =	ssub.s32 $0x2, s6;
	s6 =	sadd.s32 $0x1600, s8;
	s19 =	sor.u32 s1, s4  }
0x9: {  	s9 =	sshrl.u32 s31, $0x1;
	s5 =	smul.u32 $0xC30, s19;
	s4 =	smin.u32 s19, $0xA  }
0xa: {  	s12 =	ssub.s32 s31, s9;
	p0 =	slt.u32 s19, $0xA;
	s7 =	sshll.u32 s4, $0x4  }
.Ltmp0:
0xb: {  	s4 =	sadd.s32 $0x13FC00, s8;
	s5 =	sadd.s32 s5, s7;
	(pc) =	sbr.rel .LBB2_1-.Ltmp0, $4  }
0xc: {  	s12 =	smax.u32 s12, $0x1;
	s7 =	simm.s32 $0xC4;
	s10 =	sadd.s32 s5, s8  }
0xd: {  	s7 =	simm.s32 @!p0 $0xC3;
	s8 =	sadd.s32 $0x170C00, s8;
	s13 =	sshrl.u32 s5, $0x3  }
0xe: {  	p0 =	sgt.u32 s19, $0x9;
	s19 =	simm.s32 $0x0;
	s9 =	sadd.s32 $0x19E00, s10  }
0xf: {  	v0 =	vlaneseq.u32;
	s10 =	sadd.s32 $0x32600, s10;
	s11 =	sadd.s32 s11, s13;
	s13 =	simm.s32 $0x14AC0  }
.LBB2_9:
0x10: {  	s20 =	simm.s32 @p0 $0x0;
	s21 =	simm.s32 @p0 $0x7A80  }
0x11: {  	[hbm4b:s9+s20] =	stream.linear.scatter @p0 [tilespmem:s21], [sflag:$0x1], $0x6180, $0x38;
	[tilespmem:$0x14AD0] =	vst v63  }
0x12: {  	s21 =	simm.s32 @p0 $0x1  }
0x13: {  	_ =	swait.ge @p0 [sflag:s21], $0x6180  }
0x14: {  	[sflag:s21] =	ssyncset.done @p0 $0x0  }
0x15: {  	s22 =	simm.s32 @p0 $0xDC80;
	[sflag:s21] =	ssyncadd.s32 @p0 $0xFFFF9E80  }
0x16: {  	[hbm4b:s10+s20] =	stream.linear.scatter @p0 [tilespmem:s22], [sflag:$0x1], $0x6180, $0x38;
	[tilespmem:$0x14AD0] =	vst v63  }
0x17: {  	_ =	swait.ge @p0 [sflag:s21], $0x6180  }
0x18: {  	[sflag:s21] =	ssyncset.done @p0 $0x0  }
0x19: {  	s22 =	simm.s32 @p0 $0x13E80;
	[sflag:s21] =	ssyncadd.s32 @p0 $0xFFFF9E80  }
0x1a: {  	[hbm4b:s11+s20] =	stream.linear.scatter @p0 [tilespmem:s22], [sflag:$0x1], $0xC30, $0x38;
	[tilespmem:$0x14AD0] =	vst v63  }
0x1b: {  	_ =	swait.ge @p0 [sflag:s21], $0xC30  }
0x1c: {  	[sflag:s21] =	ssyncset.done @p0 $0x0  }
0x1d: {  	s20 =	simm.s32 @!p0 $0x0;
	[sflag:s21] =	ssyncadd.s32 @p0 $0xFFFFF3D0;
	s21 =	simm.s32 @!p0 $0x7A80  }
0x1e: {  	[hbm4b:s9+s20] =	stream.linear.scatter @!p0 [tilespmem:s21], [sflag:$0x1], $0x6200, $0x38;
	[tilespmem:$0x14AD0] =	vst v63  }
0x1f: {  	s21 =	simm.s32 @!p0 $0x1  }
0x20: {  	_ =	swait.ge @!p0 [sflag:s21], $0x6200  }
0x21: {  	[sflag:s21] =	ssyncset.done @!p0 $0x0  }
0x22: {  	s22 =	simm.s32 @!p0 $0xDC80;
	[sflag:s21] =	ssyncadd.s32 @!p0 $0xFFFF9E00  }
0x23: {  	[hbm4b:s10+s20] =	stream.linear.scatter @!p0 [tilespmem:s22], [sflag:$0x1], $0x6200, $0x38;
	[tilespmem:$0x14AD0] =	vst v63  }
0x24: {  	s19 =	sadd.s32 $0x1, s19;
	_ =	swait.ge @!p0 [sflag:s21], $0x6200  }
0x25: {  	p1 =	sne.s32 s19, s12;
	[sflag:s21] =	ssyncset.done @!p0 $0x0  }
.Ltmp1:
0x26: {  	s22 =	simm.s32 @!p0 $0x13E80;
	[sflag:s21] =	ssyncadd.s32 @!p0 $0xFFFF9E00;
	(pc) =	sbr.rel @!p1 .LBB2_10-.Ltmp1, $4  }
0x27: {  	[hbm4b:s11+s20] =	stream.linear.scatter @!p0 [tilespmem:s22], [sflag:$0x1], $0xC40, $0x38;
	[tilespmem:$0x14AD0] =	vst v63  }
0x28: {  	_ =	swait.ge @!p0 [sflag:s21], $0xC40  }
0x29: {  	[sflag:s21] =	ssyncset.done @!p0 $0x0  }
0x2a: {  	[sflag:s21] =	ssyncadd.s32 @!p0 $0xFFFFF3C0  }
.LBB2_1:
0x2b: {  	[tilespmem:s13], [sflag:$0x1] =	stream.linear.gather [hbm4b:s2+s3], $0x10, $0x38;
	[tilespmem:$0x14AD0] =	vst v63  }
0x2c: {  	_ =	swait.ge [sflag:s14], $0x10  }
0x2d: {  	[sflag:s14] =	ssyncset.done $0x0  }
0x2e: {  	[sflag:s14] =	ssyncadd.s32 $0xFFFFFFF0  }
0x2f: {  	v8 =	vld [tilespmem:$0x14AC0];
	_ =	sdelay $0x4  }
0x30: {  	v1 =	vbroadcast v8, $0x0;
	v2 =	vbroadcast v8, $0x1  }
0x31: {  	v3 =	vbroadcast v8, $0x2;
	v4 =	vbroadcast v8, $0x3  }
0x32: {  	v5 =	vbroadcast v8, $0x4;
	v6 =	vbroadcast v8, $0x5  }
0x33: {  	s20 =	simm.s32 $0x13E80;
	s21 =	smov.u32 s7;
	s22 =	simm.s32 $0x0;
	v7 =	vbroadcast v8, $0x6;
	v8 =	vbroadcast v8, $0x7  }
.LBB2_2:
0x34: {  	s23 =	smul.u32 $0x310, s22;
	_ =	sdelay $0x1  }
0x35: {  	s24 =	sadd.s32 s5, s23  }
0x36: {  	s25 =	sshll.u32 s24, $0x1  }
0x37: {  	s26 =	sand.u32 $0x1FFFFFE0, s25  }
0x38: {  	s28 =	simm.s32 $0x0;
	s26 =	sadd.s32 s4, s26  }
0x39: {  	[tilespmem:s28], [sflag:$0x1] =	stream.linear.gather [hbm4b:s26+s28], $0x3100, $0x38;
	[tilespmem:$0x14AD0] =	vst v63  }
0x3a: {  	_ =	swait.ge [sflag:s14], $0x3100  }
0x3b: {  	[sflag:s14] =	ssyncset.done $0x0  }
0x3c: {  	s25 =	sadd.s32 s25, s8;
	[sflag:s14] =	ssyncadd.s32 $0xFFFFCF00  }
0x3d: {  	[tilespmem:s15], [sflag:$0x1] =	stream.linear.gather [hbm4b:s25+s28], $0x3100, $0x38;
	[tilespmem:$0x14AD0] =	vst v63  }
0x3e: {  	p1 =	slt.s32 s21, $0x31;
	s25 =	smov.u32 s21  }
0x3f: {  	s25 =	simm.s32 @!p1 $0x31  }
0x40: {  	v15 =	vor.u32 s28, v0;
	_ =	swait.ge [sflag:s14], $0x3100;
	s25 =	sshll.u32 s25, $0x4  }
0x41: {  	v18 =	vshll.u32 v15, $0x4;
	[sflag:s14] =	ssyncset.done $0x0;
	p2 =	sne.s32 s25, $0x10  }
.Ltmp2:
0x42: {  	s24 =	sadd.s32 s6, s24;
	v10 =	vor.u32 $0x1, v18;
	[sflag:s14] =	ssyncadd.s32 $0xFFFFCF00;
	(pc) =	sbr.rel @!p2 .LBB2_3-.Ltmp2, $4  }
0x43: {  	[tilespmem:s16], [sflag:$0x1] =	stream.linear.gather [hbm4b:s24+s28], $0x1880, $0x38;
	[tilespmem:$0x14AD0] =	vst v63  }
0x44: {  	_ =	swait.ge [sflag:s14], $0x1880  }
0x45: {  	v9 =	vmov s23;
	v11 =	vshll.u32 v15, $0x3;
	[sflag:s14] =	ssyncset.done $0x0  }
0x46: {  	s23 =	simm.s32 $0x10;
	v13 =	vor.u32 $0x2, v18;
	v26 =	vor.u32 $0x4, v18;
	v12 =	vor.u32 $0x5, v18;
	p1 =	por $0x0, $0x0;
	[sflag:s14] =	ssyncadd.s32 $0xFFFFE780  }
0x47: {  	_ =	sdelay $0x3  }
0x48: {  	v16 =	vld.idx.msk [tilespmem:v18+s3+$0x0], $0xffff  }
0x49: {  	v24 =	vld.idx.msk [tilespmem:v18+s15+$0x0], $0xffff  }
0x4a: {  	v25 =	vor.u32 $0x9, v18  }
0x4b: {  	v32 =	vld.idx.msk [tilespmem:v13+s15+$0x0], $0xffff  }
0x4c: {  	v22 =	vor.u32 $0x8, v18;
	v23 =	vor.u32 $0x3, v18;
	v20 =	vor.u32 $0x6, v18;
	v33 =	vld.idx.msk [tilespmem:v13+s3+$0x0], $0xffff  }
0x4d: {  	v19 =	vor.u32 $0x7, v18;
	v17 =	vor.u32 $0xA, v18;
	v13 =	vadd.s32 v9, v15;
	v28 =	vld.idx.msk [tilespmem:v12+s15+$0x0], $0xffff;
	p2 =	sne.s32 s25, $0x20  }
.Ltmp3:
0x4e: {  	v29 =	vld.idx.msk [tilespmem:v12+s3+$0x0], $0xffff;
	v15 =	vor.u32 s23, v0;
	v14 =	vshll.u32 v13, $0x3;
	v13 =	vadd.f32 v24, v16;
	(pc) =	sbr.rel @!p2 .LBB2_5-.Ltmp3, $4  }
0x4f: {  	v21 =	vor.u32 $0x2, v11;
	v27 =	vor.u32 $0x3, v11;
	v11 =	vshll.u32 v15, $0x3;
	v30 =	vld.idx.msk [tilespmem:v25+s15+$0x0], $0xffff  }
0x50: {  	v16 =	vor.u32 $0x1, v14;
	v24 =	vshll.u32 v15, $0x4;
	v31 =	vld.idx.msk [tilespmem:v25+s3+$0x0], $0xffff;
	v35 =	vadd.f32 $1.000000020e-16, v13  }
0x51: {  	s26 =	simm.s32 $0x20;
	v34 =	vadd.f32 v32, v33;
	v32 =	vld.idx.msk [tilespmem:v26+s15+$0x0], $0xffff;
	v25 =	vor.u32 $0x4, v24;
	v36 =	vor.u32 $0x1, v24  }
0x52: {  	p1 =	por $0x1, $0x1;
	s23 =	smov.u32 s20;
	s24 =	smov.u32 s20;
	v33 =	vld.idx.msk [tilespmem:v26+s3+$0x0], $0xffff;
	v12 =	vor.u32 $0x5, v24;
	v13 =	vor.u32 $0x2, v24;
	(erf) = vrcp.f32 v35  }
.LBB2_6:
0x53: {  	v35 =	vor.u32 $0x8, v24;
	v26 =	vor.u32 $0x9, v24;
	v37 =	vld.idx.msk [tilespmem:v10+s15+$0x0], $0xffff;
	v34 =	vadd.f32 $1.000000020e-16, v34;
	s23 =	sadd.s32 $0x10, s23;
	s28 =	smov.u32 s26;
	s26 =	sadd.s32 $0x10, s26  }
0x54: {  	v38 =	vor.u32 $0x3, v24;
	v39 =	vor.u32 $0x6, v24;
	v40 =	vor.u32 $0x7, v24;
	p2 =	sne.s32 s25, s26;
	v41 =	vld.idx.msk [tilespmem:v10+s3+$0x0], $0xffff;
	v10 =	vmovc v36  }
0x55: {  	v42 =	vor.u32 $0x2, v11;
	v36 =	vor.u32 $0xA, v24;
	v43 =	vld.idx.msk [tilespmem:v22+s15+$0x0], $0xffff;
	(erf) = vrcp.f32 v34  }
0x56: {  	v15 =	vadd.s32 v9, v15;
	v30 =	vadd.f32 v30, v31;
	v34 =	vld.idx.msk [tilespmem:v22+s3+$0x0], $0xffff;
	v22 =	vmov v35;
	_ =	sdelay $0x1  }
0x57: {  	v32 =	vadd.f32 v32, v33;
	v31 =	vld.idx.msk [tilespmem:v23+s15+$0x0], $0xffff  }
0x58: {  	v35 =	vor.u32 $0xB, v18;
	v18 =	vmov v24;
	v33 =	vld.idx.msk [tilespmem:v23+s3+$0x0], $0xffff;
	v23 =	vmov v38  }
0x59: {  	v28 =	vadd.f32 v28, v29;
	v24 =	vadd.f32 v37, v41  }
0x5a: {  	v29 =	vpop (erf)  }
0x5b: {  	v34 =	vadd.f32 v43, v34;
	v32 =	vmul.f32 v32, v29;
	v28 =	vmul.f32 v28, v29  }
0x5c: {  	v24 =	vadd.f32 $1.000000020e-16, v24;
	v27 =	vld.idx.msk [tilespmem:v27+s16+$0x0], $0xffff  }
0x5d: {  	v29 =	vld.idx.msk [tilespmem:v35+s15+$0x0], $0xffff;
	v32 =	vadd.f32 v32, v1;
	v28 =	vadd.f32 v28, v2;
	v37 =	vpop (erf)  }
0x5e: {  	v31 =	vadd.f32 v31, v33;
	v33 =	vld.idx.msk [tilespmem:v19+s15+$0x0], $0xffff;
	v34 =	vmul.f32 v34, v37;
	v30 =	vmul.f32 v30, v37  }
0x5f: {  	v37 =	vld.idx.msk [tilespmem:v19+s3+$0x0], $0xffff;
	v38 =	vmul.f32 $1.442695020e+00, v32;
	v32 =	vadd.f32 v28, v32;
	(erf) = vrcp.f32 v24;
	v19 =	vmovc v40  }
0x60: {  	v31 =	vadd.f32 $1.000000020e-16, v31;
	v28 =	vmul.f32 $1.442695020e+00, v28;
	v24 =	vld.idx.msk [tilespmem:v20+s15+$0x0], $0xffff;
	v34 =	vadd.f32 v34, v5  }
0x61: {  	v30 =	vadd.f32 v30, v6;
	v40 =	vld.idx.msk [tilespmem:v20+s3+$0x0], $0xffff;
	(erf) = vpow2.f32 v38;
	v20 =	vmov v39  }
0x62: {  	v38 =	vld.idx.msk [tilespmem:v21+s16+$0x0], $0xffff;
	v39 =	vmul.f32 $1.442695020e+00, v34;
	v32 =	vadd.f32 v34, v32;
	(erf) = vpow2.f32 v28;
	v21 =	vmovc v42  }
0x63: {  	v34 =	vmul.f32 $1.442695020e+00, v30;
	v28 =	vld.idx.msk [tilespmem:v17+s15+$0x0], $0xffff;
	(erf) = vrcp.f32 v31  }
0x64: {  	v31 =	vld.idx.msk [tilespmem:v17+s3+$0x0], $0xffff;
	v30 =	vadd.f32 v30, v32;
	(erf) = vpow2.f32 v39;
	v17 =	vmov v36  }
0x65: {  	v32 =	vadd.f32 v33, v37;
	v33 =	vld.idx.msk [tilespmem:v35+s3+$0x0], $0xffff;
	(erf) = vpow2.f32 v34;
	_ =	sdelay $0x1  }
0x66: {  	v24 =	vadd.f32 v24, v40  }
0x67: {  	v34 =	vpop (erf)  }
0x68: {  	v24 =	vmul.f32 v24, v34;
	v32 =	vmul.f32 v32, v34  }
0x69: {  	v28 =	vadd.f32 v28, v31;
	v31 =	vpop (erf)  }
0x6a: {  	v29 =	vadd.f32 v29, v33;
	v24 =	vadd.f32 v24, v3;
	v34 =	vmul.f32 v38, v31;
	v33 =	vpop (erf)  }
0x6b: {  	v32 =	vadd.f32 v32, v4;
	v27 =	vmul.f32 v27, v33;
	v33 =	vpop (erf)  }
0x6c: {  	v28 =	vmul.f32 v28, v33;
	v29 =	vmul.f32 v29, v33;
	v24 =	vadd.f32 v34, v24;
	v31 =	vpop (erf)  }
0x6d: {  	v32 =	vadd.f32 v27, v32;
	v33 =	vpop (erf)  }
0x6e: {  	v28 =	vadd.f32 v28, v7;
	v29 =	vadd.f32 v29, v8;
	v31 =	vmul.f32 v24, v31  }
0x6f: {  	v27 =	vor.u32 $0x3, v11;
	v11 =	vmul.f32 v32, v33;
	[tilespmem:v14+s17+$0x0] =	vst.idx.msk $0xffff, v24  }
0x70: {  	v24 =	vadd.f32 v31, v28;
	[tilespmem:v16+s17+$0x0] =	vst.idx.msk $0xffff, v32  }
0x71: {  	v11 =	vadd.f32 v11, v29  }
0x72: {  	[tilespmem:v14+s18+$0x0] =	vst.idx.msk $0xffff, v24  }
0x73: {  	[tilespmem:v16+s18+$0x0] =	vst.idx.msk $0xffff, v11  }
0x74: {  	[tilespmem:s24+$0x0] =	vst v30;
	s24 =	smov.u32 s23  }
0x75: {  	v11 =	vld.idx.msk [tilespmem:v18+s3+$0x0], $0xffff  }
0x76: {  	v24 =	vld.idx.msk [tilespmem:v18+s15+$0x0], $0xffff  }
0x77: {  	v32 =	vld.idx.msk [tilespmem:v13+s15+$0x0], $0xffff  }
0x78: {  	v14 =	vshll.u32 v15, $0x3;
	v33 =	vld.idx.msk [tilespmem:v13+s3+$0x0], $0xffff  }
0x79: {  	v16 =	vor.u32 $0x1, v14;
	v28 =	vld.idx.msk [tilespmem:v12+s15+$0x0], $0xffff;
	_ =	sdelay $0x2  }
.Ltmp4:
0x7a: {  	v13 =	vadd.f32 v24, v11;
	v29 =	vld.idx.msk [tilespmem:v12+s3+$0x0], $0xffff;
	(pc) =	sbr.rel @p2 .LBB2_6-.Ltmp4, $4  }
0x7b: {  	v15 =	vor.u32 s28, v0;
	v30 =	vld.idx.msk [tilespmem:v26+s15+$0x0], $0xffff  }
0x7c: {  	v24 =	vshll.u32 v15, $0x4;
	v11 =	vshll.u32 v15, $0x3;
	v31 =	vld.idx.msk [tilespmem:v26+s3+$0x0], $0xffff;
	v26 =	vadd.f32 $1.000000020e-16, v13  }
0x7d: {  	v35 =	vor.u32 $0x4, v24;
	v34 =	vadd.f32 v32, v33;
	v13 =	vor.u32 $0x2, v24;
	v32 =	vld.idx.msk [tilespmem:v25+s15+$0x0], $0xffff  }
0x7e: {  	v36 =	vor.u32 $0x1, v24;
	v12 =	vor.u32 $0x5, v24;
	v33 =	vld.idx.msk [tilespmem:v25+s3+$0x0], $0xffff;
	(erf) = vrcp.f32 v26;
	v25 =	vmovc v35  }
0x7f: {  	v35 =	vmov v10;
	v10 =	vmov v36;
	v26 =	vmov v25  }
.LBB2_8:
0x80: {  	_ =	sdelay $0x2  }
0x81: {  	v25 =	vadd.f32 @p1 $1.000000020e-16, v34  }
0x82: {  	v34 =	vld.idx.msk @p1 [tilespmem:v35+s15+$0x0], $0xffff  }
0x83: {  	(erf) = vrcp.f32 @p1 v25;
	v25 =	vld.idx.msk @p1 [tilespmem:v35+s3+$0x0], $0xffff;
	_ =	sdelay $0x1  }
0x84: {  	v35 =	vld.idx.msk @p1 [tilespmem:v22+s15+$0x0], $0xffff  }
0x85: {  	v22 =	vld.idx.msk @p1 [tilespmem:v22+s3+$0x0], $0xffff;
	v32 =	vadd.f32 @p1 v32, v33  }
0x86: {  	v36 =	vld.idx.msk @p1 [tilespmem:v23+s15+$0x0], $0xffff;
	v28 =	vadd.f32 @p1 v28, v29;
	v29 =	vpop @p1 (erf)  }
0x87: {  	v23 =	vld.idx.msk @p1 [tilespmem:v23+s3+$0x0], $0xffff;
	v25 =	vadd.f32 @p1 v34, v25;
	v32 =	vmul.f32 @p1 v32, v29;
	_ =	sdelay $0x1  }
0x88: {  	v28 =	vmul.f32 @p1 v28, v29;
	v25 =	vadd.f32 @p1 $1.000000020e-16, v25;
	v29 =	vadd.f32 @p1 v32, v1  }
0x89: {  	v18 =	vor.u32 @p1 $0xB, v18;
	v30 =	vadd.f32 @p1 v30, v31;
	v22 =	vadd.f32 @p1 v35, v22  }
0x8a: {  	v27 =	vld.idx.msk @p1 [tilespmem:v27+s16+$0x0], $0xffff;
	v28 =	vadd.f32 @p1 v28, v2;
	(erf) = vrcp.f32 @p1 v25;
	v32 =	vpop @p1 (erf);
	v33 =	vmul.f32 @p1 $1.442695020e+00, v29  }
0x8b: {  	v23 =	vadd.f32 @p1 v36, v23;
	v34 =	vld.idx.msk @p1 [tilespmem:v20+s15+$0x0], $0xffff;
	v22 =	vmul.f32 @p1 v22, v32;
	v30 =	vmul.f32 @p1 v30, v32  }
0x8c: {  	v20 =	vld.idx.msk @p1 [tilespmem:v20+s3+$0x0], $0xffff;
	v32 =	vmul.f32 @p1 $1.442695020e+00, v28;
	(erf) = vpow2.f32 @p1 v33  }
0x8d: {  	v23 =	vadd.f32 @p1 $1.000000020e-16, v23;
	v25 =	vld.idx.msk @p1 [tilespmem:v19+s15+$0x0], $0xffff;
	v22 =	vadd.f32 @p1 v22, v5  }
0x8e: {  	v19 =	vld.idx.msk @p1 [tilespmem:v19+s3+$0x0], $0xffff;
	v30 =	vadd.f32 @p1 v30, v6;
	(erf) = vpow2.f32 @p1 v32  }
0x8f: {  	v21 =	vld.idx.msk @p1 [tilespmem:v21+s16+$0x0], $0xffff;
	(erf) = vrcp.f32 @p1 v23;
	v32 =	vmul.f32 @p1 $1.442695020e+00, v22  }
0x90: {  	v31 =	vld.idx.msk @p1 [tilespmem:v18+s15+$0x0], $0xffff;
	v23 =	vmul.f32 @p1 $1.442695020e+00, v30  }
0x91: {  	v33 =	vld.idx.msk @p1 [tilespmem:v17+s15+$0x0], $0xffff;
	(erf) = vpow2.f32 @p1 v32  }
0x92: {  	v17 =	vld.idx.msk @p1 [tilespmem:v17+s3+$0x0], $0xffff;
	(erf) = vpow2.f32 @p1 v23  }
0x93: {  	v18 =	vld.idx.msk @p1 [tilespmem:v18+s3+$0x0], $0xffff;
	v20 =	vadd.f32 @p1 v34, v20;
	v19 =	vadd.f32 @p1 v25, v19  }
0x94: {  	v23 =	vpop @p1 (erf)  }
0x95: {  	v20 =	vmul.f32 @p1 v20, v23;
	v19 =	vmul.f32 @p1 v19, v23;
	v23 =	vpop @p1 (erf)  }
0x96: {  	v21 =	vmul.f32 @p1 v21, v23  }
0x97: {  	v17 =	vadd.f32 @p1 v33, v17;
	v20 =	vadd.f32 @p1 v20, v3;
	v23 =	vpop @p1 (erf)  }
0x98: {  	v18 =	vadd.f32 @p1 v31, v18;
	v19 =	vadd.f32 @p1 v19, v4;
	v23 =	vmul.f32 @p1 v27, v23;
	v25 =	vpop @p1 (erf)  }
0x99: {  	v17 =	vmul.f32 @p1 v17, v25;
	v20 =	vadd.f32 @p1 v21, v20  }
0x9a: {  	v18 =	vmul.f32 @p1 v18, v25;
	v19 =	vadd.f32 @p1 v23, v19;
	v21 =	vpop @p1 (erf)  }
0x9b: {  	v23 =	vadd.f32 @p1 v28, v29;
	v17 =	vadd.f32 @p1 v17, v7;
	v25 =	vpop @p1 (erf);
	v21 =	vmul.f32 @p1 v20, v21  }
0x9c: {  	v18 =	vadd.f32 @p1 v18, v8;
	v25 =	vmul.f32 @p1 v19, v25  }
0x9d: {  	[tilespmem:v14+s17+$0x0] =	vst.idx.msk @p1 $0xffff, v20;
	v22 =	vadd.f32 @p1 v22, v23;
	v17 =	vadd.f32 @p1 v21, v17  }
0x9e: {  	[tilespmem:v16+s17+$0x0] =	vst.idx.msk @p1 $0xffff, v19;
	v18 =	vadd.f32 @p1 v25, v18  }
0x9f: {  	v19 =	vadd.f32 @p1 v30, v22;
	[tilespmem:v14+s18+$0x0] =	vst.idx.msk @p1 $0xffff, v17  }
0xa0: {  	[tilespmem:v16+s18+$0x0] =	vst.idx.msk @p1 $0xffff, v18  }
0xa1: {  	[tilespmem:s24+$0x0] =	vst @p1 v19  }
0xa2: {  	v14 =	vld.idx.msk [tilespmem:v24+s3+$0x0], $0xffff  }
0xa3: {  	v16 =	vld.idx.msk [tilespmem:v24+s15+$0x0], $0xffff;
	_ =	sdelay $0x2  }
0xa4: {  	v17 =	vld.idx.msk [tilespmem:v13+s15+$0x0], $0xffff  }
0xa5: {  	v61 =	vor.u32 $0x9, v24;
	v60 =	vld.idx.msk [tilespmem:v13+s3+$0x0], $0xffff  }
0xa6: {  	v14 =	vadd.f32 v16, v14;
	_ =	sdelay $0x1  }
0xa7: {  	v62 =	vld.idx.msk [tilespmem:v12+s15+$0x0], $0xffff;
	v14 =	vadd.f32 $1.000000020e-16, v14  }
0xa8: {  	v63 =	vld.idx.msk [tilespmem:v12+s3+$0x0], $0xffff  }
0xa9: {  	v28 =	vor.u32 $0x8, v24;
	v19 =	vld.idx.msk [tilespmem:v61+s15+$0x0], $0xffff;
	v13 =	vadd.f32 v17, v60;
	(erf) = vrcp.f32 v14  }
0xaa: {  	v29 =	vld.idx.msk [tilespmem:v26+s15+$0x0], $0xffff  }
0xab: {  	v20 =	vld.idx.msk [tilespmem:v26+s3+$0x0], $0xffff;
	v13 =	vadd.f32 $1.000000020e-16, v13  }
0xac: {  	v30 =	vor.u32 $0x3, v24;
	v31 =	vld.idx.msk [tilespmem:v10+s15+$0x0], $0xffff  }
0xad: {  	v10 =	vld.idx.msk [tilespmem:v10+s3+$0x0], $0xffff;
	(erf) = vrcp.f32 v13  }
0xae: {  	v32 =	vld.idx.msk [tilespmem:v28+s15+$0x0], $0xffff  }
0xaf: {  	v18 =	vld.idx.msk [tilespmem:v61+s3+$0x0], $0xffff  }
0xb0: {  	v17 =	vld.idx.msk [tilespmem:v28+s3+$0x0], $0xffff  }
0xb1: {  	v33 =	vor.u32 $0x3, v11;
	v34 =	vld.idx.msk [tilespmem:v30+s15+$0x0], $0xffff;
	v14 =	vadd.f32 v29, v20  }
0xb2: {  	v36 =	vor.u32 $0xB, v24;
	v35 =	vld.idx.msk [tilespmem:v30+s3+$0x0], $0xffff;
	v12 =	vadd.f32 v62, v63;
	v10 =	vadd.f32 v31, v10;
	v37 =	vpop (erf)  }
0xb3: {  	v38 =	vor.u32 $0x7, v24;
	v14 =	vmul.f32 v14, v37  }
0xb4: {  	v39 =	vor.u32 $0x6, v24;
	v10 =	vadd.f32 $1.000000020e-16, v10;
	v12 =	vmul.f32 v12, v37  }
0xb5: {  	v11 =	vor.u32 $0x2, v11;
	v13 =	vadd.f32 v32, v17;
	v14 =	vadd.f32 v14, v1  }
0xb6: {  	v42 =	vld.idx.msk [tilespmem:v33+s16+$0x0], $0xffff;
	v41 =	vadd.f32 v19, v18;
	(erf) = vrcp.f32 v10;
	v40 =	vpop (erf);
	v12 =	vadd.f32 v12, v2  }
0xb7: {  	v43 =	vld.idx.msk [tilespmem:v36+s15+$0x0], $0xffff;
	v20 =	vadd.f32 v34, v35;
	v13 =	vmul.f32 v13, v40;
	v44 =	vmul.f32 $1.442695020e+00, v14  }
0xb8: {  	v45 =	vld.idx.msk [tilespmem:v38+s15+$0x0], $0xffff;
	v10 =	vor.u32 $0xA, v24;
	v16 =	vmul.f32 v41, v40;
	v46 =	vmul.f32 $1.442695020e+00, v12  }
0xb9: {  	v47 =	vld.idx.msk [tilespmem:v39+s15+$0x0], $0xffff;
	v20 =	vadd.f32 $1.000000020e-16, v20;
	v13 =	vadd.f32 v13, v5;
	(erf) = vpow2.f32 v44  }
0xba: {  	v22 =	vld.idx.msk [tilespmem:v39+s3+$0x0], $0xffff;
	v16 =	vadd.f32 v16, v6;
	(erf) = vpow2.f32 v46  }
0xbb: {  	v48 =	vld.idx.msk [tilespmem:v38+s3+$0x0], $0xffff;
	v49 =	vmul.f32 $1.442695020e+00, v13;
	(erf) = vrcp.f32 v20  }
0xbc: {  	v11 =	vld.idx.msk [tilespmem:v11+s16+$0x0], $0xffff;
	v50 =	vmul.f32 $1.442695020e+00, v16  }
0xbd: {  	v51 =	vld.idx.msk [tilespmem:v10+s15+$0x0], $0xffff;
	(erf) = vpow2.f32 v49  }
0xbe: {  	v10 =	vld.idx.msk [tilespmem:v10+s3+$0x0], $0xffff;
	(erf) = vpow2.f32 v50  }
0xbf: {  	v52 =	vld.idx.msk [tilespmem:v36+s3+$0x0], $0xffff;
	v53 =	vadd.f32 v47, v22  }
0xc0: {  	v17 =	vadd.f32 v45, v48;
	v54 =	vpop (erf)  }
0xc1: {  	v9 =	vadd.s32 v9, v15;
	v55 =	vmul.f32 v53, v54  }
0xc2: {  	v9 =	vshll.u32 v9, $0x3;
	v17 =	vmul.f32 v17, v54;
	v56 =	vpop (erf)  }
0xc3: {  	v10 =	vadd.f32 v51, v10;
	v15 =	vadd.f32 v55, v3;
	v11 =	vmul.f32 v11, v56;
	v57 =	vpop (erf)  }
0xc4: {  	v19 =	vadd.f32 v43, v52;
	v17 =	vadd.f32 v17, v4;
	v18 =	vmul.f32 v42, v57;
	v58 =	vpop (erf)  }
0xc5: {  	v59 =	vor.u32 $0x1, v9;
	v10 =	vmul.f32 v10, v58;
	v11 =	vadd.f32 v11, v15  }
0xc6: {  	v60 =	vmul.f32 v19, v58;
	v61 =	vpop (erf);
	v17 =	vadd.f32 v18, v17  }
0xc7: {  	s23 =	sadd.s32 @p1 $0x10, s23;
	s22 =	sadd.s32 $0x1, s22;
	s24 =	smov.u32 s20;
	v12 =	vadd.f32 v12, v14;
	v62 =	vpop (erf);
	v10 =	vadd.f32 v10, v7;
	v63 =	vmul.f32 v11, v61  }
0xc8: {  	s24 =	smov.u32 @p1 s23;
	p1 =	sne.s32 s22, $0x4;
	v15 =	vadd.f32 v60, v8;
	v14 =	vmul.f32 v17, v62  }
.Ltmp5:
0xc9: {  	v12 =	vadd.f32 v13, v12;
	[tilespmem:v9+s17+$0x0] =	vst.idx.msk $0xffff, v11;
	v10 =	vadd.f32 v63, v10;
	(pc) =	sbr.rel @p1 .LBB2_2-.Ltmp5, $4  }
.Ltmp6:
0xca: {  	[tilespmem:v59+s17+$0x0] =	vst.idx.msk $0xffff, v17;
	v11 =	vadd.f32 v14, v15;
	(pc) =	sbr.rel @!p1 .LBB2_9-.Ltmp6, $4  }
0xcb: {  	v12 =	vadd.f32 v16, v12;
	[tilespmem:v9+s18+$0x0] =	vst.idx.msk $0xffff, v10  }
0xcc: {  	[tilespmem:v59+s18+$0x0] =	vst.idx.msk $0xffff, v11  }
0xcd: {  	s21 =	sadd.s32 $0xFFFFFFCF, s21;
	s20 =	sadd.s32 $0x310, s20;
	[tilespmem:s24+$0x0] =	vst v12  }
0xce: {  	_ = 	snop  }
.LBB2_3:
.Ltmp7:
0xcf: {  	(pc) =	sbr.rel .LBB2_8-.Ltmp7, $2  }
0xd0: {  	_ =	sdelay $0x2  }
0xd1: {  	v24 =	vmov v18;
	s23 =	smov.u32 s20  }
.LBB2_5:
.Ltmp8:
0xd2: {  	(pc) =	sbr.rel .LBB2_8-.Ltmp8, $2  }
0xd3: {  	_ =	sdelay $0x2  }
0xd4: {  	v35 =	vmov v10;
	s23 =	smov.u32 s20;
	v10 =	vmov v36;
	s24 =	smov.u32 s20;
	v26 =	vmov v25  }
.LBB2_10:
0xd5: {  	_ =	sfence.sel $0x180000  }
0xd6: {  	[bflag:$0x0] =	sbarrier.arrive $0xFFFF  }
0xd7: {  	p0 =	sne.s32 s1, $0x0;
	_ =	strace $0x9000004A  }
0xd8: {  	s0 =	sadd.s32 @!p0 $0x100000, s0;
	[bflag:$0x2] =	sbarrier.arrive $0xFFFF  }
0xd9: {  	[sflag:s0] =	ssyncadd.tile.s32 @!p0 $0x1;
	_ =	shalt  }
.Lfunc_end2:
_tile_overlayer_lowered:
.L_overlay_start_2:
0xda: {  	(tag) =	ssettag $0x2  }
0xdb: {  	s0 =	rddreg [dreg:$0x0];
	s2 =	stileid.u32  }
0xdc: {  	s1 =	rddreg [dreg:$0x1];
	p0 =	sne.s32 s2, $0x0  }
0xdd: {  	s3 =	rddreg [dreg:$0x2];
	[bflag:$0x3] =	sbarrier.arrive $0xFFFF;
	s2 =	simm.s32 @!p0 $0x1C01  }
0xde: {  	[timem:s3], [sflag:s2] =	dma.local @!p0 [hbm:s0], s1  }
0xdf: {  	s0 =	simm.s32 @!p0 $0x1  }
0xe0: {  	_ =	swait.ge @!p0 [sflag:s0], s1  }
0xe1: {  	s1 =	ssub.s32 @!p0 $0x0, s1;
	[sflag:s0] =	ssyncset.done @!p0 $0x0  }
0xe2: {  	[sflag:s0] =	ssyncadd.s32 @!p0 s1  }
0xe3: {  	[bflag:$0x3] =	sbarrier.arrive $0xFFFF  }
0xe4: {  	_ =	shalt  }

</sc_bundles>
